<compile_context>
chip_gen: v7x
topology: tpu7x:2x2x1
jax: 0.10.2.dev20260603
libtpu: 0.0.44.dev20260713+nightly
codegen_flags: <defaults>
</compile_context>

<pallas_src>
import functools

import jax
import jax.numpy as jnp
from jax import lax
from jax.experimental import pallas as pl
from jax.experimental.pallas import tpu as pltpu
from jax.experimental.pallas import tpu_sc as plsc

_NTILES = 32
_CHUNK = 128


def _mesh():
    return plsc.VectorSubcoreMesh(core_axis_name="c", subcore_axis_name="s")



def _mlp_body(n_layers, x_ref, *refs):
    out_ref = refs[-1]
    w_refs = refs[:-1]
    h = x_ref[...]
    for i in range(n_layers):
        W = w_refs[2 * i][...]
        b = w_refs[2 * i + 1][...]
        h = jnp.dot(h, W, preferred_element_type=jnp.float32) + b
        if i < n_layers - 1:
            h = jnp.maximum(h, 0.0)
    out_ref[...] = h


def tc_mlp(xs, ps, row_block=None):
    R, Kin = xs.shape
    Kout = ps[-1][0].shape[1]
    n_layers = len(ps)
    flat_w = []
    for (W, b) in ps:
        flat_w.append(W)
        flat_w.append(b.reshape(1, -1))
    if row_block is None or row_block >= R:
        specs = [pl.BlockSpec(xs.shape, lambda: (0, 0))]
        for w in flat_w:
            specs.append(pl.BlockSpec(w.shape, lambda: (0, 0)))
        return pl.pallas_call(
            functools.partial(_mlp_body, n_layers),
            grid=(),
            in_specs=specs,
            out_specs=pl.BlockSpec((R, Kout), lambda: (0, 0)),
            out_shape=jax.ShapeDtypeStruct((R, Kout), jnp.float32),
        )(xs, *flat_w)
    assert R % row_block == 0
    specs = [pl.BlockSpec((row_block, Kin), lambda i: (i, 0))]
    for w in flat_w:
        specs.append(pl.BlockSpec(w.shape, lambda i: (0, 0)))
    return pl.pallas_call(
        functools.partial(_mlp_body, n_layers),
        grid=(R // row_block,),
        in_specs=specs,
        out_specs=pl.BlockSpec((row_block, Kout), lambda i: (i, 0)),
        out_shape=jax.ShapeDtypeStruct((R, Kout), jnp.float32),
    )(xs, *flat_w)



def _chunk_range(E):
    n_chunks = E // _CHUNK
    per = n_chunks // _NTILES
    extra = n_chunks % _NTILES
    groups = per // 8
    tail = per - groups * 8
    return per, extra, groups, tail


def _make_deg_kernel(N2, E):
    per, extra, groups, tail = _chunk_range(E)

    @functools.partial(
        pl.kernel,
        out_type=jax.ShapeDtypeStruct((2, N2, 8), jnp.float32),
        mesh=_mesh(),
        compiler_params=pltpu.CompilerParams(use_tc_tiling_on_sc=False),
        scratch_types=[
            pltpu.VMEM((2, 8, _CHUNK), jnp.int32),
            pltpu.VMEM((_CHUNK, 8), jnp.float32),
            pltpu.VMEM_SHARED((N2, 8), jnp.float32),
            pltpu.SemaphoreType.DMA,
            pltpu.SemaphoreType.DMA,
        ],
    )
    def deg_kernel(ei3, ones_hbm, zeros_hbm, out, cidx_v, ones_v, deg_sh,
                   sem_i, sem_s):
        c = lax.axis_index("c")
        s = lax.axis_index("s")
        wid = c * 16 + s
        pltpu.sync_copy(ones_hbm, ones_v)

        @pl.when(s == 0)
        def _():
            pltpu.sync_copy(zeros_hbm, deg_sh)

        plsc.subcore_barrier()
        chunk_base = wid * per + jnp.minimum(wid, extra)

        def scat8(idx_slot, n):
            descs = [pltpu.async_copy(ones_v, deg_sh.at[idx_slot.at[j]],
                                      sem_s, add=True) for j in range(n)]
            for d in descs:
                d.wait()

        pltpu.sync_copy(ei3.at[1, pl.ds(chunk_base, 8)], cidx_v.at[0])

        def body(g, carry):
            slot = lax.rem(g, 2)
            nxt = 1 - slot
            ld = pltpu.async_copy(
                ei3.at[1, pl.ds(chunk_base + (g + 1) * 8, 8)],
                cidx_v.at[nxt], sem_i)
            scat8(cidx_v.at[slot], 8)
            ld.wait()
            return carry

        if groups > 1:
            lax.fori_loop(0, groups - 1, body, 0)
        last_slot = (groups - 1) % 2
        if tail > 0:
            nxt = 1 - last_slot
            ld = pltpu.async_copy(
                ei3.at[1, pl.ds(chunk_base + groups * 8, tail)],
                cidx_v.at[nxt, pl.ds(0, tail)], sem_i)
            scat8(cidx_v.at[last_slot], 8)
            ld.wait()
            scat8(cidx_v.at[nxt], tail)
        else:
            scat8(cidx_v.at[last_slot], 8)

        @pl.when(wid < extra)
        def _():
            pltpu.sync_copy(ei3.at[1, pl.ds(chunk_base + per, 1)],
                            cidx_v.at[0, pl.ds(0, 1)])
            pltpu.sync_copy(ones_v, deg_sh.at[cidx_v.at[0, 0]], add=True)

        plsc.subcore_barrier()
        rows = N2 // 16
        pltpu.sync_copy(deg_sh.at[pl.ds(s * rows, rows)],
                        out.at[c, pl.ds(s * rows, rows)])

    return deg_kernel



def _make_edge_kernel(N2, E):
    per, extra, groups, tail = _chunk_range(E)

    @functools.partial(
        pl.kernel,
        out_type=jax.ShapeDtypeStruct((2, N2, 8), jnp.float32),
        mesh=_mesh(),
        compiler_params=pltpu.CompilerParams(use_tc_tiling_on_sc=False),
        scratch_types=[
            pltpu.VMEM((2, 8, _CHUNK), jnp.int32),
            pltpu.VMEM((2, 8, _CHUNK), jnp.int32),
            pltpu.VMEM((8, _CHUNK, 8), jnp.float32),
            pltpu.VMEM_SHARED((N2, 8), jnp.float32),
            pltpu.SemaphoreType.DMA,
            pltpu.SemaphoreType.DMA,
            pltpu.SemaphoreType.DMA,
        ],
    )
    def edge_kernel(g_hbm, ei3, zeros_hbm, out,
                    cidx_v, ridx_v, bufs, s_sh, sem_i, sem_g, sem_s):
        c = lax.axis_index("c")
        s = lax.axis_index("s")
        wid = c * 16 + s

        @pl.when(s == 0)
        def _():
            pltpu.sync_copy(zeros_hbm, s_sh)

        plsc.subcore_barrier()
        chunk_base = wid * per + jnp.minimum(wid, extra)

        def do_group(cslot, rslot, n):
            gd = [pltpu.async_copy(g_hbm.at[cslot.at[j]], bufs.at[j], sem_g)
                  for j in range(n)]
            sd = []
            for j in range(n):
                gd[j].wait()
                sd.append(pltpu.async_copy(bufs.at[j], s_sh.at[rslot.at[j]],
                                           sem_s, add=True))
            for d in sd:
                d.wait()

        pltpu.sync_copy(ei3.at[1, pl.ds(chunk_base, 8)], cidx_v.at[0])
        pltpu.sync_copy(ei3.at[0, pl.ds(chunk_base, 8)], ridx_v.at[0])

        def body(g, carry):
            slot = lax.rem(g, 2)
            nxt = 1 - slot
            ld1 = pltpu.async_copy(
                ei3.at[1, pl.ds(chunk_base + (g + 1) * 8, 8)],
                cidx_v.at[nxt], sem_i)
            ld2 = pltpu.async_copy(
                ei3.at[0, pl.ds(chunk_base + (g + 1) * 8, 8)],
                ridx_v.at[nxt], sem_i)
            do_group(cidx_v.at[slot], ridx_v.at[slot], 8)
            ld1.wait()
            ld2.wait()
            return carry

        if groups > 1:
            lax.fori_loop(0, groups - 1, body, 0)
        last_slot = (groups - 1) % 2
        if tail > 0:
            nxt = 1 - last_slot
            ld1 = pltpu.async_copy(
                ei3.at[1, pl.ds(chunk_base + groups * 8, tail)],
                cidx_v.at[nxt, pl.ds(0, tail)], sem_i)
            ld2 = pltpu.async_copy(
                ei3.at[0, pl.ds(chunk_base + groups * 8, tail)],
                ridx_v.at[nxt, pl.ds(0, tail)], sem_i)
            do_group(cidx_v.at[last_slot], ridx_v.at[last_slot], 8)
            ld1.wait()
            ld2.wait()
            do_group(cidx_v.at[nxt], ridx_v.at[nxt], tail)
        else:
            do_group(cidx_v.at[last_slot], ridx_v.at[last_slot], 8)

        @pl.when(wid < extra)
        def _():
            pltpu.sync_copy(ei3.at[1, pl.ds(chunk_base + per, 1)],
                            cidx_v.at[0, pl.ds(0, 1)])
            pltpu.sync_copy(ei3.at[0, pl.ds(chunk_base + per, 1)],
                            ridx_v.at[0, pl.ds(0, 1)])
            pltpu.sync_copy(g_hbm.at[cidx_v.at[0, 0]], bufs.at[0])
            pltpu.sync_copy(bufs.at[0], s_sh.at[ridx_v.at[0, 0]], add=True)

        plsc.subcore_barrier()
        rows = N2 // 16
        pltpu.sync_copy(s_sh.at[pl.ds(s * rows, rows)],
                        out.at[c, pl.ds(s * rows, rows)])

    return edge_kernel



def _make_dag_kernel(N2, DPAD):
    chunks_per_tile = N2 // (_NTILES * _CHUNK)

    @functools.partial(
        pl.kernel,
        out_type=jax.ShapeDtypeStruct((2, DPAD, 16), jnp.float32),
        mesh=_mesh(),
        compiler_params=pltpu.CompilerParams(use_tc_tiling_on_sc=False),
        scratch_types=[
            pltpu.VMEM((chunks_per_tile, _CHUNK), jnp.int32),
            pltpu.VMEM((_CHUNK, 16), jnp.float32),
            pltpu.VMEM_SHARED((DPAD, 16), jnp.float32),
        ],
    )
    def dag_kernel(xc_hbm, batch2d, zeros_hbm, out, bidx_v, rows_v, y_sh):
        c = lax.axis_index("c")
        s = lax.axis_index("s")
        wid = c * 16 + s

        @pl.when(s == 0)
        def _():
            pltpu.sync_copy(zeros_hbm, y_sh)

        plsc.subcore_barrier()
        pltpu.sync_copy(batch2d.at[pl.ds(wid * chunks_per_tile,
                                         chunks_per_tile)], bidx_v)
        node_base = wid * chunks_per_tile * _CHUNK

        def body(ch, carry):
            pltpu.sync_copy(xc_hbm.at[pl.ds(node_base + ch * _CHUNK, _CHUNK)],
                            rows_v)
            pltpu.sync_copy(rows_v, y_sh.at[bidx_v.at[ch]], add=True)
            return carry

        lax.fori_loop(0, chunks_per_tile, body, 0)
        plsc.subcore_barrier()
        rows = DPAD // 16
        pltpu.sync_copy(y_sh.at[pl.ds(s * rows, rows)],
                        out.at[c, pl.ds(s * rows, rows)])

    return dag_kernel



def _make_gather_kernel(N2, DPAD):
    chunks_per_tile = N2 // (_NTILES * _CHUNK)
    assert chunks_per_tile % 5 == 0

    @functools.partial(
        pl.kernel,
        out_type=jax.ShapeDtypeStruct((N2, 16), jnp.float32),
        mesh=_mesh(),
        compiler_params=pltpu.CompilerParams(use_tc_tiling_on_sc=False),
        scratch_types=[
            pltpu.VMEM((chunks_per_tile, _CHUNK), jnp.int32),
            pltpu.VMEM((5, _CHUNK, 16), jnp.float32),
            pltpu.SemaphoreType.DMA,
        ],
    )
    def gather_kernel(table_hbm, batch2d, out, bidx_v, bufs, sem):
        c = lax.axis_index("c")
        s = lax.axis_index("s")
        wid = c * 16 + s
        pltpu.sync_copy(batch2d.at[pl.ds(wid * chunks_per_tile,
                                         chunks_per_tile)], bidx_v)
        node_base = wid * chunks_per_tile * _CHUNK

        def body(g, carry):
            descs = [pltpu.async_copy(table_hbm.at[bidx_v.at[g * 5 + k]],
                                      bufs.at[k], sem) for k in range(5)]
            for k in range(5):
                descs[k].wait()
                pltpu.sync_copy(
                    bufs.at[k],
                    out.at[pl.ds(node_base + (g * 5 + k) * _CHUNK, _CHUNK)])
            return carry

        lax.fori_loop(0, chunks_per_tile // 5, body, 0)

    return gather_kernel



def _tca_body(x_ref, degp_ref, w1, b1, w2, b2, w3, b3, g_out, dis_out):
    deg = degp_ref[0, :, 0:1] + degp_ref[1, :, 0:1] + 1.0
    dis = lax.rsqrt(deg)
    h = jnp.maximum(jnp.dot(x_ref[...], w1[...],
                            preferred_element_type=jnp.float32) + b1[...], 0.0)
    h = jnp.maximum(jnp.dot(h, w2[...],
                            preferred_element_type=jnp.float32) + b2[...], 0.0)
    h = jnp.dot(h, w3[...], preferred_element_type=jnp.float32) + b3[...]
    g_out[...] = dis * h
    dis_out[...] = dis


def _tcb_body(x_ref, g_ref, dis_ref, sp_ref, w1, b1, w2, b2, w3, b3, out_ref):
    g = g_ref[...]
    dis = dis_ref[...]
    s_tot = sp_ref[0] + sp_ref[1]
    aggr = dis * (s_tot + g)
    h = jnp.maximum(jnp.dot(aggr, w1[...],
                            preferred_element_type=jnp.float32) + b1[...], 0.0)
    h = jnp.maximum(jnp.dot(h, w2[...],
                            preferred_element_type=jnp.float32) + b2[...], 0.0)
    x1 = jnp.dot(h, w3[...], preferred_element_type=jnp.float32) + b3[...]
    B = x1.shape[0]
    out_ref[...] = jnp.concatenate(
        [x_ref[...], x1, jnp.ones((B, 1), jnp.float32),
         jnp.zeros((B, 2), jnp.float32)], axis=1)


def _tcd_body(xc_ref, gath_ref, w1, b1, w2, b2, w3, b3, out_ref):
    op_in = jnp.concatenate([xc_ref[:, 5:13], gath_ref[...]], axis=1)
    h = jnp.maximum(jnp.dot(op_in, w1[...],
                            preferred_element_type=jnp.float32) + b1[...], 0.0)
    h = jnp.maximum(jnp.dot(h, w2[...],
                            preferred_element_type=jnp.float32) + b2[...], 0.0)
    out_ref[...] = jnp.dot(h, w3[...],
                           preferred_element_type=jnp.float32) + b3[...]


def _flatw(ps):
    out = []
    for (W, b) in ps:
        out.append(W)
        out.append(b.reshape(1, -1))
    return out


def _node_call(body, ins, out_widths, N2, RB):
    specs = []
    for a in ins:
        if a.ndim == 3:
            specs.append(pl.BlockSpec((a.shape[0], RB, a.shape[2]),
                                      lambda i: (0, i, 0)))
        elif a.shape[0] == N2:
            specs.append(pl.BlockSpec((RB, a.shape[1]), lambda i: (i, 0)))
        elif a.ndim == 2 and a.shape[1] == N2:
            specs.append(pl.BlockSpec((a.shape[0], RB), lambda i: (0, i)))
        else:
            specs.append(pl.BlockSpec(a.shape, lambda i: (0, 0)))
    single = not isinstance(out_widths, (list, tuple))
    widths = [out_widths] if single else list(out_widths)
    out = pl.pallas_call(
        body,
        grid=(N2 // RB,),
        in_specs=specs,
        out_specs=[pl.BlockSpec((RB, w), lambda i: (i, 0)) for w in widths],
        out_shape=[jax.ShapeDtypeStruct((N2, w), jnp.float32) for w in widths],
    )(*ins)
    return out[0] if single else out



def _tcc_body(yp0, yp1, wd1, bd1, wd2, bd2, wd3, bd3,
              wg1, bg1, wg2, bg2, wg3, bg3,
              y_out, z_out, nope_out):
    y_raw = yp0[...] + yp1[...]
    h = jnp.maximum(jnp.dot(y_raw[:, 0:13], wd1[...],
                            preferred_element_type=jnp.float32) + bd1[...], 0.0)
    h = jnp.maximum(jnp.dot(h, wd2[...],
                            preferred_element_type=jnp.float32) + bd2[...], 0.0)
    y_full = jnp.dot(h, wd3[...],
                     preferred_element_type=jnp.float32) + bd3[...]
    y_out[...] = y_full

    DPAD = y_raw.shape[0]
    e_ids = lax.broadcasted_iota(jnp.int32, (104, DPAD), 0)
    j_ids = lax.broadcasted_iota(jnp.int32, (104, DPAD), 1)
    a_mat = jnp.where((j_ids // 10 == e_ids) & (j_ids < 1000), 1.0, 0.0)
    z_raw = jnp.dot(a_mat, y_full, preferred_element_type=jnp.float32)
    counts = y_raw[:, 13:14]
    nope = jnp.dot(a_mat, counts, preferred_element_type=jnp.float32)
    nope_out[...] = nope.astype(jnp.int32)

    h = jnp.maximum(jnp.dot(z_raw, wg1[...],
                            preferred_element_type=jnp.float32) + bg1[...], 0.0)
    h = jnp.maximum(jnp.dot(h, wg2[...],
                            preferred_element_type=jnp.float32) + bg2[...], 0.0)
    z_out[...] = jnp.dot(h, wg3[...],
                         preferred_element_type=jnp.float32) + bg3[...]



def kernel(x, edge_index, batch, num_jobs_per_env, n_workers, params):
    N = x.shape[0]
    E = edge_index.shape[1]
    n_envs = num_jobs_per_env.shape[0]
    num_dags = 1000
    jobs_per_env = num_dags // n_envs

    RB = 4096
    N2 = 102400
    DPAD = 1008

    job_indptr = jnp.concatenate([jnp.zeros((1,), num_jobs_per_env.dtype),
                                  jnp.cumsum(num_jobs_per_env)])

    ei3 = edge_index.astype(jnp.int32).reshape(2, E // _CHUNK, _CHUNK)
    batch2d = jnp.concatenate(
        [batch.astype(jnp.int32),
         jnp.broadcast_to(jnp.full((1,), num_dags, jnp.int32),
                          (N2 - N,))]).reshape(-1, _CHUNK)
    x_pad = jnp.pad(x, ((0, N2 - N), (0, 0)))

    ones128 = jnp.ones((_CHUNK, 8), jnp.float32)
    zeros_n8 = jnp.zeros((N2, 8), jnp.float32)
    zeros_d16 = jnp.zeros((DPAD, 16), jnp.float32)

    degp = _make_deg_kernel(N2, E)(ei3, ones128, zeros_n8)

    g_tab, dis = _node_call(_tca_body,
                            [x_pad, degp] + _flatw(params['mlp1']),
                            [8, 1], N2, RB)

    sp = _make_edge_kernel(N2, E)(g_tab, ei3, zeros_n8)

    xcomb16 = _node_call(_tcb_body,
                         [x_pad, g_tab, dis, sp] + _flatw(params['mlp2']),
                         16, N2, RB)

    yp = _make_dag_kernel(N2, DPAD)(xcomb16, batch2d, zeros_d16)

    wlist = _flatw(params['mlp_dag']) + _flatw(params['mlp_global'])
    specs = [pl.BlockSpec((DPAD, 16), lambda: (0, 0)),
             pl.BlockSpec((DPAD, 16), lambda: (0, 0))]
    for w in wlist:
        specs.append(pl.BlockSpec(w.shape, lambda: (0, 0)))
    y_full, z, nope = pl.pallas_call(
        _tcc_body,
        grid=(),
        in_specs=specs,
        out_specs=[pl.BlockSpec((DPAD, 8), lambda: (0, 0)),
                   pl.BlockSpec((104, 8), lambda: (0, 0)),
                   pl.BlockSpec((104, 1), lambda: (0, 0))],
        out_shape=[jax.ShapeDtypeStruct((DPAD, 8), jnp.float32),
                   jax.ShapeDtypeStruct((104, 8), jnp.float32),
                   jax.ShapeDtypeStruct((104, 1), jnp.int32)],
    )(yp[0], yp[1], *wlist)
    y = y_full[:num_dags]
    z = z[:n_envs]
    num_ops_per_env = nope[:n_envs, 0]

    z_per_dag = jnp.repeat(z, jobs_per_env, axis=0)
    table = jnp.pad(jnp.concatenate([y, z_per_dag], axis=1),
                    ((0, DPAD - num_dags), (0, 0)))

    gathered = _make_gather_kernel(N2, DPAD)(table, batch2d)

    op_all = _node_call(_tcd_body,
                        [xcomb16, gathered] + _flatw(params['mlp_op']),
                        1, N2, RB)
    op_scores = op_all[:N, 0]

    W1 = 51
    limits = jnp.minimum(jnp.arange(W1, dtype=x.dtype),
                         jnp.asarray(n_workers, dtype=x.dtype))
    pr = jnp.concatenate([
        jnp.broadcast_to(limits[None, :, None], (num_dags, W1, 1)),
        jnp.broadcast_to(y[:, None, :], (num_dags, W1, 8)),
        jnp.broadcast_to(z_per_dag[:, None, :], (num_dags, W1, 8)),
    ], axis=2).reshape(num_dags * W1, 17)
    prlvl_scores = tc_mlp(pr, params['mlp_prlvl'], row_block=3000)[:, 0]
    prlvl_scores = prlvl_scores.reshape(num_dags, W1)

    return (op_scores, prlvl_scores, num_ops_per_env, job_indptr)

# --- scband reference (transcript-rebuilt; emitter-appended) ---
"""Pipeline reference for scband-actor-network-37426345017676 (READ-ONLY COPY).

The authoritative reference and input builder live on the scoring server;
editing this copy changes nothing except your own understanding.
"""

import jax, jax.numpy as jnp
import numpy as np


def _mlp_params(key, dims):
    ps = []
    for i in range(len(dims) - 1):
        key, k = jax.random.split(key)
        W = jax.random.normal(k, (dims[i], dims[i + 1]), dtype=jnp.float32) / np.sqrt(dims[i])
        ps.append((W, jnp.zeros((dims[i + 1],), jnp.float32)))
    return ps


def mlp_apply(ps, h):
    for (W, b) in ps[:-1]:
        h = jax.nn.relu(h @ W + b)
    W, b = ps[-1]
    return h @ W + b


def setup_inputs(seed: int = 0):
    key = jax.random.key(seed)
    ks = jax.random.split(key, 10)
    N = 100000
    E = N * 32
    D = 1000
    n_envs = 100
    in_ch = 5
    dim_embed = 8
    x = jax.random.normal(ks[0], (N, in_ch), dtype=jnp.float32)
    edge_index = jax.random.randint(ks[1], (2, E), 0, N)
    batch = jnp.sort(jax.random.randint(ks[2], (N,), 0, D))
    batch = batch.at[-1].set(D - 1)
    num_jobs_per_env = jnp.full((n_envs,), D // n_envs, dtype=jnp.int32)
    params = {
        'mlp1': _mlp_params(ks[3], [in_ch, 32, 16, 8]),
        'mlp2': _mlp_params(ks[4], [8, 32, 16, dim_embed]),
        'mlp_dag': _mlp_params(ks[5], [in_ch + dim_embed, 32, 16, dim_embed]),
        'mlp_global': _mlp_params(ks[6], [dim_embed, 32, 16, dim_embed]),
        'mlp_op': _mlp_params(ks[7], [3 * dim_embed, 32, 16, 1]),
        'mlp_prlvl': _mlp_params(ks[8], [2 * dim_embed + 1, 32, 16, 1]),
    }
    return {'x': x, 'edge_index': edge_index, 'batch': batch,
            'num_jobs_per_env': num_jobs_per_env, 'n_workers': 50, 'params': params}


def reference(x, edge_index, batch, num_jobs_per_env, n_workers, params):
    N = x.shape[0]
    n_envs = num_jobs_per_env.shape[0]
    num_dags = 1000

    # ---- bookkeeping ----
    job_indptr = jnp.concatenate([jnp.zeros((1,), num_jobs_per_env.dtype),
                                  jnp.cumsum(num_jobs_per_env)])
    counts = jnp.bincount(batch, length=num_dags)
    ptr = jnp.concatenate([jnp.zeros((1,), counts.dtype), jnp.cumsum(counts)])
    num_ops_per_job = ptr[1:] - ptr[:-1]
    env_ids = jnp.repeat(jnp.arange(n_envs), num_jobs_per_env, total_repeat_length=num_dags)
    num_ops_per_env = jax.ops.segment_sum(num_ops_per_job, env_ids, num_segments=n_envs)

    # ---- GCNConv (aggr='add', flow='target_to_source', with self loops) ----
    loop = jnp.arange(N)
    row = jnp.concatenate([edge_index[0], loop])
    col = jnp.concatenate([edge_index[1], loop])
    h = mlp_apply(params['mlp1'], x)
    deg = jnp.bincount(col, length=N).astype(x.dtype)
    deg_inv_sqrt = jnp.where(deg > 0, deg ** -0.5, 0.0)
    norm = deg_inv_sqrt[row] * deg_inv_sqrt[col]
    # flow='target_to_source': x_j = x[col], aggregate at row
    msg = norm[:, None] * h[col]
    aggr = jax.ops.segment_sum(msg, row, num_segments=N)
    x1 = mlp_apply(params['mlp2'], aggr)

    # ---- DAG-level and global embeddings ----
    x_combined = jnp.concatenate([x, x1], axis=1)
    y = jax.ops.segment_sum(x_combined, batch, num_segments=num_dags)
    y = mlp_apply(params['mlp_dag'], y)
    z = jax.ops.segment_sum(y, env_ids, num_segments=n_envs)
    z = mlp_apply(params['mlp_global'], z)

    # ---- op scores ----
    y_rep = jnp.repeat(y, num_ops_per_job, axis=0, total_repeat_length=N)
    z_rep = jnp.repeat(z, num_ops_per_env, axis=0, total_repeat_length=N)
    op_in = jnp.concatenate([x1, y_rep, z_rep], axis=1)
    op_scores = mlp_apply(params['mlp_op'], op_in).squeeze(-1)

    # ---- parallelism-level scores ----
    W1 = 51
    num_total_jobs = num_dags
    limits_col = jnp.minimum(jnp.arange(W1, dtype=x.dtype),
                             jnp.asarray(n_workers, dtype=x.dtype))
    limits = jnp.tile(limits_col, (num_total_jobs,))[:, None]
    y_rep2 = jnp.repeat(y, W1, axis=0)
    z_rep2 = jnp.repeat(z, num_jobs_per_env * W1, axis=0,
                        total_repeat_length=num_total_jobs * W1)
    pr = jnp.concatenate([limits, y_rep2, z_rep2], axis=1)
    pr = pr.reshape(num_total_jobs, W1, pr.shape[1])
    prlvl_scores = mlp_apply(params['mlp_prlvl'], pr).squeeze(-1)

    return (op_scores, prlvl_scores, num_ops_per_env, job_indptr)

if __name__ == "__main__":
    import jax
    _d = setup_inputs()
    print(jax.jit(kernel)(*tuple(_d.values())))

</pallas_src>

<mosaic_0001>
#map = affine_map<(d0, d1) -> (0, 0)>
module attributes {stable_mosaic.version = 14 : i64} {
  func.func @gather_kernel(%arg0: i32, %arg1: i32, %arg2: memref<1008x16xf32, #tpu.memory_space<hbm>>, %arg3: memref<800x128xi32, #tpu.memory_space<hbm>>, %arg4: memref<102400x16xf32, #tpu.memory_space<hbm>>, %arg5: memref<25x128xi32, #tpu.memory_space<vmem>>, %arg6: memref<5x128x16xf32, #tpu.memory_space<vmem>>, %arg7: memref<!tpu.dma_semaphore, #tpu.memory_space<semaphore_mem>>) attributes {dimension_semantics = [#tpu.dimension_semantics<core_parallel>, #tpu.dimension_semantics<subcore_parallel>], iteration_bounds = array<i64: 2, 16>, scalar_prefetch = 0 : i64, scratch_operands = 3 : i64, tpu.core_type = #tpu.core_type<sc_vector_subcore>, window_params = [{transform_indices = #map}, {transform_indices = #map}, {transform_indices = #map}]} {
    %mul3A = arith.constant 16 : i32
    %mul3A_0 = arith.muli %arg0, %mul3A : i32
    %add3A = arith.addi %mul3A_0, %arg1 : i32
    %mul3A_1 = arith.constant 25 : i32
    %mul3A_2 = arith.muli %add3A, %mul3A_1 : i32
    "tpu.region"() ({
      %run_scoped3A = tpu.sem_alloc : memref<!tpu.dma_semaphore, #tpu.memory_space<semaphore_mem>>
      %dma_start3A = arith.constant 0 : i32
      %dma_start3A_12 = tpu.memref_slice %arg3[%mul3A_2, %dma_start3A] : memref<800x128xi32, #tpu.memory_space<hbm>> -> memref<25x128xi32, #tpu.memory_space<hbm>>
      %dma_start3A_13 = arith.constant 0 : i32
      %dma_start3A_14 = tpu.memref_slice %arg3[%mul3A_2, %dma_start3A_13] : memref<800x128xi32, #tpu.memory_space<hbm>> -> memref<25x128xi32, #tpu.memory_space<hbm>>
      tpu.enqueue_dma source(%dma_start3A_14 : memref<25x128xi32, #tpu.memory_space<hbm>>) target(%arg5 : memref<25x128xi32, #tpu.memory_space<vmem>>) target_semaphore(%run_scoped3A : memref<!tpu.dma_semaphore, #tpu.memory_space<semaphore_mem>>)
      %dma_wait3A = arith.constant 0 : i32
      %dma_wait3A_15 = tpu.memref_slice %arg3[%mul3A_2, %dma_wait3A] : memref<800x128xi32, #tpu.memory_space<hbm>> -> memref<25x128xi32, #tpu.memory_space<hbm>>
      %dma_wait3A_16 = arith.constant 0 : i32
      %dma_wait3A_17 = tpu.memref_slice %arg3[%mul3A_2, %dma_wait3A_16] : memref<800x128xi32, #tpu.memory_space<hbm>> -> memref<25x128xi32, #tpu.memory_space<hbm>>
      tpu.wait_dma2 semaphore(%run_scoped3A : memref<!tpu.dma_semaphore, #tpu.memory_space<semaphore_mem>>) src(%dma_wait3A_17 : memref<25x128xi32, #tpu.memory_space<hbm>>) dst(%arg5 : memref<25x128xi32, #tpu.memory_space<vmem>>)
      tpu.yield
    }) : () -> ()
    %mul3A_3 = arith.constant 25 : i32
    %mul3A_4 = arith.muli %add3A, %mul3A_3 : i32
    %mul3A_5 = arith.constant 128 : i32
    %mul3A_6 = arith.muli %mul3A_4, %mul3A_5 : i32
    %scan3A = arith.constant 0 : i32
    %scan3A_7 = arith.constant 0 : i32
    %scan3A_8 = arith.constant 5 : i32
    %scan3A_9 = arith.addi %scan3A_7, %scan3A_8 : i32
    %scan3A_10 = arith.constant 1 : i32
    scf.for %scan3A_12 = %scan3A_7 to %scan3A_9 step %scan3A_10  : i32 {
      %mul3A_13 = arith.constant 5 : i32
      %mul3A_14 = arith.muli %scan3A_12, %mul3A_13 : i32
      %add3A_15 = arith.constant 0 : i32
      %add3A_16 = arith.addi %mul3A_14, %add3A_15 : i32
      %dma_start3A = arith.constant 0 : i32
      %dma_start3A_17 = arith.constant 0 : i32
      %dma_start3A_18 = arith.constant 0 : i32
      %dma_start3A_19 = tpu.memref_slice %arg6[%dma_start3A, %dma_start3A_17, %dma_start3A_18] : memref<5x128x16xf32, #tpu.memory_space<vmem>> -> memref<1x128x16xf32, #tpu.memory_space<vmem>>
      %dma_start3A_20 = tpu.memref_squeeze %dma_start3A_19 : memref<1x128x16xf32, #tpu.memory_space<vmem>> -> memref<128x16xf32, #tpu.memory_space<vmem>>
      %dma_start3A_21 = arith.constant 0 : i32
      %dma_start3A_22 = tpu.memref_slice %arg5[%add3A_16, %dma_start3A_21] : memref<25x128xi32, #tpu.memory_space<vmem>> -> memref<1x128xi32, #tpu.memory_space<vmem>>
      %dma_start3A_23 = tpu.memref_squeeze %dma_start3A_22 : memref<1x128xi32, #tpu.memory_space<vmem>> -> memref<128xi32, #tpu.memory_space<vmem>>
      %dma_start3A_24 = arith.constant 0 : i32
      %dma_start3A_25 = arith.constant 0 : i32
      %dma_start3A_26 = tpu.memref_slice %arg2[%dma_start3A_24, %dma_start3A_25] : memref<1008x16xf32, #tpu.memory_space<hbm>> -> memref<1008x16xf32, #tpu.memory_space<hbm>>
      tpu.enqueue_indirect_dma source(%dma_start3A_26 : memref<1008x16xf32, #tpu.memory_space<hbm>>) target(%dma_start3A_20 : memref<128x16xf32, #tpu.memory_space<vmem>>) offsets(%dma_start3A_23 : memref<128xi32, #tpu.memory_space<vmem>>) semaphore(%arg7 : memref<!tpu.dma_semaphore, #tpu.memory_space<semaphore_mem>>)
      %mul3A_27 = arith.constant 5 : i32
      %mul3A_28 = arith.muli %scan3A_12, %mul3A_27 : i32
      %add3A_29 = arith.constant 1 : i32
      %add3A_30 = arith.addi %mul3A_28, %add3A_29 : i32
      %dma_start3A_31 = arith.constant 1 : i32
      %dma_start3A_32 = arith.constant 0 : i32
      %dma_start3A_33 = arith.constant 0 : i32
      %dma_start3A_34 = tpu.memref_slice %arg6[%dma_start3A_31, %dma_start3A_32, %dma_start3A_33] : memref<5x128x16xf32, #tpu.memory_space<vmem>> -> memref<1x128x16xf32, #tpu.memory_space<vmem>>
      %dma_start3A_35 = tpu.memref_squeeze %dma_start3A_34 : memref<1x128x16xf32, #tpu.memory_space<vmem>> -> memref<128x16xf32, #tpu.memory_space<vmem>>
      %dma_start3A_36 = arith.constant 0 : i32
      %dma_start3A_37 = tpu.memref_slice %arg5[%add3A_30, %dma_start3A_36] : memref<25x128xi32, #tpu.memory_space<vmem>> -> memref<1x128xi32, #tpu.memory_space<vmem>>
      %dma_start3A_38 = tpu.memref_squeeze %dma_start3A_37 : memref<1x128xi32, #tpu.memory_space<vmem>> -> memref<128xi32, #tpu.memory_space<vmem>>
      %dma_start3A_39 = arith.constant 0 : i32
      %dma_start3A_40 = arith.constant 0 : i32
      %dma_start3A_41 = tpu.memref_slice %arg2[%dma_start3A_39, %dma_start3A_40] : memref<1008x16xf32, #tpu.memory_space<hbm>> -> memref<1008x16xf32, #tpu.memory_space<hbm>>
      tpu.enqueue_indirect_dma source(%dma_start3A_41 : memref<1008x16xf32, #tpu.memory_space<hbm>>) target(%dma_start3A_35 : memref<128x16xf32, #tpu.memory_space<vmem>>) offsets(%dma_start3A_38 : memref<128xi32, #tpu.memory_space<vmem>>) semaphore(%arg7 : memref<!tpu.dma_semaphore, #tpu.memory_space<semaphore_mem>>)
      %mul3A_42 = arith.constant 5 : i32
      %mul3A_43 = arith.muli %scan3A_12, %mul3A_42 : i32
      %add3A_44 = arith.constant 2 : i32
      %add3A_45 = arith.addi %mul3A_43, %add3A_44 : i32
      %dma_start3A_46 = arith.constant 2 : i32
      %dma_start3A_47 = arith.constant 0 : i32
      %dma_start3A_48 = arith.constant 0 : i32
      %dma_start3A_49 = tpu.memref_slice %arg6[%dma_start3A_46, %dma_start3A_47, %dma_start3A_48] : memref<5x128x16xf32, #tpu.memory_space<vmem>> -> memref<1x128x16xf32, #tpu.memory_space<vmem>>
      %dma_start3A_50 = tpu.memref_squeeze %dma_start3A_49 : memref<1x128x16xf32, #tpu.memory_space<vmem>> -> memref<128x16xf32, #tpu.memory_space<vmem>>
      %dma_start3A_51 = arith.constant 0 : i32
      %dma_start3A_52 = tpu.memref_slice %arg5[%add3A_45, %dma_start3A_51] : memref<25x128xi32, #tpu.memory_space<vmem>> -> memref<1x128xi32, #tpu.memory_space<vmem>>
      %dma_start3A_53 = tpu.memref_squeeze %dma_start3A_52 : memref<1x128xi32, #tpu.memory_space<vmem>> -> memref<128xi32, #tpu.memory_space<vmem>>
      %dma_start3A_54 = arith.constant 0 : i32
      %dma_start3A_55 = arith.constant 0 : i32
      %dma_start3A_56 = tpu.memref_slice %arg2[%dma_start3A_54, %dma_start3A_55] : memref<1008x16xf32, #tpu.memory_space<hbm>> -> memref<1008x16xf32, #tpu.memory_space<hbm>>
      tpu.enqueue_indirect_dma source(%dma_start3A_56 : memref<1008x16xf32, #tpu.memory_space<hbm>>) target(%dma_start3A_50 : memref<128x16xf32, #tpu.memory_space<vmem>>) offsets(%dma_start3A_53 : memref<128xi32, #tpu.memory_space<vmem>>) semaphore(%arg7 : memref<!tpu.dma_semaphore, #tpu.memory_space<semaphore_mem>>)
      %mul3A_57 = arith.constant 5 : i32
      %mul3A_58 = arith.muli %scan3A_12, %mul3A_57 : i32
      %add3A_59 = arith.constant 3 : i32
      %add3A_60 = arith.addi %mul3A_58, %add3A_59 : i32
      %dma_start3A_61 = arith.constant 3 : i32
      %dma_start3A_62 = arith.constant 0 : i32
      %dma_start3A_63 = arith.constant 0 : i32
      %dma_start3A_64 = tpu.memref_slice %arg6[%dma_start3A_61, %dma_start3A_62, %dma_start3A_63] : memref<5x128x16xf32, #tpu.memory_space<vmem>> -> memref<1x128x16xf32, #tpu.memory_space<vmem>>
      %dma_start3A_65 = tpu.memref_squeeze %dma_start3A_64 : memref<1x128x16xf32, #tpu.memory_space<vmem>> -> memref<128x16xf32, #tpu.memory_space<vmem>>
      %dma_start3A_66 = arith.constant 0 : i32
      %dma_start3A_67 = tpu.memref_slice %arg5[%add3A_60, %dma_start3A_66] : memref<25x128xi32, #tpu.memory_space<vmem>> -> memref<1x128xi32, #tpu.memory_space<vmem>>
      %dma_start3A_68 = tpu.memref_squeeze %dma_start3A_67 : memref<1x128xi32, #tpu.memory_space<vmem>> -> memref<128xi32, #tpu.memory_space<vmem>>
      %dma_start3A_69 = arith.constant 0 : i32
      %dma_start3A_70 = arith.constant 0 : i32
      %dma_start3A_71 = tpu.memref_slice %arg2[%dma_start3A_69, %dma_start3A_70] : memref<1008x16xf32, #tpu.memory_space<hbm>> -> memref<1008x16xf32, #tpu.memory_space<hbm>>
      tpu.enqueue_indirect_dma source(%dma_start3A_71 : memref<1008x16xf32, #tpu.memory_space<hbm>>) target(%dma_start3A_65 : memref<128x16xf32, #tpu.memory_space<vmem>>) offsets(%dma_start3A_68 : memref<128xi32, #tpu.memory_space<vmem>>) semaphore(%arg7 : memref<!tpu.dma_semaphore, #tpu.memory_space<semaphore_mem>>)
      %mul3A_72 = arith.constant 5 : i32
      %mul3A_73 = arith.muli %scan3A_12, %mul3A_72 : i32
      %add3A_74 = arith.constant 4 : i32
      %add3A_75 = arith.addi %mul3A_73, %add3A_74 : i32
      %dma_start3A_76 = arith.constant 4 : i32
      %dma_start3A_77 = arith.constant 0 : i32
      %dma_start3A_78 = arith.constant 0 : i32
      %dma_start3A_79 = tpu.memref_slice %arg6[%dma_start3A_76, %dma_start3A_77, %dma_start3A_78] : memref<5x128x16xf32, #tpu.memory_space<vmem>> -> memref<1x128x16xf32, #tpu.memory_space<vmem>>
      %dma_start3A_80 = tpu.memref_squeeze %dma_start3A_79 : memref<1x128x16xf32, #tpu.memory_space<vmem>> -> memref<128x16xf32, #tpu.memory_space<vmem>>
      %dma_start3A_81 = arith.constant 0 : i32
      %dma_start3A_82 = tpu.memref_slice %arg5[%add3A_75, %dma_start3A_81] : memref<25x128xi32, #tpu.memory_space<vmem>> -> memref<1x128xi32, #tpu.memory_space<vmem>>
      %dma_start3A_83 = tpu.memref_squeeze %dma_start3A_82 : memref<1x128xi32, #tpu.memory_space<vmem>> -> memref<128xi32, #tpu.memory_space<vmem>>
      %dma_start3A_84 = arith.constant 0 : i32
      %dma_start3A_85 = arith.constant 0 : i32
      %dma_start3A_86 = tpu.memref_slice %arg2[%dma_start3A_84, %dma_start3A_85] : memref<1008x16xf32, #tpu.memory_space<hbm>> -> memref<1008x16xf32, #tpu.memory_space<hbm>>
      tpu.enqueue_indirect_dma source(%dma_start3A_86 : memref<1008x16xf32, #tpu.memory_space<hbm>>) target(%dma_start3A_80 : memref<128x16xf32, #tpu.memory_space<vmem>>) offsets(%dma_start3A_83 : memref<128xi32, #tpu.memory_space<vmem>>) semaphore(%arg7 : memref<!tpu.dma_semaphore, #tpu.memory_space<semaphore_mem>>)
      %dma_wait3A = arith.constant 0 : i32
      %dma_wait3A_87 = arith.constant 0 : i32
      %dma_wait3A_88 = arith.constant 0 : i32
      %dma_wait3A_89 = tpu.memref_slice %arg6[%dma_wait3A, %dma_wait3A_87, %dma_wait3A_88] : memref<5x128x16xf32, #tpu.memory_space<vmem>> -> memref<1x128x16xf32, #tpu.memory_space<vmem>>
      %dma_wait3A_90 = tpu.memref_squeeze %dma_wait3A_89 : memref<1x128x16xf32, #tpu.memory_space<vmem>> -> memref<128x16xf32, #tpu.memory_space<vmem>>
      %dma_wait3A_91 = arith.constant 0 : i32
      %dma_wait3A_92 = tpu.memref_slice %arg5[%add3A_16, %dma_wait3A_91] : memref<25x128xi32, #tpu.memory_space<vmem>> -> memref<1x128xi32, #tpu.memory_space<vmem>>
      %dma_wait3A_93 = tpu.memref_squeeze %dma_wait3A_92 : memref<1x128xi32, #tpu.memory_space<vmem>> -> memref<128xi32, #tpu.memory_space<vmem>>
      %dma_wait3A_94 = arith.constant 0 : i32
      %dma_wait3A_95 = arith.constant 0 : i32
      %dma_wait3A_96 = tpu.memref_slice %arg2[%dma_wait3A_94, %dma_wait3A_95] : memref<1008x16xf32, #tpu.memory_space<hbm>> -> memref<1008x16xf32, #tpu.memory_space<hbm>>
      tpu.wait_indirect_dma semaphore(%arg7 : memref<!tpu.dma_semaphore, #tpu.memory_space<semaphore_mem>>) src(%dma_wait3A_96 : memref<1008x16xf32, #tpu.memory_space<hbm>>) dst(%dma_wait3A_90 : memref<128x16xf32, #tpu.memory_space<vmem>>)
      %mul3A_97 = arith.constant 5 : i32
      %mul3A_98 = arith.muli %scan3A_12, %mul3A_97 : i32
      %add3A_99 = arith.constant 0 : i32
      %add3A_100 = arith.addi %mul3A_98, %add3A_99 : i32
      %mul3A_101 = arith.constant 128 : i32
      %mul3A_102 = arith.muli %add3A_100, %mul3A_101 : i32
      %add3A_103 = arith.addi %mul3A_6, %mul3A_102 : i32
      %run_scoped3A = arith.constant 0 : i32
      "tpu.region"() ({
        %run_scoped3A_180 = tpu.sem_alloc : memref<!tpu.dma_semaphore, #tpu.memory_space<semaphore_mem>>
        %dma_start3A_181 = arith.constant 0 : i32
        %dma_start3A_182 = arith.constant 0 : i32
        %dma_start3A_183 = tpu.memref_slice %arg6[%run_scoped3A, %dma_start3A_181, %dma_start3A_182] : memref<5x128x16xf32, #tpu.memory_space<vmem>> -> memref<1x128x16xf32, #tpu.memory_space<vmem>>
        %dma_start3A_184 = tpu.memref_squeeze %dma_start3A_183 : memref<1x128x16xf32, #tpu.memory_space<vmem>> -> memref<128x16xf32, #tpu.memory_space<vmem>>
        %dma_start3A_185 = arith.constant 0 : i32
        %dma_start3A_186 = tpu.memref_slice %arg4[%add3A_103, %dma_start3A_185] : memref<102400x16xf32, #tpu.memory_space<hbm>> -> memref<128x16xf32, #tpu.memory_space<hbm>>
        %dma_start3A_187 = arith.constant 0 : i32
        %dma_start3A_188 = tpu.memref_slice %arg4[%add3A_103, %dma_start3A_187] : memref<102400x16xf32, #tpu.memory_space<hbm>> -> memref<128x16xf32, #tpu.memory_space<hbm>>
        %dma_start3A_189 = arith.constant 0 : i32
        %dma_start3A_190 = arith.constant 0 : i32
        %dma_start3A_191 = tpu.memref_slice %arg6[%run_scoped3A, %dma_start3A_189, %dma_start3A_190] : memref<5x128x16xf32, #tpu.memory_space<vmem>> -> memref<1x128x16xf32, #tpu.memory_space<vmem>>
        %dma_start3A_192 = tpu.memref_squeeze %dma_start3A_191 : memref<1x128x16xf32, #tpu.memory_space<vmem>> -> memref<128x16xf32, #tpu.memory_space<vmem>>
        tpu.enqueue_dma source(%dma_start3A_192 : memref<128x16xf32, #tpu.memory_space<vmem>>) target(%dma_start3A_188 : memref<128x16xf32, #tpu.memory_space<hbm>>) target_semaphore(%run_scoped3A_180 : memref<!tpu.dma_semaphore, #tpu.memory_space<semaphore_mem>>)
        %dma_wait3A_193 = arith.constant 0 : i32
        %dma_wait3A_194 = arith.constant 0 : i32
        %dma_wait3A_195 = tpu.memref_slice %arg6[%run_scoped3A, %dma_wait3A_193, %dma_wait3A_194] : memref<5x128x16xf32, #tpu.memory_space<vmem>> -> memref<1x128x16xf32, #tpu.memory_space<vmem>>
        %dma_wait3A_196 = tpu.memref_squeeze %dma_wait3A_195 : memref<1x128x16xf32, #tpu.memory_space<vmem>> -> memref<128x16xf32, #tpu.memory_space<vmem>>
        %dma_wait3A_197 = arith.constant 0 : i32
        %dma_wait3A_198 = tpu.memref_slice %arg4[%add3A_103, %dma_wait3A_197] : memref<102400x16xf32, #tpu.memory_space<hbm>> -> memref<128x16xf32, #tpu.memory_space<hbm>>
        %dma_wait3A_199 = arith.constant 0 : i32
        %dma_wait3A_200 = tpu.memref_slice %arg4[%add3A_103, %dma_wait3A_199] : memref<102400x16xf32, #tpu.memory_space<hbm>> -> memref<128x16xf32, #tpu.memory_space<hbm>>
        %dma_wait3A_201 = arith.constant 0 : i32
        %dma_wait3A_202 = arith.constant 0 : i32
        %dma_wait3A_203 = tpu.memref_slice %arg6[%run_scoped3A, %dma_wait3A_201, %dma_wait3A_202] : memref<5x128x16xf32, #tpu.memory_space<vmem>> -> memref<1x128x16xf32, #tpu.memory_space<vmem>>
        %dma_wait3A_204 = tpu.memref_squeeze %dma_wait3A_203 : memref<1x128x16xf32, #tpu.memory_space<vmem>> -> memref<128x16xf32, #tpu.memory_space<vmem>>
        tpu.wait_dma2 semaphore(%run_scoped3A_180 : memref<!tpu.dma_semaphore, #tpu.memory_space<semaphore_mem>>) src(%dma_wait3A_204 : memref<128x16xf32, #tpu.memory_space<vmem>>) dst(%dma_wait3A_200 : memref<128x16xf32, #tpu.memory_space<hbm>>)
        tpu.yield
      }) : () -> ()
      %dma_wait3A_104 = arith.constant 1 : i32
      %dma_wait3A_105 = arith.constant 0 : i32
      %dma_wait3A_106 = arith.constant 0 : i32
      %dma_wait3A_107 = tpu.memref_slice %arg6[%dma_wait3A_104, %dma_wait3A_105, %dma_wait3A_106] : memref<5x128x16xf32, #tpu.memory_space<vmem>> -> memref<1x128x16xf32, #tpu.memory_space<vmem>>
      %dma_wait3A_108 = tpu.memref_squeeze %dma_wait3A_107 : memref<1x128x16xf32, #tpu.memory_space<vmem>> -> memref<128x16xf32, #tpu.memory_space<vmem>>
      %dma_wait3A_109 = arith.constant 0 : i32
      %dma_wait3A_110 = tpu.memref_slice %arg5[%add3A_30, %dma_wait3A_109] : memref<25x128xi32, #tpu.memory_space<vmem>> -> memref<1x128xi32, #tpu.memory_space<vmem>>
      %dma_wait3A_111 = tpu.memref_squeeze %dma_wait3A_110 : memref<1x128xi32, #tpu.memory_space<vmem>> -> memref<128xi32, #tpu.memory_space<vmem>>
      %dma_wait3A_112 = arith.constant 0 : i32
      %dma_wait3A_113 = arith.constant 0 : i32
      %dma_wait3A_114 = tpu.memref_slice %arg2[%dma_wait3A_112, %dma_wait3A_113] : memref<1008x16xf32, #tpu.memory_space<hbm>> -> memref<1008x16xf32, #tpu.memory_space<hbm>>
      tpu.wait_indirect_dma semaphore(%arg7 : memref<!tpu.dma_semaphore, #tpu.memory_space<semaphore_mem>>) src(%dma_wait3A_114 : memref<1008x16xf32, #tpu.memory_space<hbm>>) dst(%dma_wait3A_108 : memref<128x16xf32, #tpu.memory_space<vmem>>)
      %mul3A_115 = arith.constant 5 : i32
      %mul3A_116 = arith.muli %scan3A_12, %mul3A_115 : i32
      %add3A_117 = arith.constant 1 : i32
      %add3A_118 = arith.addi %mul3A_116, %add3A_117 : i32
      %mul3A_119 = arith.constant 128 : i32
      %mul3A_120 = arith.muli %add3A_118, %mul3A_119 : i32
      %add3A_121 = arith.addi %mul3A_6, %mul3A_120 : i32
      %run_scoped3A_122 = arith.constant 1 : i32
      "tpu.region"() ({
        %run_scoped3A_180 = tpu.sem_alloc : memref<!tpu.dma_semaphore, #tpu.memory_space<semaphore_mem>>
        %dma_start3A_181 = arith.constant 0 : i32
        %dma_start3A_182 = arith.constant 0 : i32
        %dma_start3A_183 = tpu.memref_slice %arg6[%run_scoped3A_122, %dma_start3A_181, %dma_start3A_182] : memref<5x128x16xf32, #tpu.memory_space<vmem>> -> memref<1x128x16xf32, #tpu.memory_space<vmem>>
        %dma_start3A_184 = tpu.memref_squeeze %dma_start3A_183 : memref<1x128x16xf32, #tpu.memory_space<vmem>> -> memref<128x16xf32, #tpu.memory_space<vmem>>
        %dma_start3A_185 = arith.constant 0 : i32
        %dma_start3A_186 = tpu.memref_slice %arg4[%add3A_121, %dma_start3A_185] : memref<102400x16xf32, #tpu.memory_space<hbm>> -> memref<128x16xf32, #tpu.memory_space<hbm>>
        %dma_start3A_187 = arith.constant 0 : i32
        %dma_start3A_188 = tpu.memref_slice %arg4[%add3A_121, %dma_start3A_187] : memref<102400x16xf32, #tpu.memory_space<hbm>> -> memref<128x16xf32, #tpu.memory_space<hbm>>
        %dma_start3A_189 = arith.constant 0 : i32
        %dma_start3A_190 = arith.constant 0 : i32
        %dma_start3A_191 = tpu.memref_slice %arg6[%run_scoped3A_122, %dma_start3A_189, %dma_start3A_190] : memref<5x128x16xf32, #tpu.memory_space<vmem>> -> memref<1x128x16xf32, #tpu.memory_space<vmem>>
        %dma_start3A_192 = tpu.memref_squeeze %dma_start3A_191 : memref<1x128x16xf32, #tpu.memory_space<vmem>> -> memref<128x16xf32, #tpu.memory_space<vmem>>
        tpu.enqueue_dma source(%dma_start3A_192 : memref<128x16xf32, #tpu.memory_space<vmem>>) target(%dma_start3A_188 : memref<128x16xf32, #tpu.memory_space<hbm>>) target_semaphore(%run_scoped3A_180 : memref<!tpu.dma_semaphore, #tpu.memory_space<semaphore_mem>>)
        %dma_wait3A_193 = arith.constant 0 : i32
        %dma_wait3A_194 = arith.constant 0 : i32
        %dma_wait3A_195 = tpu.memref_slice %arg6[%run_scoped3A_122, %dma_wait3A_193, %dma_wait3A_194] : memref<5x128x16xf32, #tpu.memory_space<vmem>> -> memref<1x128x16xf32, #tpu.memory_space<vmem>>
        %dma_wait3A_196 = tpu.memref_squeeze %dma_wait3A_195 : memref<1x128x16xf32, #tpu.memory_space<vmem>> -> memref<128x16xf32, #tpu.memory_space<vmem>>
        %dma_wait3A_197 = arith.constant 0 : i32
        %dma_wait3A_198 = tpu.memref_slice %arg4[%add3A_121, %dma_wait3A_197] : memref<102400x16xf32, #tpu.memory_space<hbm>> -> memref<128x16xf32, #tpu.memory_space<hbm>>
        %dma_wait3A_199 = arith.constant 0 : i32
        %dma_wait3A_200 = tpu.memref_slice %arg4[%add3A_121, %dma_wait3A_199] : memref<102400x16xf32, #tpu.memory_space<hbm>> -> memref<128x16xf32, #tpu.memory_space<hbm>>
        %dma_wait3A_201 = arith.constant 0 : i32
        %dma_wait3A_202 = arith.constant 0 : i32
        %dma_wait3A_203 = tpu.memref_slice %arg6[%run_scoped3A_122, %dma_wait3A_201, %dma_wait3A_202] : memref<5x128x16xf32, #tpu.memory_space<vmem>> -> memref<1x128x16xf32, #tpu.memory_space<vmem>>
        %dma_wait3A_204 = tpu.memref_squeeze %dma_wait3A_203 : memref<1x128x16xf32, #tpu.memory_space<vmem>> -> memref<128x16xf32, #tpu.memory_space<vmem>>
        tpu.wait_dma2 semaphore(%run_scoped3A_180 : memref<!tpu.dma_semaphore, #tpu.memory_space<semaphore_mem>>) src(%dma_wait3A_204 : memref<128x16xf32, #tpu.memory_space<vmem>>) dst(%dma_wait3A_200 : memref<128x16xf32, #tpu.memory_space<hbm>>)
        tpu.yield
      }) : () -> ()
      %dma_wait3A_123 = arith.constant 2 : i32
      %dma_wait3A_124 = arith.constant 0 : i32
      %dma_wait3A_125 = arith.constant 0 : i32
      %dma_wait3A_126 = tpu.memref_slice %arg6[%dma_wait3A_123, %dma_wait3A_124, %dma_wait3A_125] : memref<5x128x16xf32, #tpu.memory_space<vmem>> -> memref<1x128x16xf32, #tpu.memory_space<vmem>>
      %dma_wait3A_127 = tpu.memref_squeeze %dma_wait3A_126 : memref<1x128x16xf32, #tpu.memory_space<vmem>> -> memref<128x16xf32, #tpu.memory_space<vmem>>
      %dma_wait3A_128 = arith.constant 0 : i32
      %dma_wait3A_129 = tpu.memref_slice %arg5[%add3A_45, %dma_wait3A_128] : memref<25x128xi32, #tpu.memory_space<vmem>> -> memref<1x128xi32, #tpu.memory_space<vmem>>
      %dma_wait3A_130 = tpu.memref_squeeze %dma_wait3A_129 : memref<1x128xi32, #tpu.memory_space<vmem>> -> memref<128xi32, #tpu.memory_space<vmem>>
      %dma_wait3A_131 = arith.constant 0 : i32
      %dma_wait3A_132 = arith.constant 0 : i32
      %dma_wait3A_133 = tpu.memref_slice %arg2[%dma_wait3A_131, %dma_wait3A_132] : memref<1008x16xf32, #tpu.memory_space<hbm>> -> memref<1008x16xf32, #tpu.memory_space<hbm>>
      tpu.wait_indirect_dma semaphore(%arg7 : memref<!tpu.dma_semaphore, #tpu.memory_space<semaphore_mem>>) src(%dma_wait3A_133 : memref<1008x16xf32, #tpu.memory_space<hbm>>) dst(%dma_wait3A_127 : memref<128x16xf32, #tpu.memory_space<vmem>>)
      %mul3A_134 = arith.constant 5 : i32
      %mul3A_135 = arith.muli %scan3A_12, %mul3A_134 : i32
      %add3A_136 = arith.constant 2 : i32
      %add3A_137 = arith.addi %mul3A_135, %add3A_136 : i32
      %mul3A_138 = arith.constant 128 : i32
      %mul3A_139 = arith.muli %add3A_137, %mul3A_138 : i32
      %add3A_140 = arith.addi %mul3A_6, %mul3A_139 : i32
      %run_scoped3A_141 = arith.constant 2 : i32
      "tpu.region"() ({
        %run_scoped3A_180 = tpu.sem_alloc : memref<!tpu.dma_semaphore, #tpu.memory_space<semaphore_mem>>
        %dma_start3A_181 = arith.constant 0 : i32
        %dma_start3A_182 = arith.constant 0 : i32
        %dma_start3A_183 = tpu.memref_slice %arg6[%run_scoped3A_141, %dma_start3A_181, %dma_start3A_182] : memref<5x128x16xf32, #tpu.memory_space<vmem>> -> memref<1x128x16xf32, #tpu.memory_space<vmem>>
        %dma_start3A_184 = tpu.memref_squeeze %dma_start3A_183 : memref<1x128x16xf32, #tpu.memory_space<vmem>> -> memref<128x16xf32, #tpu.memory_space<vmem>>
        %dma_start3A_185 = arith.constant 0 : i32
        %dma_start3A_186 = tpu.memref_slice %arg4[%add3A_140, %dma_start3A_185] : memref<102400x16xf32, #tpu.memory_space<hbm>> -> memref<128x16xf32, #tpu.memory_space<hbm>>
        %dma_start3A_187 = arith.constant 0 : i32
        %dma_start3A_188 = tpu.memref_slice %arg4[%add3A_140, %dma_start3A_187] : memref<102400x16xf32, #tpu.memory_space<hbm>> -> memref<128x16xf32, #tpu.memory_space<hbm>>
        %dma_start3A_189 = arith.constant 0 : i32
        %dma_start3A_190 = arith.constant 0 : i32
        %dma_start3A_191 = tpu.memref_slice %arg6[%run_scoped3A_141, %dma_start3A_189, %dma_start3A_190] : memref<5x128x16xf32, #tpu.memory_space<vmem>> -> memref<1x128x16xf32, #tpu.memory_space<vmem>>
        %dma_start3A_192 = tpu.memref_squeeze %dma_start3A_191 : memref<1x128x16xf32, #tpu.memory_space<vmem>> -> memref<128x16xf32, #tpu.memory_space<vmem>>
        tpu.enqueue_dma source(%dma_start3A_192 : memref<128x16xf32, #tpu.memory_space<vmem>>) target(%dma_start3A_188 : memref<128x16xf32, #tpu.memory_space<hbm>>) target_semaphore(%run_scoped3A_180 : memref<!tpu.dma_semaphore, #tpu.memory_space<semaphore_mem>>)
        %dma_wait3A_193 = arith.constant 0 : i32
        %dma_wait3A_194 = arith.constant 0 : i32
        %dma_wait3A_195 = tpu.memref_slice %arg6[%run_scoped3A_141, %dma_wait3A_193, %dma_wait3A_194] : memref<5x128x16xf32, #tpu.memory_space<vmem>> -> memref<1x128x16xf32, #tpu.memory_space<vmem>>
        %dma_wait3A_196 = tpu.memref_squeeze %dma_wait3A_195 : memref<1x128x16xf32, #tpu.memory_space<vmem>> -> memref<128x16xf32, #tpu.memory_space<vmem>>
        %dma_wait3A_197 = arith.constant 0 : i32
        %dma_wait3A_198 = tpu.memref_slice %arg4[%add3A_140, %dma_wait3A_197] : memref<102400x16xf32, #tpu.memory_space<hbm>> -> memref<128x16xf32, #tpu.memory_space<hbm>>
        %dma_wait3A_199 = arith.constant 0 : i32
        %dma_wait3A_200 = tpu.memref_slice %arg4[%add3A_140, %dma_wait3A_199] : memref<102400x16xf32, #tpu.memory_space<hbm>> -> memref<128x16xf32, #tpu.memory_space<hbm>>
        %dma_wait3A_201 = arith.constant 0 : i32
        %dma_wait3A_202 = arith.constant 0 : i32
        %dma_wait3A_203 = tpu.memref_slice %arg6[%run_scoped3A_141, %dma_wait3A_201, %dma_wait3A_202] : memref<5x128x16xf32, #tpu.memory_space<vmem>> -> memref<1x128x16xf32, #tpu.memory_space<vmem>>
        %dma_wait3A_204 = tpu.memref_squeeze %dma_wait3A_203 : memref<1x128x16xf32, #tpu.memory_space<vmem>> -> memref<128x16xf32, #tpu.memory_space<vmem>>
        tpu.wait_dma2 semaphore(%run_scoped3A_180 : memref<!tpu.dma_semaphore, #tpu.memory_space<semaphore_mem>>) src(%dma_wait3A_204 : memref<128x16xf32, #tpu.memory_space<vmem>>) dst(%dma_wait3A_200 : memref<128x16xf32, #tpu.memory_space<hbm>>)
        tpu.yield
      }) : () -> ()
      %dma_wait3A_142 = arith.constant 3 : i32
      %dma_wait3A_143 = arith.constant 0 : i32
      %dma_wait3A_144 = arith.constant 0 : i32
      %dma_wait3A_145 = tpu.memref_slice %arg6[%dma_wait3A_142, %dma_wait3A_143, %dma_wait3A_144] : memref<5x128x16xf32, #tpu.memory_space<vmem>> -> memref<1x128x16xf32, #tpu.memory_space<vmem>>
      %dma_wait3A_146 = tpu.memref_squeeze %dma_wait3A_145 : memref<1x128x16xf32, #tpu.memory_space<vmem>> -> memref<128x16xf32, #tpu.memory_space<vmem>>
      %dma_wait3A_147 = arith.constant 0 : i32
      %dma_wait3A_148 = tpu.memref_slice %arg5[%add3A_60, %dma_wait3A_147] : memref<25x128xi32, #tpu.memory_space<vmem>> -> memref<1x128xi32, #tpu.memory_space<vmem>>
      %dma_wait3A_149 = tpu.memref_squeeze %dma_wait3A_148 : memref<1x128xi32, #tpu.memory_space<vmem>> -> memref<128xi32, #tpu.memory_space<vmem>>
      %dma_wait3A_150 = arith.constant 0 : i32
      %dma_wait3A_151 = arith.constant 0 : i32
      %dma_wait3A_152 = tpu.memref_slice %arg2[%dma_wait3A_150, %dma_wait3A_151] : memref<1008x16xf32, #tpu.memory_space<hbm>> -> memref<1008x16xf32, #tpu.memory_space<hbm>>
      tpu.wait_indirect_dma semaphore(%arg7 : memref<!tpu.dma_semaphore, #tpu.memory_space<semaphore_mem>>) src(%dma_wait3A_152 : memref<1008x16xf32, #tpu.memory_space<hbm>>) dst(%dma_wait3A_146 : memref<128x16xf32, #tpu.memory_space<vmem>>)
      %mul3A_153 = arith.constant 5 : i32
      %mul3A_154 = arith.muli %scan3A_12, %mul3A_153 : i32
      %add3A_155 = arith.constant 3 : i32
      %add3A_156 = arith.addi %mul3A_154, %add3A_155 : i32
      %mul3A_157 = arith.constant 128 : i32
      %mul3A_158 = arith.muli %add3A_156, %mul3A_157 : i32
      %add3A_159 = arith.addi %mul3A_6, %mul3A_158 : i32
      %run_scoped3A_160 = arith.constant 3 : i32
      "tpu.region"() ({
        %run_scoped3A_180 = tpu.sem_alloc : memref<!tpu.dma_semaphore, #tpu.memory_space<semaphore_mem>>
        %dma_start3A_181 = arith.constant 0 : i32
        %dma_start3A_182 = arith.constant 0 : i32
        %dma_start3A_183 = tpu.memref_slice %arg6[%run_scoped3A_160, %dma_start3A_181, %dma_start3A_182] : memref<5x128x16xf32, #tpu.memory_space<vmem>> -> memref<1x128x16xf32, #tpu.memory_space<vmem>>
        %dma_start3A_184 = tpu.memref_squeeze %dma_start3A_183 : memref<1x128x16xf32, #tpu.memory_space<vmem>> -> memref<128x16xf32, #tpu.memory_space<vmem>>
        %dma_start3A_185 = arith.constant 0 : i32
        %dma_start3A_186 = tpu.memref_slice %arg4[%add3A_159, %dma_start3A_185] : memref<102400x16xf32, #tpu.memory_space<hbm>> -> memref<128x16xf32, #tpu.memory_space<hbm>>
        %dma_start3A_187 = arith.constant 0 : i32
        %dma_start3A_188 = tpu.memref_slice %arg4[%add3A_159, %dma_start3A_187] : memref<102400x16xf32, #tpu.memory_space<hbm>> -> memref<128x16xf32, #tpu.memory_space<hbm>>
        %dma_start3A_189 = arith.constant 0 : i32
        %dma_start3A_190 = arith.constant 0 : i32
        %dma_start3A_191 = tpu.memref_slice %arg6[%run_scoped3A_160, %dma_start3A_189, %dma_start3A_190] : memref<5x128x16xf32, #tpu.memory_space<vmem>> -> memref<1x128x16xf32, #tpu.memory_space<vmem>>
        %dma_start3A_192 = tpu.memref_squeeze %dma_start3A_191 : memref<1x128x16xf32, #tpu.memory_space<vmem>> -> memref<128x16xf32, #tpu.memory_space<vmem>>
        tpu.enqueue_dma source(%dma_start3A_192 : memref<128x16xf32, #tpu.memory_space<vmem>>) target(%dma_start3A_188 : memref<128x16xf32, #tpu.memory_space<hbm>>) target_semaphore(%run_scoped3A_180 : memref<!tpu.dma_semaphore, #tpu.memory_space<semaphore_mem>>)
        %dma_wait3A_193 = arith.constant 0 : i32
        %dma_wait3A_194 = arith.constant 0 : i32
        %dma_wait3A_195 = tpu.memref_slice %arg6[%run_scoped3A_160, %dma_wait3A_193, %dma_wait3A_194] : memref<5x128x16xf32, #tpu.memory_space<vmem>> -> memref<1x128x16xf32, #tpu.memory_space<vmem>>
        %dma_wait3A_196 = tpu.memref_squeeze %dma_wait3A_195 : memref<1x128x16xf32, #tpu.memory_space<vmem>> -> memref<128x16xf32, #tpu.memory_space<vmem>>
        %dma_wait3A_197 = arith.constant 0 : i32
        %dma_wait3A_198 = tpu.memref_slice %arg4[%add3A_159, %dma_wait3A_197] : memref<102400x16xf32, #tpu.memory_space<hbm>> -> memref<128x16xf32, #tpu.memory_space<hbm>>
        %dma_wait3A_199 = arith.constant 0 : i32
        %dma_wait3A_200 = tpu.memref_slice %arg4[%add3A_159, %dma_wait3A_199] : memref<102400x16xf32, #tpu.memory_space<hbm>> -> memref<128x16xf32, #tpu.memory_space<hbm>>
        %dma_wait3A_201 = arith.constant 0 : i32
        %dma_wait3A_202 = arith.constant 0 : i32
        %dma_wait3A_203 = tpu.memref_slice %arg6[%run_scoped3A_160, %dma_wait3A_201, %dma_wait3A_202] : memref<5x128x16xf32, #tpu.memory_space<vmem>> -> memref<1x128x16xf32, #tpu.memory_space<vmem>>
        %dma_wait3A_204 = tpu.memref_squeeze %dma_wait3A_203 : memref<1x128x16xf32, #tpu.memory_space<vmem>> -> memref<128x16xf32, #tpu.memory_space<vmem>>
        tpu.wait_dma2 semaphore(%run_scoped3A_180 : memref<!tpu.dma_semaphore, #tpu.memory_space<semaphore_mem>>) src(%dma_wait3A_204 : memref<128x16xf32, #tpu.memory_space<vmem>>) dst(%dma_wait3A_200 : memref<128x16xf32, #tpu.memory_space<hbm>>)
        tpu.yield
      }) : () -> ()
      %dma_wait3A_161 = arith.constant 4 : i32
      %dma_wait3A_162 = arith.constant 0 : i32
      %dma_wait3A_163 = arith.constant 0 : i32
      %dma_wait3A_164 = tpu.memref_slice %arg6[%dma_wait3A_161, %dma_wait3A_162, %dma_wait3A_163] : memref<5x128x16xf32, #tpu.memory_space<vmem>> -> memref<1x128x16xf32, #tpu.memory_space<vmem>>
      %dma_wait3A_165 = tpu.memref_squeeze %dma_wait3A_164 : memref<1x128x16xf32, #tpu.memory_space<vmem>> -> memref<128x16xf32, #tpu.memory_space<vmem>>
      %dma_wait3A_166 = arith.constant 0 : i32
      %dma_wait3A_167 = tpu.memref_slice %arg5[%add3A_75, %dma_wait3A_166] : memref<25x128xi32, #tpu.memory_space<vmem>> -> memref<1x128xi32, #tpu.memory_space<vmem>>
      %dma_wait3A_168 = tpu.memref_squeeze %dma_wait3A_167 : memref<1x128xi32, #tpu.memory_space<vmem>> -> memref<128xi32, #tpu.memory_space<vmem>>
      %dma_wait3A_169 = arith.constant 0 : i32
      %dma_wait3A_170 = arith.constant 0 : i32
      %dma_wait3A_171 = tpu.memref_slice %arg2[%dma_wait3A_169, %dma_wait3A_170] : memref<1008x16xf32, #tpu.memory_space<hbm>> -> memref<1008x16xf32, #tpu.memory_space<hbm>>
      tpu.wait_indirect_dma semaphore(%arg7 : memref<!tpu.dma_semaphore, #tpu.memory_space<semaphore_mem>>) src(%dma_wait3A_171 : memref<1008x16xf32, #tpu.memory_space<hbm>>) dst(%dma_wait3A_165 : memref<128x16xf32, #tpu.memory_space<vmem>>)
      %mul3A_172 = arith.constant 5 : i32
      %mul3A_173 = arith.muli %scan3A_12, %mul3A_172 : i32
      %add3A_174 = arith.constant 4 : i32
      %add3A_175 = arith.addi %mul3A_173, %add3A_174 : i32
      %mul3A_176 = arith.constant 128 : i32
      %mul3A_177 = arith.muli %add3A_175, %mul3A_176 : i32
      %add3A_178 = arith.addi %mul3A_6, %mul3A_177 : i32
      %run_scoped3A_179 = arith.constant 4 : i32
      "tpu.region"() ({
        %run_scoped3A_180 = tpu.sem_alloc : memref<!tpu.dma_semaphore, #tpu.memory_space<semaphore_mem>>
        %dma_start3A_181 = arith.constant 0 : i32
        %dma_start3A_182 = arith.constant 0 : i32
        %dma_start3A_183 = tpu.memref_slice %arg6[%run_scoped3A_179, %dma_start3A_181, %dma_start3A_182] : memref<5x128x16xf32, #tpu.memory_space<vmem>> -> memref<1x128x16xf32, #tpu.memory_space<vmem>>
        %dma_start3A_184 = tpu.memref_squeeze %dma_start3A_183 : memref<1x128x16xf32, #tpu.memory_space<vmem>> -> memref<128x16xf32, #tpu.memory_space<vmem>>
        %dma_start3A_185 = arith.constant 0 : i32
        %dma_start3A_186 = tpu.memref_slice %arg4[%add3A_178, %dma_start3A_185] : memref<102400x16xf32, #tpu.memory_space<hbm>> -> memref<128x16xf32, #tpu.memory_space<hbm>>
        %dma_start3A_187 = arith.constant 0 : i32
        %dma_start3A_188 = tpu.memref_slice %arg4[%add3A_178, %dma_start3A_187] : memref<102400x16xf32, #tpu.memory_space<hbm>> -> memref<128x16xf32, #tpu.memory_space<hbm>>
        %dma_start3A_189 = arith.constant 0 : i32
        %dma_start3A_190 = arith.constant 0 : i32
        %dma_start3A_191 = tpu.memref_slice %arg6[%run_scoped3A_179, %dma_start3A_189, %dma_start3A_190] : memref<5x128x16xf32, #tpu.memory_space<vmem>> -> memref<1x128x16xf32, #tpu.memory_space<vmem>>
        %dma_start3A_192 = tpu.memref_squeeze %dma_start3A_191 : memref<1x128x16xf32, #tpu.memory_space<vmem>> -> memref<128x16xf32, #tpu.memory_space<vmem>>
        tpu.enqueue_dma source(%dma_start3A_192 : memref<128x16xf32, #tpu.memory_space<vmem>>) target(%dma_start3A_188 : memref<128x16xf32, #tpu.memory_space<hbm>>) target_semaphore(%run_scoped3A_180 : memref<!tpu.dma_semaphore, #tpu.memory_space<semaphore_mem>>)
        %dma_wait3A_193 = arith.constant 0 : i32
        %dma_wait3A_194 = arith.constant 0 : i32
        %dma_wait3A_195 = tpu.memref_slice %arg6[%run_scoped3A_179, %dma_wait3A_193, %dma_wait3A_194] : memref<5x128x16xf32, #tpu.memory_space<vmem>> -> memref<1x128x16xf32, #tpu.memory_space<vmem>>
        %dma_wait3A_196 = tpu.memref_squeeze %dma_wait3A_195 : memref<1x128x16xf32, #tpu.memory_space<vmem>> -> memref<128x16xf32, #tpu.memory_space<vmem>>
        %dma_wait3A_197 = arith.constant 0 : i32
        %dma_wait3A_198 = tpu.memref_slice %arg4[%add3A_178, %dma_wait3A_197] : memref<102400x16xf32, #tpu.memory_space<hbm>> -> memref<128x16xf32, #tpu.memory_space<hbm>>
        %dma_wait3A_199 = arith.constant 0 : i32
        %dma_wait3A_200 = tpu.memref_slice %arg4[%add3A_178, %dma_wait3A_199] : memref<102400x16xf32, #tpu.memory_space<hbm>> -> memref<128x16xf32, #tpu.memory_space<hbm>>
        %dma_wait3A_201 = arith.constant 0 : i32
        %dma_wait3A_202 = arith.constant 0 : i32
        %dma_wait3A_203 = tpu.memref_slice %arg6[%run_scoped3A_179, %dma_wait3A_201, %dma_wait3A_202] : memref<5x128x16xf32, #tpu.memory_space<vmem>> -> memref<1x128x16xf32, #tpu.memory_space<vmem>>
        %dma_wait3A_204 = tpu.memref_squeeze %dma_wait3A_203 : memref<1x128x16xf32, #tpu.memory_space<vmem>> -> memref<128x16xf32, #tpu.memory_space<vmem>>
        tpu.wait_dma2 semaphore(%run_scoped3A_180 : memref<!tpu.dma_semaphore, #tpu.memory_space<semaphore_mem>>) src(%dma_wait3A_204 : memref<128x16xf32, #tpu.memory_space<vmem>>) dst(%dma_wait3A_200 : memref<128x16xf32, #tpu.memory_space<hbm>>)
        tpu.yield
      }) : () -> ()
    }
    %scan3A_11 = arith.constant 5 : i32
    return
  }
}

#map = affine_map<(d0, d1) -> (0, 0, 0)>
#map1 = affine_map<(d0, d1) -> (0, 0)>
module attributes {stable_mosaic.version = 14 : i64} {
  func.func @deg_kernel(%arg0: i32, %arg1: i32, %arg2: memref<2x25000x128xi32, #tpu.memory_space<hbm>>, %arg3: memref<128x8xf32, #tpu.memory_space<hbm>>, %arg4: memref<102400x8xf32, #tpu.memory_space<hbm>>, %arg5: memref<2x102400x8xf32, #tpu.memory_space<hbm>>, %arg6: memref<2x8x128xi32, #tpu.memory_space<vmem>>, %arg7: memref<128x8xf32, #tpu.memory_space<vmem>>, %arg8: memref<102400x8xf32, #tpu.memory_space<vmem_shared>>, %arg9: memref<!tpu.dma_semaphore, #tpu.memory_space<semaphore_mem>>, %arg10: memref<!tpu.dma_semaphore, #tpu.memory_space<semaphore_mem>>) attributes {dimension_semantics = [#tpu.dimension_semantics<core_parallel>, #tpu.dimension_semantics<subcore_parallel>], iteration_bounds = array<i64: 2, 16>, scalar_prefetch = 0 : i64, scratch_operands = 5 : i64, tpu.core_type = #tpu.core_type<sc_vector_subcore>, window_params = [{transform_indices = #map}, {transform_indices = #map1}, {transform_indices = #map1}, {transform_indices = #map}]} {
    %mul3A = arith.constant 16 : i32
    %mul3A_0 = arith.muli %arg0, %mul3A : i32
    %add3A = arith.addi %mul3A_0, %arg1 : i32
    "tpu.region"() ({
      %run_scoped3A_366 = tpu.sem_alloc : memref<!tpu.dma_semaphore, #tpu.memory_space<semaphore_mem>>
      tpu.enqueue_dma source(%arg3 : memref<128x8xf32, #tpu.memory_space<hbm>>) target(%arg7 : memref<128x8xf32, #tpu.memory_space<vmem>>) target_semaphore(%run_scoped3A_366 : memref<!tpu.dma_semaphore, #tpu.memory_space<semaphore_mem>>)
      tpu.wait_dma2 semaphore(%run_scoped3A_366 : memref<!tpu.dma_semaphore, #tpu.memory_space<semaphore_mem>>) src(%arg3 : memref<128x8xf32, #tpu.memory_space<hbm>>) dst(%arg7 : memref<128x8xf32, #tpu.memory_space<vmem>>)
      tpu.yield
    }) : () -> ()
    %eq3A = arith.constant 0 : i32
    %eq3A_1 = arith.cmpi eq, %arg1, %eq3A : i32
    %convert_element_type3A = arith.extui %eq3A_1 : i1 to i32
    %cond3A = arith.constant 0 : i32
    %cond3A_2 = arith.cmpi ne, %convert_element_type3A, %cond3A : i32
    scf.if %cond3A_2 {
      "tpu.region"() ({
        %run_scoped3A_366 = tpu.sem_alloc : memref<!tpu.dma_semaphore, #tpu.memory_space<semaphore_mem>>
        tpu.enqueue_dma source(%arg4 : memref<102400x8xf32, #tpu.memory_space<hbm>>) target(%arg8 : memref<102400x8xf32, #tpu.memory_space<vmem_shared>>) target_semaphore(%run_scoped3A_366 : memref<!tpu.dma_semaphore, #tpu.memory_space<semaphore_mem>>)
        tpu.wait_dma2 semaphore(%run_scoped3A_366 : memref<!tpu.dma_semaphore, #tpu.memory_space<semaphore_mem>>) src(%arg4 : memref<102400x8xf32, #tpu.memory_space<hbm>>) dst(%arg8 : memref<102400x8xf32, #tpu.memory_space<vmem_shared>>)
        tpu.yield
      }) : () -> ()
    } else {
    }
    %barrier3A = arith.constant 0 : index
    tpu.barrier barrier_id(%barrier3A)
    %mul3A_3 = arith.constant 781 : i32
    %mul3A_4 = arith.muli %add3A, %mul3A_3 : i32
    %min3A = arith.constant 8 : i32
    %min3A_5 = arith.minsi %add3A, %min3A : i32
    %add3A_6 = arith.addi %mul3A_4, %min3A_5 : i32
    %run_scoped3A = arith.constant 1 : i32
    %run_scoped3A_7 = arith.constant 0 : i32
    "tpu.region"() ({
      %run_scoped3A_366 = tpu.sem_alloc : memref<!tpu.dma_semaphore, #tpu.memory_space<semaphore_mem>>
      %dma_start3A_367 = arith.constant 0 : i32
      %dma_start3A_368 = arith.constant 0 : i32
      %dma_start3A_369 = tpu.memref_slice %arg6[%run_scoped3A_7, %dma_start3A_367, %dma_start3A_368] : memref<2x8x128xi32, #tpu.memory_space<vmem>> -> memref<1x8x128xi32, #tpu.memory_space<vmem>>
      %dma_start3A_370 = tpu.memref_squeeze %dma_start3A_369 : memref<1x8x128xi32, #tpu.memory_space<vmem>> -> memref<8x128xi32, #tpu.memory_space<vmem>>
      %dma_start3A_371 = arith.constant 0 : i32
      %dma_start3A_372 = tpu.memref_slice %arg2[%run_scoped3A, %add3A_6, %dma_start3A_371] : memref<2x25000x128xi32, #tpu.memory_space<hbm>> -> memref<1x8x128xi32, #tpu.memory_space<hbm>>
      %dma_start3A_373 = tpu.memref_squeeze %dma_start3A_372 : memref<1x8x128xi32, #tpu.memory_space<hbm>> -> memref<8x128xi32, #tpu.memory_space<hbm>>
      %dma_start3A_374 = arith.constant 0 : i32
      %dma_start3A_375 = arith.constant 0 : i32
      %dma_start3A_376 = tpu.memref_slice %arg6[%run_scoped3A_7, %dma_start3A_374, %dma_start3A_375] : memref<2x8x128xi32, #tpu.memory_space<vmem>> -> memref<1x8x128xi32, #tpu.memory_space<vmem>>
      %dma_start3A_377 = tpu.memref_squeeze %dma_start3A_376 : memref<1x8x128xi32, #tpu.memory_space<vmem>> -> memref<8x128xi32, #tpu.memory_space<vmem>>
      %dma_start3A_378 = arith.constant 0 : i32
      %dma_start3A_379 = tpu.memref_slice %arg2[%run_scoped3A, %add3A_6, %dma_start3A_378] : memref<2x25000x128xi32, #tpu.memory_space<hbm>> -> memref<1x8x128xi32, #tpu.memory_space<hbm>>
      %dma_start3A_380 = tpu.memref_squeeze %dma_start3A_379 : memref<1x8x128xi32, #tpu.memory_space<hbm>> -> memref<8x128xi32, #tpu.memory_space<hbm>>
      tpu.enqueue_dma source(%dma_start3A_380 : memref<8x128xi32, #tpu.memory_space<hbm>>) target(%dma_start3A_377 : memref<8x128xi32, #tpu.memory_space<vmem>>) target_semaphore(%run_scoped3A_366 : memref<!tpu.dma_semaphore, #tpu.memory_space<semaphore_mem>>)
      %dma_wait3A_381 = arith.constant 0 : i32
      %dma_wait3A_382 = arith.constant 0 : i32
      %dma_wait3A_383 = tpu.memref_slice %arg6[%run_scoped3A_7, %dma_wait3A_381, %dma_wait3A_382] : memref<2x8x128xi32, #tpu.memory_space<vmem>> -> memref<1x8x128xi32, #tpu.memory_space<vmem>>
      %dma_wait3A_384 = tpu.memref_squeeze %dma_wait3A_383 : memref<1x8x128xi32, #tpu.memory_space<vmem>> -> memref<8x128xi32, #tpu.memory_space<vmem>>
      %dma_wait3A_385 = arith.constant 0 : i32
      %dma_wait3A_386 = tpu.memref_slice %arg2[%run_scoped3A, %add3A_6, %dma_wait3A_385] : memref<2x25000x128xi32, #tpu.memory_space<hbm>> -> memref<1x8x128xi32, #tpu.memory_space<hbm>>
      %dma_wait3A_387 = tpu.memref_squeeze %dma_wait3A_386 : memref<1x8x128xi32, #tpu.memory_space<hbm>> -> memref<8x128xi32, #tpu.memory_space<hbm>>
      %dma_wait3A_388 = arith.constant 0 : i32
      %dma_wait3A_389 = arith.constant 0 : i32
      %dma_wait3A_390 = tpu.memref_slice %arg6[%run_scoped3A_7, %dma_wait3A_388, %dma_wait3A_389] : memref<2x8x128xi32, #tpu.memory_space<vmem>> -> memref<1x8x128xi32, #tpu.memory_space<vmem>>
      %dma_wait3A_391 = tpu.memref_squeeze %dma_wait3A_390 : memref<1x8x128xi32, #tpu.memory_space<vmem>> -> memref<8x128xi32, #tpu.memory_space<vmem>>
      %dma_wait3A_392 = arith.constant 0 : i32
      %dma_wait3A_393 = tpu.memref_slice %arg2[%run_scoped3A, %add3A_6, %dma_wait3A_392] : memref<2x25000x128xi32, #tpu.memory_space<hbm>> -> memref<1x8x128xi32, #tpu.memory_space<hbm>>
      %dma_wait3A_394 = tpu.memref_squeeze %dma_wait3A_393 : memref<1x8x128xi32, #tpu.memory_space<hbm>> -> memref<8x128xi32, #tpu.memory_space<hbm>>
      tpu.wait_dma2 semaphore(%run_scoped3A_366 : memref<!tpu.dma_semaphore, #tpu.memory_space<semaphore_mem>>) src(%dma_wait3A_394 : memref<8x128xi32, #tpu.memory_space<hbm>>) dst(%dma_wait3A_391 : memref<8x128xi32, #tpu.memory_space<vmem>>)
      tpu.yield
    }) : () -> ()
    %scan3A = arith.constant 0 : i32
    %scan3A_8 = arith.constant 0 : i32
    %scan3A_9 = arith.constant 96 : i32
    %scan3A_10 = arith.addi %scan3A_8, %scan3A_9 : i32
    %scan3A_11 = arith.constant 1 : i32
    scf.for %scan3A_366 = %scan3A_8 to %scan3A_10 step %scan3A_11  : i32 {
      %rem3A = arith.constant 2 : i32
      %rem3A_367 = arith.remsi %scan3A_366, %rem3A : i32
      %sub3A = arith.constant 1 : i32
      %sub3A_368 = arith.subi %sub3A, %rem3A_367 : i32
      %add3A_369 = arith.constant 1 : i32
      %add3A_370 = arith.addi %scan3A_366, %add3A_369 : i32
      %mul3A_371 = arith.constant 8 : i32
      %mul3A_372 = arith.muli %add3A_370, %mul3A_371 : i32
      %add3A_373 = arith.addi %add3A_6, %mul3A_372 : i32
      %dma_start3A_374 = arith.constant 1 : i32
      %dma_start3A_375 = arith.constant 0 : i32
      %dma_start3A_376 = arith.constant 0 : i32
      %dma_start3A_377 = tpu.memref_slice %arg6[%sub3A_368, %dma_start3A_375, %dma_start3A_376] : memref<2x8x128xi32, #tpu.memory_space<vmem>> -> memref<1x8x128xi32, #tpu.memory_space<vmem>>
      %dma_start3A_378 = tpu.memref_squeeze %dma_start3A_377 : memref<1x8x128xi32, #tpu.memory_space<vmem>> -> memref<8x128xi32, #tpu.memory_space<vmem>>
      %dma_start3A_379 = arith.constant 0 : i32
      %dma_start3A_380 = tpu.memref_slice %arg2[%dma_start3A_374, %add3A_373, %dma_start3A_379] : memref<2x25000x128xi32, #tpu.memory_space<hbm>> -> memref<1x8x128xi32, #tpu.memory_space<hbm>>
      %dma_start3A_381 = tpu.memref_squeeze %dma_start3A_380 : memref<1x8x128xi32, #tpu.memory_space<hbm>> -> memref<8x128xi32, #tpu.memory_space<hbm>>
      %dma_start3A_382 = arith.constant 0 : i32
      %dma_start3A_383 = arith.constant 0 : i32
      %dma_start3A_384 = tpu.memref_slice %arg6[%sub3A_368, %dma_start3A_382, %dma_start3A_383] : memref<2x8x128xi32, #tpu.memory_space<vmem>> -> memref<1x8x128xi32, #tpu.memory_space<vmem>>
      %dma_start3A_385 = tpu.memref_squeeze %dma_start3A_384 : memref<1x8x128xi32, #tpu.memory_space<vmem>> -> memref<8x128xi32, #tpu.memory_space<vmem>>
      %dma_start3A_386 = arith.constant 0 : i32
      %dma_start3A_387 = tpu.memref_slice %arg2[%dma_start3A_374, %add3A_373, %dma_start3A_386] : memref<2x25000x128xi32, #tpu.memory_space<hbm>> -> memref<1x8x128xi32, #tpu.memory_space<hbm>>
      %dma_start3A_388 = tpu.memref_squeeze %dma_start3A_387 : memref<1x8x128xi32, #tpu.memory_space<hbm>> -> memref<8x128xi32, #tpu.memory_space<hbm>>
      tpu.enqueue_dma source(%dma_start3A_388 : memref<8x128xi32, #tpu.memory_space<hbm>>) target(%dma_start3A_385 : memref<8x128xi32, #tpu.memory_space<vmem>>) target_semaphore(%arg9 : memref<!tpu.dma_semaphore, #tpu.memory_space<semaphore_mem>>)
      %dma_start3A_389 = arith.constant 0 : i32
      %dma_start3A_390 = arith.constant 0 : i32
      %dma_start3A_391 = arith.constant 0 : i32
      %dma_start3A_392 = tpu.memref_slice %arg6[%rem3A_367, %dma_start3A_390, %dma_start3A_391] : memref<2x8x128xi32, #tpu.memory_space<vmem>> -> memref<1x8x128xi32, #tpu.memory_space<vmem>>
      %dma_start3A_393 = tpu.memref_squeeze %dma_start3A_392 : memref<1x8x128xi32, #tpu.memory_space<vmem>> -> memref<8x128xi32, #tpu.memory_space<vmem>>
      %dma_start3A_394 = arith.constant 0 : i32
      %dma_start3A_395 = tpu.memref_slice %dma_start3A_393[%dma_start3A_389, %dma_start3A_394] : memref<8x128xi32, #tpu.memory_space<vmem>> -> memref<1x128xi32, #tpu.memory_space<vmem>>
      %dma_start3A_396 = tpu.memref_squeeze %dma_start3A_395 : memref<1x128xi32, #tpu.memory_space<vmem>> -> memref<128xi32, #tpu.memory_space<vmem>>
      %dma_start3A_397 = arith.constant 0 : i32
      %dma_start3A_398 = arith.constant 0 : i32
      %dma_start3A_399 = tpu.memref_slice %arg8[%dma_start3A_397, %dma_start3A_398] : memref<102400x8xf32, #tpu.memory_space<vmem_shared>> -> memref<102400x8xf32, #tpu.memory_space<vmem_shared>>
      tpu.enqueue_indirect_dma source(%arg7 : memref<128x8xf32, #tpu.memory_space<vmem>>) target(%dma_start3A_399 : memref<102400x8xf32, #tpu.memory_space<vmem_shared>>) offsets(%dma_start3A_396 : memref<128xi32, #tpu.memory_space<vmem>>) semaphore(%arg10 : memref<!tpu.dma_semaphore, #tpu.memory_space<semaphore_mem>>) {add = true}
      %dma_start3A_400 = arith.constant 1 : i32
      %dma_start3A_401 = arith.constant 0 : i32
      %dma_start3A_402 = arith.constant 0 : i32
      %dma_start3A_403 = tpu.memref_slice %arg6[%rem3A_367, %dma_start3A_401, %dma_start3A_402] : memref<2x8x128xi32, #tpu.memory_space<vmem>> -> memref<1x8x128xi32, #tpu.memory_space<vmem>>
      %dma_start3A_404 = tpu.memref_squeeze %dma_start3A_403 : memref<1x8x128xi32, #tpu.memory_space<vmem>> -> memref<8x128xi32, #tpu.memory_space<vmem>>
      %dma_start3A_405 = arith.constant 0 : i32
      %dma_start3A_406 = tpu.memref_slice %dma_start3A_404[%dma_start3A_400, %dma_start3A_405] : memref<8x128xi32, #tpu.memory_space<vmem>> -> memref<1x128xi32, #tpu.memory_space<vmem>>
      %dma_start3A_407 = tpu.memref_squeeze %dma_start3A_406 : memref<1x128xi32, #tpu.memory_space<vmem>> -> memref<128xi32, #tpu.memory_space<vmem>>
      %dma_start3A_408 = arith.constant 0 : i32
      %dma_start3A_409 = arith.constant 0 : i32
      %dma_start3A_410 = tpu.memref_slice %arg8[%dma_start3A_408, %dma_start3A_409] : memref<102400x8xf32, #tpu.memory_space<vmem_shared>> -> memref<102400x8xf32, #tpu.memory_space<vmem_shared>>
      tpu.enqueue_indirect_dma source(%arg7 : memref<128x8xf32, #tpu.memory_space<vmem>>) target(%dma_start3A_410 : memref<102400x8xf32, #tpu.memory_space<vmem_shared>>) offsets(%dma_start3A_407 : memref<128xi32, #tpu.memory_space<vmem>>) semaphore(%arg10 : memref<!tpu.dma_semaphore, #tpu.memory_space<semaphore_mem>>) {add = true}
      %dma_start3A_411 = arith.constant 2 : i32
      %dma_start3A_412 = arith.constant 0 : i32
      %dma_start3A_413 = arith.constant 0 : i32
      %dma_start3A_414 = tpu.memref_slice %arg6[%rem3A_367, %dma_start3A_412, %dma_start3A_413] : memref<2x8x128xi32, #tpu.memory_space<vmem>> -> memref<1x8x128xi32, #tpu.memory_space<vmem>>
      %dma_start3A_415 = tpu.memref_squeeze %dma_start3A_414 : memref<1x8x128xi32, #tpu.memory_space<vmem>> -> memref<8x128xi32, #tpu.memory_space<vmem>>
      %dma_start3A_416 = arith.constant 0 : i32
      %dma_start3A_417 = tpu.memref_slice %dma_start3A_415[%dma_start3A_411, %dma_start3A_416] : memref<8x128xi32, #tpu.memory_space<vmem>> -> memref<1x128xi32, #tpu.memory_space<vmem>>
      %dma_start3A_418 = tpu.memref_squeeze %dma_start3A_417 : memref<1x128xi32, #tpu.memory_space<vmem>> -> memref<128xi32, #tpu.memory_space<vmem>>
      %dma_start3A_419 = arith.constant 0 : i32
      %dma_start3A_420 = arith.constant 0 : i32
      %dma_start3A_421 = tpu.memref_slice %arg8[%dma_start3A_419, %dma_start3A_420] : memref<102400x8xf32, #tpu.memory_space<vmem_shared>> -> memref<102400x8xf32, #tpu.memory_space<vmem_shared>>
      tpu.enqueue_indirect_dma source(%arg7 : memref<128x8xf32, #tpu.memory_space<vmem>>) target(%dma_start3A_421 : memref<102400x8xf32, #tpu.memory_space<vmem_shared>>) offsets(%dma_start3A_418 : memref<128xi32, #tpu.memory_space<vmem>>) semaphore(%arg10 : memref<!tpu.dma_semaphore, #tpu.memory_space<semaphore_mem>>) {add = true}
      %dma_start3A_422 = arith.constant 3 : i32
      %dma_start3A_423 = arith.constant 0 : i32
      %dma_start3A_424 = arith.constant 0 : i32
      %dma_start3A_425 = tpu.memref_slice %arg6[%rem3A_367, %dma_start3A_423, %dma_start3A_424] : memref<2x8x128xi32, #tpu.memory_space<vmem>> -> memref<1x8x128xi32, #tpu.memory_space<vmem>>
      %dma_start3A_426 = tpu.memref_squeeze %dma_start3A_425 : memref<1x8x128xi32, #tpu.memory_space<vmem>> -> memref<8x128xi32, #tpu.memory_space<vmem>>
      %dma_start3A_427 = arith.constant 0 : i32
      %dma_start3A_428 = tpu.memref_slice %dma_start3A_426[%dma_start3A_422, %dma_start3A_427] : memref<8x128xi32, #tpu.memory_space<vmem>> -> memref<1x128xi32, #tpu.memory_space<vmem>>
      %dma_start3A_429 = tpu.memref_squeeze %dma_start3A_428 : memref<1x128xi32, #tpu.memory_space<vmem>> -> memref<128xi32, #tpu.memory_space<vmem>>
      %dma_start3A_430 = arith.constant 0 : i32
      %dma_start3A_431 = arith.constant 0 : i32
      %dma_start3A_432 = tpu.memref_slice %arg8[%dma_start3A_430, %dma_start3A_431] : memref<102400x8xf32, #tpu.memory_space<vmem_shared>> -> memref<102400x8xf32, #tpu.memory_space<vmem_shared>>
      tpu.enqueue_indirect_dma source(%arg7 : memref<128x8xf32, #tpu.memory_space<vmem>>) target(%dma_start3A_432 : memref<102400x8xf32, #tpu.memory_space<vmem_shared>>) offsets(%dma_start3A_429 : memref<128xi32, #tpu.memory_space<vmem>>) semaphore(%arg10 : memref<!tpu.dma_semaphore, #tpu.memory_space<semaphore_mem>>) {add = true}
      %dma_start3A_433 = arith.constant 4 : i32
      %dma_start3A_434 = arith.constant 0 : i32
      %dma_start3A_435 = arith.constant 0 : i32
      %dma_start3A_436 = tpu.memref_slice %arg6[%rem3A_367, %dma_start3A_434, %dma_start3A_435] : memref<2x8x128xi32, #tpu.memory_space<vmem>> -> memref<1x8x128xi32, #tpu.memory_space<vmem>>
      %dma_start3A_437 = tpu.memref_squeeze %dma_start3A_436 : memref<1x8x128xi32, #tpu.memory_space<vmem>> -> memref<8x128xi32, #tpu.memory_space<vmem>>
      %dma_start3A_438 = arith.constant 0 : i32
      %dma_start3A_439 = tpu.memref_slice %dma_start3A_437[%dma_start3A_433, %dma_start3A_438] : memref<8x128xi32, #tpu.memory_space<vmem>> -> memref<1x128xi32, #tpu.memory_space<vmem>>
      %dma_start3A_440 = tpu.memref_squeeze %dma_start3A_439 : memref<1x128xi32, #tpu.memory_space<vmem>> -> memref<128xi32, #tpu.memory_space<vmem>>
      %dma_start3A_441 = arith.constant 0 : i32
      %dma_start3A_442 = arith.constant 0 : i32
      %dma_start3A_443 = tpu.memref_slice %arg8[%dma_start3A_441, %dma_start3A_442] : memref<102400x8xf32, #tpu.memory_space<vmem_shared>> -> memref<102400x8xf32, #tpu.memory_space<vmem_shared>>
      tpu.enqueue_indirect_dma source(%arg7 : memref<128x8xf32, #tpu.memory_space<vmem>>) target(%dma_start3A_443 : memref<102400x8xf32, #tpu.memory_space<vmem_shared>>) offsets(%dma_start3A_440 : memref<128xi32, #tpu.memory_space<vmem>>) semaphore(%arg10 : memref<!tpu.dma_semaphore, #tpu.memory_space<semaphore_mem>>) {add = true}
      %dma_start3A_444 = arith.constant 5 : i32
      %dma_start3A_445 = arith.constant 0 : i32
      %dma_start3A_446 = arith.constant 0 : i32
      %dma_start3A_447 = tpu.memref_slice %arg6[%rem3A_367, %dma_start3A_445, %dma_start3A_446] : memref<2x8x128xi32, #tpu.memory_space<vmem>> -> memref<1x8x128xi32, #tpu.memory_space<vmem>>
      %dma_start3A_448 = tpu.memref_squeeze %dma_start3A_447 : memref<1x8x128xi32, #tpu.memory_space<vmem>> -> memref<8x128xi32, #tpu.memory_space<vmem>>
      %dma_start3A_449 = arith.constant 0 : i32
      %dma_start3A_450 = tpu.memref_slice %dma_start3A_448[%dma_start3A_444, %dma_start3A_449] : memref<8x128xi32, #tpu.memory_space<vmem>> -> memref<1x128xi32, #tpu.memory_space<vmem>>
      %dma_start3A_451 = tpu.memref_squeeze %dma_start3A_450 : memref<1x128xi32, #tpu.memory_space<vmem>> -> memref<128xi32, #tpu.memory_space<vmem>>
      %dma_start3A_452 = arith.constant 0 : i32
      %dma_start3A_453 = arith.constant 0 : i32
      %dma_start3A_454 = tpu.memref_slice %arg8[%dma_start3A_452, %dma_start3A_453] : memref<102400x8xf32, #tpu.memory_space<vmem_shared>> -> memref<102400x8xf32, #tpu.memory_space<vmem_shared>>
      tpu.enqueue_indirect_dma source(%arg7 : memref<128x8xf32, #tpu.memory_space<vmem>>) target(%dma_start3A_454 : memref<102400x8xf32, #tpu.memory_space<vmem_shared>>) offsets(%dma_start3A_451 : memref<128xi32, #tpu.memory_space<vmem>>) semaphore(%arg10 : memref<!tpu.dma_semaphore, #tpu.memory_space<semaphore_mem>>) {add = true}
      %dma_start3A_455 = arith.constant 6 : i32
      %dma_start3A_456 = arith.constant 0 : i32
      %dma_start3A_457 = arith.constant 0 : i32
      %dma_start3A_458 = tpu.memref_slice %arg6[%rem3A_367, %dma_start3A_456, %dma_start3A_457] : memref<2x8x128xi32, #tpu.memory_space<vmem>> -> memref<1x8x128xi32, #tpu.memory_space<vmem>>
      %dma_start3A_459 = tpu.memref_squeeze %dma_start3A_458 : memref<1x8x128xi32, #tpu.memory_space<vmem>> -> memref<8x128xi32, #tpu.memory_space<vmem>>
      %dma_start3A_460 = arith.constant 0 : i32
      %dma_start3A_461 = tpu.memref_slice %dma_start3A_459[%dma_start3A_455, %dma_start3A_460] : memref<8x128xi32, #tpu.memory_space<vmem>> -> memref<1x128xi32, #tpu.memory_space<vmem>>
      %dma_start3A_462 = tpu.memref_squeeze %dma_start3A_461 : memref<1x128xi32, #tpu.memory_space<vmem>> -> memref<128xi32, #tpu.memory_space<vmem>>
      %dma_start3A_463 = arith.constant 0 : i32
      %dma_start3A_464 = arith.constant 0 : i32
      %dma_start3A_465 = tpu.memref_slice %arg8[%dma_start3A_463, %dma_start3A_464] : memref<102400x8xf32, #tpu.memory_space<vmem_shared>> -> memref<102400x8xf32, #tpu.memory_space<vmem_shared>>
      tpu.enqueue_indirect_dma source(%arg7 : memref<128x8xf32, #tpu.memory_space<vmem>>) target(%dma_start3A_465 : memref<102400x8xf32, #tpu.memory_space<vmem_shared>>) offsets(%dma_start3A_462 : memref<128xi32, #tpu.memory_space<vmem>>) semaphore(%arg10 : memref<!tpu.dma_semaphore, #tpu.memory_space<semaphore_mem>>) {add = true}
      %dma_start3A_466 = arith.constant 7 : i32
      %dma_start3A_467 = arith.constant 0 : i32
      %dma_start3A_468 = arith.constant 0 : i32
      %dma_start3A_469 = tpu.memref_slice %arg6[%rem3A_367, %dma_start3A_467, %dma_start3A_468] : memref<2x8x128xi32, #tpu.memory_space<vmem>> -> memref<1x8x128xi32, #tpu.memory_space<vmem>>
      %dma_start3A_470 = tpu.memref_squeeze %dma_start3A_469 : memref<1x8x128xi32, #tpu.memory_space<vmem>> -> memref<8x128xi32, #tpu.memory_space<vmem>>
      %dma_start3A_471 = arith.constant 0 : i32
      %dma_start3A_472 = tpu.memref_slice %dma_start3A_470[%dma_start3A_466, %dma_start3A_471] : memref<8x128xi32, #tpu.memory_space<vmem>> -> memref<1x128xi32, #tpu.memory_space<vmem>>
      %dma_start3A_473 = tpu.memref_squeeze %dma_start3A_472 : memref<1x128xi32, #tpu.memory_space<vmem>> -> memref<128xi32, #tpu.memory_space<vmem>>
      %dma_start3A_474 = arith.constant 0 : i32
      %dma_start3A_475 = arith.constant 0 : i32
      %dma_start3A_476 = tpu.memref_slice %arg8[%dma_start3A_474, %dma_start3A_475] : memref<102400x8xf32, #tpu.memory_space<vmem_shared>> -> memref<102400x8xf32, #tpu.memory_space<vmem_shared>>
      tpu.enqueue_indirect_dma source(%arg7 : memref<128x8xf32, #tpu.memory_space<vmem>>) target(%dma_start3A_476 : memref<102400x8xf32, #tpu.memory_space<vmem_shared>>) offsets(%dma_start3A_473 : memref<128xi32, #tpu.memory_space<vmem>>) semaphore(%arg10 : memref<!tpu.dma_semaphore, #tpu.memory_space<semaphore_mem>>) {add = true}
      %dma_wait3A_477 = arith.constant 0 : i32
      %dma_wait3A_478 = arith.constant 0 : i32
      %dma_wait3A_479 = arith.constant 0 : i32
      %dma_wait3A_480 = tpu.memref_slice %arg6[%rem3A_367, %dma_wait3A_478, %dma_wait3A_479] : memref<2x8x128xi32, #tpu.memory_space<vmem>> -> memref<1x8x128xi32, #tpu.memory_space<vmem>>
      %dma_wait3A_481 = tpu.memref_squeeze %dma_wait3A_480 : memref<1x8x128xi32, #tpu.memory_space<vmem>> -> memref<8x128xi32, #tpu.memory_space<vmem>>
      %dma_wait3A_482 = arith.constant 0 : i32
      %dma_wait3A_483 = tpu.memref_slice %dma_wait3A_481[%dma_wait3A_477, %dma_wait3A_482] : memref<8x128xi32, #tpu.memory_space<vmem>> -> memref<1x128xi32, #tpu.memory_space<vmem>>
      %dma_wait3A_484 = tpu.memref_squeeze %dma_wait3A_483 : memref<1x128xi32, #tpu.memory_space<vmem>> -> memref<128xi32, #tpu.memory_space<vmem>>
      %dma_wait3A_485 = arith.constant 0 : i32
      %dma_wait3A_486 = arith.constant 0 : i32
      %dma_wait3A_487 = tpu.memref_slice %arg8[%dma_wait3A_485, %dma_wait3A_486] : memref<102400x8xf32, #tpu.memory_space<vmem_shared>> -> memref<102400x8xf32, #tpu.memory_space<vmem_shared>>
      tpu.wait_indirect_dma semaphore(%arg10 : memref<!tpu.dma_semaphore, #tpu.memory_space<semaphore_mem>>) src(%arg7 : memref<128x8xf32, #tpu.memory_space<vmem>>) dst(%dma_wait3A_487 : memref<102400x8xf32, #tpu.memory_space<vmem_shared>>)
      %dma_wait3A_488 = arith.constant 1 : i32
      %dma_wait3A_489 = arith.constant 0 : i32
      %dma_wait3A_490 = arith.constant 0 : i32
      %dma_wait3A_491 = tpu.memref_slice %arg6[%rem3A_367, %dma_wait3A_489, %dma_wait3A_490] : memref<2x8x128xi32, #tpu.memory_space<vmem>> -> memref<1x8x128xi32, #tpu.memory_space<vmem>>
      %dma_wait3A_492 = tpu.memref_squeeze %dma_wait3A_491 : memref<1x8x128xi32, #tpu.memory_space<vmem>> -> memref<8x128xi32, #tpu.memory_space<vmem>>
      %dma_wait3A_493 = arith.constant 0 : i32
      %dma_wait3A_494 = tpu.memref_slice %dma_wait3A_492[%dma_wait3A_488, %dma_wait3A_493] : memref<8x128xi32, #tpu.memory_space<vmem>> -> memref<1x128xi32, #tpu.memory_space<vmem>>
      %dma_wait3A_495 = tpu.memref_squeeze %dma_wait3A_494 : memref<1x128xi32, #tpu.memory_space<vmem>> -> memref<128xi32, #tpu.memory_space<vmem>>
      %dma_wait3A_496 = arith.constant 0 : i32
      %dma_wait3A_497 = arith.constant 0 : i32
      %dma_wait3A_498 = tpu.memref_slice %arg8[%dma_wait3A_496, %dma_wait3A_497] : memref<102400x8xf32, #tpu.memory_space<vmem_shared>> -> memref<102400x8xf32, #tpu.memory_space<vmem_shared>>
      tpu.wait_indirect_dma semaphore(%arg10 : memref<!tpu.dma_semaphore, #tpu.memory_space<semaphore_mem>>) src(%arg7 : memref<128x8xf32, #tpu.memory_space<vmem>>) dst(%dma_wait3A_498 : memref<102400x8xf32, #tpu.memory_space<vmem_shared>>)
      %dma_wait3A_499 = arith.constant 2 : i32
      %dma_wait3A_500 = arith.constant 0 : i32
      %dma_wait3A_501 = arith.constant 0 : i32
      %dma_wait3A_502 = tpu.memref_slice %arg6[%rem3A_367, %dma_wait3A_500, %dma_wait3A_501] : memref<2x8x128xi32, #tpu.memory_space<vmem>> -> memref<1x8x128xi32, #tpu.memory_space<vmem>>
      %dma_wait3A_503 = tpu.memref_squeeze %dma_wait3A_502 : memref<1x8x128xi32, #tpu.memory_space<vmem>> -> memref<8x128xi32, #tpu.memory_space<vmem>>
      %dma_wait3A_504 = arith.constant 0 : i32
      %dma_wait3A_505 = tpu.memref_slice %dma_wait3A_503[%dma_wait3A_499, %dma_wait3A_504] : memref<8x128xi32, #tpu.memory_space<vmem>> -> memref<1x128xi32, #tpu.memory_space<vmem>>
      %dma_wait3A_506 = tpu.memref_squeeze %dma_wait3A_505 : memref<1x128xi32, #tpu.memory_space<vmem>> -> memref<128xi32, #tpu.memory_space<vmem>>
      %dma_wait3A_507 = arith.constant 0 : i32
      %dma_wait3A_508 = arith.constant 0 : i32
      %dma_wait3A_509 = tpu.memref_slice %arg8[%dma_wait3A_507, %dma_wait3A_508] : memref<102400x8xf32, #tpu.memory_space<vmem_shared>> -> memref<102400x8xf32, #tpu.memory_space<vmem_shared>>
      tpu.wait_indirect_dma semaphore(%arg10 : memref<!tpu.dma_semaphore, #tpu.memory_space<semaphore_mem>>) src(%arg7 : memref<128x8xf32, #tpu.memory_space<vmem>>) dst(%dma_wait3A_509 : memref<102400x8xf32, #tpu.memory_space<vmem_shared>>)
      %dma_wait3A_510 = arith.constant 3 : i32
      %dma_wait3A_511 = arith.constant 0 : i32
      %dma_wait3A_512 = arith.constant 0 : i32
      %dma_wait3A_513 = tpu.memref_slice %arg6[%rem3A_367, %dma_wait3A_511, %dma_wait3A_512] : memref<2x8x128xi32, #tpu.memory_space<vmem>> -> memref<1x8x128xi32, #tpu.memory_space<vmem>>
      %dma_wait3A_514 = tpu.memref_squeeze %dma_wait3A_513 : memref<1x8x128xi32, #tpu.memory_space<vmem>> -> memref<8x128xi32, #tpu.memory_space<vmem>>
      %dma_wait3A_515 = arith.constant 0 : i32
      %dma_wait3A_516 = tpu.memref_slice %dma_wait3A_514[%dma_wait3A_510, %dma_wait3A_515] : memref<8x128xi32, #tpu.memory_space<vmem>> -> memref<1x128xi32, #tpu.memory_space<vmem>>
      %dma_wait3A_517 = tpu.memref_squeeze %dma_wait3A_516 : memref<1x128xi32, #tpu.memory_space<vmem>> -> memref<128xi32, #tpu.memory_space<vmem>>
      %dma_wait3A_518 = arith.constant 0 : i32
      %dma_wait3A_519 = arith.constant 0 : i32
      %dma_wait3A_520 = tpu.memref_slice %arg8[%dma_wait3A_518, %dma_wait3A_519] : memref<102400x8xf32, #tpu.memory_space<vmem_shared>> -> memref<102400x8xf32, #tpu.memory_space<vmem_shared>>
      tpu.wait_indirect_dma semaphore(%arg10 : memref<!tpu.dma_semaphore, #tpu.memory_space<semaphore_mem>>) src(%arg7 : memref<128x8xf32, #tpu.memory_space<vmem>>) dst(%dma_wait3A_520 : memref<102400x8xf32, #tpu.memory_space<vmem_shared>>)
      %dma_wait3A_521 = arith.constant 4 : i32
      %dma_wait3A_522 = arith.constant 0 : i32
      %dma_wait3A_523 = arith.constant 0 : i32
      %dma_wait3A_524 = tpu.memref_slice %arg6[%rem3A_367, %dma_wait3A_522, %dma_wait3A_523] : memref<2x8x128xi32, #tpu.memory_space<vmem>> -> memref<1x8x128xi32, #tpu.memory_space<vmem>>
      %dma_wait3A_525 = tpu.memref_squeeze %dma_wait3A_524 : memref<1x8x128xi32, #tpu.memory_space<vmem>> -> memref<8x128xi32, #tpu.memory_space<vmem>>
      %dma_wait3A_526 = arith.constant 0 : i32
      %dma_wait3A_527 = tpu.memref_slice %dma_wait3A_525[%dma_wait3A_521, %dma_wait3A_526] : memref<8x128xi32, #tpu.memory_space<vmem>> -> memref<1x128xi32, #tpu.memory_space<vmem>>
      %dma_wait3A_528 = tpu.memref_squeeze %dma_wait3A_527 : memref<1x128xi32, #tpu.memory_space<vmem>> -> memref<128xi32, #tpu.memory_space<vmem>>
      %dma_wait3A_529 = arith.constant 0 : i32
      %dma_wait3A_530 = arith.constant 0 : i32
      %dma_wait3A_531 = tpu.memref_slice %arg8[%dma_wait3A_529, %dma_wait3A_530] : memref<102400x8xf32, #tpu.memory_space<vmem_shared>> -> memref<102400x8xf32, #tpu.memory_space<vmem_shared>>
      tpu.wait_indirect_dma semaphore(%arg10 : memref<!tpu.dma_semaphore, #tpu.memory_space<semaphore_mem>>) src(%arg7 : memref<128x8xf32, #tpu.memory_space<vmem>>) dst(%dma_wait3A_531 : memref<102400x8xf32, #tpu.memory_space<vmem_shared>>)
      %dma_wait3A_532 = arith.constant 5 : i32
      %dma_wait3A_533 = arith.constant 0 : i32
      %dma_wait3A_534 = arith.constant 0 : i32
      %dma_wait3A_535 = tpu.memref_slice %arg6[%rem3A_367, %dma_wait3A_533, %dma_wait3A_534] : memref<2x8x128xi32, #tpu.memory_space<vmem>> -> memref<1x8x128xi32, #tpu.memory_space<vmem>>
      %dma_wait3A_536 = tpu.memref_squeeze %dma_wait3A_535 : memref<1x8x128xi32, #tpu.memory_space<vmem>> -> memref<8x128xi32, #tpu.memory_space<vmem>>
      %dma_wait3A_537 = arith.constant 0 : i32
      %dma_wait3A_538 = tpu.memref_slice %dma_wait3A_536[%dma_wait3A_532, %dma_wait3A_537] : memref<8x128xi32, #tpu.memory_space<vmem>> -> memref<1x128xi32, #tpu.memory_space<vmem>>
      %dma_wait3A_539 = tpu.memref_squeeze %dma_wait3A_538 : memref<1x128xi32, #tpu.memory_space<vmem>> -> memref<128xi32, #tpu.memory_space<vmem>>
      %dma_wait3A_540 = arith.constant 0 : i32
      %dma_wait3A_541 = arith.constant 0 : i32
      %dma_wait3A_542 = tpu.memref_slice %arg8[%dma_wait3A_540, %dma_wait3A_541] : memref<102400x8xf32, #tpu.memory_space<vmem_shared>> -> memref<102400x8xf32, #tpu.memory_space<vmem_shared>>
      tpu.wait_indirect_dma semaphore(%arg10 : memref<!tpu.dma_semaphore, #tpu.memory_space<semaphore_mem>>) src(%arg7 : memref<128x8xf32, #tpu.memory_space<vmem>>) dst(%dma_wait3A_542 : memref<102400x8xf32, #tpu.memory_space<vmem_shared>>)
      %dma_wait3A_543 = arith.constant 6 : i32
      %dma_wait3A_544 = arith.constant 0 : i32
      %dma_wait3A_545 = arith.constant 0 : i32
      %dma_wait3A_546 = tpu.memref_slice %arg6[%rem3A_367, %dma_wait3A_544, %dma_wait3A_545] : memref<2x8x128xi32, #tpu.memory_space<vmem>> -> memref<1x8x128xi32, #tpu.memory_space<vmem>>
      %dma_wait3A_547 = tpu.memref_squeeze %dma_wait3A_546 : memref<1x8x128xi32, #tpu.memory_space<vmem>> -> memref<8x128xi32, #tpu.memory_space<vmem>>
      %dma_wait3A_548 = arith.constant 0 : i32
      %dma_wait3A_549 = tpu.memref_slice %dma_wait3A_547[%dma_wait3A_543, %dma_wait3A_548] : memref<8x128xi32, #tpu.memory_space<vmem>> -> memref<1x128xi32, #tpu.memory_space<vmem>>
      %dma_wait3A_550 = tpu.memref_squeeze %dma_wait3A_549 : memref<1x128xi32, #tpu.memory_space<vmem>> -> memref<128xi32, #tpu.memory_space<vmem>>
      %dma_wait3A_551 = arith.constant 0 : i32
      %dma_wait3A_552 = arith.constant 0 : i32
      %dma_wait3A_553 = tpu.memref_slice %arg8[%dma_wait3A_551, %dma_wait3A_552] : memref<102400x8xf32, #tpu.memory_space<vmem_shared>> -> memref<102400x8xf32, #tpu.memory_space<vmem_shared>>
      tpu.wait_indirect_dma semaphore(%arg10 : memref<!tpu.dma_semaphore, #tpu.memory_space<semaphore_mem>>) src(%arg7 : memref<128x8xf32, #tpu.memory_space<vmem>>) dst(%dma_wait3A_553 : memref<102400x8xf32, #tpu.memory_space<vmem_shared>>)
      %dma_wait3A_554 = arith.constant 7 : i32
      %dma_wait3A_555 = arith.constant 0 : i32
      %dma_wait3A_556 = arith.constant 0 : i32
      %dma_wait3A_557 = tpu.memref_slice %arg6[%rem3A_367, %dma_wait3A_555, %dma_wait3A_556] : memref<2x8x128xi32, #tpu.memory_space<vmem>> -> memref<1x8x128xi32, #tpu.memory_space<vmem>>
      %dma_wait3A_558 = tpu.memref_squeeze %dma_wait3A_557 : memref<1x8x128xi32, #tpu.memory_space<vmem>> -> memref<8x128xi32, #tpu.memory_space<vmem>>
      %dma_wait3A_559 = arith.constant 0 : i32
      %dma_wait3A_560 = tpu.memref_slice %dma_wait3A_558[%dma_wait3A_554, %dma_wait3A_559] : memref<8x128xi32, #tpu.memory_space<vmem>> -> memref<1x128xi32, #tpu.memory_space<vmem>>
      %dma_wait3A_561 = tpu.memref_squeeze %dma_wait3A_560 : memref<1x128xi32, #tpu.memory_space<vmem>> -> memref<128xi32, #tpu.memory_space<vmem>>
      %dma_wait3A_562 = arith.constant 0 : i32
      %dma_wait3A_563 = arith.constant 0 : i32
      %dma_wait3A_564 = tpu.memref_slice %arg8[%dma_wait3A_562, %dma_wait3A_563] : memref<102400x8xf32, #tpu.memory_space<vmem_shared>> -> memref<102400x8xf32, #tpu.memory_space<vmem_shared>>
      tpu.wait_indirect_dma semaphore(%arg10 : memref<!tpu.dma_semaphore, #tpu.memory_space<semaphore_mem>>) src(%arg7 : memref<128x8xf32, #tpu.memory_space<vmem>>) dst(%dma_wait3A_564 : memref<102400x8xf32, #tpu.memory_space<vmem_shared>>)
      %dma_wait3A_565 = arith.constant 1 : i32
      %dma_wait3A_566 = arith.constant 0 : i32
      %dma_wait3A_567 = arith.constant 0 : i32
      %dma_wait3A_568 = tpu.memref_slice %arg6[%sub3A_368, %dma_wait3A_566, %dma_wait3A_567] : memref<2x8x128xi32, #tpu.memory_space<vmem>> -> memref<1x8x128xi32, #tpu.memory_space<vmem>>
      %dma_wait3A_569 = tpu.memref_squeeze %dma_wait3A_568 : memref<1x8x128xi32, #tpu.memory_space<vmem>> -> memref<8x128xi32, #tpu.memory_space<vmem>>
      %dma_wait3A_570 = arith.constant 0 : i32
      %dma_wait3A_571 = tpu.memref_slice %arg2[%dma_wait3A_565, %add3A_373, %dma_wait3A_570] : memref<2x25000x128xi32, #tpu.memory_space<hbm>> -> memref<1x8x128xi32, #tpu.memory_space<hbm>>
      %dma_wait3A_572 = tpu.memref_squeeze %dma_wait3A_571 : memref<1x8x128xi32, #tpu.memory_space<hbm>> -> memref<8x128xi32, #tpu.memory_space<hbm>>
      %dma_wait3A_573 = arith.constant 0 : i32
      %dma_wait3A_574 = arith.constant 0 : i32
      %dma_wait3A_575 = tpu.memref_slice %arg6[%sub3A_368, %dma_wait3A_573, %dma_wait3A_574] : memref<2x8x128xi32, #tpu.memory_space<vmem>> -> memref<1x8x128xi32, #tpu.memory_space<vmem>>
      %dma_wait3A_576 = tpu.memref_squeeze %dma_wait3A_575 : memref<1x8x128xi32, #tpu.memory_space<vmem>> -> memref<8x128xi32, #tpu.memory_space<vmem>>
      %dma_wait3A_577 = arith.constant 0 : i32
      %dma_wait3A_578 = tpu.memref_slice %arg2[%dma_wait3A_565, %add3A_373, %dma_wait3A_577] : memref<2x25000x128xi32, #tpu.memory_space<hbm>> -> memref<1x8x128xi32, #tpu.memory_space<hbm>>
      %dma_wait3A_579 = tpu.memref_squeeze %dma_wait3A_578 : memref<1x8x128xi32, #tpu.memory_space<hbm>> -> memref<8x128xi32, #tpu.memory_space<hbm>>
      tpu.wait_dma2 semaphore(%arg9 : memref<!tpu.dma_semaphore, #tpu.memory_space<semaphore_mem>>) src(%dma_wait3A_579 : memref<8x128xi32, #tpu.memory_space<hbm>>) dst(%dma_wait3A_576 : memref<8x128xi32, #tpu.memory_space<vmem>>)
    }
    %scan3A_12 = arith.constant 96 : i32
    %add3A_13 = arith.constant 776 : i32
    %add3A_14 = arith.addi %add3A_6, %add3A_13 : i32
    %dma_start3A = arith.constant 1 : i32
    %dma_start3A_15 = arith.constant 1 : i32
    %dma_start3A_16 = arith.constant 0 : i32
    %dma_start3A_17 = arith.constant 0 : i32
    %dma_start3A_18 = tpu.memref_slice %arg6[%dma_start3A_15, %dma_start3A_16, %dma_start3A_17] : memref<2x8x128xi32, #tpu.memory_space<vmem>> -> memref<1x5x128xi32, #tpu.memory_space<vmem>>
    %dma_start3A_19 = tpu.memref_squeeze %dma_start3A_18 : memref<1x5x128xi32, #tpu.memory_space<vmem>> -> memref<5x128xi32, #tpu.memory_space<vmem>>
    %dma_start3A_20 = arith.constant 0 : i32
    %dma_start3A_21 = tpu.memref_slice %arg2[%dma_start3A, %add3A_14, %dma_start3A_20] : memref<2x25000x128xi32, #tpu.memory_space<hbm>> -> memref<1x5x128xi32, #tpu.memory_space<hbm>>
    %dma_start3A_22 = tpu.memref_squeeze %dma_start3A_21 : memref<1x5x128xi32, #tpu.memory_space<hbm>> -> memref<5x128xi32, #tpu.memory_space<hbm>>
    %dma_start3A_23 = arith.constant 0 : i32
    %dma_start3A_24 = arith.constant 0 : i32
    %dma_start3A_25 = tpu.memref_slice %arg6[%dma_start3A_15, %dma_start3A_23, %dma_start3A_24] : memref<2x8x128xi32, #tpu.memory_space<vmem>> -> memref<1x5x128xi32, #tpu.memory_space<vmem>>
    %dma_start3A_26 = tpu.memref_squeeze %dma_start3A_25 : memref<1x5x128xi32, #tpu.memory_space<vmem>> -> memref<5x128xi32, #tpu.memory_space<vmem>>
    %dma_start3A_27 = arith.constant 0 : i32
    %dma_start3A_28 = tpu.memref_slice %arg2[%dma_start3A, %add3A_14, %dma_start3A_27] : memref<2x25000x128xi32, #tpu.memory_space<hbm>> -> memref<1x5x128xi32, #tpu.memory_space<hbm>>
    %dma_start3A_29 = tpu.memref_squeeze %dma_start3A_28 : memref<1x5x128xi32, #tpu.memory_space<hbm>> -> memref<5x128xi32, #tpu.memory_space<hbm>>
    tpu.enqueue_dma source(%dma_start3A_29 : memref<5x128xi32, #tpu.memory_space<hbm>>) target(%dma_start3A_26 : memref<5x128xi32, #tpu.memory_space<vmem>>) target_semaphore(%arg9 : memref<!tpu.dma_semaphore, #tpu.memory_space<semaphore_mem>>)
    %dma_start3A_30 = arith.constant 0 : i32
    %dma_start3A_31 = arith.constant 0 : i32
    %dma_start3A_32 = arith.constant 0 : i32
    %dma_start3A_33 = arith.constant 0 : i32
    %dma_start3A_34 = tpu.memref_slice %arg6[%dma_start3A_30, %dma_start3A_32, %dma_start3A_33] : memref<2x8x128xi32, #tpu.memory_space<vmem>> -> memref<1x8x128xi32, #tpu.memory_space<vmem>>
    %dma_start3A_35 = tpu.memref_squeeze %dma_start3A_34 : memref<1x8x128xi32, #tpu.memory_space<vmem>> -> memref<8x128xi32, #tpu.memory_space<vmem>>
    %dma_start3A_36 = arith.constant 0 : i32
    %dma_start3A_37 = tpu.memref_slice %dma_start3A_35[%dma_start3A_31, %dma_start3A_36] : memref<8x128xi32, #tpu.memory_space<vmem>> -> memref<1x128xi32, #tpu.memory_space<vmem>>
    %dma_start3A_38 = tpu.memref_squeeze %dma_start3A_37 : memref<1x128xi32, #tpu.memory_space<vmem>> -> memref<128xi32, #tpu.memory_space<vmem>>
    %dma_start3A_39 = arith.constant 0 : i32
    %dma_start3A_40 = arith.constant 0 : i32
    %dma_start3A_41 = tpu.memref_slice %arg8[%dma_start3A_39, %dma_start3A_40] : memref<102400x8xf32, #tpu.memory_space<vmem_shared>> -> memref<102400x8xf32, #tpu.memory_space<vmem_shared>>
    tpu.enqueue_indirect_dma source(%arg7 : memref<128x8xf32, #tpu.memory_space<vmem>>) target(%dma_start3A_41 : memref<102400x8xf32, #tpu.memory_space<vmem_shared>>) offsets(%dma_start3A_38 : memref<128xi32, #tpu.memory_space<vmem>>) semaphore(%arg10 : memref<!tpu.dma_semaphore, #tpu.memory_space<semaphore_mem>>) {add = true}
    %dma_start3A_42 = arith.constant 0 : i32
    %dma_start3A_43 = arith.constant 1 : i32
    %dma_start3A_44 = arith.constant 0 : i32
    %dma_start3A_45 = arith.constant 0 : i32
    %dma_start3A_46 = tpu.memref_slice %arg6[%dma_start3A_42, %dma_start3A_44, %dma_start3A_45] : memref<2x8x128xi32, #tpu.memory_space<vmem>> -> memref<1x8x128xi32, #tpu.memory_space<vmem>>
    %dma_start3A_47 = tpu.memref_squeeze %dma_start3A_46 : memref<1x8x128xi32, #tpu.memory_space<vmem>> -> memref<8x128xi32, #tpu.memory_space<vmem>>
    %dma_start3A_48 = arith.constant 0 : i32
    %dma_start3A_49 = tpu.memref_slice %dma_start3A_47[%dma_start3A_43, %dma_start3A_48] : memref<8x128xi32, #tpu.memory_space<vmem>> -> memref<1x128xi32, #tpu.memory_space<vmem>>
    %dma_start3A_50 = tpu.memref_squeeze %dma_start3A_49 : memref<1x128xi32, #tpu.memory_space<vmem>> -> memref<128xi32, #tpu.memory_space<vmem>>
    %dma_start3A_51 = arith.constant 0 : i32
    %dma_start3A_52 = arith.constant 0 : i32
    %dma_start3A_53 = tpu.memref_slice %arg8[%dma_start3A_51, %dma_start3A_52] : memref<102400x8xf32, #tpu.memory_space<vmem_shared>> -> memref<102400x8xf32, #tpu.memory_space<vmem_shared>>
    tpu.enqueue_indirect_dma source(%arg7 : memref<128x8xf32, #tpu.memory_space<vmem>>) target(%dma_start3A_53 : memref<102400x8xf32, #tpu.memory_space<vmem_shared>>) offsets(%dma_start3A_50 : memref<128xi32, #tpu.memory_space<vmem>>) semaphore(%arg10 : memref<!tpu.dma_semaphore, #tpu.memory_space<semaphore_mem>>) {add = true}
    %dma_start3A_54 = arith.constant 0 : i32
    %dma_start3A_55 = arith.constant 2 : i32
    %dma_start3A_56 = arith.constant 0 : i32
    %dma_start3A_57 = arith.constant 0 : i32
    %dma_start3A_58 = tpu.memref_slice %arg6[%dma_start3A_54, %dma_start3A_56, %dma_start3A_57] : memref<2x8x128xi32, #tpu.memory_space<vmem>> -> memref<1x8x128xi32, #tpu.memory_space<vmem>>
    %dma_start3A_59 = tpu.memref_squeeze %dma_start3A_58 : memref<1x8x128xi32, #tpu.memory_space<vmem>> -> memref<8x128xi32, #tpu.memory_space<vmem>>
    %dma_start3A_60 = arith.constant 0 : i32
    %dma_start3A_61 = tpu.memref_slice %dma_start3A_59[%dma_start3A_55, %dma_start3A_60] : memref<8x128xi32, #tpu.memory_space<vmem>> -> memref<1x128xi32, #tpu.memory_space<vmem>>
    %dma_start3A_62 = tpu.memref_squeeze %dma_start3A_61 : memref<1x128xi32, #tpu.memory_space<vmem>> -> memref<128xi32, #tpu.memory_space<vmem>>
    %dma_start3A_63 = arith.constant 0 : i32
    %dma_start3A_64 = arith.constant 0 : i32
    %dma_start3A_65 = tpu.memref_slice %arg8[%dma_start3A_63, %dma_start3A_64] : memref<102400x8xf32, #tpu.memory_space<vmem_shared>> -> memref<102400x8xf32, #tpu.memory_space<vmem_shared>>
    tpu.enqueue_indirect_dma source(%arg7 : memref<128x8xf32, #tpu.memory_space<vmem>>) target(%dma_start3A_65 : memref<102400x8xf32, #tpu.memory_space<vmem_shared>>) offsets(%dma_start3A_62 : memref<128xi32, #tpu.memory_space<vmem>>) semaphore(%arg10 : memref<!tpu.dma_semaphore, #tpu.memory_space<semaphore_mem>>) {add = true}
    %dma_start3A_66 = arith.constant 0 : i32
    %dma_start3A_67 = arith.constant 3 : i32
    %dma_start3A_68 = arith.constant 0 : i32
    %dma_start3A_69 = arith.constant 0 : i32
    %dma_start3A_70 = tpu.memref_slice %arg6[%dma_start3A_66, %dma_start3A_68, %dma_start3A_69] : memref<2x8x128xi32, #tpu.memory_space<vmem>> -> memref<1x8x128xi32, #tpu.memory_space<vmem>>
    %dma_start3A_71 = tpu.memref_squeeze %dma_start3A_70 : memref<1x8x128xi32, #tpu.memory_space<vmem>> -> memref<8x128xi32, #tpu.memory_space<vmem>>
    %dma_start3A_72 = arith.constant 0 : i32
    %dma_start3A_73 = tpu.memref_slice %dma_start3A_71[%dma_start3A_67, %dma_start3A_72] : memref<8x128xi32, #tpu.memory_space<vmem>> -> memref<1x128xi32, #tpu.memory_space<vmem>>
    %dma_start3A_74 = tpu.memref_squeeze %dma_start3A_73 : memref<1x128xi32, #tpu.memory_space<vmem>> -> memref<128xi32, #tpu.memory_space<vmem>>
    %dma_start3A_75 = arith.constant 0 : i32
    %dma_start3A_76 = arith.constant 0 : i32
    %dma_start3A_77 = tpu.memref_slice %arg8[%dma_start3A_75, %dma_start3A_76] : memref<102400x8xf32, #tpu.memory_space<vmem_shared>> -> memref<102400x8xf32, #tpu.memory_space<vmem_shared>>
    tpu.enqueue_indirect_dma source(%arg7 : memref<128x8xf32, #tpu.memory_space<vmem>>) target(%dma_start3A_77 : memref<102400x8xf32, #tpu.memory_space<vmem_shared>>) offsets(%dma_start3A_74 : memref<128xi32, #tpu.memory_space<vmem>>) semaphore(%arg10 : memref<!tpu.dma_semaphore, #tpu.memory_space<semaphore_mem>>) {add = true}
    %dma_start3A_78 = arith.constant 0 : i32
    %dma_start3A_79 = arith.constant 4 : i32
    %dma_start3A_80 = arith.constant 0 : i32
    %dma_start3A_81 = arith.constant 0 : i32
    %dma_start3A_82 = tpu.memref_slice %arg6[%dma_start3A_78, %dma_start3A_80, %dma_start3A_81] : memref<2x8x128xi32, #tpu.memory_space<vmem>> -> memref<1x8x128xi32, #tpu.memory_space<vmem>>
    %dma_start3A_83 = tpu.memref_squeeze %dma_start3A_82 : memref<1x8x128xi32, #tpu.memory_space<vmem>> -> memref<8x128xi32, #tpu.memory_space<vmem>>
    %dma_start3A_84 = arith.constant 0 : i32
    %dma_start3A_85 = tpu.memref_slice %dma_start3A_83[%dma_start3A_79, %dma_start3A_84] : memref<8x128xi32, #tpu.memory_space<vmem>> -> memref<1x128xi32, #tpu.memory_space<vmem>>
    %dma_start3A_86 = tpu.memref_squeeze %dma_start3A_85 : memref<1x128xi32, #tpu.memory_space<vmem>> -> memref<128xi32, #tpu.memory_space<vmem>>
    %dma_start3A_87 = arith.constant 0 : i32
    %dma_start3A_88 = arith.constant 0 : i32
    %dma_start3A_89 = tpu.memref_slice %arg8[%dma_start3A_87, %dma_start3A_88] : memref<102400x8xf32, #tpu.memory_space<vmem_shared>> -> memref<102400x8xf32, #tpu.memory_space<vmem_shared>>
    tpu.enqueue_indirect_dma source(%arg7 : memref<128x8xf32, #tpu.memory_space<vmem>>) target(%dma_start3A_89 : memref<102400x8xf32, #tpu.memory_space<vmem_shared>>) offsets(%dma_start3A_86 : memref<128xi32, #tpu.memory_space<vmem>>) semaphore(%arg10 : memref<!tpu.dma_semaphore, #tpu.memory_space<semaphore_mem>>) {add = true}
    %dma_start3A_90 = arith.constant 0 : i32
    %dma_start3A_91 = arith.constant 5 : i32
    %dma_start3A_92 = arith.constant 0 : i32
    %dma_start3A_93 = arith.constant 0 : i32
    %dma_start3A_94 = tpu.memref_slice %arg6[%dma_start3A_90, %dma_start3A_92, %dma_start3A_93] : memref<2x8x128xi32, #tpu.memory_space<vmem>> -> memref<1x8x128xi32, #tpu.memory_space<vmem>>
    %dma_start3A_95 = tpu.memref_squeeze %dma_start3A_94 : memref<1x8x128xi32, #tpu.memory_space<vmem>> -> memref<8x128xi32, #tpu.memory_space<vmem>>
    %dma_start3A_96 = arith.constant 0 : i32
    %dma_start3A_97 = tpu.memref_slice %dma_start3A_95[%dma_start3A_91, %dma_start3A_96] : memref<8x128xi32, #tpu.memory_space<vmem>> -> memref<1x128xi32, #tpu.memory_space<vmem>>
    %dma_start3A_98 = tpu.memref_squeeze %dma_start3A_97 : memref<1x128xi32, #tpu.memory_space<vmem>> -> memref<128xi32, #tpu.memory_space<vmem>>
    %dma_start3A_99 = arith.constant 0 : i32
    %dma_start3A_100 = arith.constant 0 : i32
    %dma_start3A_101 = tpu.memref_slice %arg8[%dma_start3A_99, %dma_start3A_100] : memref<102400x8xf32, #tpu.memory_space<vmem_shared>> -> memref<102400x8xf32, #tpu.memory_space<vmem_shared>>
    tpu.enqueue_indirect_dma source(%arg7 : memref<128x8xf32, #tpu.memory_space<vmem>>) target(%dma_start3A_101 : memref<102400x8xf32, #tpu.memory_space<vmem_shared>>) offsets(%dma_start3A_98 : memref<128xi32, #tpu.memory_space<vmem>>) semaphore(%arg10 : memref<!tpu.dma_semaphore, #tpu.memory_space<semaphore_mem>>) {add = true}
    %dma_start3A_102 = arith.constant 0 : i32
    %dma_start3A_103 = arith.constant 6 : i32
    %dma_start3A_104 = arith.constant 0 : i32
    %dma_start3A_105 = arith.constant 0 : i32
    %dma_start3A_106 = tpu.memref_slice %arg6[%dma_start3A_102, %dma_start3A_104, %dma_start3A_105] : memref<2x8x128xi32, #tpu.memory_space<vmem>> -> memref<1x8x128xi32, #tpu.memory_space<vmem>>
    %dma_start3A_107 = tpu.memref_squeeze %dma_start3A_106 : memref<1x8x128xi32, #tpu.memory_space<vmem>> -> memref<8x128xi32, #tpu.memory_space<vmem>>
    %dma_start3A_108 = arith.constant 0 : i32
    %dma_start3A_109 = tpu.memref_slice %dma_start3A_107[%dma_start3A_103, %dma_start3A_108] : memref<8x128xi32, #tpu.memory_space<vmem>> -> memref<1x128xi32, #tpu.memory_space<vmem>>
    %dma_start3A_110 = tpu.memref_squeeze %dma_start3A_109 : memref<1x128xi32, #tpu.memory_space<vmem>> -> memref<128xi32, #tpu.memory_space<vmem>>
    %dma_start3A_111 = arith.constant 0 : i32
    %dma_start3A_112 = arith.constant 0 : i32
    %dma_start3A_113 = tpu.memref_slice %arg8[%dma_start3A_111, %dma_start3A_112] : memref<102400x8xf32, #tpu.memory_space<vmem_shared>> -> memref<102400x8xf32, #tpu.memory_space<vmem_shared>>
    tpu.enqueue_indirect_dma source(%arg7 : memref<128x8xf32, #tpu.memory_space<vmem>>) target(%dma_start3A_113 : memref<102400x8xf32, #tpu.memory_space<vmem_shared>>) offsets(%dma_start3A_110 : memref<128xi32, #tpu.memory_space<vmem>>) semaphore(%arg10 : memref<!tpu.dma_semaphore, #tpu.memory_space<semaphore_mem>>) {add = true}
    %dma_start3A_114 = arith.constant 0 : i32
    %dma_start3A_115 = arith.constant 7 : i32
    %dma_start3A_116 = arith.constant 0 : i32
    %dma_start3A_117 = arith.constant 0 : i32
    %dma_start3A_118 = tpu.memref_slice %arg6[%dma_start3A_114, %dma_start3A_116, %dma_start3A_117] : memref<2x8x128xi32, #tpu.memory_space<vmem>> -> memref<1x8x128xi32, #tpu.memory_space<vmem>>
    %dma_start3A_119 = tpu.memref_squeeze %dma_start3A_118 : memref<1x8x128xi32, #tpu.memory_space<vmem>> -> memref<8x128xi32, #tpu.memory_space<vmem>>
    %dma_start3A_120 = arith.constant 0 : i32
    %dma_start3A_121 = tpu.memref_slice %dma_start3A_119[%dma_start3A_115, %dma_start3A_120] : memref<8x128xi32, #tpu.memory_space<vmem>> -> memref<1x128xi32, #tpu.memory_space<vmem>>
    %dma_start3A_122 = tpu.memref_squeeze %dma_start3A_121 : memref<1x128xi32, #tpu.memory_space<vmem>> -> memref<128xi32, #tpu.memory_space<vmem>>
    %dma_start3A_123 = arith.constant 0 : i32
    %dma_start3A_124 = arith.constant 0 : i32
    %dma_start3A_125 = tpu.memref_slice %arg8[%dma_start3A_123, %dma_start3A_124] : memref<102400x8xf32, #tpu.memory_space<vmem_shared>> -> memref<102400x8xf32, #tpu.memory_space<vmem_shared>>
    tpu.enqueue_indirect_dma source(%arg7 : memref<128x8xf32, #tpu.memory_space<vmem>>) target(%dma_start3A_125 : memref<102400x8xf32, #tpu.memory_space<vmem_shared>>) offsets(%dma_start3A_122 : memref<128xi32, #tpu.memory_space<vmem>>) semaphore(%arg10 : memref<!tpu.dma_semaphore, #tpu.memory_space<semaphore_mem>>) {add = true}
    %dma_wait3A = arith.constant 0 : i32
    %dma_wait3A_126 = arith.constant 0 : i32
    %dma_wait3A_127 = arith.constant 0 : i32
    %dma_wait3A_128 = arith.constant 0 : i32
    %dma_wait3A_129 = tpu.memref_slice %arg6[%dma_wait3A, %dma_wait3A_127, %dma_wait3A_128] : memref<2x8x128xi32, #tpu.memory_space<vmem>> -> memref<1x8x128xi32, #tpu.memory_space<vmem>>
    %dma_wait3A_130 = tpu.memref_squeeze %dma_wait3A_129 : memref<1x8x128xi32, #tpu.memory_space<vmem>> -> memref<8x128xi32, #tpu.memory_space<vmem>>
    %dma_wait3A_131 = arith.constant 0 : i32
    %dma_wait3A_132 = tpu.memref_slice %dma_wait3A_130[%dma_wait3A_126, %dma_wait3A_131] : memref<8x128xi32, #tpu.memory_space<vmem>> -> memref<1x128xi32, #tpu.memory_space<vmem>>
    %dma_wait3A_133 = tpu.memref_squeeze %dma_wait3A_132 : memref<1x128xi32, #tpu.memory_space<vmem>> -> memref<128xi32, #tpu.memory_space<vmem>>
    %dma_wait3A_134 = arith.constant 0 : i32
    %dma_wait3A_135 = arith.constant 0 : i32
    %dma_wait3A_136 = tpu.memref_slice %arg8[%dma_wait3A_134, %dma_wait3A_135] : memref<102400x8xf32, #tpu.memory_space<vmem_shared>> -> memref<102400x8xf32, #tpu.memory_space<vmem_shared>>
    tpu.wait_indirect_dma semaphore(%arg10 : memref<!tpu.dma_semaphore, #tpu.memory_space<semaphore_mem>>) src(%arg7 : memref<128x8xf32, #tpu.memory_space<vmem>>) dst(%dma_wait3A_136 : memref<102400x8xf32, #tpu.memory_space<vmem_shared>>)
    %dma_wait3A_137 = arith.constant 0 : i32
    %dma_wait3A_138 = arith.constant 1 : i32
    %dma_wait3A_139 = arith.constant 0 : i32
    %dma_wait3A_140 = arith.constant 0 : i32
    %dma_wait3A_141 = tpu.memref_slice %arg6[%dma_wait3A_137, %dma_wait3A_139, %dma_wait3A_140] : memref<2x8x128xi32, #tpu.memory_space<vmem>> -> memref<1x8x128xi32, #tpu.memory_space<vmem>>
    %dma_wait3A_142 = tpu.memref_squeeze %dma_wait3A_141 : memref<1x8x128xi32, #tpu.memory_space<vmem>> -> memref<8x128xi32, #tpu.memory_space<vmem>>
    %dma_wait3A_143 = arith.constant 0 : i32
    %dma_wait3A_144 = tpu.memref_slice %dma_wait3A_142[%dma_wait3A_138, %dma_wait3A_143] : memref<8x128xi32, #tpu.memory_space<vmem>> -> memref<1x128xi32, #tpu.memory_space<vmem>>
    %dma_wait3A_145 = tpu.memref_squeeze %dma_wait3A_144 : memref<1x128xi32, #tpu.memory_space<vmem>> -> memref<128xi32, #tpu.memory_space<vmem>>
    %dma_wait3A_146 = arith.constant 0 : i32
    %dma_wait3A_147 = arith.constant 0 : i32
    %dma_wait3A_148 = tpu.memref_slice %arg8[%dma_wait3A_146, %dma_wait3A_147] : memref<102400x8xf32, #tpu.memory_space<vmem_shared>> -> memref<102400x8xf32, #tpu.memory_space<vmem_shared>>
    tpu.wait_indirect_dma semaphore(%arg10 : memref<!tpu.dma_semaphore, #tpu.memory_space<semaphore_mem>>) src(%arg7 : memref<128x8xf32, #tpu.memory_space<vmem>>) dst(%dma_wait3A_148 : memref<102400x8xf32, #tpu.memory_space<vmem_shared>>)
    %dma_wait3A_149 = arith.constant 0 : i32
    %dma_wait3A_150 = arith.constant 2 : i32
    %dma_wait3A_151 = arith.constant 0 : i32
    %dma_wait3A_152 = arith.constant 0 : i32
    %dma_wait3A_153 = tpu.memref_slice %arg6[%dma_wait3A_149, %dma_wait3A_151, %dma_wait3A_152] : memref<2x8x128xi32, #tpu.memory_space<vmem>> -> memref<1x8x128xi32, #tpu.memory_space<vmem>>
    %dma_wait3A_154 = tpu.memref_squeeze %dma_wait3A_153 : memref<1x8x128xi32, #tpu.memory_space<vmem>> -> memref<8x128xi32, #tpu.memory_space<vmem>>
    %dma_wait3A_155 = arith.constant 0 : i32
    %dma_wait3A_156 = tpu.memref_slice %dma_wait3A_154[%dma_wait3A_150, %dma_wait3A_155] : memref<8x128xi32, #tpu.memory_space<vmem>> -> memref<1x128xi32, #tpu.memory_space<vmem>>
    %dma_wait3A_157 = tpu.memref_squeeze %dma_wait3A_156 : memref<1x128xi32, #tpu.memory_space<vmem>> -> memref<128xi32, #tpu.memory_space<vmem>>
    %dma_wait3A_158 = arith.constant 0 : i32
    %dma_wait3A_159 = arith.constant 0 : i32
    %dma_wait3A_160 = tpu.memref_slice %arg8[%dma_wait3A_158, %dma_wait3A_159] : memref<102400x8xf32, #tpu.memory_space<vmem_shared>> -> memref<102400x8xf32, #tpu.memory_space<vmem_shared>>
    tpu.wait_indirect_dma semaphore(%arg10 : memref<!tpu.dma_semaphore, #tpu.memory_space<semaphore_mem>>) src(%arg7 : memref<128x8xf32, #tpu.memory_space<vmem>>) dst(%dma_wait3A_160 : memref<102400x8xf32, #tpu.memory_space<vmem_shared>>)
    %dma_wait3A_161 = arith.constant 0 : i32
    %dma_wait3A_162 = arith.constant 3 : i32
    %dma_wait3A_163 = arith.constant 0 : i32
    %dma_wait3A_164 = arith.constant 0 : i32
    %dma_wait3A_165 = tpu.memref_slice %arg6[%dma_wait3A_161, %dma_wait3A_163, %dma_wait3A_164] : memref<2x8x128xi32, #tpu.memory_space<vmem>> -> memref<1x8x128xi32, #tpu.memory_space<vmem>>
    %dma_wait3A_166 = tpu.memref_squeeze %dma_wait3A_165 : memref<1x8x128xi32, #tpu.memory_space<vmem>> -> memref<8x128xi32, #tpu.memory_space<vmem>>
    %dma_wait3A_167 = arith.constant 0 : i32
    %dma_wait3A_168 = tpu.memref_slice %dma_wait3A_166[%dma_wait3A_162, %dma_wait3A_167] : memref<8x128xi32, #tpu.memory_space<vmem>> -> memref<1x128xi32, #tpu.memory_space<vmem>>
    %dma_wait3A_169 = tpu.memref_squeeze %dma_wait3A_168 : memref<1x128xi32, #tpu.memory_space<vmem>> -> memref<128xi32, #tpu.memory_space<vmem>>
    %dma_wait3A_170 = arith.constant 0 : i32
    %dma_wait3A_171 = arith.constant 0 : i32
    %dma_wait3A_172 = tpu.memref_slice %arg8[%dma_wait3A_170, %dma_wait3A_171] : memref<102400x8xf32, #tpu.memory_space<vmem_shared>> -> memref<102400x8xf32, #tpu.memory_space<vmem_shared>>
    tpu.wait_indirect_dma semaphore(%arg10 : memref<!tpu.dma_semaphore, #tpu.memory_space<semaphore_mem>>) src(%arg7 : memref<128x8xf32, #tpu.memory_space<vmem>>) dst(%dma_wait3A_172 : memref<102400x8xf32, #tpu.memory_space<vmem_shared>>)
    %dma_wait3A_173 = arith.constant 0 : i32
    %dma_wait3A_174 = arith.constant 4 : i32
    %dma_wait3A_175 = arith.constant 0 : i32
    %dma_wait3A_176 = arith.constant 0 : i32
    %dma_wait3A_177 = tpu.memref_slice %arg6[%dma_wait3A_173, %dma_wait3A_175, %dma_wait3A_176] : memref<2x8x128xi32, #tpu.memory_space<vmem>> -> memref<1x8x128xi32, #tpu.memory_space<vmem>>
    %dma_wait3A_178 = tpu.memref_squeeze %dma_wait3A_177 : memref<1x8x128xi32, #tpu.memory_space<vmem>> -> memref<8x128xi32, #tpu.memory_space<vmem>>
    %dma_wait3A_179 = arith.constant 0 : i32
    %dma_wait3A_180 = tpu.memref_slice %dma_wait3A_178[%dma_wait3A_174, %dma_wait3A_179] : memref<8x128xi32, #tpu.memory_space<vmem>> -> memref<1x128xi32, #tpu.memory_space<vmem>>
    %dma_wait3A_181 = tpu.memref_squeeze %dma_wait3A_180 : memref<1x128xi32, #tpu.memory_space<vmem>> -> memref<128xi32, #tpu.memory_space<vmem>>
    %dma_wait3A_182 = arith.constant 0 : i32
    %dma_wait3A_183 = arith.constant 0 : i32
    %dma_wait3A_184 = tpu.memref_slice %arg8[%dma_wait3A_182, %dma_wait3A_183] : memref<102400x8xf32, #tpu.memory_space<vmem_shared>> -> memref<102400x8xf32, #tpu.memory_space<vmem_shared>>
    tpu.wait_indirect_dma semaphore(%arg10 : memref<!tpu.dma_semaphore, #tpu.memory_space<semaphore_mem>>) src(%arg7 : memref<128x8xf32, #tpu.memory_space<vmem>>) dst(%dma_wait3A_184 : memref<102400x8xf32, #tpu.memory_space<vmem_shared>>)
    %dma_wait3A_185 = arith.constant 0 : i32
    %dma_wait3A_186 = arith.constant 5 : i32
    %dma_wait3A_187 = arith.constant 0 : i32
    %dma_wait3A_188 = arith.constant 0 : i32
    %dma_wait3A_189 = tpu.memref_slice %arg6[%dma_wait3A_185, %dma_wait3A_187, %dma_wait3A_188] : memref<2x8x128xi32, #tpu.memory_space<vmem>> -> memref<1x8x128xi32, #tpu.memory_space<vmem>>
    %dma_wait3A_190 = tpu.memref_squeeze %dma_wait3A_189 : memref<1x8x128xi32, #tpu.memory_space<vmem>> -> memref<8x128xi32, #tpu.memory_space<vmem>>
    %dma_wait3A_191 = arith.constant 0 : i32
    %dma_wait3A_192 = tpu.memref_slice %dma_wait3A_190[%dma_wait3A_186, %dma_wait3A_191] : memref<8x128xi32, #tpu.memory_space<vmem>> -> memref<1x128xi32, #tpu.memory_space<vmem>>
    %dma_wait3A_193 = tpu.memref_squeeze %dma_wait3A_192 : memref<1x128xi32, #tpu.memory_space<vmem>> -> memref<128xi32, #tpu.memory_space<vmem>>
    %dma_wait3A_194 = arith.constant 0 : i32
    %dma_wait3A_195 = arith.constant 0 : i32
    %dma_wait3A_196 = tpu.memref_slice %arg8[%dma_wait3A_194, %dma_wait3A_195] : memref<102400x8xf32, #tpu.memory_space<vmem_shared>> -> memref<102400x8xf32, #tpu.memory_space<vmem_shared>>
    tpu.wait_indirect_dma semaphore(%arg10 : memref<!tpu.dma_semaphore, #tpu.memory_space<semaphore_mem>>) src(%arg7 : memref<128x8xf32, #tpu.memory_space<vmem>>) dst(%dma_wait3A_196 : memref<102400x8xf32, #tpu.memory_space<vmem_shared>>)
    %dma_wait3A_197 = arith.constant 0 : i32
    %dma_wait3A_198 = arith.constant 6 : i32
    %dma_wait3A_199 = arith.constant 0 : i32
    %dma_wait3A_200 = arith.constant 0 : i32
    %dma_wait3A_201 = tpu.memref_slice %arg6[%dma_wait3A_197, %dma_wait3A_199, %dma_wait3A_200] : memref<2x8x128xi32, #tpu.memory_space<vmem>> -> memref<1x8x128xi32, #tpu.memory_space<vmem>>
    %dma_wait3A_202 = tpu.memref_squeeze %dma_wait3A_201 : memref<1x8x128xi32, #tpu.memory_space<vmem>> -> memref<8x128xi32, #tpu.memory_space<vmem>>
    %dma_wait3A_203 = arith.constant 0 : i32
    %dma_wait3A_204 = tpu.memref_slice %dma_wait3A_202[%dma_wait3A_198, %dma_wait3A_203] : memref<8x128xi32, #tpu.memory_space<vmem>> -> memref<1x128xi32, #tpu.memory_space<vmem>>
    %dma_wait3A_205 = tpu.memref_squeeze %dma_wait3A_204 : memref<1x128xi32, #tpu.memory_space<vmem>> -> memref<128xi32, #tpu.memory_space<vmem>>
    %dma_wait3A_206 = arith.constant 0 : i32
    %dma_wait3A_207 = arith.constant 0 : i32
    %dma_wait3A_208 = tpu.memref_slice %arg8[%dma_wait3A_206, %dma_wait3A_207] : memref<102400x8xf32, #tpu.memory_space<vmem_shared>> -> memref<102400x8xf32, #tpu.memory_space<vmem_shared>>
    tpu.wait_indirect_dma semaphore(%arg10 : memref<!tpu.dma_semaphore, #tpu.memory_space<semaphore_mem>>) src(%arg7 : memref<128x8xf32, #tpu.memory_space<vmem>>) dst(%dma_wait3A_208 : memref<102400x8xf32, #tpu.memory_space<vmem_shared>>)
    %dma_wait3A_209 = arith.constant 0 : i32
    %dma_wait3A_210 = arith.constant 7 : i32
    %dma_wait3A_211 = arith.constant 0 : i32
    %dma_wait3A_212 = arith.constant 0 : i32
    %dma_wait3A_213 = tpu.memref_slice %arg6[%dma_wait3A_209, %dma_wait3A_211, %dma_wait3A_212] : memref<2x8x128xi32, #tpu.memory_space<vmem>> -> memref<1x8x128xi32, #tpu.memory_space<vmem>>
    %dma_wait3A_214 = tpu.memref_squeeze %dma_wait3A_213 : memref<1x8x128xi32, #tpu.memory_space<vmem>> -> memref<8x128xi32, #tpu.memory_space<vmem>>
    %dma_wait3A_215 = arith.constant 0 : i32
    %dma_wait3A_216 = tpu.memref_slice %dma_wait3A_214[%dma_wait3A_210, %dma_wait3A_215] : memref<8x128xi32, #tpu.memory_space<vmem>> -> memref<1x128xi32, #tpu.memory_space<vmem>>
    %dma_wait3A_217 = tpu.memref_squeeze %dma_wait3A_216 : memref<1x128xi32, #tpu.memory_space<vmem>> -> memref<128xi32, #tpu.memory_space<vmem>>
    %dma_wait3A_218 = arith.constant 0 : i32
    %dma_wait3A_219 = arith.constant 0 : i32
    %dma_wait3A_220 = tpu.memref_slice %arg8[%dma_wait3A_218, %dma_wait3A_219] : memref<102400x8xf32, #tpu.memory_space<vmem_shared>> -> memref<102400x8xf32, #tpu.memory_space<vmem_shared>>
    tpu.wait_indirect_dma semaphore(%arg10 : memref<!tpu.dma_semaphore, #tpu.memory_space<semaphore_mem>>) src(%arg7 : memref<128x8xf32, #tpu.memory_space<vmem>>) dst(%dma_wait3A_220 : memref<102400x8xf32, #tpu.memory_space<vmem_shared>>)
    %dma_wait3A_221 = arith.constant 1 : i32
    %dma_wait3A_222 = arith.constant 1 : i32
    %dma_wait3A_223 = arith.constant 0 : i32
    %dma_wait3A_224 = arith.constant 0 : i32
    %dma_wait3A_225 = tpu.memref_slice %arg6[%dma_wait3A_222, %dma_wait3A_223, %dma_wait3A_224] : memref<2x8x128xi32, #tpu.memory_space<vmem>> -> memref<1x5x128xi32, #tpu.memory_space<vmem>>
    %dma_wait3A_226 = tpu.memref_squeeze %dma_wait3A_225 : memref<1x5x128xi32, #tpu.memory_space<vmem>> -> memref<5x128xi32, #tpu.memory_space<vmem>>
    %dma_wait3A_227 = arith.constant 0 : i32
    %dma_wait3A_228 = tpu.memref_slice %arg2[%dma_wait3A_221, %add3A_14, %dma_wait3A_227] : memref<2x25000x128xi32, #tpu.memory_space<hbm>> -> memref<1x5x128xi32, #tpu.memory_space<hbm>>
    %dma_wait3A_229 = tpu.memref_squeeze %dma_wait3A_228 : memref<1x5x128xi32, #tpu.memory_space<hbm>> -> memref<5x128xi32, #tpu.memory_space<hbm>>
    %dma_wait3A_230 = arith.constant 0 : i32
    %dma_wait3A_231 = arith.constant 0 : i32
    %dma_wait3A_232 = tpu.memref_slice %arg6[%dma_wait3A_222, %dma_wait3A_230, %dma_wait3A_231] : memref<2x8x128xi32, #tpu.memory_space<vmem>> -> memref<1x5x128xi32, #tpu.memory_space<vmem>>
    %dma_wait3A_233 = tpu.memref_squeeze %dma_wait3A_232 : memref<1x5x128xi32, #tpu.memory_space<vmem>> -> memref<5x128xi32, #tpu.memory_space<vmem>>
    %dma_wait3A_234 = arith.constant 0 : i32
    %dma_wait3A_235 = tpu.memref_slice %arg2[%dma_wait3A_221, %add3A_14, %dma_wait3A_234] : memref<2x25000x128xi32, #tpu.memory_space<hbm>> -> memref<1x5x128xi32, #tpu.memory_space<hbm>>
    %dma_wait3A_236 = tpu.memref_squeeze %dma_wait3A_235 : memref<1x5x128xi32, #tpu.memory_space<hbm>> -> memref<5x128xi32, #tpu.memory_space<hbm>>
    tpu.wait_dma2 semaphore(%arg9 : memref<!tpu.dma_semaphore, #tpu.memory_space<semaphore_mem>>) src(%dma_wait3A_236 : memref<5x128xi32, #tpu.memory_space<hbm>>) dst(%dma_wait3A_233 : memref<5x128xi32, #tpu.memory_space<vmem>>)
    %dma_start3A_237 = arith.constant 1 : i32
    %dma_start3A_238 = arith.constant 0 : i32
    %dma_start3A_239 = arith.constant 0 : i32
    %dma_start3A_240 = arith.constant 0 : i32
    %dma_start3A_241 = tpu.memref_slice %arg6[%dma_start3A_237, %dma_start3A_239, %dma_start3A_240] : memref<2x8x128xi32, #tpu.memory_space<vmem>> -> memref<1x8x128xi32, #tpu.memory_space<vmem>>
    %dma_start3A_242 = tpu.memref_squeeze %dma_start3A_241 : memref<1x8x128xi32, #tpu.memory_space<vmem>> -> memref<8x128xi32, #tpu.memory_space<vmem>>
    %dma_start3A_243 = arith.constant 0 : i32
    %dma_start3A_244 = tpu.memref_slice %dma_start3A_242[%dma_start3A_238, %dma_start3A_243] : memref<8x128xi32, #tpu.memory_space<vmem>> -> memref<1x128xi32, #tpu.memory_space<vmem>>
    %dma_start3A_245 = tpu.memref_squeeze %dma_start3A_244 : memref<1x128xi32, #tpu.memory_space<vmem>> -> memref<128xi32, #tpu.memory_space<vmem>>
    %dma_start3A_246 = arith.constant 0 : i32
    %dma_start3A_247 = arith.constant 0 : i32
    %dma_start3A_248 = tpu.memref_slice %arg8[%dma_start3A_246, %dma_start3A_247] : memref<102400x8xf32, #tpu.memory_space<vmem_shared>> -> memref<102400x8xf32, #tpu.memory_space<vmem_shared>>
    tpu.enqueue_indirect_dma source(%arg7 : memref<128x8xf32, #tpu.memory_space<vmem>>) target(%dma_start3A_248 : memref<102400x8xf32, #tpu.memory_space<vmem_shared>>) offsets(%dma_start3A_245 : memref<128xi32, #tpu.memory_space<vmem>>) semaphore(%arg10 : memref<!tpu.dma_semaphore, #tpu.memory_space<semaphore_mem>>) {add = true}
    %dma_start3A_249 = arith.constant 1 : i32
    %dma_start3A_250 = arith.constant 1 : i32
    %dma_start3A_251 = arith.constant 0 : i32
    %dma_start3A_252 = arith.constant 0 : i32
    %dma_start3A_253 = tpu.memref_slice %arg6[%dma_start3A_249, %dma_start3A_251, %dma_start3A_252] : memref<2x8x128xi32, #tpu.memory_space<vmem>> -> memref<1x8x128xi32, #tpu.memory_space<vmem>>
    %dma_start3A_254 = tpu.memref_squeeze %dma_start3A_253 : memref<1x8x128xi32, #tpu.memory_space<vmem>> -> memref<8x128xi32, #tpu.memory_space<vmem>>
    %dma_start3A_255 = arith.constant 0 : i32
    %dma_start3A_256 = tpu.memref_slice %dma_start3A_254[%dma_start3A_250, %dma_start3A_255] : memref<8x128xi32, #tpu.memory_space<vmem>> -> memref<1x128xi32, #tpu.memory_space<vmem>>
    %dma_start3A_257 = tpu.memref_squeeze %dma_start3A_256 : memref<1x128xi32, #tpu.memory_space<vmem>> -> memref<128xi32, #tpu.memory_space<vmem>>
    %dma_start3A_258 = arith.constant 0 : i32
    %dma_start3A_259 = arith.constant 0 : i32
    %dma_start3A_260 = tpu.memref_slice %arg8[%dma_start3A_258, %dma_start3A_259] : memref<102400x8xf32, #tpu.memory_space<vmem_shared>> -> memref<102400x8xf32, #tpu.memory_space<vmem_shared>>
    tpu.enqueue_indirect_dma source(%arg7 : memref<128x8xf32, #tpu.memory_space<vmem>>) target(%dma_start3A_260 : memref<102400x8xf32, #tpu.memory_space<vmem_shared>>) offsets(%dma_start3A_257 : memref<128xi32, #tpu.memory_space<vmem>>) semaphore(%arg10 : memref<!tpu.dma_semaphore, #tpu.memory_space<semaphore_mem>>) {add = true}
    %dma_start3A_261 = arith.constant 1 : i32
    %dma_start3A_262 = arith.constant 2 : i32
    %dma_start3A_263 = arith.constant 0 : i32
    %dma_start3A_264 = arith.constant 0 : i32
    %dma_start3A_265 = tpu.memref_slice %arg6[%dma_start3A_261, %dma_start3A_263, %dma_start3A_264] : memref<2x8x128xi32, #tpu.memory_space<vmem>> -> memref<1x8x128xi32, #tpu.memory_space<vmem>>
    %dma_start3A_266 = tpu.memref_squeeze %dma_start3A_265 : memref<1x8x128xi32, #tpu.memory_space<vmem>> -> memref<8x128xi32, #tpu.memory_space<vmem>>
    %dma_start3A_267 = arith.constant 0 : i32
    %dma_start3A_268 = tpu.memref_slice %dma_start3A_266[%dma_start3A_262, %dma_start3A_267] : memref<8x128xi32, #tpu.memory_space<vmem>> -> memref<1x128xi32, #tpu.memory_space<vmem>>
    %dma_start3A_269 = tpu.memref_squeeze %dma_start3A_268 : memref<1x128xi32, #tpu.memory_space<vmem>> -> memref<128xi32, #tpu.memory_space<vmem>>
    %dma_start3A_270 = arith.constant 0 : i32
    %dma_start3A_271 = arith.constant 0 : i32
    %dma_start3A_272 = tpu.memref_slice %arg8[%dma_start3A_270, %dma_start3A_271] : memref<102400x8xf32, #tpu.memory_space<vmem_shared>> -> memref<102400x8xf32, #tpu.memory_space<vmem_shared>>
    tpu.enqueue_indirect_dma source(%arg7 : memref<128x8xf32, #tpu.memory_space<vmem>>) target(%dma_start3A_272 : memref<102400x8xf32, #tpu.memory_space<vmem_shared>>) offsets(%dma_start3A_269 : memref<128xi32, #tpu.memory_space<vmem>>) semaphore(%arg10 : memref<!tpu.dma_semaphore, #tpu.memory_space<semaphore_mem>>) {add = true}
    %dma_start3A_273 = arith.constant 1 : i32
    %dma_start3A_274 = arith.constant 3 : i32
    %dma_start3A_275 = arith.constant 0 : i32
    %dma_start3A_276 = arith.constant 0 : i32
    %dma_start3A_277 = tpu.memref_slice %arg6[%dma_start3A_273, %dma_start3A_275, %dma_start3A_276] : memref<2x8x128xi32, #tpu.memory_space<vmem>> -> memref<1x8x128xi32, #tpu.memory_space<vmem>>
    %dma_start3A_278 = tpu.memref_squeeze %dma_start3A_277 : memref<1x8x128xi32, #tpu.memory_space<vmem>> -> memref<8x128xi32, #tpu.memory_space<vmem>>
    %dma_start3A_279 = arith.constant 0 : i32
    %dma_start3A_280 = tpu.memref_slice %dma_start3A_278[%dma_start3A_274, %dma_start3A_279] : memref<8x128xi32, #tpu.memory_space<vmem>> -> memref<1x128xi32, #tpu.memory_space<vmem>>
    %dma_start3A_281 = tpu.memref_squeeze %dma_start3A_280 : memref<1x128xi32, #tpu.memory_space<vmem>> -> memref<128xi32, #tpu.memory_space<vmem>>
    %dma_start3A_282 = arith.constant 0 : i32
    %dma_start3A_283 = arith.constant 0 : i32
    %dma_start3A_284 = tpu.memref_slice %arg8[%dma_start3A_282, %dma_start3A_283] : memref<102400x8xf32, #tpu.memory_space<vmem_shared>> -> memref<102400x8xf32, #tpu.memory_space<vmem_shared>>
    tpu.enqueue_indirect_dma source(%arg7 : memref<128x8xf32, #tpu.memory_space<vmem>>) target(%dma_start3A_284 : memref<102400x8xf32, #tpu.memory_space<vmem_shared>>) offsets(%dma_start3A_281 : memref<128xi32, #tpu.memory_space<vmem>>) semaphore(%arg10 : memref<!tpu.dma_semaphore, #tpu.memory_space<semaphore_mem>>) {add = true}
    %dma_start3A_285 = arith.constant 1 : i32
    %dma_start3A_286 = arith.constant 4 : i32
    %dma_start3A_287 = arith.constant 0 : i32
    %dma_start3A_288 = arith.constant 0 : i32
    %dma_start3A_289 = tpu.memref_slice %arg6[%dma_start3A_285, %dma_start3A_287, %dma_start3A_288] : memref<2x8x128xi32, #tpu.memory_space<vmem>> -> memref<1x8x128xi32, #tpu.memory_space<vmem>>
    %dma_start3A_290 = tpu.memref_squeeze %dma_start3A_289 : memref<1x8x128xi32, #tpu.memory_space<vmem>> -> memref<8x128xi32, #tpu.memory_space<vmem>>
    %dma_start3A_291 = arith.constant 0 : i32
    %dma_start3A_292 = tpu.memref_slice %dma_start3A_290[%dma_start3A_286, %dma_start3A_291] : memref<8x128xi32, #tpu.memory_space<vmem>> -> memref<1x128xi32, #tpu.memory_space<vmem>>
    %dma_start3A_293 = tpu.memref_squeeze %dma_start3A_292 : memref<1x128xi32, #tpu.memory_space<vmem>> -> memref<128xi32, #tpu.memory_space<vmem>>
    %dma_start3A_294 = arith.constant 0 : i32
    %dma_start3A_295 = arith.constant 0 : i32
    %dma_start3A_296 = tpu.memref_slice %arg8[%dma_start3A_294, %dma_start3A_295] : memref<102400x8xf32, #tpu.memory_space<vmem_shared>> -> memref<102400x8xf32, #tpu.memory_space<vmem_shared>>
    tpu.enqueue_indirect_dma source(%arg7 : memref<128x8xf32, #tpu.memory_space<vmem>>) target(%dma_start3A_296 : memref<102400x8xf32, #tpu.memory_space<vmem_shared>>) offsets(%dma_start3A_293 : memref<128xi32, #tpu.memory_space<vmem>>) semaphore(%arg10 : memref<!tpu.dma_semaphore, #tpu.memory_space<semaphore_mem>>) {add = true}
    %dma_wait3A_297 = arith.constant 1 : i32
    %dma_wait3A_298 = arith.constant 0 : i32
    %dma_wait3A_299 = arith.constant 0 : i32
    %dma_wait3A_300 = arith.constant 0 : i32
    %dma_wait3A_301 = tpu.memref_slice %arg6[%dma_wait3A_297, %dma_wait3A_299, %dma_wait3A_300] : memref<2x8x128xi32, #tpu.memory_space<vmem>> -> memref<1x8x128xi32, #tpu.memory_space<vmem>>
    %dma_wait3A_302 = tpu.memref_squeeze %dma_wait3A_301 : memref<1x8x128xi32, #tpu.memory_space<vmem>> -> memref<8x128xi32, #tpu.memory_space<vmem>>
    %dma_wait3A_303 = arith.constant 0 : i32
    %dma_wait3A_304 = tpu.memref_slice %dma_wait3A_302[%dma_wait3A_298, %dma_wait3A_303] : memref<8x128xi32, #tpu.memory_space<vmem>> -> memref<1x128xi32, #tpu.memory_space<vmem>>
    %dma_wait3A_305 = tpu.memref_squeeze %dma_wait3A_304 : memref<1x128xi32, #tpu.memory_space<vmem>> -> memref<128xi32, #tpu.memory_space<vmem>>
    %dma_wait3A_306 = arith.constant 0 : i32
    %dma_wait3A_307 = arith.constant 0 : i32
    %dma_wait3A_308 = tpu.memref_slice %arg8[%dma_wait3A_306, %dma_wait3A_307] : memref<102400x8xf32, #tpu.memory_space<vmem_shared>> -> memref<102400x8xf32, #tpu.memory_space<vmem_shared>>
    tpu.wait_indirect_dma semaphore(%arg10 : memref<!tpu.dma_semaphore, #tpu.memory_space<semaphore_mem>>) src(%arg7 : memref<128x8xf32, #tpu.memory_space<vmem>>) dst(%dma_wait3A_308 : memref<102400x8xf32, #tpu.memory_space<vmem_shared>>)
    %dma_wait3A_309 = arith.constant 1 : i32
    %dma_wait3A_310 = arith.constant 1 : i32
    %dma_wait3A_311 = arith.constant 0 : i32
    %dma_wait3A_312 = arith.constant 0 : i32
    %dma_wait3A_313 = tpu.memref_slice %arg6[%dma_wait3A_309, %dma_wait3A_311, %dma_wait3A_312] : memref<2x8x128xi32, #tpu.memory_space<vmem>> -> memref<1x8x128xi32, #tpu.memory_space<vmem>>
    %dma_wait3A_314 = tpu.memref_squeeze %dma_wait3A_313 : memref<1x8x128xi32, #tpu.memory_space<vmem>> -> memref<8x128xi32, #tpu.memory_space<vmem>>
    %dma_wait3A_315 = arith.constant 0 : i32
    %dma_wait3A_316 = tpu.memref_slice %dma_wait3A_314[%dma_wait3A_310, %dma_wait3A_315] : memref<8x128xi32, #tpu.memory_space<vmem>> -> memref<1x128xi32, #tpu.memory_space<vmem>>
    %dma_wait3A_317 = tpu.memref_squeeze %dma_wait3A_316 : memref<1x128xi32, #tpu.memory_space<vmem>> -> memref<128xi32, #tpu.memory_space<vmem>>
    %dma_wait3A_318 = arith.constant 0 : i32
    %dma_wait3A_319 = arith.constant 0 : i32
    %dma_wait3A_320 = tpu.memref_slice %arg8[%dma_wait3A_318, %dma_wait3A_319] : memref<102400x8xf32, #tpu.memory_space<vmem_shared>> -> memref<102400x8xf32, #tpu.memory_space<vmem_shared>>
    tpu.wait_indirect_dma semaphore(%arg10 : memref<!tpu.dma_semaphore, #tpu.memory_space<semaphore_mem>>) src(%arg7 : memref<128x8xf32, #tpu.memory_space<vmem>>) dst(%dma_wait3A_320 : memref<102400x8xf32, #tpu.memory_space<vmem_shared>>)
    %dma_wait3A_321 = arith.constant 1 : i32
    %dma_wait3A_322 = arith.constant 2 : i32
    %dma_wait3A_323 = arith.constant 0 : i32
    %dma_wait3A_324 = arith.constant 0 : i32
    %dma_wait3A_325 = tpu.memref_slice %arg6[%dma_wait3A_321, %dma_wait3A_323, %dma_wait3A_324] : memref<2x8x128xi32, #tpu.memory_space<vmem>> -> memref<1x8x128xi32, #tpu.memory_space<vmem>>
    %dma_wait3A_326 = tpu.memref_squeeze %dma_wait3A_325 : memref<1x8x128xi32, #tpu.memory_space<vmem>> -> memref<8x128xi32, #tpu.memory_space<vmem>>
    %dma_wait3A_327 = arith.constant 0 : i32
    %dma_wait3A_328 = tpu.memref_slice %dma_wait3A_326[%dma_wait3A_322, %dma_wait3A_327] : memref<8x128xi32, #tpu.memory_space<vmem>> -> memref<1x128xi32, #tpu.memory_space<vmem>>
    %dma_wait3A_329 = tpu.memref_squeeze %dma_wait3A_328 : memref<1x128xi32, #tpu.memory_space<vmem>> -> memref<128xi32, #tpu.memory_space<vmem>>
    %dma_wait3A_330 = arith.constant 0 : i32
    %dma_wait3A_331 = arith.constant 0 : i32
    %dma_wait3A_332 = tpu.memref_slice %arg8[%dma_wait3A_330, %dma_wait3A_331] : memref<102400x8xf32, #tpu.memory_space<vmem_shared>> -> memref<102400x8xf32, #tpu.memory_space<vmem_shared>>
    tpu.wait_indirect_dma semaphore(%arg10 : memref<!tpu.dma_semaphore, #tpu.memory_space<semaphore_mem>>) src(%arg7 : memref<128x8xf32, #tpu.memory_space<vmem>>) dst(%dma_wait3A_332 : memref<102400x8xf32, #tpu.memory_space<vmem_shared>>)
    %dma_wait3A_333 = arith.constant 1 : i32
    %dma_wait3A_334 = arith.constant 3 : i32
    %dma_wait3A_335 = arith.constant 0 : i32
    %dma_wait3A_336 = arith.constant 0 : i32
    %dma_wait3A_337 = tpu.memref_slice %arg6[%dma_wait3A_333, %dma_wait3A_335, %dma_wait3A_336] : memref<2x8x128xi32, #tpu.memory_space<vmem>> -> memref<1x8x128xi32, #tpu.memory_space<vmem>>
    %dma_wait3A_338 = tpu.memref_squeeze %dma_wait3A_337 : memref<1x8x128xi32, #tpu.memory_space<vmem>> -> memref<8x128xi32, #tpu.memory_space<vmem>>
    %dma_wait3A_339 = arith.constant 0 : i32
    %dma_wait3A_340 = tpu.memref_slice %dma_wait3A_338[%dma_wait3A_334, %dma_wait3A_339] : memref<8x128xi32, #tpu.memory_space<vmem>> -> memref<1x128xi32, #tpu.memory_space<vmem>>
    %dma_wait3A_341 = tpu.memref_squeeze %dma_wait3A_340 : memref<1x128xi32, #tpu.memory_space<vmem>> -> memref<128xi32, #tpu.memory_space<vmem>>
    %dma_wait3A_342 = arith.constant 0 : i32
    %dma_wait3A_343 = arith.constant 0 : i32
    %dma_wait3A_344 = tpu.memref_slice %arg8[%dma_wait3A_342, %dma_wait3A_343] : memref<102400x8xf32, #tpu.memory_space<vmem_shared>> -> memref<102400x8xf32, #tpu.memory_space<vmem_shared>>
    tpu.wait_indirect_dma semaphore(%arg10 : memref<!tpu.dma_semaphore, #tpu.memory_space<semaphore_mem>>) src(%arg7 : memref<128x8xf32, #tpu.memory_space<vmem>>) dst(%dma_wait3A_344 : memref<102400x8xf32, #tpu.memory_space<vmem_shared>>)
    %dma_wait3A_345 = arith.constant 1 : i32
    %dma_wait3A_346 = arith.constant 4 : i32
    %dma_wait3A_347 = arith.constant 0 : i32
    %dma_wait3A_348 = arith.constant 0 : i32
    %dma_wait3A_349 = tpu.memref_slice %arg6[%dma_wait3A_345, %dma_wait3A_347, %dma_wait3A_348] : memref<2x8x128xi32, #tpu.memory_space<vmem>> -> memref<1x8x128xi32, #tpu.memory_space<vmem>>
    %dma_wait3A_350 = tpu.memref_squeeze %dma_wait3A_349 : memref<1x8x128xi32, #tpu.memory_space<vmem>> -> memref<8x128xi32, #tpu.memory_space<vmem>>
    %dma_wait3A_351 = arith.constant 0 : i32
    %dma_wait3A_352 = tpu.memref_slice %dma_wait3A_350[%dma_wait3A_346, %dma_wait3A_351] : memref<8x128xi32, #tpu.memory_space<vmem>> -> memref<1x128xi32, #tpu.memory_space<vmem>>
    %dma_wait3A_353 = tpu.memref_squeeze %dma_wait3A_352 : memref<1x128xi32, #tpu.memory_space<vmem>> -> memref<128xi32, #tpu.memory_space<vmem>>
    %dma_wait3A_354 = arith.constant 0 : i32
    %dma_wait3A_355 = arith.constant 0 : i32
    %dma_wait3A_356 = tpu.memref_slice %arg8[%dma_wait3A_354, %dma_wait3A_355] : memref<102400x8xf32, #tpu.memory_space<vmem_shared>> -> memref<102400x8xf32, #tpu.memory_space<vmem_shared>>
    tpu.wait_indirect_dma semaphore(%arg10 : memref<!tpu.dma_semaphore, #tpu.memory_space<semaphore_mem>>) src(%arg7 : memref<128x8xf32, #tpu.memory_space<vmem>>) dst(%dma_wait3A_356 : memref<102400x8xf32, #tpu.memory_space<vmem_shared>>)
    %lt3A = arith.constant 8 : i32
    %lt3A_357 = arith.cmpi slt, %add3A, %lt3A : i32
    %convert_element_type3A_358 = arith.extui %lt3A_357 : i1 to i32
    %cond3A_359 = arith.constant 0 : i32
    %cond3A_360 = arith.cmpi ne, %convert_element_type3A_358, %cond3A_359 : i32
    scf.if %cond3A_360 {
      %add3A_366 = arith.constant 781 : i32
      %add3A_367 = arith.addi %add3A_6, %add3A_366 : i32
      %run_scoped3A_368 = arith.constant 1 : i32
      %run_scoped3A_369 = arith.constant 0 : i32
      "tpu.region"() ({
        %run_scoped3A_372 = tpu.sem_alloc : memref<!tpu.dma_semaphore, #tpu.memory_space<semaphore_mem>>
        %dma_start3A_373 = arith.constant 0 : i32
        %dma_start3A_374 = arith.constant 0 : i32
        %dma_start3A_375 = tpu.memref_slice %arg6[%run_scoped3A_369, %dma_start3A_373, %dma_start3A_374] : memref<2x8x128xi32, #tpu.memory_space<vmem>> -> memref<1x1x128xi32, #tpu.memory_space<vmem>>
        %dma_start3A_376 = tpu.memref_squeeze %dma_start3A_375 : memref<1x1x128xi32, #tpu.memory_space<vmem>> -> memref<1x128xi32, #tpu.memory_space<vmem>>
        %dma_start3A_377 = arith.constant 0 : i32
        %dma_start3A_378 = tpu.memref_slice %arg2[%run_scoped3A_368, %add3A_367, %dma_start3A_377] : memref<2x25000x128xi32, #tpu.memory_space<hbm>> -> memref<1x1x128xi32, #tpu.memory_space<hbm>>
        %dma_start3A_379 = tpu.memref_squeeze %dma_start3A_378 : memref<1x1x128xi32, #tpu.memory_space<hbm>> -> memref<1x128xi32, #tpu.memory_space<hbm>>
        %dma_start3A_380 = arith.constant 0 : i32
        %dma_start3A_381 = arith.constant 0 : i32
        %dma_start3A_382 = tpu.memref_slice %arg6[%run_scoped3A_369, %dma_start3A_380, %dma_start3A_381] : memref<2x8x128xi32, #tpu.memory_space<vmem>> -> memref<1x1x128xi32, #tpu.memory_space<vmem>>
        %dma_start3A_383 = tpu.memref_squeeze %dma_start3A_382 : memref<1x1x128xi32, #tpu.memory_space<vmem>> -> memref<1x128xi32, #tpu.memory_space<vmem>>
        %dma_start3A_384 = arith.constant 0 : i32
        %dma_start3A_385 = tpu.memref_slice %arg2[%run_scoped3A_368, %add3A_367, %dma_start3A_384] : memref<2x25000x128xi32, #tpu.memory_space<hbm>> -> memref<1x1x128xi32, #tpu.memory_space<hbm>>
        %dma_start3A_386 = tpu.memref_squeeze %dma_start3A_385 : memref<1x1x128xi32, #tpu.memory_space<hbm>> -> memref<1x128xi32, #tpu.memory_space<hbm>>
        tpu.enqueue_dma source(%dma_start3A_386 : memref<1x128xi32, #tpu.memory_space<hbm>>) target(%dma_start3A_383 : memref<1x128xi32, #tpu.memory_space<vmem>>) target_semaphore(%run_scoped3A_372 : memref<!tpu.dma_semaphore, #tpu.memory_space<semaphore_mem>>)
        %dma_wait3A_387 = arith.constant 0 : i32
        %dma_wait3A_388 = arith.constant 0 : i32
        %dma_wait3A_389 = tpu.memref_slice %arg6[%run_scoped3A_369, %dma_wait3A_387, %dma_wait3A_388] : memref<2x8x128xi32, #tpu.memory_space<vmem>> -> memref<1x1x128xi32, #tpu.memory_space<vmem>>
        %dma_wait3A_390 = tpu.memref_squeeze %dma_wait3A_389 : memref<1x1x128xi32, #tpu.memory_space<vmem>> -> memref<1x128xi32, #tpu.memory_space<vmem>>
        %dma_wait3A_391 = arith.constant 0 : i32
        %dma_wait3A_392 = tpu.memref_slice %arg2[%run_scoped3A_368, %add3A_367, %dma_wait3A_391] : memref<2x25000x128xi32, #tpu.memory_space<hbm>> -> memref<1x1x128xi32, #tpu.memory_space<hbm>>
        %dma_wait3A_393 = tpu.memref_squeeze %dma_wait3A_392 : memref<1x1x128xi32, #tpu.memory_space<hbm>> -> memref<1x128xi32, #tpu.memory_space<hbm>>
        %dma_wait3A_394 = arith.constant 0 : i32
        %dma_wait3A_395 = arith.constant 0 : i32
        %dma_wait3A_396 = tpu.memref_slice %arg6[%run_scoped3A_369, %dma_wait3A_394, %dma_wait3A_395] : memref<2x8x128xi32, #tpu.memory_space<vmem>> -> memref<1x1x128xi32, #tpu.memory_space<vmem>>
        %dma_wait3A_397 = tpu.memref_squeeze %dma_wait3A_396 : memref<1x1x128xi32, #tpu.memory_space<vmem>> -> memref<1x128xi32, #tpu.memory_space<vmem>>
        %dma_wait3A_398 = arith.constant 0 : i32
        %dma_wait3A_399 = tpu.memref_slice %arg2[%run_scoped3A_368, %add3A_367, %dma_wait3A_398] : memref<2x25000x128xi32, #tpu.memory_space<hbm>> -> memref<1x1x128xi32, #tpu.memory_space<hbm>>
        %dma_wait3A_400 = tpu.memref_squeeze %dma_wait3A_399 : memref<1x1x128xi32, #tpu.memory_space<hbm>> -> memref<1x128xi32, #tpu.memory_space<hbm>>
        tpu.wait_dma2 semaphore(%run_scoped3A_372 : memref<!tpu.dma_semaphore, #tpu.memory_space<semaphore_mem>>) src(%dma_wait3A_400 : memref<1x128xi32, #tpu.memory_space<hbm>>) dst(%dma_wait3A_397 : memref<1x128xi32, #tpu.memory_space<vmem>>)
        tpu.yield
      }) : () -> ()
      %run_scoped3A_370 = arith.constant 0 : i32
      %run_scoped3A_371 = arith.constant 0 : i32
      "tpu.region"() ({
        %run_scoped3A_372 = tpu.sem_alloc : memref<!tpu.dma_semaphore, #tpu.memory_space<semaphore_mem>>
        %dma_start3A_373 = arith.constant 0 : i32
        %dma_start3A_374 = tpu.memref_slice %arg6[%run_scoped3A_370, %run_scoped3A_371, %dma_start3A_373] : memref<2x8x128xi32, #tpu.memory_space<vmem>> -> memref<1x1x128xi32, #tpu.memory_space<vmem>>
        %dma_start3A_375 = tpu.memref_squeeze %dma_start3A_374 : memref<1x1x128xi32, #tpu.memory_space<vmem>> -> memref<128xi32, #tpu.memory_space<vmem>>
        %dma_start3A_376 = arith.constant 0 : i32
        %dma_start3A_377 = arith.constant 0 : i32
        %dma_start3A_378 = tpu.memref_slice %arg8[%dma_start3A_376, %dma_start3A_377] : memref<102400x8xf32, #tpu.memory_space<vmem_shared>> -> memref<102400x8xf32, #tpu.memory_space<vmem_shared>>
        tpu.enqueue_indirect_dma source(%arg7 : memref<128x8xf32, #tpu.memory_space<vmem>>) target(%dma_start3A_378 : memref<102400x8xf32, #tpu.memory_space<vmem_shared>>) offsets(%dma_start3A_375 : memref<128xi32, #tpu.memory_space<vmem>>) semaphore(%run_scoped3A_372 : memref<!tpu.dma_semaphore, #tpu.memory_space<semaphore_mem>>) {add = true}
        %dma_wait3A_379 = arith.constant 0 : i32
        %dma_wait3A_380 = tpu.memref_slice %arg6[%run_scoped3A_370, %run_scoped3A_371, %dma_wait3A_379] : memref<2x8x128xi32, #tpu.memory_space<vmem>> -> memref<1x1x128xi32, #tpu.memory_space<vmem>>
        %dma_wait3A_381 = tpu.memref_squeeze %dma_wait3A_380 : memref<1x1x128xi32, #tpu.memory_space<vmem>> -> memref<128xi32, #tpu.memory_space<vmem>>
        %dma_wait3A_382 = arith.constant 0 : i32
        %dma_wait3A_383 = arith.constant 0 : i32
        %dma_wait3A_384 = tpu.memref_slice %arg8[%dma_wait3A_382, %dma_wait3A_383] : memref<102400x8xf32, #tpu.memory_space<vmem_shared>> -> memref<102400x8xf32, #tpu.memory_space<vmem_shared>>
        tpu.wait_indirect_dma semaphore(%run_scoped3A_372 : memref<!tpu.dma_semaphore, #tpu.memory_space<semaphore_mem>>) src(%arg7 : memref<128x8xf32, #tpu.memory_space<vmem>>) dst(%dma_wait3A_384 : memref<102400x8xf32, #tpu.memory_space<vmem_shared>>)
        tpu.yield
      }) : () -> ()
    } else {
    }
    %barrier3A_361 = arith.constant 0 : index
    tpu.barrier barrier_id(%barrier3A_361)
    %mul3A_362 = arith.constant 6400 : i32
    %mul3A_363 = arith.muli %arg1, %mul3A_362 : i32
    %mul3A_364 = arith.constant 6400 : i32
    %mul3A_365 = arith.muli %arg1, %mul3A_364 : i32
    "tpu.region"() ({
      %run_scoped3A_366 = tpu.sem_alloc : memref<!tpu.dma_semaphore, #tpu.memory_space<semaphore_mem>>
      %dma_start3A_367 = arith.constant 0 : i32
      %dma_start3A_368 = tpu.memref_slice %arg5[%arg0, %mul3A_365, %dma_start3A_367] : memref<2x102400x8xf32, #tpu.memory_space<hbm>> -> memref<1x6400x8xf32, #tpu.memory_space<hbm>>
      %dma_start3A_369 = tpu.memref_squeeze %dma_start3A_368 : memref<1x6400x8xf32, #tpu.memory_space<hbm>> -> memref<6400x8xf32, #tpu.memory_space<hbm>>
      %dma_start3A_370 = arith.constant 0 : i32
      %dma_start3A_371 = tpu.memref_slice %arg8[%mul3A_363, %dma_start3A_370] : memref<102400x8xf32, #tpu.memory_space<vmem_shared>> -> memref<6400x8xf32, #tpu.memory_space<vmem_shared>>
      tpu.enqueue_dma source(%dma_start3A_371 : memref<6400x8xf32, #tpu.memory_space<vmem_shared>>) target(%dma_start3A_369 : memref<6400x8xf32, #tpu.memory_space<hbm>>) target_semaphore(%run_scoped3A_366 : memref<!tpu.dma_semaphore, #tpu.memory_space<semaphore_mem>>)
      %dma_wait3A_372 = arith.constant 0 : i32
      %dma_wait3A_373 = tpu.memref_slice %arg5[%arg0, %mul3A_365, %dma_wait3A_372] : memref<2x102400x8xf32, #tpu.memory_space<hbm>> -> memref<1x6400x8xf32, #tpu.memory_space<hbm>>
      %dma_wait3A_374 = tpu.memref_squeeze %dma_wait3A_373 : memref<1x6400x8xf32, #tpu.memory_space<hbm>> -> memref<6400x8xf32, #tpu.memory_space<hbm>>
      %dma_wait3A_375 = arith.constant 0 : i32
      %dma_wait3A_376 = tpu.memref_slice %arg8[%mul3A_363, %dma_wait3A_375] : memref<102400x8xf32, #tpu.memory_space<vmem_shared>> -> memref<6400x8xf32, #tpu.memory_space<vmem_shared>>
      tpu.wait_dma2 semaphore(%run_scoped3A_366 : memref<!tpu.dma_semaphore, #tpu.memory_space<semaphore_mem>>) src(%dma_wait3A_376 : memref<6400x8xf32, #tpu.memory_space<vmem_shared>>) dst(%dma_wait3A_374 : memref<6400x8xf32, #tpu.memory_space<hbm>>)
      tpu.yield
    }) : () -> ()
    return
  }
}

#map = affine_map<(d0, d1) -> (0, 0)>
#map1 = affine_map<(d0, d1) -> (0, 0, 0)>
module attributes {stable_mosaic.version = 14 : i64} {
  func.func @dag_kernel(%arg0: i32, %arg1: i32, %arg2: memref<102400x16xf32, #tpu.memory_space<hbm>>, %arg3: memref<800x128xi32, #tpu.memory_space<hbm>>, %arg4: memref<1008x16xf32, #tpu.memory_space<hbm>>, %arg5: memref<2x1008x16xf32, #tpu.memory_space<hbm>>, %arg6: memref<25x128xi32, #tpu.memory_space<vmem>>, %arg7: memref<128x16xf32, #tpu.memory_space<vmem>>, %arg8: memref<1008x16xf32, #tpu.memory_space<vmem_shared>>) attributes {dimension_semantics = [#tpu.dimension_semantics<core_parallel>, #tpu.dimension_semantics<subcore_parallel>], iteration_bounds = array<i64: 2, 16>, scalar_prefetch = 0 : i64, scratch_operands = 3 : i64, tpu.core_type = #tpu.core_type<sc_vector_subcore>, window_params = [{transform_indices = #map}, {transform_indices = #map}, {transform_indices = #map}, {transform_indices = #map1}]} {
    %mul3A = arith.constant 16 : i32
    %mul3A_0 = arith.muli %arg0, %mul3A : i32
    %add3A = arith.addi %mul3A_0, %arg1 : i32
    %eq3A = arith.constant 0 : i32
    %eq3A_1 = arith.cmpi eq, %arg1, %eq3A : i32
    %convert_element_type3A = arith.extui %eq3A_1 : i1 to i32
    %cond3A = arith.constant 0 : i32
    %cond3A_2 = arith.cmpi ne, %convert_element_type3A, %cond3A : i32
    scf.if %cond3A_2 {
      "tpu.region"() ({
        %run_scoped3A = tpu.sem_alloc : memref<!tpu.dma_semaphore, #tpu.memory_space<semaphore_mem>>
        tpu.enqueue_dma source(%arg4 : memref<1008x16xf32, #tpu.memory_space<hbm>>) target(%arg8 : memref<1008x16xf32, #tpu.memory_space<vmem_shared>>) target_semaphore(%run_scoped3A : memref<!tpu.dma_semaphore, #tpu.memory_space<semaphore_mem>>)
        tpu.wait_dma2 semaphore(%run_scoped3A : memref<!tpu.dma_semaphore, #tpu.memory_space<semaphore_mem>>) src(%arg4 : memref<1008x16xf32, #tpu.memory_space<hbm>>) dst(%arg8 : memref<1008x16xf32, #tpu.memory_space<vmem_shared>>)
        tpu.yield
      }) : () -> ()
    } else {
    }
    %barrier3A = arith.constant 0 : index
    tpu.barrier barrier_id(%barrier3A)
    %mul3A_3 = arith.constant 25 : i32
    %mul3A_4 = arith.muli %add3A, %mul3A_3 : i32
    "tpu.region"() ({
      %run_scoped3A = tpu.sem_alloc : memref<!tpu.dma_semaphore, #tpu.memory_space<semaphore_mem>>
      %dma_start3A = arith.constant 0 : i32
      %dma_start3A_19 = tpu.memref_slice %arg3[%mul3A_4, %dma_start3A] : memref<800x128xi32, #tpu.memory_space<hbm>> -> memref<25x128xi32, #tpu.memory_space<hbm>>
      %dma_start3A_20 = arith.constant 0 : i32
      %dma_start3A_21 = tpu.memref_slice %arg3[%mul3A_4, %dma_start3A_20] : memref<800x128xi32, #tpu.memory_space<hbm>> -> memref<25x128xi32, #tpu.memory_space<hbm>>
      tpu.enqueue_dma source(%dma_start3A_21 : memref<25x128xi32, #tpu.memory_space<hbm>>) target(%arg6 : memref<25x128xi32, #tpu.memory_space<vmem>>) target_semaphore(%run_scoped3A : memref<!tpu.dma_semaphore, #tpu.memory_space<semaphore_mem>>)
      %dma_wait3A = arith.constant 0 : i32
      %dma_wait3A_22 = tpu.memref_slice %arg3[%mul3A_4, %dma_wait3A] : memref<800x128xi32, #tpu.memory_space<hbm>> -> memref<25x128xi32, #tpu.memory_space<hbm>>
      %dma_wait3A_23 = arith.constant 0 : i32
      %dma_wait3A_24 = tpu.memref_slice %arg3[%mul3A_4, %dma_wait3A_23] : memref<800x128xi32, #tpu.memory_space<hbm>> -> memref<25x128xi32, #tpu.memory_space<hbm>>
      tpu.wait_dma2 semaphore(%run_scoped3A : memref<!tpu.dma_semaphore, #tpu.memory_space<semaphore_mem>>) src(%dma_wait3A_24 : memref<25x128xi32, #tpu.memory_space<hbm>>) dst(%arg6 : memref<25x128xi32, #tpu.memory_space<vmem>>)
      tpu.yield
    }) : () -> ()
    %mul3A_5 = arith.constant 25 : i32
    %mul3A_6 = arith.muli %add3A, %mul3A_5 : i32
    %mul3A_7 = arith.constant 128 : i32
    %mul3A_8 = arith.muli %mul3A_6, %mul3A_7 : i32
    %scan3A = arith.constant 0 : i32
    %scan3A_9 = arith.constant 0 : i32
    %scan3A_10 = arith.constant 25 : i32
    %scan3A_11 = arith.addi %scan3A_9, %scan3A_10 : i32
    %scan3A_12 = arith.constant 1 : i32
    scf.for %scan3A_19 = %scan3A_9 to %scan3A_11 step %scan3A_12  : i32 {
      %mul3A_20 = arith.constant 128 : i32
      %mul3A_21 = arith.muli %scan3A_19, %mul3A_20 : i32
      %add3A_22 = arith.addi %mul3A_8, %mul3A_21 : i32
      "tpu.region"() ({
        %run_scoped3A = tpu.sem_alloc : memref<!tpu.dma_semaphore, #tpu.memory_space<semaphore_mem>>
        %dma_start3A = arith.constant 0 : i32
        %dma_start3A_23 = tpu.memref_slice %arg2[%add3A_22, %dma_start3A] : memref<102400x16xf32, #tpu.memory_space<hbm>> -> memref<128x16xf32, #tpu.memory_space<hbm>>
        %dma_start3A_24 = arith.constant 0 : i32
        %dma_start3A_25 = tpu.memref_slice %arg2[%add3A_22, %dma_start3A_24] : memref<102400x16xf32, #tpu.memory_space<hbm>> -> memref<128x16xf32, #tpu.memory_space<hbm>>
        tpu.enqueue_dma source(%dma_start3A_25 : memref<128x16xf32, #tpu.memory_space<hbm>>) target(%arg7 : memref<128x16xf32, #tpu.memory_space<vmem>>) target_semaphore(%run_scoped3A : memref<!tpu.dma_semaphore, #tpu.memory_space<semaphore_mem>>)
        %dma_wait3A = arith.constant 0 : i32
        %dma_wait3A_26 = tpu.memref_slice %arg2[%add3A_22, %dma_wait3A] : memref<102400x16xf32, #tpu.memory_space<hbm>> -> memref<128x16xf32, #tpu.memory_space<hbm>>
        %dma_wait3A_27 = arith.constant 0 : i32
        %dma_wait3A_28 = tpu.memref_slice %arg2[%add3A_22, %dma_wait3A_27] : memref<102400x16xf32, #tpu.memory_space<hbm>> -> memref<128x16xf32, #tpu.memory_space<hbm>>
        tpu.wait_dma2 semaphore(%run_scoped3A : memref<!tpu.dma_semaphore, #tpu.memory_space<semaphore_mem>>) src(%dma_wait3A_28 : memref<128x16xf32, #tpu.memory_space<hbm>>) dst(%arg7 : memref<128x16xf32, #tpu.memory_space<vmem>>)
        tpu.yield
      }) : () -> ()
      "tpu.region"() ({
        %run_scoped3A = tpu.sem_alloc : memref<!tpu.dma_semaphore, #tpu.memory_space<semaphore_mem>>
        %dma_start3A = arith.constant 0 : i32
        %dma_start3A_23 = tpu.memref_slice %arg6[%scan3A_19, %dma_start3A] : memref<25x128xi32, #tpu.memory_space<vmem>> -> memref<1x128xi32, #tpu.memory_space<vmem>>
        %dma_start3A_24 = tpu.memref_squeeze %dma_start3A_23 : memref<1x128xi32, #tpu.memory_space<vmem>> -> memref<128xi32, #tpu.memory_space<vmem>>
        %dma_start3A_25 = arith.constant 0 : i32
        %dma_start3A_26 = arith.constant 0 : i32
        %dma_start3A_27 = tpu.memref_slice %arg8[%dma_start3A_25, %dma_start3A_26] : memref<1008x16xf32, #tpu.memory_space<vmem_shared>> -> memref<1008x16xf32, #tpu.memory_space<vmem_shared>>
        tpu.enqueue_indirect_dma source(%arg7 : memref<128x16xf32, #tpu.memory_space<vmem>>) target(%dma_start3A_27 : memref<1008x16xf32, #tpu.memory_space<vmem_shared>>) offsets(%dma_start3A_24 : memref<128xi32, #tpu.memory_space<vmem>>) semaphore(%run_scoped3A : memref<!tpu.dma_semaphore, #tpu.memory_space<semaphore_mem>>) {add = true}
        %dma_wait3A = arith.constant 0 : i32
        %dma_wait3A_28 = tpu.memref_slice %arg6[%scan3A_19, %dma_wait3A] : memref<25x128xi32, #tpu.memory_space<vmem>> -> memref<1x128xi32, #tpu.memory_space<vmem>>
        %dma_wait3A_29 = tpu.memref_squeeze %dma_wait3A_28 : memref<1x128xi32, #tpu.memory_space<vmem>> -> memref<128xi32, #tpu.memory_space<vmem>>
        %dma_wait3A_30 = arith.constant 0 : i32
        %dma_wait3A_31 = arith.constant 0 : i32
        %dma_wait3A_32 = tpu.memref_slice %arg8[%dma_wait3A_30, %dma_wait3A_31] : memref<1008x16xf32, #tpu.memory_space<vmem_shared>> -> memref<1008x16xf32, #tpu.memory_space<vmem_shared>>
        tpu.wait_indirect_dma semaphore(%run_scoped3A : memref<!tpu.dma_semaphore, #tpu.memory_space<semaphore_mem>>) src(%arg7 : memref<128x16xf32, #tpu.memory_space<vmem>>) dst(%dma_wait3A_32 : memref<1008x16xf32, #tpu.memory_space<vmem_shared>>)
        tpu.yield
      }) : () -> ()
    }
    %scan3A_13 = arith.constant 25 : i32
    %barrier3A_14 = arith.constant 0 : index
    tpu.barrier barrier_id(%barrier3A_14)
    %mul3A_15 = arith.constant 63 : i32
    %mul3A_16 = arith.muli %arg1, %mul3A_15 : i32
    %mul3A_17 = arith.constant 63 : i32
    %mul3A_18 = arith.muli %arg1, %mul3A_17 : i32
    "tpu.region"() ({
      %run_scoped3A = tpu.sem_alloc : memref<!tpu.dma_semaphore, #tpu.memory_space<semaphore_mem>>
      %dma_start3A = arith.constant 0 : i32
      %dma_start3A_19 = tpu.memref_slice %arg5[%arg0, %mul3A_18, %dma_start3A] : memref<2x1008x16xf32, #tpu.memory_space<hbm>> -> memref<1x63x16xf32, #tpu.memory_space<hbm>>
      %dma_start3A_20 = tpu.memref_squeeze %dma_start3A_19 : memref<1x63x16xf32, #tpu.memory_space<hbm>> -> memref<63x16xf32, #tpu.memory_space<hbm>>
      %dma_start3A_21 = arith.constant 0 : i32
      %dma_start3A_22 = tpu.memref_slice %arg8[%mul3A_16, %dma_start3A_21] : memref<1008x16xf32, #tpu.memory_space<vmem_shared>> -> memref<63x16xf32, #tpu.memory_space<vmem_shared>>
      tpu.enqueue_dma source(%dma_start3A_22 : memref<63x16xf32, #tpu.memory_space<vmem_shared>>) target(%dma_start3A_20 : memref<63x16xf32, #tpu.memory_space<hbm>>) target_semaphore(%run_scoped3A : memref<!tpu.dma_semaphore, #tpu.memory_space<semaphore_mem>>)
      %dma_wait3A = arith.constant 0 : i32
      %dma_wait3A_23 = tpu.memref_slice %arg5[%arg0, %mul3A_18, %dma_wait3A] : memref<2x1008x16xf32, #tpu.memory_space<hbm>> -> memref<1x63x16xf32, #tpu.memory_space<hbm>>
      %dma_wait3A_24 = tpu.memref_squeeze %dma_wait3A_23 : memref<1x63x16xf32, #tpu.memory_space<hbm>> -> memref<63x16xf32, #tpu.memory_space<hbm>>
      %dma_wait3A_25 = arith.constant 0 : i32
      %dma_wait3A_26 = tpu.memref_slice %arg8[%mul3A_16, %dma_wait3A_25] : memref<1008x16xf32, #tpu.memory_space<vmem_shared>> -> memref<63x16xf32, #tpu.memory_space<vmem_shared>>
      tpu.wait_dma2 semaphore(%run_scoped3A : memref<!tpu.dma_semaphore, #tpu.memory_space<semaphore_mem>>) src(%dma_wait3A_26 : memref<63x16xf32, #tpu.memory_space<vmem_shared>>) dst(%dma_wait3A_24 : memref<63x16xf32, #tpu.memory_space<hbm>>)
      tpu.yield
    }) : () -> ()
    return
  }
}

#map = affine_map<(d0, d1) -> (0, 0)>
#map1 = affine_map<(d0, d1) -> (0, 0, 0)>
module attributes {stable_mosaic.version = 14 : i64} {
  func.func @edge_kernel(%arg0: i32, %arg1: i32, %arg2: memref<102400x8xf32, #tpu.memory_space<hbm>>, %arg3: memref<2x25000x128xi32, #tpu.memory_space<hbm>>, %arg4: memref<102400x8xf32, #tpu.memory_space<hbm>>, %arg5: memref<2x102400x8xf32, #tpu.memory_space<hbm>>, %arg6: memref<2x8x128xi32, #tpu.memory_space<vmem>>, %arg7: memref<2x8x128xi32, #tpu.memory_space<vmem>>, %arg8: memref<8x128x8xf32, #tpu.memory_space<vmem>>, %arg9: memref<102400x8xf32, #tpu.memory_space<vmem_shared>>, %arg10: memref<!tpu.dma_semaphore, #tpu.memory_space<semaphore_mem>>, %arg11: memref<!tpu.dma_semaphore, #tpu.memory_space<semaphore_mem>>, %arg12: memref<!tpu.dma_semaphore, #tpu.memory_space<semaphore_mem>>) attributes {dimension_semantics = [#tpu.dimension_semantics<core_parallel>, #tpu.dimension_semantics<subcore_parallel>], iteration_bounds = array<i64: 2, 16>, scalar_prefetch = 0 : i64, scratch_operands = 7 : i64, tpu.core_type = #tpu.core_type<sc_vector_subcore>, window_params = [{transform_indices = #map}, {transform_indices = #map1}, {transform_indices = #map}, {transform_indices = #map1}]} {
    %mul3A = arith.constant 16 : i32
    %mul3A_0 = arith.muli %arg0, %mul3A : i32
    %add3A = arith.addi %mul3A_0, %arg1 : i32
    %eq3A = arith.constant 0 : i32
    %eq3A_1 = arith.cmpi eq, %arg1, %eq3A : i32
    %convert_element_type3A = arith.extui %eq3A_1 : i1 to i32
    %cond3A = arith.constant 0 : i32
    %cond3A_2 = arith.cmpi ne, %convert_element_type3A, %cond3A : i32
    scf.if %cond3A_2 {
      "tpu.region"() ({
        %run_scoped3A_974 = tpu.sem_alloc : memref<!tpu.dma_semaphore, #tpu.memory_space<semaphore_mem>>
        tpu.enqueue_dma source(%arg4 : memref<102400x8xf32, #tpu.memory_space<hbm>>) target(%arg9 : memref<102400x8xf32, #tpu.memory_space<vmem_shared>>) target_semaphore(%run_scoped3A_974 : memref<!tpu.dma_semaphore, #tpu.memory_space<semaphore_mem>>)
        tpu.wait_dma2 semaphore(%run_scoped3A_974 : memref<!tpu.dma_semaphore, #tpu.memory_space<semaphore_mem>>) src(%arg4 : memref<102400x8xf32, #tpu.memory_space<hbm>>) dst(%arg9 : memref<102400x8xf32, #tpu.memory_space<vmem_shared>>)
        tpu.yield
      }) : () -> ()
    } else {
    }
    %barrier3A = arith.constant 0 : index
    tpu.barrier barrier_id(%barrier3A)
    %mul3A_3 = arith.constant 781 : i32
    %mul3A_4 = arith.muli %add3A, %mul3A_3 : i32
    %min3A = arith.constant 8 : i32
    %min3A_5 = arith.minsi %add3A, %min3A : i32
    %add3A_6 = arith.addi %mul3A_4, %min3A_5 : i32
    %run_scoped3A = arith.constant 1 : i32
    %run_scoped3A_7 = arith.constant 0 : i32
    "tpu.region"() ({
      %run_scoped3A_974 = tpu.sem_alloc : memref<!tpu.dma_semaphore, #tpu.memory_space<semaphore_mem>>
      %dma_start3A_975 = arith.constant 0 : i32
      %dma_start3A_976 = arith.constant 0 : i32
      %dma_start3A_977 = tpu.memref_slice %arg6[%run_scoped3A_7, %dma_start3A_975, %dma_start3A_976] : memref<2x8x128xi32, #tpu.memory_space<vmem>> -> memref<1x8x128xi32, #tpu.memory_space<vmem>>
      %dma_start3A_978 = tpu.memref_squeeze %dma_start3A_977 : memref<1x8x128xi32, #tpu.memory_space<vmem>> -> memref<8x128xi32, #tpu.memory_space<vmem>>
      %dma_start3A_979 = arith.constant 0 : i32
      %dma_start3A_980 = tpu.memref_slice %arg3[%run_scoped3A, %add3A_6, %dma_start3A_979] : memref<2x25000x128xi32, #tpu.memory_space<hbm>> -> memref<1x8x128xi32, #tpu.memory_space<hbm>>
      %dma_start3A_981 = tpu.memref_squeeze %dma_start3A_980 : memref<1x8x128xi32, #tpu.memory_space<hbm>> -> memref<8x128xi32, #tpu.memory_space<hbm>>
      %dma_start3A_982 = arith.constant 0 : i32
      %dma_start3A_983 = arith.constant 0 : i32
      %dma_start3A_984 = tpu.memref_slice %arg6[%run_scoped3A_7, %dma_start3A_982, %dma_start3A_983] : memref<2x8x128xi32, #tpu.memory_space<vmem>> -> memref<1x8x128xi32, #tpu.memory_space<vmem>>
      %dma_start3A_985 = tpu.memref_squeeze %dma_start3A_984 : memref<1x8x128xi32, #tpu.memory_space<vmem>> -> memref<8x128xi32, #tpu.memory_space<vmem>>
      %dma_start3A_986 = arith.constant 0 : i32
      %dma_start3A_987 = tpu.memref_slice %arg3[%run_scoped3A, %add3A_6, %dma_start3A_986] : memref<2x25000x128xi32, #tpu.memory_space<hbm>> -> memref<1x8x128xi32, #tpu.memory_space<hbm>>
      %dma_start3A_988 = tpu.memref_squeeze %dma_start3A_987 : memref<1x8x128xi32, #tpu.memory_space<hbm>> -> memref<8x128xi32, #tpu.memory_space<hbm>>
      tpu.enqueue_dma source(%dma_start3A_988 : memref<8x128xi32, #tpu.memory_space<hbm>>) target(%dma_start3A_985 : memref<8x128xi32, #tpu.memory_space<vmem>>) target_semaphore(%run_scoped3A_974 : memref<!tpu.dma_semaphore, #tpu.memory_space<semaphore_mem>>)
      %dma_wait3A_989 = arith.constant 0 : i32
      %dma_wait3A_990 = arith.constant 0 : i32
      %dma_wait3A_991 = tpu.memref_slice %arg6[%run_scoped3A_7, %dma_wait3A_989, %dma_wait3A_990] : memref<2x8x128xi32, #tpu.memory_space<vmem>> -> memref<1x8x128xi32, #tpu.memory_space<vmem>>
      %dma_wait3A_992 = tpu.memref_squeeze %dma_wait3A_991 : memref<1x8x128xi32, #tpu.memory_space<vmem>> -> memref<8x128xi32, #tpu.memory_space<vmem>>
      %dma_wait3A_993 = arith.constant 0 : i32
      %dma_wait3A_994 = tpu.memref_slice %arg3[%run_scoped3A, %add3A_6, %dma_wait3A_993] : memref<2x25000x128xi32, #tpu.memory_space<hbm>> -> memref<1x8x128xi32, #tpu.memory_space<hbm>>
      %dma_wait3A_995 = tpu.memref_squeeze %dma_wait3A_994 : memref<1x8x128xi32, #tpu.memory_space<hbm>> -> memref<8x128xi32, #tpu.memory_space<hbm>>
      %dma_wait3A_996 = arith.constant 0 : i32
      %dma_wait3A_997 = arith.constant 0 : i32
      %dma_wait3A_998 = tpu.memref_slice %arg6[%run_scoped3A_7, %dma_wait3A_996, %dma_wait3A_997] : memref<2x8x128xi32, #tpu.memory_space<vmem>> -> memref<1x8x128xi32, #tpu.memory_space<vmem>>
      %dma_wait3A_999 = tpu.memref_squeeze %dma_wait3A_998 : memref<1x8x128xi32, #tpu.memory_space<vmem>> -> memref<8x128xi32, #tpu.memory_space<vmem>>
      %dma_wait3A_1000 = arith.constant 0 : i32
      %dma_wait3A_1001 = tpu.memref_slice %arg3[%run_scoped3A, %add3A_6, %dma_wait3A_1000] : memref<2x25000x128xi32, #tpu.memory_space<hbm>> -> memref<1x8x128xi32, #tpu.memory_space<hbm>>
      %dma_wait3A_1002 = tpu.memref_squeeze %dma_wait3A_1001 : memref<1x8x128xi32, #tpu.memory_space<hbm>> -> memref<8x128xi32, #tpu.memory_space<hbm>>
      tpu.wait_dma2 semaphore(%run_scoped3A_974 : memref<!tpu.dma_semaphore, #tpu.memory_space<semaphore_mem>>) src(%dma_wait3A_1002 : memref<8x128xi32, #tpu.memory_space<hbm>>) dst(%dma_wait3A_999 : memref<8x128xi32, #tpu.memory_space<vmem>>)
      tpu.yield
    }) : () -> ()
    %run_scoped3A_8 = arith.constant 0 : i32
    %run_scoped3A_9 = arith.constant 0 : i32
    "tpu.region"() ({
      %run_scoped3A_974 = tpu.sem_alloc : memref<!tpu.dma_semaphore, #tpu.memory_space<semaphore_mem>>
      %dma_start3A_975 = arith.constant 0 : i32
      %dma_start3A_976 = arith.constant 0 : i32
      %dma_start3A_977 = tpu.memref_slice %arg7[%run_scoped3A_9, %dma_start3A_975, %dma_start3A_976] : memref<2x8x128xi32, #tpu.memory_space<vmem>> -> memref<1x8x128xi32, #tpu.memory_space<vmem>>
      %dma_start3A_978 = tpu.memref_squeeze %dma_start3A_977 : memref<1x8x128xi32, #tpu.memory_space<vmem>> -> memref<8x128xi32, #tpu.memory_space<vmem>>
      %dma_start3A_979 = arith.constant 0 : i32
      %dma_start3A_980 = tpu.memref_slice %arg3[%run_scoped3A_8, %add3A_6, %dma_start3A_979] : memref<2x25000x128xi32, #tpu.memory_space<hbm>> -> memref<1x8x128xi32, #tpu.memory_space<hbm>>
      %dma_start3A_981 = tpu.memref_squeeze %dma_start3A_980 : memref<1x8x128xi32, #tpu.memory_space<hbm>> -> memref<8x128xi32, #tpu.memory_space<hbm>>
      %dma_start3A_982 = arith.constant 0 : i32
      %dma_start3A_983 = arith.constant 0 : i32
      %dma_start3A_984 = tpu.memref_slice %arg7[%run_scoped3A_9, %dma_start3A_982, %dma_start3A_983] : memref<2x8x128xi32, #tpu.memory_space<vmem>> -> memref<1x8x128xi32, #tpu.memory_space<vmem>>
      %dma_start3A_985 = tpu.memref_squeeze %dma_start3A_984 : memref<1x8x128xi32, #tpu.memory_space<vmem>> -> memref<8x128xi32, #tpu.memory_space<vmem>>
      %dma_start3A_986 = arith.constant 0 : i32
      %dma_start3A_987 = tpu.memref_slice %arg3[%run_scoped3A_8, %add3A_6, %dma_start3A_986] : memref<2x25000x128xi32, #tpu.memory_space<hbm>> -> memref<1x8x128xi32, #tpu.memory_space<hbm>>
      %dma_start3A_988 = tpu.memref_squeeze %dma_start3A_987 : memref<1x8x128xi32, #tpu.memory_space<hbm>> -> memref<8x128xi32, #tpu.memory_space<hbm>>
      tpu.enqueue_dma source(%dma_start3A_988 : memref<8x128xi32, #tpu.memory_space<hbm>>) target(%dma_start3A_985 : memref<8x128xi32, #tpu.memory_space<vmem>>) target_semaphore(%run_scoped3A_974 : memref<!tpu.dma_semaphore, #tpu.memory_space<semaphore_mem>>)
      %dma_wait3A_989 = arith.constant 0 : i32
      %dma_wait3A_990 = arith.constant 0 : i32
      %dma_wait3A_991 = tpu.memref_slice %arg7[%run_scoped3A_9, %dma_wait3A_989, %dma_wait3A_990] : memref<2x8x128xi32, #tpu.memory_space<vmem>> -> memref<1x8x128xi32, #tpu.memory_space<vmem>>
      %dma_wait3A_992 = tpu.memref_squeeze %dma_wait3A_991 : memref<1x8x128xi32, #tpu.memory_space<vmem>> -> memref<8x128xi32, #tpu.memory_space<vmem>>
      %dma_wait3A_993 = arith.constant 0 : i32
      %dma_wait3A_994 = tpu.memref_slice %arg3[%run_scoped3A_8, %add3A_6, %dma_wait3A_993] : memref<2x25000x128xi32, #tpu.memory_space<hbm>> -> memref<1x8x128xi32, #tpu.memory_space<hbm>>
      %dma_wait3A_995 = tpu.memref_squeeze %dma_wait3A_994 : memref<1x8x128xi32, #tpu.memory_space<hbm>> -> memref<8x128xi32, #tpu.memory_space<hbm>>
      %dma_wait3A_996 = arith.constant 0 : i32
      %dma_wait3A_997 = arith.constant 0 : i32
      %dma_wait3A_998 = tpu.memref_slice %arg7[%run_scoped3A_9, %dma_wait3A_996, %dma_wait3A_997] : memref<2x8x128xi32, #tpu.memory_space<vmem>> -> memref<1x8x128xi32, #tpu.memory_space<vmem>>
      %dma_wait3A_999 = tpu.memref_squeeze %dma_wait3A_998 : memref<1x8x128xi32, #tpu.memory_space<vmem>> -> memref<8x128xi32, #tpu.memory_space<vmem>>
      %dma_wait3A_1000 = arith.constant 0 : i32
      %dma_wait3A_1001 = tpu.memref_slice %arg3[%run_scoped3A_8, %add3A_6, %dma_wait3A_1000] : memref<2x25000x128xi32, #tpu.memory_space<hbm>> -> memref<1x8x128xi32, #tpu.memory_space<hbm>>
      %dma_wait3A_1002 = tpu.memref_squeeze %dma_wait3A_1001 : memref<1x8x128xi32, #tpu.memory_space<hbm>> -> memref<8x128xi32, #tpu.memory_space<hbm>>
      tpu.wait_dma2 semaphore(%run_scoped3A_974 : memref<!tpu.dma_semaphore, #tpu.memory_space<semaphore_mem>>) src(%dma_wait3A_1002 : memref<8x128xi32, #tpu.memory_space<hbm>>) dst(%dma_wait3A_999 : memref<8x128xi32, #tpu.memory_space<vmem>>)
      tpu.yield
    }) : () -> ()
    %scan3A = arith.constant 0 : i32
    %scan3A_10 = arith.constant 0 : i32
    %scan3A_11 = arith.constant 96 : i32
    %scan3A_12 = arith.addi %scan3A_10, %scan3A_11 : i32
    %scan3A_13 = arith.constant 1 : i32
    scf.for %scan3A_974 = %scan3A_10 to %scan3A_12 step %scan3A_13  : i32 {
      %rem3A = arith.constant 2 : i32
      %rem3A_975 = arith.remsi %scan3A_974, %rem3A : i32
      %sub3A = arith.constant 1 : i32
      %sub3A_976 = arith.subi %sub3A, %rem3A_975 : i32
      %add3A_977 = arith.constant 1 : i32
      %add3A_978 = arith.addi %scan3A_974, %add3A_977 : i32
      %mul3A_979 = arith.constant 8 : i32
      %mul3A_980 = arith.muli %add3A_978, %mul3A_979 : i32
      %add3A_981 = arith.addi %add3A_6, %mul3A_980 : i32
      %dma_start3A_982 = arith.constant 1 : i32
      %dma_start3A_983 = arith.constant 0 : i32
      %dma_start3A_984 = arith.constant 0 : i32
      %dma_start3A_985 = tpu.memref_slice %arg6[%sub3A_976, %dma_start3A_983, %dma_start3A_984] : memref<2x8x128xi32, #tpu.memory_space<vmem>> -> memref<1x8x128xi32, #tpu.memory_space<vmem>>
      %dma_start3A_986 = tpu.memref_squeeze %dma_start3A_985 : memref<1x8x128xi32, #tpu.memory_space<vmem>> -> memref<8x128xi32, #tpu.memory_space<vmem>>
      %dma_start3A_987 = arith.constant 0 : i32
      %dma_start3A_988 = tpu.memref_slice %arg3[%dma_start3A_982, %add3A_981, %dma_start3A_987] : memref<2x25000x128xi32, #tpu.memory_space<hbm>> -> memref<1x8x128xi32, #tpu.memory_space<hbm>>
      %dma_start3A_989 = tpu.memref_squeeze %dma_start3A_988 : memref<1x8x128xi32, #tpu.memory_space<hbm>> -> memref<8x128xi32, #tpu.memory_space<hbm>>
      %dma_start3A_990 = arith.constant 0 : i32
      %dma_start3A_991 = arith.constant 0 : i32
      %dma_start3A_992 = tpu.memref_slice %arg6[%sub3A_976, %dma_start3A_990, %dma_start3A_991] : memref<2x8x128xi32, #tpu.memory_space<vmem>> -> memref<1x8x128xi32, #tpu.memory_space<vmem>>
      %dma_start3A_993 = tpu.memref_squeeze %dma_start3A_992 : memref<1x8x128xi32, #tpu.memory_space<vmem>> -> memref<8x128xi32, #tpu.memory_space<vmem>>
      %dma_start3A_994 = arith.constant 0 : i32
      %dma_start3A_995 = tpu.memref_slice %arg3[%dma_start3A_982, %add3A_981, %dma_start3A_994] : memref<2x25000x128xi32, #tpu.memory_space<hbm>> -> memref<1x8x128xi32, #tpu.memory_space<hbm>>
      %dma_start3A_996 = tpu.memref_squeeze %dma_start3A_995 : memref<1x8x128xi32, #tpu.memory_space<hbm>> -> memref<8x128xi32, #tpu.memory_space<hbm>>
      tpu.enqueue_dma source(%dma_start3A_996 : memref<8x128xi32, #tpu.memory_space<hbm>>) target(%dma_start3A_993 : memref<8x128xi32, #tpu.memory_space<vmem>>) target_semaphore(%arg10 : memref<!tpu.dma_semaphore, #tpu.memory_space<semaphore_mem>>)
      %add3A_997 = arith.constant 1 : i32
      %add3A_998 = arith.addi %scan3A_974, %add3A_997 : i32
      %mul3A_999 = arith.constant 8 : i32
      %mul3A_1000 = arith.muli %add3A_998, %mul3A_999 : i32
      %add3A_1001 = arith.addi %add3A_6, %mul3A_1000 : i32
      %dma_start3A_1002 = arith.constant 0 : i32
      %dma_start3A_1003 = arith.constant 0 : i32
      %dma_start3A_1004 = arith.constant 0 : i32
      %dma_start3A_1005 = tpu.memref_slice %arg7[%sub3A_976, %dma_start3A_1003, %dma_start3A_1004] : memref<2x8x128xi32, #tpu.memory_space<vmem>> -> memref<1x8x128xi32, #tpu.memory_space<vmem>>
      %dma_start3A_1006 = tpu.memref_squeeze %dma_start3A_1005 : memref<1x8x128xi32, #tpu.memory_space<vmem>> -> memref<8x128xi32, #tpu.memory_space<vmem>>
      %dma_start3A_1007 = arith.constant 0 : i32
      %dma_start3A_1008 = tpu.memref_slice %arg3[%dma_start3A_1002, %add3A_1001, %dma_start3A_1007] : memref<2x25000x128xi32, #tpu.memory_space<hbm>> -> memref<1x8x128xi32, #tpu.memory_space<hbm>>
      %dma_start3A_1009 = tpu.memref_squeeze %dma_start3A_1008 : memref<1x8x128xi32, #tpu.memory_space<hbm>> -> memref<8x128xi32, #tpu.memory_space<hbm>>
      %dma_start3A_1010 = arith.constant 0 : i32
      %dma_start3A_1011 = arith.constant 0 : i32
      %dma_start3A_1012 = tpu.memref_slice %arg7[%sub3A_976, %dma_start3A_1010, %dma_start3A_1011] : memref<2x8x128xi32, #tpu.memory_space<vmem>> -> memref<1x8x128xi32, #tpu.memory_space<vmem>>
      %dma_start3A_1013 = tpu.memref_squeeze %dma_start3A_1012 : memref<1x8x128xi32, #tpu.memory_space<vmem>> -> memref<8x128xi32, #tpu.memory_space<vmem>>
      %dma_start3A_1014 = arith.constant 0 : i32
      %dma_start3A_1015 = tpu.memref_slice %arg3[%dma_start3A_1002, %add3A_1001, %dma_start3A_1014] : memref<2x25000x128xi32, #tpu.memory_space<hbm>> -> memref<1x8x128xi32, #tpu.memory_space<hbm>>
      %dma_start3A_1016 = tpu.memref_squeeze %dma_start3A_1015 : memref<1x8x128xi32, #tpu.memory_space<hbm>> -> memref<8x128xi32, #tpu.memory_space<hbm>>
      tpu.enqueue_dma source(%dma_start3A_1016 : memref<8x128xi32, #tpu.memory_space<hbm>>) target(%dma_start3A_1013 : memref<8x128xi32, #tpu.memory_space<vmem>>) target_semaphore(%arg10 : memref<!tpu.dma_semaphore, #tpu.memory_space<semaphore_mem>>)
      %dma_start3A_1017 = arith.constant 0 : i32
      %dma_start3A_1018 = arith.constant 0 : i32
      %dma_start3A_1019 = arith.constant 0 : i32
      %dma_start3A_1020 = arith.constant 0 : i32
      %dma_start3A_1021 = tpu.memref_slice %arg8[%dma_start3A_1018, %dma_start3A_1019, %dma_start3A_1020] : memref<8x128x8xf32, #tpu.memory_space<vmem>> -> memref<1x128x8xf32, #tpu.memory_space<vmem>>
      %dma_start3A_1022 = tpu.memref_squeeze %dma_start3A_1021 : memref<1x128x8xf32, #tpu.memory_space<vmem>> -> memref<128x8xf32, #tpu.memory_space<vmem>>
      %dma_start3A_1023 = arith.constant 0 : i32
      %dma_start3A_1024 = arith.constant 0 : i32
      %dma_start3A_1025 = tpu.memref_slice %arg6[%rem3A_975, %dma_start3A_1023, %dma_start3A_1024] : memref<2x8x128xi32, #tpu.memory_space<vmem>> -> memref<1x8x128xi32, #tpu.memory_space<vmem>>
      %dma_start3A_1026 = tpu.memref_squeeze %dma_start3A_1025 : memref<1x8x128xi32, #tpu.memory_space<vmem>> -> memref<8x128xi32, #tpu.memory_space<vmem>>
      %dma_start3A_1027 = arith.constant 0 : i32
      %dma_start3A_1028 = tpu.memref_slice %dma_start3A_1026[%dma_start3A_1017, %dma_start3A_1027] : memref<8x128xi32, #tpu.memory_space<vmem>> -> memref<1x128xi32, #tpu.memory_space<vmem>>
      %dma_start3A_1029 = tpu.memref_squeeze %dma_start3A_1028 : memref<1x128xi32, #tpu.memory_space<vmem>> -> memref<128xi32, #tpu.memory_space<vmem>>
      %dma_start3A_1030 = arith.constant 0 : i32
      %dma_start3A_1031 = arith.constant 0 : i32
      %dma_start3A_1032 = tpu.memref_slice %arg2[%dma_start3A_1030, %dma_start3A_1031] : memref<102400x8xf32, #tpu.memory_space<hbm>> -> memref<102400x8xf32, #tpu.memory_space<hbm>>
      tpu.enqueue_indirect_dma source(%dma_start3A_1032 : memref<102400x8xf32, #tpu.memory_space<hbm>>) target(%dma_start3A_1022 : memref<128x8xf32, #tpu.memory_space<vmem>>) offsets(%dma_start3A_1029 : memref<128xi32, #tpu.memory_space<vmem>>) semaphore(%arg11 : memref<!tpu.dma_semaphore, #tpu.memory_space<semaphore_mem>>)
      %dma_start3A_1033 = arith.constant 1 : i32
      %dma_start3A_1034 = arith.constant 1 : i32
      %dma_start3A_1035 = arith.constant 0 : i32
      %dma_start3A_1036 = arith.constant 0 : i32
      %dma_start3A_1037 = tpu.memref_slice %arg8[%dma_start3A_1034, %dma_start3A_1035, %dma_start3A_1036] : memref<8x128x8xf32, #tpu.memory_space<vmem>> -> memref<1x128x8xf32, #tpu.memory_space<vmem>>
      %dma_start3A_1038 = tpu.memref_squeeze %dma_start3A_1037 : memref<1x128x8xf32, #tpu.memory_space<vmem>> -> memref<128x8xf32, #tpu.memory_space<vmem>>
      %dma_start3A_1039 = arith.constant 0 : i32
      %dma_start3A_1040 = arith.constant 0 : i32
      %dma_start3A_1041 = tpu.memref_slice %arg6[%rem3A_975, %dma_start3A_1039, %dma_start3A_1040] : memref<2x8x128xi32, #tpu.memory_space<vmem>> -> memref<1x8x128xi32, #tpu.memory_space<vmem>>
      %dma_start3A_1042 = tpu.memref_squeeze %dma_start3A_1041 : memref<1x8x128xi32, #tpu.memory_space<vmem>> -> memref<8x128xi32, #tpu.memory_space<vmem>>
      %dma_start3A_1043 = arith.constant 0 : i32
      %dma_start3A_1044 = tpu.memref_slice %dma_start3A_1042[%dma_start3A_1033, %dma_start3A_1043] : memref<8x128xi32, #tpu.memory_space<vmem>> -> memref<1x128xi32, #tpu.memory_space<vmem>>
      %dma_start3A_1045 = tpu.memref_squeeze %dma_start3A_1044 : memref<1x128xi32, #tpu.memory_space<vmem>> -> memref<128xi32, #tpu.memory_space<vmem>>
      %dma_start3A_1046 = arith.constant 0 : i32
      %dma_start3A_1047 = arith.constant 0 : i32
      %dma_start3A_1048 = tpu.memref_slice %arg2[%dma_start3A_1046, %dma_start3A_1047] : memref<102400x8xf32, #tpu.memory_space<hbm>> -> memref<102400x8xf32, #tpu.memory_space<hbm>>
      tpu.enqueue_indirect_dma source(%dma_start3A_1048 : memref<102400x8xf32, #tpu.memory_space<hbm>>) target(%dma_start3A_1038 : memref<128x8xf32, #tpu.memory_space<vmem>>) offsets(%dma_start3A_1045 : memref<128xi32, #tpu.memory_space<vmem>>) semaphore(%arg11 : memref<!tpu.dma_semaphore, #tpu.memory_space<semaphore_mem>>)
      %dma_start3A_1049 = arith.constant 2 : i32
      %dma_start3A_1050 = arith.constant 2 : i32
      %dma_start3A_1051 = arith.constant 0 : i32
      %dma_start3A_1052 = arith.constant 0 : i32
      %dma_start3A_1053 = tpu.memref_slice %arg8[%dma_start3A_1050, %dma_start3A_1051, %dma_start3A_1052] : memref<8x128x8xf32, #tpu.memory_space<vmem>> -> memref<1x128x8xf32, #tpu.memory_space<vmem>>
      %dma_start3A_1054 = tpu.memref_squeeze %dma_start3A_1053 : memref<1x128x8xf32, #tpu.memory_space<vmem>> -> memref<128x8xf32, #tpu.memory_space<vmem>>
      %dma_start3A_1055 = arith.constant 0 : i32
      %dma_start3A_1056 = arith.constant 0 : i32
      %dma_start3A_1057 = tpu.memref_slice %arg6[%rem3A_975, %dma_start3A_1055, %dma_start3A_1056] : memref<2x8x128xi32, #tpu.memory_space<vmem>> -> memref<1x8x128xi32, #tpu.memory_space<vmem>>
      %dma_start3A_1058 = tpu.memref_squeeze %dma_start3A_1057 : memref<1x8x128xi32, #tpu.memory_space<vmem>> -> memref<8x128xi32, #tpu.memory_space<vmem>>
      %dma_start3A_1059 = arith.constant 0 : i32
      %dma_start3A_1060 = tpu.memref_slice %dma_start3A_1058[%dma_start3A_1049, %dma_start3A_1059] : memref<8x128xi32, #tpu.memory_space<vmem>> -> memref<1x128xi32, #tpu.memory_space<vmem>>
      %dma_start3A_1061 = tpu.memref_squeeze %dma_start3A_1060 : memref<1x128xi32, #tpu.memory_space<vmem>> -> memref<128xi32, #tpu.memory_space<vmem>>
      %dma_start3A_1062 = arith.constant 0 : i32
      %dma_start3A_1063 = arith.constant 0 : i32
      %dma_start3A_1064 = tpu.memref_slice %arg2[%dma_start3A_1062, %dma_start3A_1063] : memref<102400x8xf32, #tpu.memory_space<hbm>> -> memref<102400x8xf32, #tpu.memory_space<hbm>>
      tpu.enqueue_indirect_dma source(%dma_start3A_1064 : memref<102400x8xf32, #tpu.memory_space<hbm>>) target(%dma_start3A_1054 : memref<128x8xf32, #tpu.memory_space<vmem>>) offsets(%dma_start3A_1061 : memref<128xi32, #tpu.memory_space<vmem>>) semaphore(%arg11 : memref<!tpu.dma_semaphore, #tpu.memory_space<semaphore_mem>>)
      %dma_start3A_1065 = arith.constant 3 : i32
      %dma_start3A_1066 = arith.constant 3 : i32
      %dma_start3A_1067 = arith.constant 0 : i32
      %dma_start3A_1068 = arith.constant 0 : i32
      %dma_start3A_1069 = tpu.memref_slice %arg8[%dma_start3A_1066, %dma_start3A_1067, %dma_start3A_1068] : memref<8x128x8xf32, #tpu.memory_space<vmem>> -> memref<1x128x8xf32, #tpu.memory_space<vmem>>
      %dma_start3A_1070 = tpu.memref_squeeze %dma_start3A_1069 : memref<1x128x8xf32, #tpu.memory_space<vmem>> -> memref<128x8xf32, #tpu.memory_space<vmem>>
      %dma_start3A_1071 = arith.constant 0 : i32
      %dma_start3A_1072 = arith.constant 0 : i32
      %dma_start3A_1073 = tpu.memref_slice %arg6[%rem3A_975, %dma_start3A_1071, %dma_start3A_1072] : memref<2x8x128xi32, #tpu.memory_space<vmem>> -> memref<1x8x128xi32, #tpu.memory_space<vmem>>
      %dma_start3A_1074 = tpu.memref_squeeze %dma_start3A_1073 : memref<1x8x128xi32, #tpu.memory_space<vmem>> -> memref<8x128xi32, #tpu.memory_space<vmem>>
      %dma_start3A_1075 = arith.constant 0 : i32
      %dma_start3A_1076 = tpu.memref_slice %dma_start3A_1074[%dma_start3A_1065, %dma_start3A_1075] : memref<8x128xi32, #tpu.memory_space<vmem>> -> memref<1x128xi32, #tpu.memory_space<vmem>>
      %dma_start3A_1077 = tpu.memref_squeeze %dma_start3A_1076 : memref<1x128xi32, #tpu.memory_space<vmem>> -> memref<128xi32, #tpu.memory_space<vmem>>
      %dma_start3A_1078 = arith.constant 0 : i32
      %dma_start3A_1079 = arith.constant 0 : i32
      %dma_start3A_1080 = tpu.memref_slice %arg2[%dma_start3A_1078, %dma_start3A_1079] : memref<102400x8xf32, #tpu.memory_space<hbm>> -> memref<102400x8xf32, #tpu.memory_space<hbm>>
      tpu.enqueue_indirect_dma source(%dma_start3A_1080 : memref<102400x8xf32, #tpu.memory_space<hbm>>) target(%dma_start3A_1070 : memref<128x8xf32, #tpu.memory_space<vmem>>) offsets(%dma_start3A_1077 : memref<128xi32, #tpu.memory_space<vmem>>) semaphore(%arg11 : memref<!tpu.dma_semaphore, #tpu.memory_space<semaphore_mem>>)
      %dma_start3A_1081 = arith.constant 4 : i32
      %dma_start3A_1082 = arith.constant 4 : i32
      %dma_start3A_1083 = arith.constant 0 : i32
      %dma_start3A_1084 = arith.constant 0 : i32
      %dma_start3A_1085 = tpu.memref_slice %arg8[%dma_start3A_1082, %dma_start3A_1083, %dma_start3A_1084] : memref<8x128x8xf32, #tpu.memory_space<vmem>> -> memref<1x128x8xf32, #tpu.memory_space<vmem>>
      %dma_start3A_1086 = tpu.memref_squeeze %dma_start3A_1085 : memref<1x128x8xf32, #tpu.memory_space<vmem>> -> memref<128x8xf32, #tpu.memory_space<vmem>>
      %dma_start3A_1087 = arith.constant 0 : i32
      %dma_start3A_1088 = arith.constant 0 : i32
      %dma_start3A_1089 = tpu.memref_slice %arg6[%rem3A_975, %dma_start3A_1087, %dma_start3A_1088] : memref<2x8x128xi32, #tpu.memory_space<vmem>> -> memref<1x8x128xi32, #tpu.memory_space<vmem>>
      %dma_start3A_1090 = tpu.memref_squeeze %dma_start3A_1089 : memref<1x8x128xi32, #tpu.memory_space<vmem>> -> memref<8x128xi32, #tpu.memory_space<vmem>>
      %dma_start3A_1091 = arith.constant 0 : i32
      %dma_start3A_1092 = tpu.memref_slice %dma_start3A_1090[%dma_start3A_1081, %dma_start3A_1091] : memref<8x128xi32, #tpu.memory_space<vmem>> -> memref<1x128xi32, #tpu.memory_space<vmem>>
      %dma_start3A_1093 = tpu.memref_squeeze %dma_start3A_1092 : memref<1x128xi32, #tpu.memory_space<vmem>> -> memref<128xi32, #tpu.memory_space<vmem>>
      %dma_start3A_1094 = arith.constant 0 : i32
      %dma_start3A_1095 = arith.constant 0 : i32
      %dma_start3A_1096 = tpu.memref_slice %arg2[%dma_start3A_1094, %dma_start3A_1095] : memref<102400x8xf32, #tpu.memory_space<hbm>> -> memref<102400x8xf32, #tpu.memory_space<hbm>>
      tpu.enqueue_indirect_dma source(%dma_start3A_1096 : memref<102400x8xf32, #tpu.memory_space<hbm>>) target(%dma_start3A_1086 : memref<128x8xf32, #tpu.memory_space<vmem>>) offsets(%dma_start3A_1093 : memref<128xi32, #tpu.memory_space<vmem>>) semaphore(%arg11 : memref<!tpu.dma_semaphore, #tpu.memory_space<semaphore_mem>>)
      %dma_start3A_1097 = arith.constant 5 : i32
      %dma_start3A_1098 = arith.constant 5 : i32
      %dma_start3A_1099 = arith.constant 0 : i32
      %dma_start3A_1100 = arith.constant 0 : i32
      %dma_start3A_1101 = tpu.memref_slice %arg8[%dma_start3A_1098, %dma_start3A_1099, %dma_start3A_1100] : memref<8x128x8xf32, #tpu.memory_space<vmem>> -> memref<1x128x8xf32, #tpu.memory_space<vmem>>
      %dma_start3A_1102 = tpu.memref_squeeze %dma_start3A_1101 : memref<1x128x8xf32, #tpu.memory_space<vmem>> -> memref<128x8xf32, #tpu.memory_space<vmem>>
      %dma_start3A_1103 = arith.constant 0 : i32
      %dma_start3A_1104 = arith.constant 0 : i32
      %dma_start3A_1105 = tpu.memref_slice %arg6[%rem3A_975, %dma_start3A_1103, %dma_start3A_1104] : memref<2x8x128xi32, #tpu.memory_space<vmem>> -> memref<1x8x128xi32, #tpu.memory_space<vmem>>
      %dma_start3A_1106 = tpu.memref_squeeze %dma_start3A_1105 : memref<1x8x128xi32, #tpu.memory_space<vmem>> -> memref<8x128xi32, #tpu.memory_space<vmem>>
      %dma_start3A_1107 = arith.constant 0 : i32
      %dma_start3A_1108 = tpu.memref_slice %dma_start3A_1106[%dma_start3A_1097, %dma_start3A_1107] : memref<8x128xi32, #tpu.memory_space<vmem>> -> memref<1x128xi32, #tpu.memory_space<vmem>>
      %dma_start3A_1109 = tpu.memref_squeeze %dma_start3A_1108 : memref<1x128xi32, #tpu.memory_space<vmem>> -> memref<128xi32, #tpu.memory_space<vmem>>
      %dma_start3A_1110 = arith.constant 0 : i32
      %dma_start3A_1111 = arith.constant 0 : i32
      %dma_start3A_1112 = tpu.memref_slice %arg2[%dma_start3A_1110, %dma_start3A_1111] : memref<102400x8xf32, #tpu.memory_space<hbm>> -> memref<102400x8xf32, #tpu.memory_space<hbm>>
      tpu.enqueue_indirect_dma source(%dma_start3A_1112 : memref<102400x8xf32, #tpu.memory_space<hbm>>) target(%dma_start3A_1102 : memref<128x8xf32, #tpu.memory_space<vmem>>) offsets(%dma_start3A_1109 : memref<128xi32, #tpu.memory_space<vmem>>) semaphore(%arg11 : memref<!tpu.dma_semaphore, #tpu.memory_space<semaphore_mem>>)
      %dma_start3A_1113 = arith.constant 6 : i32
      %dma_start3A_1114 = arith.constant 6 : i32
      %dma_start3A_1115 = arith.constant 0 : i32
      %dma_start3A_1116 = arith.constant 0 : i32
      %dma_start3A_1117 = tpu.memref_slice %arg8[%dma_start3A_1114, %dma_start3A_1115, %dma_start3A_1116] : memref<8x128x8xf32, #tpu.memory_space<vmem>> -> memref<1x128x8xf32, #tpu.memory_space<vmem>>
      %dma_start3A_1118 = tpu.memref_squeeze %dma_start3A_1117 : memref<1x128x8xf32, #tpu.memory_space<vmem>> -> memref<128x8xf32, #tpu.memory_space<vmem>>
      %dma_start3A_1119 = arith.constant 0 : i32
      %dma_start3A_1120 = arith.constant 0 : i32
      %dma_start3A_1121 = tpu.memref_slice %arg6[%rem3A_975, %dma_start3A_1119, %dma_start3A_1120] : memref<2x8x128xi32, #tpu.memory_space<vmem>> -> memref<1x8x128xi32, #tpu.memory_space<vmem>>
      %dma_start3A_1122 = tpu.memref_squeeze %dma_start3A_1121 : memref<1x8x128xi32, #tpu.memory_space<vmem>> -> memref<8x128xi32, #tpu.memory_space<vmem>>
      %dma_start3A_1123 = arith.constant 0 : i32
      %dma_start3A_1124 = tpu.memref_slice %dma_start3A_1122[%dma_start3A_1113, %dma_start3A_1123] : memref<8x128xi32, #tpu.memory_space<vmem>> -> memref<1x128xi32, #tpu.memory_space<vmem>>
      %dma_start3A_1125 = tpu.memref_squeeze %dma_start3A_1124 : memref<1x128xi32, #tpu.memory_space<vmem>> -> memref<128xi32, #tpu.memory_space<vmem>>
      %dma_start3A_1126 = arith.constant 0 : i32
      %dma_start3A_1127 = arith.constant 0 : i32
      %dma_start3A_1128 = tpu.memref_slice %arg2[%dma_start3A_1126, %dma_start3A_1127] : memref<102400x8xf32, #tpu.memory_space<hbm>> -> memref<102400x8xf32, #tpu.memory_space<hbm>>
      tpu.enqueue_indirect_dma source(%dma_start3A_1128 : memref<102400x8xf32, #tpu.memory_space<hbm>>) target(%dma_start3A_1118 : memref<128x8xf32, #tpu.memory_space<vmem>>) offsets(%dma_start3A_1125 : memref<128xi32, #tpu.memory_space<vmem>>) semaphore(%arg11 : memref<!tpu.dma_semaphore, #tpu.memory_space<semaphore_mem>>)
      %dma_start3A_1129 = arith.constant 7 : i32
      %dma_start3A_1130 = arith.constant 7 : i32
      %dma_start3A_1131 = arith.constant 0 : i32
      %dma_start3A_1132 = arith.constant 0 : i32
      %dma_start3A_1133 = tpu.memref_slice %arg8[%dma_start3A_1130, %dma_start3A_1131, %dma_start3A_1132] : memref<8x128x8xf32, #tpu.memory_space<vmem>> -> memref<1x128x8xf32, #tpu.memory_space<vmem>>
      %dma_start3A_1134 = tpu.memref_squeeze %dma_start3A_1133 : memref<1x128x8xf32, #tpu.memory_space<vmem>> -> memref<128x8xf32, #tpu.memory_space<vmem>>
      %dma_start3A_1135 = arith.constant 0 : i32
      %dma_start3A_1136 = arith.constant 0 : i32
      %dma_start3A_1137 = tpu.memref_slice %arg6[%rem3A_975, %dma_start3A_1135, %dma_start3A_1136] : memref<2x8x128xi32, #tpu.memory_space<vmem>> -> memref<1x8x128xi32, #tpu.memory_space<vmem>>
      %dma_start3A_1138 = tpu.memref_squeeze %dma_start3A_1137 : memref<1x8x128xi32, #tpu.memory_space<vmem>> -> memref<8x128xi32, #tpu.memory_space<vmem>>
      %dma_start3A_1139 = arith.constant 0 : i32
      %dma_start3A_1140 = tpu.memref_slice %dma_start3A_1138[%dma_start3A_1129, %dma_start3A_1139] : memref<8x128xi32, #tpu.memory_space<vmem>> -> memref<1x128xi32, #tpu.memory_space<vmem>>
      %dma_start3A_1141 = tpu.memref_squeeze %dma_start3A_1140 : memref<1x128xi32, #tpu.memory_space<vmem>> -> memref<128xi32, #tpu.memory_space<vmem>>
      %dma_start3A_1142 = arith.constant 0 : i32
      %dma_start3A_1143 = arith.constant 0 : i32
      %dma_start3A_1144 = tpu.memref_slice %arg2[%dma_start3A_1142, %dma_start3A_1143] : memref<102400x8xf32, #tpu.memory_space<hbm>> -> memref<102400x8xf32, #tpu.memory_space<hbm>>
      tpu.enqueue_indirect_dma source(%dma_start3A_1144 : memref<102400x8xf32, #tpu.memory_space<hbm>>) target(%dma_start3A_1134 : memref<128x8xf32, #tpu.memory_space<vmem>>) offsets(%dma_start3A_1141 : memref<128xi32, #tpu.memory_space<vmem>>) semaphore(%arg11 : memref<!tpu.dma_semaphore, #tpu.memory_space<semaphore_mem>>)
      %dma_wait3A_1145 = arith.constant 0 : i32
      %dma_wait3A_1146 = arith.constant 0 : i32
      %dma_wait3A_1147 = arith.constant 0 : i32
      %dma_wait3A_1148 = arith.constant 0 : i32
      %dma_wait3A_1149 = tpu.memref_slice %arg8[%dma_wait3A_1146, %dma_wait3A_1147, %dma_wait3A_1148] : memref<8x128x8xf32, #tpu.memory_space<vmem>> -> memref<1x128x8xf32, #tpu.memory_space<vmem>>
      %dma_wait3A_1150 = tpu.memref_squeeze %dma_wait3A_1149 : memref<1x128x8xf32, #tpu.memory_space<vmem>> -> memref<128x8xf32, #tpu.memory_space<vmem>>
      %dma_wait3A_1151 = arith.constant 0 : i32
      %dma_wait3A_1152 = arith.constant 0 : i32
      %dma_wait3A_1153 = tpu.memref_slice %arg6[%rem3A_975, %dma_wait3A_1151, %dma_wait3A_1152] : memref<2x8x128xi32, #tpu.memory_space<vmem>> -> memref<1x8x128xi32, #tpu.memory_space<vmem>>
      %dma_wait3A_1154 = tpu.memref_squeeze %dma_wait3A_1153 : memref<1x8x128xi32, #tpu.memory_space<vmem>> -> memref<8x128xi32, #tpu.memory_space<vmem>>
      %dma_wait3A_1155 = arith.constant 0 : i32
      %dma_wait3A_1156 = tpu.memref_slice %dma_wait3A_1154[%dma_wait3A_1145, %dma_wait3A_1155] : memref<8x128xi32, #tpu.memory_space<vmem>> -> memref<1x128xi32, #tpu.memory_space<vmem>>
      %dma_wait3A_1157 = tpu.memref_squeeze %dma_wait3A_1156 : memref<1x128xi32, #tpu.memory_space<vmem>> -> memref<128xi32, #tpu.memory_space<vmem>>
      %dma_wait3A_1158 = arith.constant 0 : i32
      %dma_wait3A_1159 = arith.constant 0 : i32
      %dma_wait3A_1160 = tpu.memref_slice %arg2[%dma_wait3A_1158, %dma_wait3A_1159] : memref<102400x8xf32, #tpu.memory_space<hbm>> -> memref<102400x8xf32, #tpu.memory_space<hbm>>
      tpu.wait_indirect_dma semaphore(%arg11 : memref<!tpu.dma_semaphore, #tpu.memory_space<semaphore_mem>>) src(%dma_wait3A_1160 : memref<102400x8xf32, #tpu.memory_space<hbm>>) dst(%dma_wait3A_1150 : memref<128x8xf32, #tpu.memory_space<vmem>>)
      %dma_start3A_1161 = arith.constant 0 : i32
      %dma_start3A_1162 = arith.constant 0 : i32
      %dma_start3A_1163 = arith.constant 0 : i32
      %dma_start3A_1164 = arith.constant 0 : i32
      %dma_start3A_1165 = tpu.memref_slice %arg8[%dma_start3A_1161, %dma_start3A_1163, %dma_start3A_1164] : memref<8x128x8xf32, #tpu.memory_space<vmem>> -> memref<1x128x8xf32, #tpu.memory_space<vmem>>
      %dma_start3A_1166 = tpu.memref_squeeze %dma_start3A_1165 : memref<1x128x8xf32, #tpu.memory_space<vmem>> -> memref<128x8xf32, #tpu.memory_space<vmem>>
      %dma_start3A_1167 = arith.constant 0 : i32
      %dma_start3A_1168 = arith.constant 0 : i32
      %dma_start3A_1169 = tpu.memref_slice %arg7[%rem3A_975, %dma_start3A_1167, %dma_start3A_1168] : memref<2x8x128xi32, #tpu.memory_space<vmem>> -> memref<1x8x128xi32, #tpu.memory_space<vmem>>
      %dma_start3A_1170 = tpu.memref_squeeze %dma_start3A_1169 : memref<1x8x128xi32, #tpu.memory_space<vmem>> -> memref<8x128xi32, #tpu.memory_space<vmem>>
      %dma_start3A_1171 = arith.constant 0 : i32
      %dma_start3A_1172 = tpu.memref_slice %dma_start3A_1170[%dma_start3A_1162, %dma_start3A_1171] : memref<8x128xi32, #tpu.memory_space<vmem>> -> memref<1x128xi32, #tpu.memory_space<vmem>>
      %dma_start3A_1173 = tpu.memref_squeeze %dma_start3A_1172 : memref<1x128xi32, #tpu.memory_space<vmem>> -> memref<128xi32, #tpu.memory_space<vmem>>
      %dma_start3A_1174 = arith.constant 0 : i32
      %dma_start3A_1175 = arith.constant 0 : i32
      %dma_start3A_1176 = tpu.memref_slice %arg9[%dma_start3A_1174, %dma_start3A_1175] : memref<102400x8xf32, #tpu.memory_space<vmem_shared>> -> memref<102400x8xf32, #tpu.memory_space<vmem_shared>>
      tpu.enqueue_indirect_dma source(%dma_start3A_1166 : memref<128x8xf32, #tpu.memory_space<vmem>>) target(%dma_start3A_1176 : memref<102400x8xf32, #tpu.memory_space<vmem_shared>>) offsets(%dma_start3A_1173 : memref<128xi32, #tpu.memory_space<vmem>>) semaphore(%arg12 : memref<!tpu.dma_semaphore, #tpu.memory_space<semaphore_mem>>) {add = true}
      %dma_wait3A_1177 = arith.constant 1 : i32
      %dma_wait3A_1178 = arith.constant 1 : i32
      %dma_wait3A_1179 = arith.constant 0 : i32
      %dma_wait3A_1180 = arith.constant 0 : i32
      %dma_wait3A_1181 = tpu.memref_slice %arg8[%dma_wait3A_1178, %dma_wait3A_1179, %dma_wait3A_1180] : memref<8x128x8xf32, #tpu.memory_space<vmem>> -> memref<1x128x8xf32, #tpu.memory_space<vmem>>
      %dma_wait3A_1182 = tpu.memref_squeeze %dma_wait3A_1181 : memref<1x128x8xf32, #tpu.memory_space<vmem>> -> memref<128x8xf32, #tpu.memory_space<vmem>>
      %dma_wait3A_1183 = arith.constant 0 : i32
      %dma_wait3A_1184 = arith.constant 0 : i32
      %dma_wait3A_1185 = tpu.memref_slice %arg6[%rem3A_975, %dma_wait3A_1183, %dma_wait3A_1184] : memref<2x8x128xi32, #tpu.memory_space<vmem>> -> memref<1x8x128xi32, #tpu.memory_space<vmem>>
      %dma_wait3A_1186 = tpu.memref_squeeze %dma_wait3A_1185 : memref<1x8x128xi32, #tpu.memory_space<vmem>> -> memref<8x128xi32, #tpu.memory_space<vmem>>
      %dma_wait3A_1187 = arith.constant 0 : i32
      %dma_wait3A_1188 = tpu.memref_slice %dma_wait3A_1186[%dma_wait3A_1177, %dma_wait3A_1187] : memref<8x128xi32, #tpu.memory_space<vmem>> -> memref<1x128xi32, #tpu.memory_space<vmem>>
      %dma_wait3A_1189 = tpu.memref_squeeze %dma_wait3A_1188 : memref<1x128xi32, #tpu.memory_space<vmem>> -> memref<128xi32, #tpu.memory_space<vmem>>
      %dma_wait3A_1190 = arith.constant 0 : i32
      %dma_wait3A_1191 = arith.constant 0 : i32
      %dma_wait3A_1192 = tpu.memref_slice %arg2[%dma_wait3A_1190, %dma_wait3A_1191] : memref<102400x8xf32, #tpu.memory_space<hbm>> -> memref<102400x8xf32, #tpu.memory_space<hbm>>
      tpu.wait_indirect_dma semaphore(%arg11 : memref<!tpu.dma_semaphore, #tpu.memory_space<semaphore_mem>>) src(%dma_wait3A_1192 : memref<102400x8xf32, #tpu.memory_space<hbm>>) dst(%dma_wait3A_1182 : memref<128x8xf32, #tpu.memory_space<vmem>>)
      %dma_start3A_1193 = arith.constant 1 : i32
      %dma_start3A_1194 = arith.constant 1 : i32
      %dma_start3A_1195 = arith.constant 0 : i32
      %dma_start3A_1196 = arith.constant 0 : i32
      %dma_start3A_1197 = tpu.memref_slice %arg8[%dma_start3A_1193, %dma_start3A_1195, %dma_start3A_1196] : memref<8x128x8xf32, #tpu.memory_space<vmem>> -> memref<1x128x8xf32, #tpu.memory_space<vmem>>
      %dma_start3A_1198 = tpu.memref_squeeze %dma_start3A_1197 : memref<1x128x8xf32, #tpu.memory_space<vmem>> -> memref<128x8xf32, #tpu.memory_space<vmem>>
      %dma_start3A_1199 = arith.constant 0 : i32
      %dma_start3A_1200 = arith.constant 0 : i32
      %dma_start3A_1201 = tpu.memref_slice %arg7[%rem3A_975, %dma_start3A_1199, %dma_start3A_1200] : memref<2x8x128xi32, #tpu.memory_space<vmem>> -> memref<1x8x128xi32, #tpu.memory_space<vmem>>
      %dma_start3A_1202 = tpu.memref_squeeze %dma_start3A_1201 : memref<1x8x128xi32, #tpu.memory_space<vmem>> -> memref<8x128xi32, #tpu.memory_space<vmem>>
      %dma_start3A_1203 = arith.constant 0 : i32
      %dma_start3A_1204 = tpu.memref_slice %dma_start3A_1202[%dma_start3A_1194, %dma_start3A_1203] : memref<8x128xi32, #tpu.memory_space<vmem>> -> memref<1x128xi32, #tpu.memory_space<vmem>>
      %dma_start3A_1205 = tpu.memref_squeeze %dma_start3A_1204 : memref<1x128xi32, #tpu.memory_space<vmem>> -> memref<128xi32, #tpu.memory_space<vmem>>
      %dma_start3A_1206 = arith.constant 0 : i32
      %dma_start3A_1207 = arith.constant 0 : i32
      %dma_start3A_1208 = tpu.memref_slice %arg9[%dma_start3A_1206, %dma_start3A_1207] : memref<102400x8xf32, #tpu.memory_space<vmem_shared>> -> memref<102400x8xf32, #tpu.memory_space<vmem_shared>>
      tpu.enqueue_indirect_dma source(%dma_start3A_1198 : memref<128x8xf32, #tpu.memory_space<vmem>>) target(%dma_start3A_1208 : memref<102400x8xf32, #tpu.memory_space<vmem_shared>>) offsets(%dma_start3A_1205 : memref<128xi32, #tpu.memory_space<vmem>>) semaphore(%arg12 : memref<!tpu.dma_semaphore, #tpu.memory_space<semaphore_mem>>) {add = true}
      %dma_wait3A_1209 = arith.constant 2 : i32
      %dma_wait3A_1210 = arith.constant 2 : i32
      %dma_wait3A_1211 = arith.constant 0 : i32
      %dma_wait3A_1212 = arith.constant 0 : i32
      %dma_wait3A_1213 = tpu.memref_slice %arg8[%dma_wait3A_1210, %dma_wait3A_1211, %dma_wait3A_1212] : memref<8x128x8xf32, #tpu.memory_space<vmem>> -> memref<1x128x8xf32, #tpu.memory_space<vmem>>
      %dma_wait3A_1214 = tpu.memref_squeeze %dma_wait3A_1213 : memref<1x128x8xf32, #tpu.memory_space<vmem>> -> memref<128x8xf32, #tpu.memory_space<vmem>>
      %dma_wait3A_1215 = arith.constant 0 : i32
      %dma_wait3A_1216 = arith.constant 0 : i32
      %dma_wait3A_1217 = tpu.memref_slice %arg6[%rem3A_975, %dma_wait3A_1215, %dma_wait3A_1216] : memref<2x8x128xi32, #tpu.memory_space<vmem>> -> memref<1x8x128xi32, #tpu.memory_space<vmem>>
      %dma_wait3A_1218 = tpu.memref_squeeze %dma_wait3A_1217 : memref<1x8x128xi32, #tpu.memory_space<vmem>> -> memref<8x128xi32, #tpu.memory_space<vmem>>
      %dma_wait3A_1219 = arith.constant 0 : i32
      %dma_wait3A_1220 = tpu.memref_slice %dma_wait3A_1218[%dma_wait3A_1209, %dma_wait3A_1219] : memref<8x128xi32, #tpu.memory_space<vmem>> -> memref<1x128xi32, #tpu.memory_space<vmem>>
      %dma_wait3A_1221 = tpu.memref_squeeze %dma_wait3A_1220 : memref<1x128xi32, #tpu.memory_space<vmem>> -> memref<128xi32, #tpu.memory_space<vmem>>
      %dma_wait3A_1222 = arith.constant 0 : i32
      %dma_wait3A_1223 = arith.constant 0 : i32
      %dma_wait3A_1224 = tpu.memref_slice %arg2[%dma_wait3A_1222, %dma_wait3A_1223] : memref<102400x8xf32, #tpu.memory_space<hbm>> -> memref<102400x8xf32, #tpu.memory_space<hbm>>
      tpu.wait_indirect_dma semaphore(%arg11 : memref<!tpu.dma_semaphore, #tpu.memory_space<semaphore_mem>>) src(%dma_wait3A_1224 : memref<102400x8xf32, #tpu.memory_space<hbm>>) dst(%dma_wait3A_1214 : memref<128x8xf32, #tpu.memory_space<vmem>>)
      %dma_start3A_1225 = arith.constant 2 : i32
      %dma_start3A_1226 = arith.constant 2 : i32
      %dma_start3A_1227 = arith.constant 0 : i32
      %dma_start3A_1228 = arith.constant 0 : i32
      %dma_start3A_1229 = tpu.memref_slice %arg8[%dma_start3A_1225, %dma_start3A_1227, %dma_start3A_1228] : memref<8x128x8xf32, #tpu.memory_space<vmem>> -> memref<1x128x8xf32, #tpu.memory_space<vmem>>
      %dma_start3A_1230 = tpu.memref_squeeze %dma_start3A_1229 : memref<1x128x8xf32, #tpu.memory_space<vmem>> -> memref<128x8xf32, #tpu.memory_space<vmem>>
      %dma_start3A_1231 = arith.constant 0 : i32
      %dma_start3A_1232 = arith.constant 0 : i32
      %dma_start3A_1233 = tpu.memref_slice %arg7[%rem3A_975, %dma_start3A_1231, %dma_start3A_1232] : memref<2x8x128xi32, #tpu.memory_space<vmem>> -> memref<1x8x128xi32, #tpu.memory_space<vmem>>
      %dma_start3A_1234 = tpu.memref_squeeze %dma_start3A_1233 : memref<1x8x128xi32, #tpu.memory_space<vmem>> -> memref<8x128xi32, #tpu.memory_space<vmem>>
      %dma_start3A_1235 = arith.constant 0 : i32
      %dma_start3A_1236 = tpu.memref_slice %dma_start3A_1234[%dma_start3A_1226, %dma_start3A_1235] : memref<8x128xi32, #tpu.memory_space<vmem>> -> memref<1x128xi32, #tpu.memory_space<vmem>>
      %dma_start3A_1237 = tpu.memref_squeeze %dma_start3A_1236 : memref<1x128xi32, #tpu.memory_space<vmem>> -> memref<128xi32, #tpu.memory_space<vmem>>
      %dma_start3A_1238 = arith.constant 0 : i32
      %dma_start3A_1239 = arith.constant 0 : i32
      %dma_start3A_1240 = tpu.memref_slice %arg9[%dma_start3A_1238, %dma_start3A_1239] : memref<102400x8xf32, #tpu.memory_space<vmem_shared>> -> memref<102400x8xf32, #tpu.memory_space<vmem_shared>>
      tpu.enqueue_indirect_dma source(%dma_start3A_1230 : memref<128x8xf32, #tpu.memory_space<vmem>>) target(%dma_start3A_1240 : memref<102400x8xf32, #tpu.memory_space<vmem_shared>>) offsets(%dma_start3A_1237 : memref<128xi32, #tpu.memory_space<vmem>>) semaphore(%arg12 : memref<!tpu.dma_semaphore, #tpu.memory_space<semaphore_mem>>) {add = true}
      %dma_wait3A_1241 = arith.constant 3 : i32
      %dma_wait3A_1242 = arith.constant 3 : i32
      %dma_wait3A_1243 = arith.constant 0 : i32
      %dma_wait3A_1244 = arith.constant 0 : i32
      %dma_wait3A_1245 = tpu.memref_slice %arg8[%dma_wait3A_1242, %dma_wait3A_1243, %dma_wait3A_1244] : memref<8x128x8xf32, #tpu.memory_space<vmem>> -> memref<1x128x8xf32, #tpu.memory_space<vmem>>
      %dma_wait3A_1246 = tpu.memref_squeeze %dma_wait3A_1245 : memref<1x128x8xf32, #tpu.memory_space<vmem>> -> memref<128x8xf32, #tpu.memory_space<vmem>>
      %dma_wait3A_1247 = arith.constant 0 : i32
      %dma_wait3A_1248 = arith.constant 0 : i32
      %dma_wait3A_1249 = tpu.memref_slice %arg6[%rem3A_975, %dma_wait3A_1247, %dma_wait3A_1248] : memref<2x8x128xi32, #tpu.memory_space<vmem>> -> memref<1x8x128xi32, #tpu.memory_space<vmem>>
      %dma_wait3A_1250 = tpu.memref_squeeze %dma_wait3A_1249 : memref<1x8x128xi32, #tpu.memory_space<vmem>> -> memref<8x128xi32, #tpu.memory_space<vmem>>
      %dma_wait3A_1251 = arith.constant 0 : i32
      %dma_wait3A_1252 = tpu.memref_slice %dma_wait3A_1250[%dma_wait3A_1241, %dma_wait3A_1251] : memref<8x128xi32, #tpu.memory_space<vmem>> -> memref<1x128xi32, #tpu.memory_space<vmem>>
      %dma_wait3A_1253 = tpu.memref_squeeze %dma_wait3A_1252 : memref<1x128xi32, #tpu.memory_space<vmem>> -> memref<128xi32, #tpu.memory_space<vmem>>
      %dma_wait3A_1254 = arith.constant 0 : i32
      %dma_wait3A_1255 = arith.constant 0 : i32
      %dma_wait3A_1256 = tpu.memref_slice %arg2[%dma_wait3A_1254, %dma_wait3A_1255] : memref<102400x8xf32, #tpu.memory_space<hbm>> -> memref<102400x8xf32, #tpu.memory_space<hbm>>
      tpu.wait_indirect_dma semaphore(%arg11 : memref<!tpu.dma_semaphore, #tpu.memory_space<semaphore_mem>>) src(%dma_wait3A_1256 : memref<102400x8xf32, #tpu.memory_space<hbm>>) dst(%dma_wait3A_1246 : memref<128x8xf32, #tpu.memory_space<vmem>>)
      %dma_start3A_1257 = arith.constant 3 : i32
      %dma_start3A_1258 = arith.constant 3 : i32
      %dma_start3A_1259 = arith.constant 0 : i32
      %dma_start3A_1260 = arith.constant 0 : i32
      %dma_start3A_1261 = tpu.memref_slice %arg8[%dma_start3A_1257, %dma_start3A_1259, %dma_start3A_1260] : memref<8x128x8xf32, #tpu.memory_space<vmem>> -> memref<1x128x8xf32, #tpu.memory_space<vmem>>
      %dma_start3A_1262 = tpu.memref_squeeze %dma_start3A_1261 : memref<1x128x8xf32, #tpu.memory_space<vmem>> -> memref<128x8xf32, #tpu.memory_space<vmem>>
      %dma_start3A_1263 = arith.constant 0 : i32
      %dma_start3A_1264 = arith.constant 0 : i32
      %dma_start3A_1265 = tpu.memref_slice %arg7[%rem3A_975, %dma_start3A_1263, %dma_start3A_1264] : memref<2x8x128xi32, #tpu.memory_space<vmem>> -> memref<1x8x128xi32, #tpu.memory_space<vmem>>
      %dma_start3A_1266 = tpu.memref_squeeze %dma_start3A_1265 : memref<1x8x128xi32, #tpu.memory_space<vmem>> -> memref<8x128xi32, #tpu.memory_space<vmem>>
      %dma_start3A_1267 = arith.constant 0 : i32
      %dma_start3A_1268 = tpu.memref_slice %dma_start3A_1266[%dma_start3A_1258, %dma_start3A_1267] : memref<8x128xi32, #tpu.memory_space<vmem>> -> memref<1x128xi32, #tpu.memory_space<vmem>>
      %dma_start3A_1269 = tpu.memref_squeeze %dma_start3A_1268 : memref<1x128xi32, #tpu.memory_space<vmem>> -> memref<128xi32, #tpu.memory_space<vmem>>
      %dma_start3A_1270 = arith.constant 0 : i32
      %dma_start3A_1271 = arith.constant 0 : i32
      %dma_start3A_1272 = tpu.memref_slice %arg9[%dma_start3A_1270, %dma_start3A_1271] : memref<102400x8xf32, #tpu.memory_space<vmem_shared>> -> memref<102400x8xf32, #tpu.memory_space<vmem_shared>>
      tpu.enqueue_indirect_dma source(%dma_start3A_1262 : memref<128x8xf32, #tpu.memory_space<vmem>>) target(%dma_start3A_1272 : memref<102400x8xf32, #tpu.memory_space<vmem_shared>>) offsets(%dma_start3A_1269 : memref<128xi32, #tpu.memory_space<vmem>>) semaphore(%arg12 : memref<!tpu.dma_semaphore, #tpu.memory_space<semaphore_mem>>) {add = true}
      %dma_wait3A_1273 = arith.constant 4 : i32
      %dma_wait3A_1274 = arith.constant 4 : i32
      %dma_wait3A_1275 = arith.constant 0 : i32
      %dma_wait3A_1276 = arith.constant 0 : i32
      %dma_wait3A_1277 = tpu.memref_slice %arg8[%dma_wait3A_1274, %dma_wait3A_1275, %dma_wait3A_1276] : memref<8x128x8xf32, #tpu.memory_space<vmem>> -> memref<1x128x8xf32, #tpu.memory_space<vmem>>
      %dma_wait3A_1278 = tpu.memref_squeeze %dma_wait3A_1277 : memref<1x128x8xf32, #tpu.memory_space<vmem>> -> memref<128x8xf32, #tpu.memory_space<vmem>>
      %dma_wait3A_1279 = arith.constant 0 : i32
      %dma_wait3A_1280 = arith.constant 0 : i32
      %dma_wait3A_1281 = tpu.memref_slice %arg6[%rem3A_975, %dma_wait3A_1279, %dma_wait3A_1280] : memref<2x8x128xi32, #tpu.memory_space<vmem>> -> memref<1x8x128xi32, #tpu.memory_space<vmem>>
      %dma_wait3A_1282 = tpu.memref_squeeze %dma_wait3A_1281 : memref<1x8x128xi32, #tpu.memory_space<vmem>> -> memref<8x128xi32, #tpu.memory_space<vmem>>
      %dma_wait3A_1283 = arith.constant 0 : i32
      %dma_wait3A_1284 = tpu.memref_slice %dma_wait3A_1282[%dma_wait3A_1273, %dma_wait3A_1283] : memref<8x128xi32, #tpu.memory_space<vmem>> -> memref<1x128xi32, #tpu.memory_space<vmem>>
      %dma_wait3A_1285 = tpu.memref_squeeze %dma_wait3A_1284 : memref<1x128xi32, #tpu.memory_space<vmem>> -> memref<128xi32, #tpu.memory_space<vmem>>
      %dma_wait3A_1286 = arith.constant 0 : i32
      %dma_wait3A_1287 = arith.constant 0 : i32
      %dma_wait3A_1288 = tpu.memref_slice %arg2[%dma_wait3A_1286, %dma_wait3A_1287] : memref<102400x8xf32, #tpu.memory_space<hbm>> -> memref<102400x8xf32, #tpu.memory_space<hbm>>
      tpu.wait_indirect_dma semaphore(%arg11 : memref<!tpu.dma_semaphore, #tpu.memory_space<semaphore_mem>>) src(%dma_wait3A_1288 : memref<102400x8xf32, #tpu.memory_space<hbm>>) dst(%dma_wait3A_1278 : memref<128x8xf32, #tpu.memory_space<vmem>>)
      %dma_start3A_1289 = arith.constant 4 : i32
      %dma_start3A_1290 = arith.constant 4 : i32
      %dma_start3A_1291 = arith.constant 0 : i32
      %dma_start3A_1292 = arith.constant 0 : i32
      %dma_start3A_1293 = tpu.memref_slice %arg8[%dma_start3A_1289, %dma_start3A_1291, %dma_start3A_1292] : memref<8x128x8xf32, #tpu.memory_space<vmem>> -> memref<1x128x8xf32, #tpu.memory_space<vmem>>
      %dma_start3A_1294 = tpu.memref_squeeze %dma_start3A_1293 : memref<1x128x8xf32, #tpu.memory_space<vmem>> -> memref<128x8xf32, #tpu.memory_space<vmem>>
      %dma_start3A_1295 = arith.constant 0 : i32
      %dma_start3A_1296 = arith.constant 0 : i32
      %dma_start3A_1297 = tpu.memref_slice %arg7[%rem3A_975, %dma_start3A_1295, %dma_start3A_1296] : memref<2x8x128xi32, #tpu.memory_space<vmem>> -> memref<1x8x128xi32, #tpu.memory_space<vmem>>
      %dma_start3A_1298 = tpu.memref_squeeze %dma_start3A_1297 : memref<1x8x128xi32, #tpu.memory_space<vmem>> -> memref<8x128xi32, #tpu.memory_space<vmem>>
      %dma_start3A_1299 = arith.constant 0 : i32
      %dma_start3A_1300 = tpu.memref_slice %dma_start3A_1298[%dma_start3A_1290, %dma_start3A_1299] : memref<8x128xi32, #tpu.memory_space<vmem>> -> memref<1x128xi32, #tpu.memory_space<vmem>>
      %dma_start3A_1301 = tpu.memref_squeeze %dma_start3A_1300 : memref<1x128xi32, #tpu.memory_space<vmem>> -> memref<128xi32, #tpu.memory_space<vmem>>
      %dma_start3A_1302 = arith.constant 0 : i32
      %dma_start3A_1303 = arith.constant 0 : i32
      %dma_start3A_1304 = tpu.memref_slice %arg9[%dma_start3A_1302, %dma_start3A_1303] : memref<102400x8xf32, #tpu.memory_space<vmem_shared>> -> memref<102400x8xf32, #tpu.memory_space<vmem_shared>>
      tpu.enqueue_indirect_dma source(%dma_start3A_1294 : memref<128x8xf32, #tpu.memory_space<vmem>>) target(%dma_start3A_1304 : memref<102400x8xf32, #tpu.memory_space<vmem_shared>>) offsets(%dma_start3A_1301 : memref<128xi32, #tpu.memory_space<vmem>>) semaphore(%arg12 : memref<!tpu.dma_semaphore, #tpu.memory_space<semaphore_mem>>) {add = true}
      %dma_wait3A_1305 = arith.constant 5 : i32
      %dma_wait3A_1306 = arith.constant 5 : i32
      %dma_wait3A_1307 = arith.constant 0 : i32
      %dma_wait3A_1308 = arith.constant 0 : i32
      %dma_wait3A_1309 = tpu.memref_slice %arg8[%dma_wait3A_1306, %dma_wait3A_1307, %dma_wait3A_1308] : memref<8x128x8xf32, #tpu.memory_space<vmem>> -> memref<1x128x8xf32, #tpu.memory_space<vmem>>
      %dma_wait3A_1310 = tpu.memref_squeeze %dma_wait3A_1309 : memref<1x128x8xf32, #tpu.memory_space<vmem>> -> memref<128x8xf32, #tpu.memory_space<vmem>>
      %dma_wait3A_1311 = arith.constant 0 : i32
      %dma_wait3A_1312 = arith.constant 0 : i32
      %dma_wait3A_1313 = tpu.memref_slice %arg6[%rem3A_975, %dma_wait3A_1311, %dma_wait3A_1312] : memref<2x8x128xi32, #tpu.memory_space<vmem>> -> memref<1x8x128xi32, #tpu.memory_space<vmem>>
      %dma_wait3A_1314 = tpu.memref_squeeze %dma_wait3A_1313 : memref<1x8x128xi32, #tpu.memory_space<vmem>> -> memref<8x128xi32, #tpu.memory_space<vmem>>
      %dma_wait3A_1315 = arith.constant 0 : i32
      %dma_wait3A_1316 = tpu.memref_slice %dma_wait3A_1314[%dma_wait3A_1305, %dma_wait3A_1315] : memref<8x128xi32, #tpu.memory_space<vmem>> -> memref<1x128xi32, #tpu.memory_space<vmem>>
      %dma_wait3A_1317 = tpu.memref_squeeze %dma_wait3A_1316 : memref<1x128xi32, #tpu.memory_space<vmem>> -> memref<128xi32, #tpu.memory_space<vmem>>
      %dma_wait3A_1318 = arith.constant 0 : i32
      %dma_wait3A_1319 = arith.constant 0 : i32
      %dma_wait3A_1320 = tpu.memref_slice %arg2[%dma_wait3A_1318, %dma_wait3A_1319] : memref<102400x8xf32, #tpu.memory_space<hbm>> -> memref<102400x8xf32, #tpu.memory_space<hbm>>
      tpu.wait_indirect_dma semaphore(%arg11 : memref<!tpu.dma_semaphore, #tpu.memory_space<semaphore_mem>>) src(%dma_wait3A_1320 : memref<102400x8xf32, #tpu.memory_space<hbm>>) dst(%dma_wait3A_1310 : memref<128x8xf32, #tpu.memory_space<vmem>>)
      %dma_start3A_1321 = arith.constant 5 : i32
      %dma_start3A_1322 = arith.constant 5 : i32
      %dma_start3A_1323 = arith.constant 0 : i32
      %dma_start3A_1324 = arith.constant 0 : i32
      %dma_start3A_1325 = tpu.memref_slice %arg8[%dma_start3A_1321, %dma_start3A_1323, %dma_start3A_1324] : memref<8x128x8xf32, #tpu.memory_space<vmem>> -> memref<1x128x8xf32, #tpu.memory_space<vmem>>
      %dma_start3A_1326 = tpu.memref_squeeze %dma_start3A_1325 : memref<1x128x8xf32, #tpu.memory_space<vmem>> -> memref<128x8xf32, #tpu.memory_space<vmem>>
      %dma_start3A_1327 = arith.constant 0 : i32
      %dma_start3A_1328 = arith.constant 0 : i32
      %dma_start3A_1329 = tpu.memref_slice %arg7[%rem3A_975, %dma_start3A_1327, %dma_start3A_1328] : memref<2x8x128xi32, #tpu.memory_space<vmem>> -> memref<1x8x128xi32, #tpu.memory_space<vmem>>
      %dma_start3A_1330 = tpu.memref_squeeze %dma_start3A_1329 : memref<1x8x128xi32, #tpu.memory_space<vmem>> -> memref<8x128xi32, #tpu.memory_space<vmem>>
      %dma_start3A_1331 = arith.constant 0 : i32
      %dma_start3A_1332 = tpu.memref_slice %dma_start3A_1330[%dma_start3A_1322, %dma_start3A_1331] : memref<8x128xi32, #tpu.memory_space<vmem>> -> memref<1x128xi32, #tpu.memory_space<vmem>>
      %dma_start3A_1333 = tpu.memref_squeeze %dma_start3A_1332 : memref<1x128xi32, #tpu.memory_space<vmem>> -> memref<128xi32, #tpu.memory_space<vmem>>
      %dma_start3A_1334 = arith.constant 0 : i32
      %dma_start3A_1335 = arith.constant 0 : i32
      %dma_start3A_1336 = tpu.memref_slice %arg9[%dma_start3A_1334, %dma_start3A_1335] : memref<102400x8xf32, #tpu.memory_space<vmem_shared>> -> memref<102400x8xf32, #tpu.memory_space<vmem_shared>>
      tpu.enqueue_indirect_dma source(%dma_start3A_1326 : memref<128x8xf32, #tpu.memory_space<vmem>>) target(%dma_start3A_1336 : memref<102400x8xf32, #tpu.memory_space<vmem_shared>>) offsets(%dma_start3A_1333 : memref<128xi32, #tpu.memory_space<vmem>>) semaphore(%arg12 : memref<!tpu.dma_semaphore, #tpu.memory_space<semaphore_mem>>) {add = true}
      %dma_wait3A_1337 = arith.constant 6 : i32
      %dma_wait3A_1338 = arith.constant 6 : i32
      %dma_wait3A_1339 = arith.constant 0 : i32
      %dma_wait3A_1340 = arith.constant 0 : i32
      %dma_wait3A_1341 = tpu.memref_slice %arg8[%dma_wait3A_1338, %dma_wait3A_1339, %dma_wait3A_1340] : memref<8x128x8xf32, #tpu.memory_space<vmem>> -> memref<1x128x8xf32, #tpu.memory_space<vmem>>
      %dma_wait3A_1342 = tpu.memref_squeeze %dma_wait3A_1341 : memref<1x128x8xf32, #tpu.memory_space<vmem>> -> memref<128x8xf32, #tpu.memory_space<vmem>>
      %dma_wait3A_1343 = arith.constant 0 : i32
      %dma_wait3A_1344 = arith.constant 0 : i32
      %dma_wait3A_1345 = tpu.memref_slice %arg6[%rem3A_975, %dma_wait3A_1343, %dma_wait3A_1344] : memref<2x8x128xi32, #tpu.memory_space<vmem>> -> memref<1x8x128xi32, #tpu.memory_space<vmem>>
      %dma_wait3A_1346 = tpu.memref_squeeze %dma_wait3A_1345 : memref<1x8x128xi32, #tpu.memory_space<vmem>> -> memref<8x128xi32, #tpu.memory_space<vmem>>
      %dma_wait3A_1347 = arith.constant 0 : i32
      %dma_wait3A_1348 = tpu.memref_slice %dma_wait3A_1346[%dma_wait3A_1337, %dma_wait3A_1347] : memref<8x128xi32, #tpu.memory_space<vmem>> -> memref<1x128xi32, #tpu.memory_space<vmem>>
      %dma_wait3A_1349 = tpu.memref_squeeze %dma_wait3A_1348 : memref<1x128xi32, #tpu.memory_space<vmem>> -> memref<128xi32, #tpu.memory_space<vmem>>
      %dma_wait3A_1350 = arith.constant 0 : i32
      %dma_wait3A_1351 = arith.constant 0 : i32
      %dma_wait3A_1352 = tpu.memref_slice %arg2[%dma_wait3A_1350, %dma_wait3A_1351] : memref<102400x8xf32, #tpu.memory_space<hbm>> -> memref<102400x8xf32, #tpu.memory_space<hbm>>
      tpu.wait_indirect_dma semaphore(%arg11 : memref<!tpu.dma_semaphore, #tpu.memory_space<semaphore_mem>>) src(%dma_wait3A_1352 : memref<102400x8xf32, #tpu.memory_space<hbm>>) dst(%dma_wait3A_1342 : memref<128x8xf32, #tpu.memory_space<vmem>>)
      %dma_start3A_1353 = arith.constant 6 : i32
      %dma_start3A_1354 = arith.constant 6 : i32
      %dma_start3A_1355 = arith.constant 0 : i32
      %dma_start3A_1356 = arith.constant 0 : i32
      %dma_start3A_1357 = tpu.memref_slice %arg8[%dma_start3A_1353, %dma_start3A_1355, %dma_start3A_1356] : memref<8x128x8xf32, #tpu.memory_space<vmem>> -> memref<1x128x8xf32, #tpu.memory_space<vmem>>
      %dma_start3A_1358 = tpu.memref_squeeze %dma_start3A_1357 : memref<1x128x8xf32, #tpu.memory_space<vmem>> -> memref<128x8xf32, #tpu.memory_space<vmem>>
      %dma_start3A_1359 = arith.constant 0 : i32
      %dma_start3A_1360 = arith.constant 0 : i32
      %dma_start3A_1361 = tpu.memref_slice %arg7[%rem3A_975, %dma_start3A_1359, %dma_start3A_1360] : memref<2x8x128xi32, #tpu.memory_space<vmem>> -> memref<1x8x128xi32, #tpu.memory_space<vmem>>
      %dma_start3A_1362 = tpu.memref_squeeze %dma_start3A_1361 : memref<1x8x128xi32, #tpu.memory_space<vmem>> -> memref<8x128xi32, #tpu.memory_space<vmem>>
      %dma_start3A_1363 = arith.constant 0 : i32
      %dma_start3A_1364 = tpu.memref_slice %dma_start3A_1362[%dma_start3A_1354, %dma_start3A_1363] : memref<8x128xi32, #tpu.memory_space<vmem>> -> memref<1x128xi32, #tpu.memory_space<vmem>>
      %dma_start3A_1365 = tpu.memref_squeeze %dma_start3A_1364 : memref<1x128xi32, #tpu.memory_space<vmem>> -> memref<128xi32, #tpu.memory_space<vmem>>
      %dma_start3A_1366 = arith.constant 0 : i32
      %dma_start3A_1367 = arith.constant 0 : i32
      %dma_start3A_1368 = tpu.memref_slice %arg9[%dma_start3A_1366, %dma_start3A_1367] : memref<102400x8xf32, #tpu.memory_space<vmem_shared>> -> memref<102400x8xf32, #tpu.memory_space<vmem_shared>>
      tpu.enqueue_indirect_dma source(%dma_start3A_1358 : memref<128x8xf32, #tpu.memory_space<vmem>>) target(%dma_start3A_1368 : memref<102400x8xf32, #tpu.memory_space<vmem_shared>>) offsets(%dma_start3A_1365 : memref<128xi32, #tpu.memory_space<vmem>>) semaphore(%arg12 : memref<!tpu.dma_semaphore, #tpu.memory_space<semaphore_mem>>) {add = true}
      %dma_wait3A_1369 = arith.constant 7 : i32
      %dma_wait3A_1370 = arith.constant 7 : i32
      %dma_wait3A_1371 = arith.constant 0 : i32
      %dma_wait3A_1372 = arith.constant 0 : i32
      %dma_wait3A_1373 = tpu.memref_slice %arg8[%dma_wait3A_1370, %dma_wait3A_1371, %dma_wait3A_1372] : memref<8x128x8xf32, #tpu.memory_space<vmem>> -> memref<1x128x8xf32, #tpu.memory_space<vmem>>
      %dma_wait3A_1374 = tpu.memref_squeeze %dma_wait3A_1373 : memref<1x128x8xf32, #tpu.memory_space<vmem>> -> memref<128x8xf32, #tpu.memory_space<vmem>>
      %dma_wait3A_1375 = arith.constant 0 : i32
      %dma_wait3A_1376 = arith.constant 0 : i32
      %dma_wait3A_1377 = tpu.memref_slice %arg6[%rem3A_975, %dma_wait3A_1375, %dma_wait3A_1376] : memref<2x8x128xi32, #tpu.memory_space<vmem>> -> memref<1x8x128xi32, #tpu.memory_space<vmem>>
      %dma_wait3A_1378 = tpu.memref_squeeze %dma_wait3A_1377 : memref<1x8x128xi32, #tpu.memory_space<vmem>> -> memref<8x128xi32, #tpu.memory_space<vmem>>
      %dma_wait3A_1379 = arith.constant 0 : i32
      %dma_wait3A_1380 = tpu.memref_slice %dma_wait3A_1378[%dma_wait3A_1369, %dma_wait3A_1379] : memref<8x128xi32, #tpu.memory_space<vmem>> -> memref<1x128xi32, #tpu.memory_space<vmem>>
      %dma_wait3A_1381 = tpu.memref_squeeze %dma_wait3A_1380 : memref<1x128xi32, #tpu.memory_space<vmem>> -> memref<128xi32, #tpu.memory_space<vmem>>
      %dma_wait3A_1382 = arith.constant 0 : i32
      %dma_wait3A_1383 = arith.constant 0 : i32
      %dma_wait3A_1384 = tpu.memref_slice %arg2[%dma_wait3A_1382, %dma_wait3A_1383] : memref<102400x8xf32, #tpu.memory_space<hbm>> -> memref<102400x8xf32, #tpu.memory_space<hbm>>
      tpu.wait_indirect_dma semaphore(%arg11 : memref<!tpu.dma_semaphore, #tpu.memory_space<semaphore_mem>>) src(%dma_wait3A_1384 : memref<102400x8xf32, #tpu.memory_space<hbm>>) dst(%dma_wait3A_1374 : memref<128x8xf32, #tpu.memory_space<vmem>>)
      %dma_start3A_1385 = arith.constant 7 : i32
      %dma_start3A_1386 = arith.constant 7 : i32
      %dma_start3A_1387 = arith.constant 0 : i32
      %dma_start3A_1388 = arith.constant 0 : i32
      %dma_start3A_1389 = tpu.memref_slice %arg8[%dma_start3A_1385, %dma_start3A_1387, %dma_start3A_1388] : memref<8x128x8xf32, #tpu.memory_space<vmem>> -> memref<1x128x8xf32, #tpu.memory_space<vmem>>
      %dma_start3A_1390 = tpu.memref_squeeze %dma_start3A_1389 : memref<1x128x8xf32, #tpu.memory_space<vmem>> -> memref<128x8xf32, #tpu.memory_space<vmem>>
      %dma_start3A_1391 = arith.constant 0 : i32
      %dma_start3A_1392 = arith.constant 0 : i32
      %dma_start3A_1393 = tpu.memref_slice %arg7[%rem3A_975, %dma_start3A_1391, %dma_start3A_1392] : memref<2x8x128xi32, #tpu.memory_space<vmem>> -> memref<1x8x128xi32, #tpu.memory_space<vmem>>
      %dma_start3A_1394 = tpu.memref_squeeze %dma_start3A_1393 : memref<1x8x128xi32, #tpu.memory_space<vmem>> -> memref<8x128xi32, #tpu.memory_space<vmem>>
      %dma_start3A_1395 = arith.constant 0 : i32
      %dma_start3A_1396 = tpu.memref_slice %dma_start3A_1394[%dma_start3A_1386, %dma_start3A_1395] : memref<8x128xi32, #tpu.memory_space<vmem>> -> memref<1x128xi32, #tpu.memory_space<vmem>>
      %dma_start3A_1397 = tpu.memref_squeeze %dma_start3A_1396 : memref<1x128xi32, #tpu.memory_space<vmem>> -> memref<128xi32, #tpu.memory_space<vmem>>
      %dma_start3A_1398 = arith.constant 0 : i32
      %dma_start3A_1399 = arith.constant 0 : i32
      %dma_start3A_1400 = tpu.memref_slice %arg9[%dma_start3A_1398, %dma_start3A_1399] : memref<102400x8xf32, #tpu.memory_space<vmem_shared>> -> memref<102400x8xf32, #tpu.memory_space<vmem_shared>>
      tpu.enqueue_indirect_dma source(%dma_start3A_1390 : memref<128x8xf32, #tpu.memory_space<vmem>>) target(%dma_start3A_1400 : memref<102400x8xf32, #tpu.memory_space<vmem_shared>>) offsets(%dma_start3A_1397 : memref<128xi32, #tpu.memory_space<vmem>>) semaphore(%arg12 : memref<!tpu.dma_semaphore, #tpu.memory_space<semaphore_mem>>) {add = true}
      %dma_wait3A_1401 = arith.constant 0 : i32
      %dma_wait3A_1402 = arith.constant 0 : i32
      %dma_wait3A_1403 = arith.constant 0 : i32
      %dma_wait3A_1404 = arith.constant 0 : i32
      %dma_wait3A_1405 = tpu.memref_slice %arg8[%dma_wait3A_1401, %dma_wait3A_1403, %dma_wait3A_1404] : memref<8x128x8xf32, #tpu.memory_space<vmem>> -> memref<1x128x8xf32, #tpu.memory_space<vmem>>
      %dma_wait3A_1406 = tpu.memref_squeeze %dma_wait3A_1405 : memref<1x128x8xf32, #tpu.memory_space<vmem>> -> memref<128x8xf32, #tpu.memory_space<vmem>>
      %dma_wait3A_1407 = arith.constant 0 : i32
      %dma_wait3A_1408 = arith.constant 0 : i32
      %dma_wait3A_1409 = tpu.memref_slice %arg7[%rem3A_975, %dma_wait3A_1407, %dma_wait3A_1408] : memref<2x8x128xi32, #tpu.memory_space<vmem>> -> memref<1x8x128xi32, #tpu.memory_space<vmem>>
      %dma_wait3A_1410 = tpu.memref_squeeze %dma_wait3A_1409 : memref<1x8x128xi32, #tpu.memory_space<vmem>> -> memref<8x128xi32, #tpu.memory_space<vmem>>
      %dma_wait3A_1411 = arith.constant 0 : i32
      %dma_wait3A_1412 = tpu.memref_slice %dma_wait3A_1410[%dma_wait3A_1402, %dma_wait3A_1411] : memref<8x128xi32, #tpu.memory_space<vmem>> -> memref<1x128xi32, #tpu.memory_space<vmem>>
      %dma_wait3A_1413 = tpu.memref_squeeze %dma_wait3A_1412 : memref<1x128xi32, #tpu.memory_space<vmem>> -> memref<128xi32, #tpu.memory_space<vmem>>
      %dma_wait3A_1414 = arith.constant 0 : i32
      %dma_wait3A_1415 = arith.constant 0 : i32
      %dma_wait3A_1416 = tpu.memref_slice %arg9[%dma_wait3A_1414, %dma_wait3A_1415] : memref<102400x8xf32, #tpu.memory_space<vmem_shared>> -> memref<102400x8xf32, #tpu.memory_space<vmem_shared>>
      tpu.wait_indirect_dma semaphore(%arg12 : memref<!tpu.dma_semaphore, #tpu.memory_space<semaphore_mem>>) src(%dma_wait3A_1406 : memref<128x8xf32, #tpu.memory_space<vmem>>) dst(%dma_wait3A_1416 : memref<102400x8xf32, #tpu.memory_space<vmem_shared>>)
      %dma_wait3A_1417 = arith.constant 1 : i32
      %dma_wait3A_1418 = arith.constant 1 : i32
      %dma_wait3A_1419 = arith.constant 0 : i32
      %dma_wait3A_1420 = arith.constant 0 : i32
      %dma_wait3A_1421 = tpu.memref_slice %arg8[%dma_wait3A_1417, %dma_wait3A_1419, %dma_wait3A_1420] : memref<8x128x8xf32, #tpu.memory_space<vmem>> -> memref<1x128x8xf32, #tpu.memory_space<vmem>>
      %dma_wait3A_1422 = tpu.memref_squeeze %dma_wait3A_1421 : memref<1x128x8xf32, #tpu.memory_space<vmem>> -> memref<128x8xf32, #tpu.memory_space<vmem>>
      %dma_wait3A_1423 = arith.constant 0 : i32
      %dma_wait3A_1424 = arith.constant 0 : i32
      %dma_wait3A_1425 = tpu.memref_slice %arg7[%rem3A_975, %dma_wait3A_1423, %dma_wait3A_1424] : memref<2x8x128xi32, #tpu.memory_space<vmem>> -> memref<1x8x128xi32, #tpu.memory_space<vmem>>
      %dma_wait3A_1426 = tpu.memref_squeeze %dma_wait3A_1425 : memref<1x8x128xi32, #tpu.memory_space<vmem>> -> memref<8x128xi32, #tpu.memory_space<vmem>>
      %dma_wait3A_1427 = arith.constant 0 : i32
      %dma_wait3A_1428 = tpu.memref_slice %dma_wait3A_1426[%dma_wait3A_1418, %dma_wait3A_1427] : memref<8x128xi32, #tpu.memory_space<vmem>> -> memref<1x128xi32, #tpu.memory_space<vmem>>
      %dma_wait3A_1429 = tpu.memref_squeeze %dma_wait3A_1428 : memref<1x128xi32, #tpu.memory_space<vmem>> -> memref<128xi32, #tpu.memory_space<vmem>>
      %dma_wait3A_1430 = arith.constant 0 : i32
      %dma_wait3A_1431 = arith.constant 0 : i32
      %dma_wait3A_1432 = tpu.memref_slice %arg9[%dma_wait3A_1430, %dma_wait3A_1431] : memref<102400x8xf32, #tpu.memory_space<vmem_shared>> -> memref<102400x8xf32, #tpu.memory_space<vmem_shared>>
      tpu.wait_indirect_dma semaphore(%arg12 : memref<!tpu.dma_semaphore, #tpu.memory_space<semaphore_mem>>) src(%dma_wait3A_1422 : memref<128x8xf32, #tpu.memory_space<vmem>>) dst(%dma_wait3A_1432 : memref<102400x8xf32, #tpu.memory_space<vmem_shared>>)
      %dma_wait3A_1433 = arith.constant 2 : i32
      %dma_wait3A_1434 = arith.constant 2 : i32
      %dma_wait3A_1435 = arith.constant 0 : i32
      %dma_wait3A_1436 = arith.constant 0 : i32
      %dma_wait3A_1437 = tpu.memref_slice %arg8[%dma_wait3A_1433, %dma_wait3A_1435, %dma_wait3A_1436] : memref<8x128x8xf32, #tpu.memory_space<vmem>> -> memref<1x128x8xf32, #tpu.memory_space<vmem>>
      %dma_wait3A_1438 = tpu.memref_squeeze %dma_wait3A_1437 : memref<1x128x8xf32, #tpu.memory_space<vmem>> -> memref<128x8xf32, #tpu.memory_space<vmem>>
      %dma_wait3A_1439 = arith.constant 0 : i32
      %dma_wait3A_1440 = arith.constant 0 : i32
      %dma_wait3A_1441 = tpu.memref_slice %arg7[%rem3A_975, %dma_wait3A_1439, %dma_wait3A_1440] : memref<2x8x128xi32, #tpu.memory_space<vmem>> -> memref<1x8x128xi32, #tpu.memory_space<vmem>>
      %dma_wait3A_1442 = tpu.memref_squeeze %dma_wait3A_1441 : memref<1x8x128xi32, #tpu.memory_space<vmem>> -> memref<8x128xi32, #tpu.memory_space<vmem>>
      %dma_wait3A_1443 = arith.constant 0 : i32
      %dma_wait3A_1444 = tpu.memref_slice %dma_wait3A_1442[%dma_wait3A_1434, %dma_wait3A_1443] : memref<8x128xi32, #tpu.memory_space<vmem>> -> memref<1x128xi32, #tpu.memory_space<vmem>>
      %dma_wait3A_1445 = tpu.memref_squeeze %dma_wait3A_1444 : memref<1x128xi32, #tpu.memory_space<vmem>> -> memref<128xi32, #tpu.memory_space<vmem>>
      %dma_wait3A_1446 = arith.constant 0 : i32
      %dma_wait3A_1447 = arith.constant 0 : i32
      %dma_wait3A_1448 = tpu.memref_slice %arg9[%dma_wait3A_1446, %dma_wait3A_1447] : memref<102400x8xf32, #tpu.memory_space<vmem_shared>> -> memref<102400x8xf32, #tpu.memory_space<vmem_shared>>
      tpu.wait_indirect_dma semaphore(%arg12 : memref<!tpu.dma_semaphore, #tpu.memory_space<semaphore_mem>>) src(%dma_wait3A_1438 : memref<128x8xf32, #tpu.memory_space<vmem>>) dst(%dma_wait3A_1448 : memref<102400x8xf32, #tpu.memory_space<vmem_shared>>)
      %dma_wait3A_1449 = arith.constant 3 : i32
      %dma_wait3A_1450 = arith.constant 3 : i32
      %dma_wait3A_1451 = arith.constant 0 : i32
      %dma_wait3A_1452 = arith.constant 0 : i32
      %dma_wait3A_1453 = tpu.memref_slice %arg8[%dma_wait3A_1449, %dma_wait3A_1451, %dma_wait3A_1452] : memref<8x128x8xf32, #tpu.memory_space<vmem>> -> memref<1x128x8xf32, #tpu.memory_space<vmem>>
      %dma_wait3A_1454 = tpu.memref_squeeze %dma_wait3A_1453 : memref<1x128x8xf32, #tpu.memory_space<vmem>> -> memref<128x8xf32, #tpu.memory_space<vmem>>
      %dma_wait3A_1455 = arith.constant 0 : i32
      %dma_wait3A_1456 = arith.constant 0 : i32
      %dma_wait3A_1457 = tpu.memref_slice %arg7[%rem3A_975, %dma_wait3A_1455, %dma_wait3A_1456] : memref<2x8x128xi32, #tpu.memory_space<vmem>> -> memref<1x8x128xi32, #tpu.memory_space<vmem>>
      %dma_wait3A_1458 = tpu.memref_squeeze %dma_wait3A_1457 : memref<1x8x128xi32, #tpu.memory_space<vmem>> -> memref<8x128xi32, #tpu.memory_space<vmem>>
      %dma_wait3A_1459 = arith.constant 0 : i32
      %dma_wait3A_1460 = tpu.memref_slice %dma_wait3A_1458[%dma_wait3A_1450, %dma_wait3A_1459] : memref<8x128xi32, #tpu.memory_space<vmem>> -> memref<1x128xi32, #tpu.memory_space<vmem>>
      %dma_wait3A_1461 = tpu.memref_squeeze %dma_wait3A_1460 : memref<1x128xi32, #tpu.memory_space<vmem>> -> memref<128xi32, #tpu.memory_space<vmem>>
      %dma_wait3A_1462 = arith.constant 0 : i32
      %dma_wait3A_1463 = arith.constant 0 : i32
      %dma_wait3A_1464 = tpu.memref_slice %arg9[%dma_wait3A_1462, %dma_wait3A_1463] : memref<102400x8xf32, #tpu.memory_space<vmem_shared>> -> memref<102400x8xf32, #tpu.memory_space<vmem_shared>>
      tpu.wait_indirect_dma semaphore(%arg12 : memref<!tpu.dma_semaphore, #tpu.memory_space<semaphore_mem>>) src(%dma_wait3A_1454 : memref<128x8xf32, #tpu.memory_space<vmem>>) dst(%dma_wait3A_1464 : memref<102400x8xf32, #tpu.memory_space<vmem_shared>>)
      %dma_wait3A_1465 = arith.constant 4 : i32
      %dma_wait3A_1466 = arith.constant 4 : i32
      %dma_wait3A_1467 = arith.constant 0 : i32
      %dma_wait3A_1468 = arith.constant 0 : i32
      %dma_wait3A_1469 = tpu.memref_slice %arg8[%dma_wait3A_1465, %dma_wait3A_1467, %dma_wait3A_1468] : memref<8x128x8xf32, #tpu.memory_space<vmem>> -> memref<1x128x8xf32, #tpu.memory_space<vmem>>
      %dma_wait3A_1470 = tpu.memref_squeeze %dma_wait3A_1469 : memref<1x128x8xf32, #tpu.memory_space<vmem>> -> memref<128x8xf32, #tpu.memory_space<vmem>>
      %dma_wait3A_1471 = arith.constant 0 : i32
      %dma_wait3A_1472 = arith.constant 0 : i32
      %dma_wait3A_1473 = tpu.memref_slice %arg7[%rem3A_975, %dma_wait3A_1471, %dma_wait3A_1472] : memref<2x8x128xi32, #tpu.memory_space<vmem>> -> memref<1x8x128xi32, #tpu.memory_space<vmem>>
      %dma_wait3A_1474 = tpu.memref_squeeze %dma_wait3A_1473 : memref<1x8x128xi32, #tpu.memory_space<vmem>> -> memref<8x128xi32, #tpu.memory_space<vmem>>
      %dma_wait3A_1475 = arith.constant 0 : i32
      %dma_wait3A_1476 = tpu.memref_slice %dma_wait3A_1474[%dma_wait3A_1466, %dma_wait3A_1475] : memref<8x128xi32, #tpu.memory_space<vmem>> -> memref<1x128xi32, #tpu.memory_space<vmem>>
      %dma_wait3A_1477 = tpu.memref_squeeze %dma_wait3A_1476 : memref<1x128xi32, #tpu.memory_space<vmem>> -> memref<128xi32, #tpu.memory_space<vmem>>
      %dma_wait3A_1478 = arith.constant 0 : i32
      %dma_wait3A_1479 = arith.constant 0 : i32
      %dma_wait3A_1480 = tpu.memref_slice %arg9[%dma_wait3A_1478, %dma_wait3A_1479] : memref<102400x8xf32, #tpu.memory_space<vmem_shared>> -> memref<102400x8xf32, #tpu.memory_space<vmem_shared>>
      tpu.wait_indirect_dma semaphore(%arg12 : memref<!tpu.dma_semaphore, #tpu.memory_space<semaphore_mem>>) src(%dma_wait3A_1470 : memref<128x8xf32, #tpu.memory_space<vmem>>) dst(%dma_wait3A_1480 : memref<102400x8xf32, #tpu.memory_space<vmem_shared>>)
      %dma_wait3A_1481 = arith.constant 5 : i32
      %dma_wait3A_1482 = arith.constant 5 : i32
      %dma_wait3A_1483 = arith.constant 0 : i32
      %dma_wait3A_1484 = arith.constant 0 : i32
      %dma_wait3A_1485 = tpu.memref_slice %arg8[%dma_wait3A_1481, %dma_wait3A_1483, %dma_wait3A_1484] : memref<8x128x8xf32, #tpu.memory_space<vmem>> -> memref<1x128x8xf32, #tpu.memory_space<vmem>>
      %dma_wait3A_1486 = tpu.memref_squeeze %dma_wait3A_1485 : memref<1x128x8xf32, #tpu.memory_space<vmem>> -> memref<128x8xf32, #tpu.memory_space<vmem>>
      %dma_wait3A_1487 = arith.constant 0 : i32
      %dma_wait3A_1488 = arith.constant 0 : i32
      %dma_wait3A_1489 = tpu.memref_slice %arg7[%rem3A_975, %dma_wait3A_1487, %dma_wait3A_1488] : memref<2x8x128xi32, #tpu.memory_space<vmem>> -> memref<1x8x128xi32, #tpu.memory_space<vmem>>
      %dma_wait3A_1490 = tpu.memref_squeeze %dma_wait3A_1489 : memref<1x8x128xi32, #tpu.memory_space<vmem>> -> memref<8x128xi32, #tpu.memory_space<vmem>>
      %dma_wait3A_1491 = arith.constant 0 : i32
      %dma_wait3A_1492 = tpu.memref_slice %dma_wait3A_1490[%dma_wait3A_1482, %dma_wait3A_1491] : memref<8x128xi32, #tpu.memory_space<vmem>> -> memref<1x128xi32, #tpu.memory_space<vmem>>
      %dma_wait3A_1493 = tpu.memref_squeeze %dma_wait3A_1492 : memref<1x128xi32, #tpu.memory_space<vmem>> -> memref<128xi32, #tpu.memory_space<vmem>>
      %dma_wait3A_1494 = arith.constant 0 : i32
      %dma_wait3A_1495 = arith.constant 0 : i32
      %dma_wait3A_1496 = tpu.memref_slice %arg9[%dma_wait3A_1494, %dma_wait3A_1495] : memref<102400x8xf32, #tpu.memory_space<vmem_shared>> -> memref<102400x8xf32, #tpu.memory_space<vmem_shared>>
      tpu.wait_indirect_dma semaphore(%arg12 : memref<!tpu.dma_semaphore, #tpu.memory_space<semaphore_mem>>) src(%dma_wait3A_1486 : memref<128x8xf32, #tpu.memory_space<vmem>>) dst(%dma_wait3A_1496 : memref<102400x8xf32, #tpu.memory_space<vmem_shared>>)
      %dma_wait3A_1497 = arith.constant 6 : i32
      %dma_wait3A_1498 = arith.constant 6 : i32
      %dma_wait3A_1499 = arith.constant 0 : i32
      %dma_wait3A_1500 = arith.constant 0 : i32
      %dma_wait3A_1501 = tpu.memref_slice %arg8[%dma_wait3A_1497, %dma_wait3A_1499, %dma_wait3A_1500] : memref<8x128x8xf32, #tpu.memory_space<vmem>> -> memref<1x128x8xf32, #tpu.memory_space<vmem>>
      %dma_wait3A_1502 = tpu.memref_squeeze %dma_wait3A_1501 : memref<1x128x8xf32, #tpu.memory_space<vmem>> -> memref<128x8xf32, #tpu.memory_space<vmem>>
      %dma_wait3A_1503 = arith.constant 0 : i32
      %dma_wait3A_1504 = arith.constant 0 : i32
      %dma_wait3A_1505 = tpu.memref_slice %arg7[%rem3A_975, %dma_wait3A_1503, %dma_wait3A_1504] : memref<2x8x128xi32, #tpu.memory_space<vmem>> -> memref<1x8x128xi32, #tpu.memory_space<vmem>>
      %dma_wait3A_1506 = tpu.memref_squeeze %dma_wait3A_1505 : memref<1x8x128xi32, #tpu.memory_space<vmem>> -> memref<8x128xi32, #tpu.memory_space<vmem>>
      %dma_wait3A_1507 = arith.constant 0 : i32
      %dma_wait3A_1508 = tpu.memref_slice %dma_wait3A_1506[%dma_wait3A_1498, %dma_wait3A_1507] : memref<8x128xi32, #tpu.memory_space<vmem>> -> memref<1x128xi32, #tpu.memory_space<vmem>>
      %dma_wait3A_1509 = tpu.memref_squeeze %dma_wait3A_1508 : memref<1x128xi32, #tpu.memory_space<vmem>> -> memref<128xi32, #tpu.memory_space<vmem>>
      %dma_wait3A_1510 = arith.constant 0 : i32
      %dma_wait3A_1511 = arith.constant 0 : i32
      %dma_wait3A_1512 = tpu.memref_slice %arg9[%dma_wait3A_1510, %dma_wait3A_1511] : memref<102400x8xf32, #tpu.memory_space<vmem_shared>> -> memref<102400x8xf32, #tpu.memory_space<vmem_shared>>
      tpu.wait_indirect_dma semaphore(%arg12 : memref<!tpu.dma_semaphore, #tpu.memory_space<semaphore_mem>>) src(%dma_wait3A_1502 : memref<128x8xf32, #tpu.memory_space<vmem>>) dst(%dma_wait3A_1512 : memref<102400x8xf32, #tpu.memory_space<vmem_shared>>)
      %dma_wait3A_1513 = arith.constant 7 : i32
      %dma_wait3A_1514 = arith.constant 7 : i32
      %dma_wait3A_1515 = arith.constant 0 : i32
      %dma_wait3A_1516 = arith.constant 0 : i32
      %dma_wait3A_1517 = tpu.memref_slice %arg8[%dma_wait3A_1513, %dma_wait3A_1515, %dma_wait3A_1516] : memref<8x128x8xf32, #tpu.memory_space<vmem>> -> memref<1x128x8xf32, #tpu.memory_space<vmem>>
      %dma_wait3A_1518 = tpu.memref_squeeze %dma_wait3A_1517 : memref<1x128x8xf32, #tpu.memory_space<vmem>> -> memref<128x8xf32, #tpu.memory_space<vmem>>
      %dma_wait3A_1519 = arith.constant 0 : i32
      %dma_wait3A_1520 = arith.constant 0 : i32
      %dma_wait3A_1521 = tpu.memref_slice %arg7[%rem3A_975, %dma_wait3A_1519, %dma_wait3A_1520] : memref<2x8x128xi32, #tpu.memory_space<vmem>> -> memref<1x8x128xi32, #tpu.memory_space<vmem>>
      %dma_wait3A_1522 = tpu.memref_squeeze %dma_wait3A_1521 : memref<1x8x128xi32, #tpu.memory_space<vmem>> -> memref<8x128xi32, #tpu.memory_space<vmem>>
      %dma_wait3A_1523 = arith.constant 0 : i32
      %dma_wait3A_1524 = tpu.memref_slice %dma_wait3A_1522[%dma_wait3A_1514, %dma_wait3A_1523] : memref<8x128xi32, #tpu.memory_space<vmem>> -> memref<1x128xi32, #tpu.memory_space<vmem>>
      %dma_wait3A_1525 = tpu.memref_squeeze %dma_wait3A_1524 : memref<1x128xi32, #tpu.memory_space<vmem>> -> memref<128xi32, #tpu.memory_space<vmem>>
      %dma_wait3A_1526 = arith.constant 0 : i32
      %dma_wait3A_1527 = arith.constant 0 : i32
      %dma_wait3A_1528 = tpu.memref_slice %arg9[%dma_wait3A_1526, %dma_wait3A_1527] : memref<102400x8xf32, #tpu.memory_space<vmem_shared>> -> memref<102400x8xf32, #tpu.memory_space<vmem_shared>>
      tpu.wait_indirect_dma semaphore(%arg12 : memref<!tpu.dma_semaphore, #tpu.memory_space<semaphore_mem>>) src(%dma_wait3A_1518 : memref<128x8xf32, #tpu.memory_space<vmem>>) dst(%dma_wait3A_1528 : memref<102400x8xf32, #tpu.memory_space<vmem_shared>>)
      %dma_wait3A_1529 = arith.constant 1 : i32
      %dma_wait3A_1530 = arith.constant 0 : i32
      %dma_wait3A_1531 = arith.constant 0 : i32
      %dma_wait3A_1532 = tpu.memref_slice %arg6[%sub3A_976, %dma_wait3A_1530, %dma_wait3A_1531] : memref<2x8x128xi32, #tpu.memory_space<vmem>> -> memref<1x8x128xi32, #tpu.memory_space<vmem>>
      %dma_wait3A_1533 = tpu.memref_squeeze %dma_wait3A_1532 : memref<1x8x128xi32, #tpu.memory_space<vmem>> -> memref<8x128xi32, #tpu.memory_space<vmem>>
      %dma_wait3A_1534 = arith.constant 0 : i32
      %dma_wait3A_1535 = tpu.memref_slice %arg3[%dma_wait3A_1529, %add3A_981, %dma_wait3A_1534] : memref<2x25000x128xi32, #tpu.memory_space<hbm>> -> memref<1x8x128xi32, #tpu.memory_space<hbm>>
      %dma_wait3A_1536 = tpu.memref_squeeze %dma_wait3A_1535 : memref<1x8x128xi32, #tpu.memory_space<hbm>> -> memref<8x128xi32, #tpu.memory_space<hbm>>
      %dma_wait3A_1537 = arith.constant 0 : i32
      %dma_wait3A_1538 = arith.constant 0 : i32
      %dma_wait3A_1539 = tpu.memref_slice %arg6[%sub3A_976, %dma_wait3A_1537, %dma_wait3A_1538] : memref<2x8x128xi32, #tpu.memory_space<vmem>> -> memref<1x8x128xi32, #tpu.memory_space<vmem>>
      %dma_wait3A_1540 = tpu.memref_squeeze %dma_wait3A_1539 : memref<1x8x128xi32, #tpu.memory_space<vmem>> -> memref<8x128xi32, #tpu.memory_space<vmem>>
      %dma_wait3A_1541 = arith.constant 0 : i32
      %dma_wait3A_1542 = tpu.memref_slice %arg3[%dma_wait3A_1529, %add3A_981, %dma_wait3A_1541] : memref<2x25000x128xi32, #tpu.memory_space<hbm>> -> memref<1x8x128xi32, #tpu.memory_space<hbm>>
      %dma_wait3A_1543 = tpu.memref_squeeze %dma_wait3A_1542 : memref<1x8x128xi32, #tpu.memory_space<hbm>> -> memref<8x128xi32, #tpu.memory_space<hbm>>
      tpu.wait_dma2 semaphore(%arg10 : memref<!tpu.dma_semaphore, #tpu.memory_space<semaphore_mem>>) src(%dma_wait3A_1543 : memref<8x128xi32, #tpu.memory_space<hbm>>) dst(%dma_wait3A_1540 : memref<8x128xi32, #tpu.memory_space<vmem>>)
      %dma_wait3A_1544 = arith.constant 0 : i32
      %dma_wait3A_1545 = arith.constant 0 : i32
      %dma_wait3A_1546 = arith.constant 0 : i32
      %dma_wait3A_1547 = tpu.memref_slice %arg7[%sub3A_976, %dma_wait3A_1545, %dma_wait3A_1546] : memref<2x8x128xi32, #tpu.memory_space<vmem>> -> memref<1x8x128xi32, #tpu.memory_space<vmem>>
      %dma_wait3A_1548 = tpu.memref_squeeze %dma_wait3A_1547 : memref<1x8x128xi32, #tpu.memory_space<vmem>> -> memref<8x128xi32, #tpu.memory_space<vmem>>
      %dma_wait3A_1549 = arith.constant 0 : i32
      %dma_wait3A_1550 = tpu.memref_slice %arg3[%dma_wait3A_1544, %add3A_1001, %dma_wait3A_1549] : memref<2x25000x128xi32, #tpu.memory_space<hbm>> -> memref<1x8x128xi32, #tpu.memory_space<hbm>>
      %dma_wait3A_1551 = tpu.memref_squeeze %dma_wait3A_1550 : memref<1x8x128xi32, #tpu.memory_space<hbm>> -> memref<8x128xi32, #tpu.memory_space<hbm>>
      %dma_wait3A_1552 = arith.constant 0 : i32
      %dma_wait3A_1553 = arith.constant 0 : i32
      %dma_wait3A_1554 = tpu.memref_slice %arg7[%sub3A_976, %dma_wait3A_1552, %dma_wait3A_1553] : memref<2x8x128xi32, #tpu.memory_space<vmem>> -> memref<1x8x128xi32, #tpu.memory_space<vmem>>
      %dma_wait3A_1555 = tpu.memref_squeeze %dma_wait3A_1554 : memref<1x8x128xi32, #tpu.memory_space<vmem>> -> memref<8x128xi32, #tpu.memory_space<vmem>>
      %dma_wait3A_1556 = arith.constant 0 : i32
      %dma_wait3A_1557 = tpu.memref_slice %arg3[%dma_wait3A_1544, %add3A_1001, %dma_wait3A_1556] : memref<2x25000x128xi32, #tpu.memory_space<hbm>> -> memref<1x8x128xi32, #tpu.memory_space<hbm>>
      %dma_wait3A_1558 = tpu.memref_squeeze %dma_wait3A_1557 : memref<1x8x128xi32, #tpu.memory_space<hbm>> -> memref<8x128xi32, #tpu.memory_space<hbm>>
      tpu.wait_dma2 semaphore(%arg10 : memref<!tpu.dma_semaphore, #tpu.memory_space<semaphore_mem>>) src(%dma_wait3A_1558 : memref<8x128xi32, #tpu.memory_space<hbm>>) dst(%dma_wait3A_1555 : memref<8x128xi32, #tpu.memory_space<vmem>>)
    }
    %scan3A_14 = arith.constant 96 : i32
    %add3A_15 = arith.constant 776 : i32
    %add3A_16 = arith.addi %add3A_6, %add3A_15 : i32
    %dma_start3A = arith.constant 1 : i32
    %dma_start3A_17 = arith.constant 1 : i32
    %dma_start3A_18 = arith.constant 0 : i32
    %dma_start3A_19 = arith.constant 0 : i32
    %dma_start3A_20 = tpu.memref_slice %arg6[%dma_start3A_17, %dma_start3A_18, %dma_start3A_19] : memref<2x8x128xi32, #tpu.memory_space<vmem>> -> memref<1x5x128xi32, #tpu.memory_space<vmem>>
    %dma_start3A_21 = tpu.memref_squeeze %dma_start3A_20 : memref<1x5x128xi32, #tpu.memory_space<vmem>> -> memref<5x128xi32, #tpu.memory_space<vmem>>
    %dma_start3A_22 = arith.constant 0 : i32
    %dma_start3A_23 = tpu.memref_slice %arg3[%dma_start3A, %add3A_16, %dma_start3A_22] : memref<2x25000x128xi32, #tpu.memory_space<hbm>> -> memref<1x5x128xi32, #tpu.memory_space<hbm>>
    %dma_start3A_24 = tpu.memref_squeeze %dma_start3A_23 : memref<1x5x128xi32, #tpu.memory_space<hbm>> -> memref<5x128xi32, #tpu.memory_space<hbm>>
    %dma_start3A_25 = arith.constant 0 : i32
    %dma_start3A_26 = arith.constant 0 : i32
    %dma_start3A_27 = tpu.memref_slice %arg6[%dma_start3A_17, %dma_start3A_25, %dma_start3A_26] : memref<2x8x128xi32, #tpu.memory_space<vmem>> -> memref<1x5x128xi32, #tpu.memory_space<vmem>>
    %dma_start3A_28 = tpu.memref_squeeze %dma_start3A_27 : memref<1x5x128xi32, #tpu.memory_space<vmem>> -> memref<5x128xi32, #tpu.memory_space<vmem>>
    %dma_start3A_29 = arith.constant 0 : i32
    %dma_start3A_30 = tpu.memref_slice %arg3[%dma_start3A, %add3A_16, %dma_start3A_29] : memref<2x25000x128xi32, #tpu.memory_space<hbm>> -> memref<1x5x128xi32, #tpu.memory_space<hbm>>
    %dma_start3A_31 = tpu.memref_squeeze %dma_start3A_30 : memref<1x5x128xi32, #tpu.memory_space<hbm>> -> memref<5x128xi32, #tpu.memory_space<hbm>>
    tpu.enqueue_dma source(%dma_start3A_31 : memref<5x128xi32, #tpu.memory_space<hbm>>) target(%dma_start3A_28 : memref<5x128xi32, #tpu.memory_space<vmem>>) target_semaphore(%arg10 : memref<!tpu.dma_semaphore, #tpu.memory_space<semaphore_mem>>)
    %add3A_32 = arith.constant 776 : i32
    %add3A_33 = arith.addi %add3A_6, %add3A_32 : i32
    %dma_start3A_34 = arith.constant 0 : i32
    %dma_start3A_35 = arith.constant 1 : i32
    %dma_start3A_36 = arith.constant 0 : i32
    %dma_start3A_37 = arith.constant 0 : i32
    %dma_start3A_38 = tpu.memref_slice %arg7[%dma_start3A_35, %dma_start3A_36, %dma_start3A_37] : memref<2x8x128xi32, #tpu.memory_space<vmem>> -> memref<1x5x128xi32, #tpu.memory_space<vmem>>
    %dma_start3A_39 = tpu.memref_squeeze %dma_start3A_38 : memref<1x5x128xi32, #tpu.memory_space<vmem>> -> memref<5x128xi32, #tpu.memory_space<vmem>>
    %dma_start3A_40 = arith.constant 0 : i32
    %dma_start3A_41 = tpu.memref_slice %arg3[%dma_start3A_34, %add3A_33, %dma_start3A_40] : memref<2x25000x128xi32, #tpu.memory_space<hbm>> -> memref<1x5x128xi32, #tpu.memory_space<hbm>>
    %dma_start3A_42 = tpu.memref_squeeze %dma_start3A_41 : memref<1x5x128xi32, #tpu.memory_space<hbm>> -> memref<5x128xi32, #tpu.memory_space<hbm>>
    %dma_start3A_43 = arith.constant 0 : i32
    %dma_start3A_44 = arith.constant 0 : i32
    %dma_start3A_45 = tpu.memref_slice %arg7[%dma_start3A_35, %dma_start3A_43, %dma_start3A_44] : memref<2x8x128xi32, #tpu.memory_space<vmem>> -> memref<1x5x128xi32, #tpu.memory_space<vmem>>
    %dma_start3A_46 = tpu.memref_squeeze %dma_start3A_45 : memref<1x5x128xi32, #tpu.memory_space<vmem>> -> memref<5x128xi32, #tpu.memory_space<vmem>>
    %dma_start3A_47 = arith.constant 0 : i32
    %dma_start3A_48 = tpu.memref_slice %arg3[%dma_start3A_34, %add3A_33, %dma_start3A_47] : memref<2x25000x128xi32, #tpu.memory_space<hbm>> -> memref<1x5x128xi32, #tpu.memory_space<hbm>>
    %dma_start3A_49 = tpu.memref_squeeze %dma_start3A_48 : memref<1x5x128xi32, #tpu.memory_space<hbm>> -> memref<5x128xi32, #tpu.memory_space<hbm>>
    tpu.enqueue_dma source(%dma_start3A_49 : memref<5x128xi32, #tpu.memory_space<hbm>>) target(%dma_start3A_46 : memref<5x128xi32, #tpu.memory_space<vmem>>) target_semaphore(%arg10 : memref<!tpu.dma_semaphore, #tpu.memory_space<semaphore_mem>>)
    %dma_start3A_50 = arith.constant 0 : i32
    %dma_start3A_51 = arith.constant 0 : i32
    %dma_start3A_52 = arith.constant 0 : i32
    %dma_start3A_53 = arith.constant 0 : i32
    %dma_start3A_54 = arith.constant 0 : i32
    %dma_start3A_55 = tpu.memref_slice %arg8[%dma_start3A_52, %dma_start3A_53, %dma_start3A_54] : memref<8x128x8xf32, #tpu.memory_space<vmem>> -> memref<1x128x8xf32, #tpu.memory_space<vmem>>
    %dma_start3A_56 = tpu.memref_squeeze %dma_start3A_55 : memref<1x128x8xf32, #tpu.memory_space<vmem>> -> memref<128x8xf32, #tpu.memory_space<vmem>>
    %dma_start3A_57 = arith.constant 0 : i32
    %dma_start3A_58 = arith.constant 0 : i32
    %dma_start3A_59 = tpu.memref_slice %arg6[%dma_start3A_50, %dma_start3A_57, %dma_start3A_58] : memref<2x8x128xi32, #tpu.memory_space<vmem>> -> memref<1x8x128xi32, #tpu.memory_space<vmem>>
    %dma_start3A_60 = tpu.memref_squeeze %dma_start3A_59 : memref<1x8x128xi32, #tpu.memory_space<vmem>> -> memref<8x128xi32, #tpu.memory_space<vmem>>
    %dma_start3A_61 = arith.constant 0 : i32
    %dma_start3A_62 = tpu.memref_slice %dma_start3A_60[%dma_start3A_51, %dma_start3A_61] : memref<8x128xi32, #tpu.memory_space<vmem>> -> memref<1x128xi32, #tpu.memory_space<vmem>>
    %dma_start3A_63 = tpu.memref_squeeze %dma_start3A_62 : memref<1x128xi32, #tpu.memory_space<vmem>> -> memref<128xi32, #tpu.memory_space<vmem>>
    %dma_start3A_64 = arith.constant 0 : i32
    %dma_start3A_65 = arith.constant 0 : i32
    %dma_start3A_66 = tpu.memref_slice %arg2[%dma_start3A_64, %dma_start3A_65] : memref<102400x8xf32, #tpu.memory_space<hbm>> -> memref<102400x8xf32, #tpu.memory_space<hbm>>
    tpu.enqueue_indirect_dma source(%dma_start3A_66 : memref<102400x8xf32, #tpu.memory_space<hbm>>) target(%dma_start3A_56 : memref<128x8xf32, #tpu.memory_space<vmem>>) offsets(%dma_start3A_63 : memref<128xi32, #tpu.memory_space<vmem>>) semaphore(%arg11 : memref<!tpu.dma_semaphore, #tpu.memory_space<semaphore_mem>>)
    %dma_start3A_67 = arith.constant 0 : i32
    %dma_start3A_68 = arith.constant 1 : i32
    %dma_start3A_69 = arith.constant 1 : i32
    %dma_start3A_70 = arith.constant 0 : i32
    %dma_start3A_71 = arith.constant 0 : i32
    %dma_start3A_72 = tpu.memref_slice %arg8[%dma_start3A_69, %dma_start3A_70, %dma_start3A_71] : memref<8x128x8xf32, #tpu.memory_space<vmem>> -> memref<1x128x8xf32, #tpu.memory_space<vmem>>
    %dma_start3A_73 = tpu.memref_squeeze %dma_start3A_72 : memref<1x128x8xf32, #tpu.memory_space<vmem>> -> memref<128x8xf32, #tpu.memory_space<vmem>>
    %dma_start3A_74 = arith.constant 0 : i32
    %dma_start3A_75 = arith.constant 0 : i32
    %dma_start3A_76 = tpu.memref_slice %arg6[%dma_start3A_67, %dma_start3A_74, %dma_start3A_75] : memref<2x8x128xi32, #tpu.memory_space<vmem>> -> memref<1x8x128xi32, #tpu.memory_space<vmem>>
    %dma_start3A_77 = tpu.memref_squeeze %dma_start3A_76 : memref<1x8x128xi32, #tpu.memory_space<vmem>> -> memref<8x128xi32, #tpu.memory_space<vmem>>
    %dma_start3A_78 = arith.constant 0 : i32
    %dma_start3A_79 = tpu.memref_slice %dma_start3A_77[%dma_start3A_68, %dma_start3A_78] : memref<8x128xi32, #tpu.memory_space<vmem>> -> memref<1x128xi32, #tpu.memory_space<vmem>>
    %dma_start3A_80 = tpu.memref_squeeze %dma_start3A_79 : memref<1x128xi32, #tpu.memory_space<vmem>> -> memref<128xi32, #tpu.memory_space<vmem>>
    %dma_start3A_81 = arith.constant 0 : i32
    %dma_start3A_82 = arith.constant 0 : i32
    %dma_start3A_83 = tpu.memref_slice %arg2[%dma_start3A_81, %dma_start3A_82] : memref<102400x8xf32, #tpu.memory_space<hbm>> -> memref<102400x8xf32, #tpu.memory_space<hbm>>
    tpu.enqueue_indirect_dma source(%dma_start3A_83 : memref<102400x8xf32, #tpu.memory_space<hbm>>) target(%dma_start3A_73 : memref<128x8xf32, #tpu.memory_space<vmem>>) offsets(%dma_start3A_80 : memref<128xi32, #tpu.memory_space<vmem>>) semaphore(%arg11 : memref<!tpu.dma_semaphore, #tpu.memory_space<semaphore_mem>>)
    %dma_start3A_84 = arith.constant 0 : i32
    %dma_start3A_85 = arith.constant 2 : i32
    %dma_start3A_86 = arith.constant 2 : i32
    %dma_start3A_87 = arith.constant 0 : i32
    %dma_start3A_88 = arith.constant 0 : i32
    %dma_start3A_89 = tpu.memref_slice %arg8[%dma_start3A_86, %dma_start3A_87, %dma_start3A_88] : memref<8x128x8xf32, #tpu.memory_space<vmem>> -> memref<1x128x8xf32, #tpu.memory_space<vmem>>
    %dma_start3A_90 = tpu.memref_squeeze %dma_start3A_89 : memref<1x128x8xf32, #tpu.memory_space<vmem>> -> memref<128x8xf32, #tpu.memory_space<vmem>>
    %dma_start3A_91 = arith.constant 0 : i32
    %dma_start3A_92 = arith.constant 0 : i32
    %dma_start3A_93 = tpu.memref_slice %arg6[%dma_start3A_84, %dma_start3A_91, %dma_start3A_92] : memref<2x8x128xi32, #tpu.memory_space<vmem>> -> memref<1x8x128xi32, #tpu.memory_space<vmem>>
    %dma_start3A_94 = tpu.memref_squeeze %dma_start3A_93 : memref<1x8x128xi32, #tpu.memory_space<vmem>> -> memref<8x128xi32, #tpu.memory_space<vmem>>
    %dma_start3A_95 = arith.constant 0 : i32
    %dma_start3A_96 = tpu.memref_slice %dma_start3A_94[%dma_start3A_85, %dma_start3A_95] : memref<8x128xi32, #tpu.memory_space<vmem>> -> memref<1x128xi32, #tpu.memory_space<vmem>>
    %dma_start3A_97 = tpu.memref_squeeze %dma_start3A_96 : memref<1x128xi32, #tpu.memory_space<vmem>> -> memref<128xi32, #tpu.memory_space<vmem>>
    %dma_start3A_98 = arith.constant 0 : i32
    %dma_start3A_99 = arith.constant 0 : i32
    %dma_start3A_100 = tpu.memref_slice %arg2[%dma_start3A_98, %dma_start3A_99] : memref<102400x8xf32, #tpu.memory_space<hbm>> -> memref<102400x8xf32, #tpu.memory_space<hbm>>
    tpu.enqueue_indirect_dma source(%dma_start3A_100 : memref<102400x8xf32, #tpu.memory_space<hbm>>) target(%dma_start3A_90 : memref<128x8xf32, #tpu.memory_space<vmem>>) offsets(%dma_start3A_97 : memref<128xi32, #tpu.memory_space<vmem>>) semaphore(%arg11 : memref<!tpu.dma_semaphore, #tpu.memory_space<semaphore_mem>>)
    %dma_start3A_101 = arith.constant 0 : i32
    %dma_start3A_102 = arith.constant 3 : i32
    %dma_start3A_103 = arith.constant 3 : i32
    %dma_start3A_104 = arith.constant 0 : i32
    %dma_start3A_105 = arith.constant 0 : i32
    %dma_start3A_106 = tpu.memref_slice %arg8[%dma_start3A_103, %dma_start3A_104, %dma_start3A_105] : memref<8x128x8xf32, #tpu.memory_space<vmem>> -> memref<1x128x8xf32, #tpu.memory_space<vmem>>
    %dma_start3A_107 = tpu.memref_squeeze %dma_start3A_106 : memref<1x128x8xf32, #tpu.memory_space<vmem>> -> memref<128x8xf32, #tpu.memory_space<vmem>>
    %dma_start3A_108 = arith.constant 0 : i32
    %dma_start3A_109 = arith.constant 0 : i32
    %dma_start3A_110 = tpu.memref_slice %arg6[%dma_start3A_101, %dma_start3A_108, %dma_start3A_109] : memref<2x8x128xi32, #tpu.memory_space<vmem>> -> memref<1x8x128xi32, #tpu.memory_space<vmem>>
    %dma_start3A_111 = tpu.memref_squeeze %dma_start3A_110 : memref<1x8x128xi32, #tpu.memory_space<vmem>> -> memref<8x128xi32, #tpu.memory_space<vmem>>
    %dma_start3A_112 = arith.constant 0 : i32
    %dma_start3A_113 = tpu.memref_slice %dma_start3A_111[%dma_start3A_102, %dma_start3A_112] : memref<8x128xi32, #tpu.memory_space<vmem>> -> memref<1x128xi32, #tpu.memory_space<vmem>>
    %dma_start3A_114 = tpu.memref_squeeze %dma_start3A_113 : memref<1x128xi32, #tpu.memory_space<vmem>> -> memref<128xi32, #tpu.memory_space<vmem>>
    %dma_start3A_115 = arith.constant 0 : i32
    %dma_start3A_116 = arith.constant 0 : i32
    %dma_start3A_117 = tpu.memref_slice %arg2[%dma_start3A_115, %dma_start3A_116] : memref<102400x8xf32, #tpu.memory_space<hbm>> -> memref<102400x8xf32, #tpu.memory_space<hbm>>
    tpu.enqueue_indirect_dma source(%dma_start3A_117 : memref<102400x8xf32, #tpu.memory_space<hbm>>) target(%dma_start3A_107 : memref<128x8xf32, #tpu.memory_space<vmem>>) offsets(%dma_start3A_114 : memref<128xi32, #tpu.memory_space<vmem>>) semaphore(%arg11 : memref<!tpu.dma_semaphore, #tpu.memory_space<semaphore_mem>>)
    %dma_start3A_118 = arith.constant 0 : i32
    %dma_start3A_119 = arith.constant 4 : i32
    %dma_start3A_120 = arith.constant 4 : i32
    %dma_start3A_121 = arith.constant 0 : i32
    %dma_start3A_122 = arith.constant 0 : i32
    %dma_start3A_123 = tpu.memref_slice %arg8[%dma_start3A_120, %dma_start3A_121, %dma_start3A_122] : memref<8x128x8xf32, #tpu.memory_space<vmem>> -> memref<1x128x8xf32, #tpu.memory_space<vmem>>
    %dma_start3A_124 = tpu.memref_squeeze %dma_start3A_123 : memref<1x128x8xf32, #tpu.memory_space<vmem>> -> memref<128x8xf32, #tpu.memory_space<vmem>>
    %dma_start3A_125 = arith.constant 0 : i32
    %dma_start3A_126 = arith.constant 0 : i32
    %dma_start3A_127 = tpu.memref_slice %arg6[%dma_start3A_118, %dma_start3A_125, %dma_start3A_126] : memref<2x8x128xi32, #tpu.memory_space<vmem>> -> memref<1x8x128xi32, #tpu.memory_space<vmem>>
    %dma_start3A_128 = tpu.memref_squeeze %dma_start3A_127 : memref<1x8x128xi32, #tpu.memory_space<vmem>> -> memref<8x128xi32, #tpu.memory_space<vmem>>
    %dma_start3A_129 = arith.constant 0 : i32
    %dma_start3A_130 = tpu.memref_slice %dma_start3A_128[%dma_start3A_119, %dma_start3A_129] : memref<8x128xi32, #tpu.memory_space<vmem>> -> memref<1x128xi32, #tpu.memory_space<vmem>>
    %dma_start3A_131 = tpu.memref_squeeze %dma_start3A_130 : memref<1x128xi32, #tpu.memory_space<vmem>> -> memref<128xi32, #tpu.memory_space<vmem>>
    %dma_start3A_132 = arith.constant 0 : i32
    %dma_start3A_133 = arith.constant 0 : i32
    %dma_start3A_134 = tpu.memref_slice %arg2[%dma_start3A_132, %dma_start3A_133] : memref<102400x8xf32, #tpu.memory_space<hbm>> -> memref<102400x8xf32, #tpu.memory_space<hbm>>
    tpu.enqueue_indirect_dma source(%dma_start3A_134 : memref<102400x8xf32, #tpu.memory_space<hbm>>) target(%dma_start3A_124 : memref<128x8xf32, #tpu.memory_space<vmem>>) offsets(%dma_start3A_131 : memref<128xi32, #tpu.memory_space<vmem>>) semaphore(%arg11 : memref<!tpu.dma_semaphore, #tpu.memory_space<semaphore_mem>>)
    %dma_start3A_135 = arith.constant 0 : i32
    %dma_start3A_136 = arith.constant 5 : i32
    %dma_start3A_137 = arith.constant 5 : i32
    %dma_start3A_138 = arith.constant 0 : i32
    %dma_start3A_139 = arith.constant 0 : i32
    %dma_start3A_140 = tpu.memref_slice %arg8[%dma_start3A_137, %dma_start3A_138, %dma_start3A_139] : memref<8x128x8xf32, #tpu.memory_space<vmem>> -> memref<1x128x8xf32, #tpu.memory_space<vmem>>
    %dma_start3A_141 = tpu.memref_squeeze %dma_start3A_140 : memref<1x128x8xf32, #tpu.memory_space<vmem>> -> memref<128x8xf32, #tpu.memory_space<vmem>>
    %dma_start3A_142 = arith.constant 0 : i32
    %dma_start3A_143 = arith.constant 0 : i32
    %dma_start3A_144 = tpu.memref_slice %arg6[%dma_start3A_135, %dma_start3A_142, %dma_start3A_143] : memref<2x8x128xi32, #tpu.memory_space<vmem>> -> memref<1x8x128xi32, #tpu.memory_space<vmem>>
    %dma_start3A_145 = tpu.memref_squeeze %dma_start3A_144 : memref<1x8x128xi32, #tpu.memory_space<vmem>> -> memref<8x128xi32, #tpu.memory_space<vmem>>
    %dma_start3A_146 = arith.constant 0 : i32
    %dma_start3A_147 = tpu.memref_slice %dma_start3A_145[%dma_start3A_136, %dma_start3A_146] : memref<8x128xi32, #tpu.memory_space<vmem>> -> memref<1x128xi32, #tpu.memory_space<vmem>>
    %dma_start3A_148 = tpu.memref_squeeze %dma_start3A_147 : memref<1x128xi32, #tpu.memory_space<vmem>> -> memref<128xi32, #tpu.memory_space<vmem>>
    %dma_start3A_149 = arith.constant 0 : i32
    %dma_start3A_150 = arith.constant 0 : i32
    %dma_start3A_151 = tpu.memref_slice %arg2[%dma_start3A_149, %dma_start3A_150] : memref<102400x8xf32, #tpu.memory_space<hbm>> -> memref<102400x8xf32, #tpu.memory_space<hbm>>
    tpu.enqueue_indirect_dma source(%dma_start3A_151 : memref<102400x8xf32, #tpu.memory_space<hbm>>) target(%dma_start3A_141 : memref<128x8xf32, #tpu.memory_space<vmem>>) offsets(%dma_start3A_148 : memref<128xi32, #tpu.memory_space<vmem>>) semaphore(%arg11 : memref<!tpu.dma_semaphore, #tpu.memory_space<semaphore_mem>>)
    %dma_start3A_152 = arith.constant 0 : i32
    %dma_start3A_153 = arith.constant 6 : i32
    %dma_start3A_154 = arith.constant 6 : i32
    %dma_start3A_155 = arith.constant 0 : i32
    %dma_start3A_156 = arith.constant 0 : i32
    %dma_start3A_157 = tpu.memref_slice %arg8[%dma_start3A_154, %dma_start3A_155, %dma_start3A_156] : memref<8x128x8xf32, #tpu.memory_space<vmem>> -> memref<1x128x8xf32, #tpu.memory_space<vmem>>
    %dma_start3A_158 = tpu.memref_squeeze %dma_start3A_157 : memref<1x128x8xf32, #tpu.memory_space<vmem>> -> memref<128x8xf32, #tpu.memory_space<vmem>>
    %dma_start3A_159 = arith.constant 0 : i32
    %dma_start3A_160 = arith.constant 0 : i32
    %dma_start3A_161 = tpu.memref_slice %arg6[%dma_start3A_152, %dma_start3A_159, %dma_start3A_160] : memref<2x8x128xi32, #tpu.memory_space<vmem>> -> memref<1x8x128xi32, #tpu.memory_space<vmem>>
    %dma_start3A_162 = tpu.memref_squeeze %dma_start3A_161 : memref<1x8x128xi32, #tpu.memory_space<vmem>> -> memref<8x128xi32, #tpu.memory_space<vmem>>
    %dma_start3A_163 = arith.constant 0 : i32
    %dma_start3A_164 = tpu.memref_slice %dma_start3A_162[%dma_start3A_153, %dma_start3A_163] : memref<8x128xi32, #tpu.memory_space<vmem>> -> memref<1x128xi32, #tpu.memory_space<vmem>>
    %dma_start3A_165 = tpu.memref_squeeze %dma_start3A_164 : memref<1x128xi32, #tpu.memory_space<vmem>> -> memref<128xi32, #tpu.memory_space<vmem>>
    %dma_start3A_166 = arith.constant 0 : i32
    %dma_start3A_167 = arith.constant 0 : i32
    %dma_start3A_168 = tpu.memref_slice %arg2[%dma_start3A_166, %dma_start3A_167] : memref<102400x8xf32, #tpu.memory_space<hbm>> -> memref<102400x8xf32, #tpu.memory_space<hbm>>
    tpu.enqueue_indirect_dma source(%dma_start3A_168 : memref<102400x8xf32, #tpu.memory_space<hbm>>) target(%dma_start3A_158 : memref<128x8xf32, #tpu.memory_space<vmem>>) offsets(%dma_start3A_165 : memref<128xi32, #tpu.memory_space<vmem>>) semaphore(%arg11 : memref<!tpu.dma_semaphore, #tpu.memory_space<semaphore_mem>>)
    %dma_start3A_169 = arith.constant 0 : i32
    %dma_start3A_170 = arith.constant 7 : i32
    %dma_start3A_171 = arith.constant 7 : i32
    %dma_start3A_172 = arith.constant 0 : i32
    %dma_start3A_173 = arith.constant 0 : i32
    %dma_start3A_174 = tpu.memref_slice %arg8[%dma_start3A_171, %dma_start3A_172, %dma_start3A_173] : memref<8x128x8xf32, #tpu.memory_space<vmem>> -> memref<1x128x8xf32, #tpu.memory_space<vmem>>
    %dma_start3A_175 = tpu.memref_squeeze %dma_start3A_174 : memref<1x128x8xf32, #tpu.memory_space<vmem>> -> memref<128x8xf32, #tpu.memory_space<vmem>>
    %dma_start3A_176 = arith.constant 0 : i32
    %dma_start3A_177 = arith.constant 0 : i32
    %dma_start3A_178 = tpu.memref_slice %arg6[%dma_start3A_169, %dma_start3A_176, %dma_start3A_177] : memref<2x8x128xi32, #tpu.memory_space<vmem>> -> memref<1x8x128xi32, #tpu.memory_space<vmem>>
    %dma_start3A_179 = tpu.memref_squeeze %dma_start3A_178 : memref<1x8x128xi32, #tpu.memory_space<vmem>> -> memref<8x128xi32, #tpu.memory_space<vmem>>
    %dma_start3A_180 = arith.constant 0 : i32
    %dma_start3A_181 = tpu.memref_slice %dma_start3A_179[%dma_start3A_170, %dma_start3A_180] : memref<8x128xi32, #tpu.memory_space<vmem>> -> memref<1x128xi32, #tpu.memory_space<vmem>>
    %dma_start3A_182 = tpu.memref_squeeze %dma_start3A_181 : memref<1x128xi32, #tpu.memory_space<vmem>> -> memref<128xi32, #tpu.memory_space<vmem>>
    %dma_start3A_183 = arith.constant 0 : i32
    %dma_start3A_184 = arith.constant 0 : i32
    %dma_start3A_185 = tpu.memref_slice %arg2[%dma_start3A_183, %dma_start3A_184] : memref<102400x8xf32, #tpu.memory_space<hbm>> -> memref<102400x8xf32, #tpu.memory_space<hbm>>
    tpu.enqueue_indirect_dma source(%dma_start3A_185 : memref<102400x8xf32, #tpu.memory_space<hbm>>) target(%dma_start3A_175 : memref<128x8xf32, #tpu.memory_space<vmem>>) offsets(%dma_start3A_182 : memref<128xi32, #tpu.memory_space<vmem>>) semaphore(%arg11 : memref<!tpu.dma_semaphore, #tpu.memory_space<semaphore_mem>>)
    %dma_wait3A = arith.constant 0 : i32
    %dma_wait3A_186 = arith.constant 0 : i32
    %dma_wait3A_187 = arith.constant 0 : i32
    %dma_wait3A_188 = arith.constant 0 : i32
    %dma_wait3A_189 = arith.constant 0 : i32
    %dma_wait3A_190 = tpu.memref_slice %arg8[%dma_wait3A_187, %dma_wait3A_188, %dma_wait3A_189] : memref<8x128x8xf32, #tpu.memory_space<vmem>> -> memref<1x128x8xf32, #tpu.memory_space<vmem>>
    %dma_wait3A_191 = tpu.memref_squeeze %dma_wait3A_190 : memref<1x128x8xf32, #tpu.memory_space<vmem>> -> memref<128x8xf32, #tpu.memory_space<vmem>>
    %dma_wait3A_192 = arith.constant 0 : i32
    %dma_wait3A_193 = arith.constant 0 : i32
    %dma_wait3A_194 = tpu.memref_slice %arg6[%dma_wait3A, %dma_wait3A_192, %dma_wait3A_193] : memref<2x8x128xi32, #tpu.memory_space<vmem>> -> memref<1x8x128xi32, #tpu.memory_space<vmem>>
    %dma_wait3A_195 = tpu.memref_squeeze %dma_wait3A_194 : memref<1x8x128xi32, #tpu.memory_space<vmem>> -> memref<8x128xi32, #tpu.memory_space<vmem>>
    %dma_wait3A_196 = arith.constant 0 : i32
    %dma_wait3A_197 = tpu.memref_slice %dma_wait3A_195[%dma_wait3A_186, %dma_wait3A_196] : memref<8x128xi32, #tpu.memory_space<vmem>> -> memref<1x128xi32, #tpu.memory_space<vmem>>
    %dma_wait3A_198 = tpu.memref_squeeze %dma_wait3A_197 : memref<1x128xi32, #tpu.memory_space<vmem>> -> memref<128xi32, #tpu.memory_space<vmem>>
    %dma_wait3A_199 = arith.constant 0 : i32
    %dma_wait3A_200 = arith.constant 0 : i32
    %dma_wait3A_201 = tpu.memref_slice %arg2[%dma_wait3A_199, %dma_wait3A_200] : memref<102400x8xf32, #tpu.memory_space<hbm>> -> memref<102400x8xf32, #tpu.memory_space<hbm>>
    tpu.wait_indirect_dma semaphore(%arg11 : memref<!tpu.dma_semaphore, #tpu.memory_space<semaphore_mem>>) src(%dma_wait3A_201 : memref<102400x8xf32, #tpu.memory_space<hbm>>) dst(%dma_wait3A_191 : memref<128x8xf32, #tpu.memory_space<vmem>>)
    %dma_start3A_202 = arith.constant 0 : i32
    %dma_start3A_203 = arith.constant 0 : i32
    %dma_start3A_204 = arith.constant 0 : i32
    %dma_start3A_205 = arith.constant 0 : i32
    %dma_start3A_206 = arith.constant 0 : i32
    %dma_start3A_207 = tpu.memref_slice %arg8[%dma_start3A_202, %dma_start3A_205, %dma_start3A_206] : memref<8x128x8xf32, #tpu.memory_space<vmem>> -> memref<1x128x8xf32, #tpu.memory_space<vmem>>
    %dma_start3A_208 = tpu.memref_squeeze %dma_start3A_207 : memref<1x128x8xf32, #tpu.memory_space<vmem>> -> memref<128x8xf32, #tpu.memory_space<vmem>>
    %dma_start3A_209 = arith.constant 0 : i32
    %dma_start3A_210 = arith.constant 0 : i32
    %dma_start3A_211 = tpu.memref_slice %arg7[%dma_start3A_203, %dma_start3A_209, %dma_start3A_210] : memref<2x8x128xi32, #tpu.memory_space<vmem>> -> memref<1x8x128xi32, #tpu.memory_space<vmem>>
    %dma_start3A_212 = tpu.memref_squeeze %dma_start3A_211 : memref<1x8x128xi32, #tpu.memory_space<vmem>> -> memref<8x128xi32, #tpu.memory_space<vmem>>
    %dma_start3A_213 = arith.constant 0 : i32
    %dma_start3A_214 = tpu.memref_slice %dma_start3A_212[%dma_start3A_204, %dma_start3A_213] : memref<8x128xi32, #tpu.memory_space<vmem>> -> memref<1x128xi32, #tpu.memory_space<vmem>>
    %dma_start3A_215 = tpu.memref_squeeze %dma_start3A_214 : memref<1x128xi32, #tpu.memory_space<vmem>> -> memref<128xi32, #tpu.memory_space<vmem>>
    %dma_start3A_216 = arith.constant 0 : i32
    %dma_start3A_217 = arith.constant 0 : i32
    %dma_start3A_218 = tpu.memref_slice %arg9[%dma_start3A_216, %dma_start3A_217] : memref<102400x8xf32, #tpu.memory_space<vmem_shared>> -> memref<102400x8xf32, #tpu.memory_space<vmem_shared>>
    tpu.enqueue_indirect_dma source(%dma_start3A_208 : memref<128x8xf32, #tpu.memory_space<vmem>>) target(%dma_start3A_218 : memref<102400x8xf32, #tpu.memory_space<vmem_shared>>) offsets(%dma_start3A_215 : memref<128xi32, #tpu.memory_space<vmem>>) semaphore(%arg12 : memref<!tpu.dma_semaphore, #tpu.memory_space<semaphore_mem>>) {add = true}
    %dma_wait3A_219 = arith.constant 0 : i32
    %dma_wait3A_220 = arith.constant 1 : i32
    %dma_wait3A_221 = arith.constant 1 : i32
    %dma_wait3A_222 = arith.constant 0 : i32
    %dma_wait3A_223 = arith.constant 0 : i32
    %dma_wait3A_224 = tpu.memref_slice %arg8[%dma_wait3A_221, %dma_wait3A_222, %dma_wait3A_223] : memref<8x128x8xf32, #tpu.memory_space<vmem>> -> memref<1x128x8xf32, #tpu.memory_space<vmem>>
    %dma_wait3A_225 = tpu.memref_squeeze %dma_wait3A_224 : memref<1x128x8xf32, #tpu.memory_space<vmem>> -> memref<128x8xf32, #tpu.memory_space<vmem>>
    %dma_wait3A_226 = arith.constant 0 : i32
    %dma_wait3A_227 = arith.constant 0 : i32
    %dma_wait3A_228 = tpu.memref_slice %arg6[%dma_wait3A_219, %dma_wait3A_226, %dma_wait3A_227] : memref<2x8x128xi32, #tpu.memory_space<vmem>> -> memref<1x8x128xi32, #tpu.memory_space<vmem>>
    %dma_wait3A_229 = tpu.memref_squeeze %dma_wait3A_228 : memref<1x8x128xi32, #tpu.memory_space<vmem>> -> memref<8x128xi32, #tpu.memory_space<vmem>>
    %dma_wait3A_230 = arith.constant 0 : i32
    %dma_wait3A_231 = tpu.memref_slice %dma_wait3A_229[%dma_wait3A_220, %dma_wait3A_230] : memref<8x128xi32, #tpu.memory_space<vmem>> -> memref<1x128xi32, #tpu.memory_space<vmem>>
    %dma_wait3A_232 = tpu.memref_squeeze %dma_wait3A_231 : memref<1x128xi32, #tpu.memory_space<vmem>> -> memref<128xi32, #tpu.memory_space<vmem>>
    %dma_wait3A_233 = arith.constant 0 : i32
    %dma_wait3A_234 = arith.constant 0 : i32
    %dma_wait3A_235 = tpu.memref_slice %arg2[%dma_wait3A_233, %dma_wait3A_234] : memref<102400x8xf32, #tpu.memory_space<hbm>> -> memref<102400x8xf32, #tpu.memory_space<hbm>>
    tpu.wait_indirect_dma semaphore(%arg11 : memref<!tpu.dma_semaphore, #tpu.memory_space<semaphore_mem>>) src(%dma_wait3A_235 : memref<102400x8xf32, #tpu.memory_space<hbm>>) dst(%dma_wait3A_225 : memref<128x8xf32, #tpu.memory_space<vmem>>)
    %dma_start3A_236 = arith.constant 1 : i32
    %dma_start3A_237 = arith.constant 0 : i32
    %dma_start3A_238 = arith.constant 1 : i32
    %dma_start3A_239 = arith.constant 0 : i32
    %dma_start3A_240 = arith.constant 0 : i32
    %dma_start3A_241 = tpu.memref_slice %arg8[%dma_start3A_236, %dma_start3A_239, %dma_start3A_240] : memref<8x128x8xf32, #tpu.memory_space<vmem>> -> memref<1x128x8xf32, #tpu.memory_space<vmem>>
    %dma_start3A_242 = tpu.memref_squeeze %dma_start3A_241 : memref<1x128x8xf32, #tpu.memory_space<vmem>> -> memref<128x8xf32, #tpu.memory_space<vmem>>
    %dma_start3A_243 = arith.constant 0 : i32
    %dma_start3A_244 = arith.constant 0 : i32
    %dma_start3A_245 = tpu.memref_slice %arg7[%dma_start3A_237, %dma_start3A_243, %dma_start3A_244] : memref<2x8x128xi32, #tpu.memory_space<vmem>> -> memref<1x8x128xi32, #tpu.memory_space<vmem>>
    %dma_start3A_246 = tpu.memref_squeeze %dma_start3A_245 : memref<1x8x128xi32, #tpu.memory_space<vmem>> -> memref<8x128xi32, #tpu.memory_space<vmem>>
    %dma_start3A_247 = arith.constant 0 : i32
    %dma_start3A_248 = tpu.memref_slice %dma_start3A_246[%dma_start3A_238, %dma_start3A_247] : memref<8x128xi32, #tpu.memory_space<vmem>> -> memref<1x128xi32, #tpu.memory_space<vmem>>
    %dma_start3A_249 = tpu.memref_squeeze %dma_start3A_248 : memref<1x128xi32, #tpu.memory_space<vmem>> -> memref<128xi32, #tpu.memory_space<vmem>>
    %dma_start3A_250 = arith.constant 0 : i32
    %dma_start3A_251 = arith.constant 0 : i32
    %dma_start3A_252 = tpu.memref_slice %arg9[%dma_start3A_250, %dma_start3A_251] : memref<102400x8xf32, #tpu.memory_space<vmem_shared>> -> memref<102400x8xf32, #tpu.memory_space<vmem_shared>>
    tpu.enqueue_indirect_dma source(%dma_start3A_242 : memref<128x8xf32, #tpu.memory_space<vmem>>) target(%dma_start3A_252 : memref<102400x8xf32, #tpu.memory_space<vmem_shared>>) offsets(%dma_start3A_249 : memref<128xi32, #tpu.memory_space<vmem>>) semaphore(%arg12 : memref<!tpu.dma_semaphore, #tpu.memory_space<semaphore_mem>>) {add = true}
    %dma_wait3A_253 = arith.constant 0 : i32
    %dma_wait3A_254 = arith.constant 2 : i32
    %dma_wait3A_255 = arith.constant 2 : i32
    %dma_wait3A_256 = arith.constant 0 : i32
    %dma_wait3A_257 = arith.constant 0 : i32
    %dma_wait3A_258 = tpu.memref_slice %arg8[%dma_wait3A_255, %dma_wait3A_256, %dma_wait3A_257] : memref<8x128x8xf32, #tpu.memory_space<vmem>> -> memref<1x128x8xf32, #tpu.memory_space<vmem>>
    %dma_wait3A_259 = tpu.memref_squeeze %dma_wait3A_258 : memref<1x128x8xf32, #tpu.memory_space<vmem>> -> memref<128x8xf32, #tpu.memory_space<vmem>>
    %dma_wait3A_260 = arith.constant 0 : i32
    %dma_wait3A_261 = arith.constant 0 : i32
    %dma_wait3A_262 = tpu.memref_slice %arg6[%dma_wait3A_253, %dma_wait3A_260, %dma_wait3A_261] : memref<2x8x128xi32, #tpu.memory_space<vmem>> -> memref<1x8x128xi32, #tpu.memory_space<vmem>>
    %dma_wait3A_263 = tpu.memref_squeeze %dma_wait3A_262 : memref<1x8x128xi32, #tpu.memory_space<vmem>> -> memref<8x128xi32, #tpu.memory_space<vmem>>
    %dma_wait3A_264 = arith.constant 0 : i32
    %dma_wait3A_265 = tpu.memref_slice %dma_wait3A_263[%dma_wait3A_254, %dma_wait3A_264] : memref<8x128xi32, #tpu.memory_space<vmem>> -> memref<1x128xi32, #tpu.memory_space<vmem>>
    %dma_wait3A_266 = tpu.memref_squeeze %dma_wait3A_265 : memref<1x128xi32, #tpu.memory_space<vmem>> -> memref<128xi32, #tpu.memory_space<vmem>>
    %dma_wait3A_267 = arith.constant 0 : i32
    %dma_wait3A_268 = arith.constant 0 : i32
    %dma_wait3A_269 = tpu.memref_slice %arg2[%dma_wait3A_267, %dma_wait3A_268] : memref<102400x8xf32, #tpu.memory_space<hbm>> -> memref<102400x8xf32, #tpu.memory_space<hbm>>
    tpu.wait_indirect_dma semaphore(%arg11 : memref<!tpu.dma_semaphore, #tpu.memory_space<semaphore_mem>>) src(%dma_wait3A_269 : memref<102400x8xf32, #tpu.memory_space<hbm>>) dst(%dma_wait3A_259 : memref<128x8xf32, #tpu.memory_space<vmem>>)
    %dma_start3A_270 = arith.constant 2 : i32
    %dma_start3A_271 = arith.constant 0 : i32
    %dma_start3A_272 = arith.constant 2 : i32
    %dma_start3A_273 = arith.constant 0 : i32
    %dma_start3A_274 = arith.constant 0 : i32
    %dma_start3A_275 = tpu.memref_slice %arg8[%dma_start3A_270, %dma_start3A_273, %dma_start3A_274] : memref<8x128x8xf32, #tpu.memory_space<vmem>> -> memref<1x128x8xf32, #tpu.memory_space<vmem>>
    %dma_start3A_276 = tpu.memref_squeeze %dma_start3A_275 : memref<1x128x8xf32, #tpu.memory_space<vmem>> -> memref<128x8xf32, #tpu.memory_space<vmem>>
    %dma_start3A_277 = arith.constant 0 : i32
    %dma_start3A_278 = arith.constant 0 : i32
    %dma_start3A_279 = tpu.memref_slice %arg7[%dma_start3A_271, %dma_start3A_277, %dma_start3A_278] : memref<2x8x128xi32, #tpu.memory_space<vmem>> -> memref<1x8x128xi32, #tpu.memory_space<vmem>>
    %dma_start3A_280 = tpu.memref_squeeze %dma_start3A_279 : memref<1x8x128xi32, #tpu.memory_space<vmem>> -> memref<8x128xi32, #tpu.memory_space<vmem>>
    %dma_start3A_281 = arith.constant 0 : i32
    %dma_start3A_282 = tpu.memref_slice %dma_start3A_280[%dma_start3A_272, %dma_start3A_281] : memref<8x128xi32, #tpu.memory_space<vmem>> -> memref<1x128xi32, #tpu.memory_space<vmem>>
    %dma_start3A_283 = tpu.memref_squeeze %dma_start3A_282 : memref<1x128xi32, #tpu.memory_space<vmem>> -> memref<128xi32, #tpu.memory_space<vmem>>
    %dma_start3A_284 = arith.constant 0 : i32
    %dma_start3A_285 = arith.constant 0 : i32
    %dma_start3A_286 = tpu.memref_slice %arg9[%dma_start3A_284, %dma_start3A_285] : memref<102400x8xf32, #tpu.memory_space<vmem_shared>> -> memref<102400x8xf32, #tpu.memory_space<vmem_shared>>
    tpu.enqueue_indirect_dma source(%dma_start3A_276 : memref<128x8xf32, #tpu.memory_space<vmem>>) target(%dma_start3A_286 : memref<102400x8xf32, #tpu.memory_space<vmem_shared>>) offsets(%dma_start3A_283 : memref<128xi32, #tpu.memory_space<vmem>>) semaphore(%arg12 : memref<!tpu.dma_semaphore, #tpu.memory_space<semaphore_mem>>) {add = true}
    %dma_wait3A_287 = arith.constant 0 : i32
    %dma_wait3A_288 = arith.constant 3 : i32
    %dma_wait3A_289 = arith.constant 3 : i32
    %dma_wait3A_290 = arith.constant 0 : i32
    %dma_wait3A_291 = arith.constant 0 : i32
    %dma_wait3A_292 = tpu.memref_slice %arg8[%dma_wait3A_289, %dma_wait3A_290, %dma_wait3A_291] : memref<8x128x8xf32, #tpu.memory_space<vmem>> -> memref<1x128x8xf32, #tpu.memory_space<vmem>>
    %dma_wait3A_293 = tpu.memref_squeeze %dma_wait3A_292 : memref<1x128x8xf32, #tpu.memory_space<vmem>> -> memref<128x8xf32, #tpu.memory_space<vmem>>
    %dma_wait3A_294 = arith.constant 0 : i32
    %dma_wait3A_295 = arith.constant 0 : i32
    %dma_wait3A_296 = tpu.memref_slice %arg6[%dma_wait3A_287, %dma_wait3A_294, %dma_wait3A_295] : memref<2x8x128xi32, #tpu.memory_space<vmem>> -> memref<1x8x128xi32, #tpu.memory_space<vmem>>
    %dma_wait3A_297 = tpu.memref_squeeze %dma_wait3A_296 : memref<1x8x128xi32, #tpu.memory_space<vmem>> -> memref<8x128xi32, #tpu.memory_space<vmem>>
    %dma_wait3A_298 = arith.constant 0 : i32
    %dma_wait3A_299 = tpu.memref_slice %dma_wait3A_297[%dma_wait3A_288, %dma_wait3A_298] : memref<8x128xi32, #tpu.memory_space<vmem>> -> memref<1x128xi32, #tpu.memory_space<vmem>>
    %dma_wait3A_300 = tpu.memref_squeeze %dma_wait3A_299 : memref<1x128xi32, #tpu.memory_space<vmem>> -> memref<128xi32, #tpu.memory_space<vmem>>
    %dma_wait3A_301 = arith.constant 0 : i32
    %dma_wait3A_302 = arith.constant 0 : i32
    %dma_wait3A_303 = tpu.memref_slice %arg2[%dma_wait3A_301, %dma_wait3A_302] : memref<102400x8xf32, #tpu.memory_space<hbm>> -> memref<102400x8xf32, #tpu.memory_space<hbm>>
    tpu.wait_indirect_dma semaphore(%arg11 : memref<!tpu.dma_semaphore, #tpu.memory_space<semaphore_mem>>) src(%dma_wait3A_303 : memref<102400x8xf32, #tpu.memory_space<hbm>>) dst(%dma_wait3A_293 : memref<128x8xf32, #tpu.memory_space<vmem>>)
    %dma_start3A_304 = arith.constant 3 : i32
    %dma_start3A_305 = arith.constant 0 : i32
    %dma_start3A_306 = arith.constant 3 : i32
    %dma_start3A_307 = arith.constant 0 : i32
    %dma_start3A_308 = arith.constant 0 : i32
    %dma_start3A_309 = tpu.memref_slice %arg8[%dma_start3A_304, %dma_start3A_307, %dma_start3A_308] : memref<8x128x8xf32, #tpu.memory_space<vmem>> -> memref<1x128x8xf32, #tpu.memory_space<vmem>>
    %dma_start3A_310 = tpu.memref_squeeze %dma_start3A_309 : memref<1x128x8xf32, #tpu.memory_space<vmem>> -> memref<128x8xf32, #tpu.memory_space<vmem>>
    %dma_start3A_311 = arith.constant 0 : i32
    %dma_start3A_312 = arith.constant 0 : i32
    %dma_start3A_313 = tpu.memref_slice %arg7[%dma_start3A_305, %dma_start3A_311, %dma_start3A_312] : memref<2x8x128xi32, #tpu.memory_space<vmem>> -> memref<1x8x128xi32, #tpu.memory_space<vmem>>
    %dma_start3A_314 = tpu.memref_squeeze %dma_start3A_313 : memref<1x8x128xi32, #tpu.memory_space<vmem>> -> memref<8x128xi32, #tpu.memory_space<vmem>>
    %dma_start3A_315 = arith.constant 0 : i32
    %dma_start3A_316 = tpu.memref_slice %dma_start3A_314[%dma_start3A_306, %dma_start3A_315] : memref<8x128xi32, #tpu.memory_space<vmem>> -> memref<1x128xi32, #tpu.memory_space<vmem>>
    %dma_start3A_317 = tpu.memref_squeeze %dma_start3A_316 : memref<1x128xi32, #tpu.memory_space<vmem>> -> memref<128xi32, #tpu.memory_space<vmem>>
    %dma_start3A_318 = arith.constant 0 : i32
    %dma_start3A_319 = arith.constant 0 : i32
    %dma_start3A_320 = tpu.memref_slice %arg9[%dma_start3A_318, %dma_start3A_319] : memref<102400x8xf32, #tpu.memory_space<vmem_shared>> -> memref<102400x8xf32, #tpu.memory_space<vmem_shared>>
    tpu.enqueue_indirect_dma source(%dma_start3A_310 : memref<128x8xf32, #tpu.memory_space<vmem>>) target(%dma_start3A_320 : memref<102400x8xf32, #tpu.memory_space<vmem_shared>>) offsets(%dma_start3A_317 : memref<128xi32, #tpu.memory_space<vmem>>) semaphore(%arg12 : memref<!tpu.dma_semaphore, #tpu.memory_space<semaphore_mem>>) {add = true}
    %dma_wait3A_321 = arith.constant 0 : i32
    %dma_wait3A_322 = arith.constant 4 : i32
    %dma_wait3A_323 = arith.constant 4 : i32
    %dma_wait3A_324 = arith.constant 0 : i32
    %dma_wait3A_325 = arith.constant 0 : i32
    %dma_wait3A_326 = tpu.memref_slice %arg8[%dma_wait3A_323, %dma_wait3A_324, %dma_wait3A_325] : memref<8x128x8xf32, #tpu.memory_space<vmem>> -> memref<1x128x8xf32, #tpu.memory_space<vmem>>
    %dma_wait3A_327 = tpu.memref_squeeze %dma_wait3A_326 : memref<1x128x8xf32, #tpu.memory_space<vmem>> -> memref<128x8xf32, #tpu.memory_space<vmem>>
    %dma_wait3A_328 = arith.constant 0 : i32
    %dma_wait3A_329 = arith.constant 0 : i32
    %dma_wait3A_330 = tpu.memref_slice %arg6[%dma_wait3A_321, %dma_wait3A_328, %dma_wait3A_329] : memref<2x8x128xi32, #tpu.memory_space<vmem>> -> memref<1x8x128xi32, #tpu.memory_space<vmem>>
    %dma_wait3A_331 = tpu.memref_squeeze %dma_wait3A_330 : memref<1x8x128xi32, #tpu.memory_space<vmem>> -> memref<8x128xi32, #tpu.memory_space<vmem>>
    %dma_wait3A_332 = arith.constant 0 : i32
    %dma_wait3A_333 = tpu.memref_slice %dma_wait3A_331[%dma_wait3A_322, %dma_wait3A_332] : memref<8x128xi32, #tpu.memory_space<vmem>> -> memref<1x128xi32, #tpu.memory_space<vmem>>
    %dma_wait3A_334 = tpu.memref_squeeze %dma_wait3A_333 : memref<1x128xi32, #tpu.memory_space<vmem>> -> memref<128xi32, #tpu.memory_space<vmem>>
    %dma_wait3A_335 = arith.constant 0 : i32
    %dma_wait3A_336 = arith.constant 0 : i32
    %dma_wait3A_337 = tpu.memref_slice %arg2[%dma_wait3A_335, %dma_wait3A_336] : memref<102400x8xf32, #tpu.memory_space<hbm>> -> memref<102400x8xf32, #tpu.memory_space<hbm>>
    tpu.wait_indirect_dma semaphore(%arg11 : memref<!tpu.dma_semaphore, #tpu.memory_space<semaphore_mem>>) src(%dma_wait3A_337 : memref<102400x8xf32, #tpu.memory_space<hbm>>) dst(%dma_wait3A_327 : memref<128x8xf32, #tpu.memory_space<vmem>>)
    %dma_start3A_338 = arith.constant 4 : i32
    %dma_start3A_339 = arith.constant 0 : i32
    %dma_start3A_340 = arith.constant 4 : i32
    %dma_start3A_341 = arith.constant 0 : i32
    %dma_start3A_342 = arith.constant 0 : i32
    %dma_start3A_343 = tpu.memref_slice %arg8[%dma_start3A_338, %dma_start3A_341, %dma_start3A_342] : memref<8x128x8xf32, #tpu.memory_space<vmem>> -> memref<1x128x8xf32, #tpu.memory_space<vmem>>
    %dma_start3A_344 = tpu.memref_squeeze %dma_start3A_343 : memref<1x128x8xf32, #tpu.memory_space<vmem>> -> memref<128x8xf32, #tpu.memory_space<vmem>>
    %dma_start3A_345 = arith.constant 0 : i32
    %dma_start3A_346 = arith.constant 0 : i32
    %dma_start3A_347 = tpu.memref_slice %arg7[%dma_start3A_339, %dma_start3A_345, %dma_start3A_346] : memref<2x8x128xi32, #tpu.memory_space<vmem>> -> memref<1x8x128xi32, #tpu.memory_space<vmem>>
    %dma_start3A_348 = tpu.memref_squeeze %dma_start3A_347 : memref<1x8x128xi32, #tpu.memory_space<vmem>> -> memref<8x128xi32, #tpu.memory_space<vmem>>
    %dma_start3A_349 = arith.constant 0 : i32
    %dma_start3A_350 = tpu.memref_slice %dma_start3A_348[%dma_start3A_340, %dma_start3A_349] : memref<8x128xi32, #tpu.memory_space<vmem>> -> memref<1x128xi32, #tpu.memory_space<vmem>>
    %dma_start3A_351 = tpu.memref_squeeze %dma_start3A_350 : memref<1x128xi32, #tpu.memory_space<vmem>> -> memref<128xi32, #tpu.memory_space<vmem>>
    %dma_start3A_352 = arith.constant 0 : i32
    %dma_start3A_353 = arith.constant 0 : i32
    %dma_start3A_354 = tpu.memref_slice %arg9[%dma_start3A_352, %dma_start3A_353] : memref<102400x8xf32, #tpu.memory_space<vmem_shared>> -> memref<102400x8xf32, #tpu.memory_space<vmem_shared>>
    tpu.enqueue_indirect_dma source(%dma_start3A_344 : memref<128x8xf32, #tpu.memory_space<vmem>>) target(%dma_start3A_354 : memref<102400x8xf32, #tpu.memory_space<vmem_shared>>) offsets(%dma_start3A_351 : memref<128xi32, #tpu.memory_space<vmem>>) semaphore(%arg12 : memref<!tpu.dma_semaphore, #tpu.memory_space<semaphore_mem>>) {add = true}
    %dma_wait3A_355 = arith.constant 0 : i32
    %dma_wait3A_356 = arith.constant 5 : i32
    %dma_wait3A_357 = arith.constant 5 : i32
    %dma_wait3A_358 = arith.constant 0 : i32
    %dma_wait3A_359 = arith.constant 0 : i32
    %dma_wait3A_360 = tpu.memref_slice %arg8[%dma_wait3A_357, %dma_wait3A_358, %dma_wait3A_359] : memref<8x128x8xf32, #tpu.memory_space<vmem>> -> memref<1x128x8xf32, #tpu.memory_space<vmem>>
    %dma_wait3A_361 = tpu.memref_squeeze %dma_wait3A_360 : memref<1x128x8xf32, #tpu.memory_space<vmem>> -> memref<128x8xf32, #tpu.memory_space<vmem>>
    %dma_wait3A_362 = arith.constant 0 : i32
    %dma_wait3A_363 = arith.constant 0 : i32
    %dma_wait3A_364 = tpu.memref_slice %arg6[%dma_wait3A_355, %dma_wait3A_362, %dma_wait3A_363] : memref<2x8x128xi32, #tpu.memory_space<vmem>> -> memref<1x8x128xi32, #tpu.memory_space<vmem>>
    %dma_wait3A_365 = tpu.memref_squeeze %dma_wait3A_364 : memref<1x8x128xi32, #tpu.memory_space<vmem>> -> memref<8x128xi32, #tpu.memory_space<vmem>>
    %dma_wait3A_366 = arith.constant 0 : i32
    %dma_wait3A_367 = tpu.memref_slice %dma_wait3A_365[%dma_wait3A_356, %dma_wait3A_366] : memref<8x128xi32, #tpu.memory_space<vmem>> -> memref<1x128xi32, #tpu.memory_space<vmem>>
    %dma_wait3A_368 = tpu.memref_squeeze %dma_wait3A_367 : memref<1x128xi32, #tpu.memory_space<vmem>> -> memref<128xi32, #tpu.memory_space<vmem>>
    %dma_wait3A_369 = arith.constant 0 : i32
    %dma_wait3A_370 = arith.constant 0 : i32
    %dma_wait3A_371 = tpu.memref_slice %arg2[%dma_wait3A_369, %dma_wait3A_370] : memref<102400x8xf32, #tpu.memory_space<hbm>> -> memref<102400x8xf32, #tpu.memory_space<hbm>>
    tpu.wait_indirect_dma semaphore(%arg11 : memref<!tpu.dma_semaphore, #tpu.memory_space<semaphore_mem>>) src(%dma_wait3A_371 : memref<102400x8xf32, #tpu.memory_space<hbm>>) dst(%dma_wait3A_361 : memref<128x8xf32, #tpu.memory_space<vmem>>)
    %dma_start3A_372 = arith.constant 5 : i32
    %dma_start3A_373 = arith.constant 0 : i32
    %dma_start3A_374 = arith.constant 5 : i32
    %dma_start3A_375 = arith.constant 0 : i32
    %dma_start3A_376 = arith.constant 0 : i32
    %dma_start3A_377 = tpu.memref_slice %arg8[%dma_start3A_372, %dma_start3A_375, %dma_start3A_376] : memref<8x128x8xf32, #tpu.memory_space<vmem>> -> memref<1x128x8xf32, #tpu.memory_space<vmem>>
    %dma_start3A_378 = tpu.memref_squeeze %dma_start3A_377 : memref<1x128x8xf32, #tpu.memory_space<vmem>> -> memref<128x8xf32, #tpu.memory_space<vmem>>
    %dma_start3A_379 = arith.constant 0 : i32
    %dma_start3A_380 = arith.constant 0 : i32
    %dma_start3A_381 = tpu.memref_slice %arg7[%dma_start3A_373, %dma_start3A_379, %dma_start3A_380] : memref<2x8x128xi32, #tpu.memory_space<vmem>> -> memref<1x8x128xi32, #tpu.memory_space<vmem>>
    %dma_start3A_382 = tpu.memref_squeeze %dma_start3A_381 : memref<1x8x128xi32, #tpu.memory_space<vmem>> -> memref<8x128xi32, #tpu.memory_space<vmem>>
    %dma_start3A_383 = arith.constant 0 : i32
    %dma_start3A_384 = tpu.memref_slice %dma_start3A_382[%dma_start3A_374, %dma_start3A_383] : memref<8x128xi32, #tpu.memory_space<vmem>> -> memref<1x128xi32, #tpu.memory_space<vmem>>
    %dma_start3A_385 = tpu.memref_squeeze %dma_start3A_384 : memref<1x128xi32, #tpu.memory_space<vmem>> -> memref<128xi32, #tpu.memory_space<vmem>>
    %dma_start3A_386 = arith.constant 0 : i32
    %dma_start3A_387 = arith.constant 0 : i32
    %dma_start3A_388 = tpu.memref_slice %arg9[%dma_start3A_386, %dma_start3A_387] : memref<102400x8xf32, #tpu.memory_space<vmem_shared>> -> memref<102400x8xf32, #tpu.memory_space<vmem_shared>>
    tpu.enqueue_indirect_dma source(%dma_start3A_378 : memref<128x8xf32, #tpu.memory_space<vmem>>) target(%dma_start3A_388 : memref<102400x8xf32, #tpu.memory_space<vmem_shared>>) offsets(%dma_start3A_385 : memref<128xi32, #tpu.memory_space<vmem>>) semaphore(%arg12 : memref<!tpu.dma_semaphore, #tpu.memory_space<semaphore_mem>>) {add = true}
    %dma_wait3A_389 = arith.constant 0 : i32
    %dma_wait3A_390 = arith.constant 6 : i32
    %dma_wait3A_391 = arith.constant 6 : i32
    %dma_wait3A_392 = arith.constant 0 : i32
    %dma_wait3A_393 = arith.constant 0 : i32
    %dma_wait3A_394 = tpu.memref_slice %arg8[%dma_wait3A_391, %dma_wait3A_392, %dma_wait3A_393] : memref<8x128x8xf32, #tpu.memory_space<vmem>> -> memref<1x128x8xf32, #tpu.memory_space<vmem>>
    %dma_wait3A_395 = tpu.memref_squeeze %dma_wait3A_394 : memref<1x128x8xf32, #tpu.memory_space<vmem>> -> memref<128x8xf32, #tpu.memory_space<vmem>>
    %dma_wait3A_396 = arith.constant 0 : i32
    %dma_wait3A_397 = arith.constant 0 : i32
    %dma_wait3A_398 = tpu.memref_slice %arg6[%dma_wait3A_389, %dma_wait3A_396, %dma_wait3A_397] : memref<2x8x128xi32, #tpu.memory_space<vmem>> -> memref<1x8x128xi32, #tpu.memory_space<vmem>>
    %dma_wait3A_399 = tpu.memref_squeeze %dma_wait3A_398 : memref<1x8x128xi32, #tpu.memory_space<vmem>> -> memref<8x128xi32, #tpu.memory_space<vmem>>
    %dma_wait3A_400 = arith.constant 0 : i32
    %dma_wait3A_401 = tpu.memref_slice %dma_wait3A_399[%dma_wait3A_390, %dma_wait3A_400] : memref<8x128xi32, #tpu.memory_space<vmem>> -> memref<1x128xi32, #tpu.memory_space<vmem>>
    %dma_wait3A_402 = tpu.memref_squeeze %dma_wait3A_401 : memref<1x128xi32, #tpu.memory_space<vmem>> -> memref<128xi32, #tpu.memory_space<vmem>>
    %dma_wait3A_403 = arith.constant 0 : i32
    %dma_wait3A_404 = arith.constant 0 : i32
    %dma_wait3A_405 = tpu.memref_slice %arg2[%dma_wait3A_403, %dma_wait3A_404] : memref<102400x8xf32, #tpu.memory_space<hbm>> -> memref<102400x8xf32, #tpu.memory_space<hbm>>
    tpu.wait_indirect_dma semaphore(%arg11 : memref<!tpu.dma_semaphore, #tpu.memory_space<semaphore_mem>>) src(%dma_wait3A_405 : memref<102400x8xf32, #tpu.memory_space<hbm>>) dst(%dma_wait3A_395 : memref<128x8xf32, #tpu.memory_space<vmem>>)
    %dma_start3A_406 = arith.constant 6 : i32
    %dma_start3A_407 = arith.constant 0 : i32
    %dma_start3A_408 = arith.constant 6 : i32
    %dma_start3A_409 = arith.constant 0 : i32
    %dma_start3A_410 = arith.constant 0 : i32
    %dma_start3A_411 = tpu.memref_slice %arg8[%dma_start3A_406, %dma_start3A_409, %dma_start3A_410] : memref<8x128x8xf32, #tpu.memory_space<vmem>> -> memref<1x128x8xf32, #tpu.memory_space<vmem>>
    %dma_start3A_412 = tpu.memref_squeeze %dma_start3A_411 : memref<1x128x8xf32, #tpu.memory_space<vmem>> -> memref<128x8xf32, #tpu.memory_space<vmem>>
    %dma_start3A_413 = arith.constant 0 : i32
    %dma_start3A_414 = arith.constant 0 : i32
    %dma_start3A_415 = tpu.memref_slice %arg7[%dma_start3A_407, %dma_start3A_413, %dma_start3A_414] : memref<2x8x128xi32, #tpu.memory_space<vmem>> -> memref<1x8x128xi32, #tpu.memory_space<vmem>>
    %dma_start3A_416 = tpu.memref_squeeze %dma_start3A_415 : memref<1x8x128xi32, #tpu.memory_space<vmem>> -> memref<8x128xi32, #tpu.memory_space<vmem>>
    %dma_start3A_417 = arith.constant 0 : i32
    %dma_start3A_418 = tpu.memref_slice %dma_start3A_416[%dma_start3A_408, %dma_start3A_417] : memref<8x128xi32, #tpu.memory_space<vmem>> -> memref<1x128xi32, #tpu.memory_space<vmem>>
    %dma_start3A_419 = tpu.memref_squeeze %dma_start3A_418 : memref<1x128xi32, #tpu.memory_space<vmem>> -> memref<128xi32, #tpu.memory_space<vmem>>
    %dma_start3A_420 = arith.constant 0 : i32
    %dma_start3A_421 = arith.constant 0 : i32
    %dma_start3A_422 = tpu.memref_slice %arg9[%dma_start3A_420, %dma_start3A_421] : memref<102400x8xf32, #tpu.memory_space<vmem_shared>> -> memref<102400x8xf32, #tpu.memory_space<vmem_shared>>
    tpu.enqueue_indirect_dma source(%dma_start3A_412 : memref<128x8xf32, #tpu.memory_space<vmem>>) target(%dma_start3A_422 : memref<102400x8xf32, #tpu.memory_space<vmem_shared>>) offsets(%dma_start3A_419 : memref<128xi32, #tpu.memory_space<vmem>>) semaphore(%arg12 : memref<!tpu.dma_semaphore, #tpu.memory_space<semaphore_mem>>) {add = true}
    %dma_wait3A_423 = arith.constant 0 : i32
    %dma_wait3A_424 = arith.constant 7 : i32
    %dma_wait3A_425 = arith.constant 7 : i32
    %dma_wait3A_426 = arith.constant 0 : i32
    %dma_wait3A_427 = arith.constant 0 : i32
    %dma_wait3A_428 = tpu.memref_slice %arg8[%dma_wait3A_425, %dma_wait3A_426, %dma_wait3A_427] : memref<8x128x8xf32, #tpu.memory_space<vmem>> -> memref<1x128x8xf32, #tpu.memory_space<vmem>>
    %dma_wait3A_429 = tpu.memref_squeeze %dma_wait3A_428 : memref<1x128x8xf32, #tpu.memory_space<vmem>> -> memref<128x8xf32, #tpu.memory_space<vmem>>
    %dma_wait3A_430 = arith.constant 0 : i32
    %dma_wait3A_431 = arith.constant 0 : i32
    %dma_wait3A_432 = tpu.memref_slice %arg6[%dma_wait3A_423, %dma_wait3A_430, %dma_wait3A_431] : memref<2x8x128xi32, #tpu.memory_space<vmem>> -> memref<1x8x128xi32, #tpu.memory_space<vmem>>
    %dma_wait3A_433 = tpu.memref_squeeze %dma_wait3A_432 : memref<1x8x128xi32, #tpu.memory_space<vmem>> -> memref<8x128xi32, #tpu.memory_space<vmem>>
    %dma_wait3A_434 = arith.constant 0 : i32
    %dma_wait3A_435 = tpu.memref_slice %dma_wait3A_433[%dma_wait3A_424, %dma_wait3A_434] : memref<8x128xi32, #tpu.memory_space<vmem>> -> memref<1x128xi32, #tpu.memory_space<vmem>>
    %dma_wait3A_436 = tpu.memref_squeeze %dma_wait3A_435 : memref<1x128xi32, #tpu.memory_space<vmem>> -> memref<128xi32, #tpu.memory_space<vmem>>
    %dma_wait3A_437 = arith.constant 0 : i32
    %dma_wait3A_438 = arith.constant 0 : i32
    %dma_wait3A_439 = tpu.memref_slice %arg2[%dma_wait3A_437, %dma_wait3A_438] : memref<102400x8xf32, #tpu.memory_space<hbm>> -> memref<102400x8xf32, #tpu.memory_space<hbm>>
    tpu.wait_indirect_dma semaphore(%arg11 : memref<!tpu.dma_semaphore, #tpu.memory_space<semaphore_mem>>) src(%dma_wait3A_439 : memref<102400x8xf32, #tpu.memory_space<hbm>>) dst(%dma_wait3A_429 : memref<128x8xf32, #tpu.memory_space<vmem>>)
    %dma_start3A_440 = arith.constant 7 : i32
    %dma_start3A_441 = arith.constant 0 : i32
    %dma_start3A_442 = arith.constant 7 : i32
    %dma_start3A_443 = arith.constant 0 : i32
    %dma_start3A_444 = arith.constant 0 : i32
    %dma_start3A_445 = tpu.memref_slice %arg8[%dma_start3A_440, %dma_start3A_443, %dma_start3A_444] : memref<8x128x8xf32, #tpu.memory_space<vmem>> -> memref<1x128x8xf32, #tpu.memory_space<vmem>>
    %dma_start3A_446 = tpu.memref_squeeze %dma_start3A_445 : memref<1x128x8xf32, #tpu.memory_space<vmem>> -> memref<128x8xf32, #tpu.memory_space<vmem>>
    %dma_start3A_447 = arith.constant 0 : i32
    %dma_start3A_448 = arith.constant 0 : i32
    %dma_start3A_449 = tpu.memref_slice %arg7[%dma_start3A_441, %dma_start3A_447, %dma_start3A_448] : memref<2x8x128xi32, #tpu.memory_space<vmem>> -> memref<1x8x128xi32, #tpu.memory_space<vmem>>
    %dma_start3A_450 = tpu.memref_squeeze %dma_start3A_449 : memref<1x8x128xi32, #tpu.memory_space<vmem>> -> memref<8x128xi32, #tpu.memory_space<vmem>>
    %dma_start3A_451 = arith.constant 0 : i32
    %dma_start3A_452 = tpu.memref_slice %dma_start3A_450[%dma_start3A_442, %dma_start3A_451] : memref<8x128xi32, #tpu.memory_space<vmem>> -> memref<1x128xi32, #tpu.memory_space<vmem>>
    %dma_start3A_453 = tpu.memref_squeeze %dma_start3A_452 : memref<1x128xi32, #tpu.memory_space<vmem>> -> memref<128xi32, #tpu.memory_space<vmem>>
    %dma_start3A_454 = arith.constant 0 : i32
    %dma_start3A_455 = arith.constant 0 : i32
    %dma_start3A_456 = tpu.memref_slice %arg9[%dma_start3A_454, %dma_start3A_455] : memref<102400x8xf32, #tpu.memory_space<vmem_shared>> -> memref<102400x8xf32, #tpu.memory_space<vmem_shared>>
    tpu.enqueue_indirect_dma source(%dma_start3A_446 : memref<128x8xf32, #tpu.memory_space<vmem>>) target(%dma_start3A_456 : memref<102400x8xf32, #tpu.memory_space<vmem_shared>>) offsets(%dma_start3A_453 : memref<128xi32, #tpu.memory_space<vmem>>) semaphore(%arg12 : memref<!tpu.dma_semaphore, #tpu.memory_space<semaphore_mem>>) {add = true}
    %dma_wait3A_457 = arith.constant 0 : i32
    %dma_wait3A_458 = arith.constant 0 : i32
    %dma_wait3A_459 = arith.constant 0 : i32
    %dma_wait3A_460 = arith.constant 0 : i32
    %dma_wait3A_461 = arith.constant 0 : i32
    %dma_wait3A_462 = tpu.memref_slice %arg8[%dma_wait3A_457, %dma_wait3A_460, %dma_wait3A_461] : memref<8x128x8xf32, #tpu.memory_space<vmem>> -> memref<1x128x8xf32, #tpu.memory_space<vmem>>
    %dma_wait3A_463 = tpu.memref_squeeze %dma_wait3A_462 : memref<1x128x8xf32, #tpu.memory_space<vmem>> -> memref<128x8xf32, #tpu.memory_space<vmem>>
    %dma_wait3A_464 = arith.constant 0 : i32
    %dma_wait3A_465 = arith.constant 0 : i32
    %dma_wait3A_466 = tpu.memref_slice %arg7[%dma_wait3A_458, %dma_wait3A_464, %dma_wait3A_465] : memref<2x8x128xi32, #tpu.memory_space<vmem>> -> memref<1x8x128xi32, #tpu.memory_space<vmem>>
    %dma_wait3A_467 = tpu.memref_squeeze %dma_wait3A_466 : memref<1x8x128xi32, #tpu.memory_space<vmem>> -> memref<8x128xi32, #tpu.memory_space<vmem>>
    %dma_wait3A_468 = arith.constant 0 : i32
    %dma_wait3A_469 = tpu.memref_slice %dma_wait3A_467[%dma_wait3A_459, %dma_wait3A_468] : memref<8x128xi32, #tpu.memory_space<vmem>> -> memref<1x128xi32, #tpu.memory_space<vmem>>
    %dma_wait3A_470 = tpu.memref_squeeze %dma_wait3A_469 : memref<1x128xi32, #tpu.memory_space<vmem>> -> memref<128xi32, #tpu.memory_space<vmem>>
    %dma_wait3A_471 = arith.constant 0 : i32
    %dma_wait3A_472 = arith.constant 0 : i32
    %dma_wait3A_473 = tpu.memref_slice %arg9[%dma_wait3A_471, %dma_wait3A_472] : memref<102400x8xf32, #tpu.memory_space<vmem_shared>> -> memref<102400x8xf32, #tpu.memory_space<vmem_shared>>
    tpu.wait_indirect_dma semaphore(%arg12 : memref<!tpu.dma_semaphore, #tpu.memory_space<semaphore_mem>>) src(%dma_wait3A_463 : memref<128x8xf32, #tpu.memory_space<vmem>>) dst(%dma_wait3A_473 : memref<102400x8xf32, #tpu.memory_space<vmem_shared>>)
    %dma_wait3A_474 = arith.constant 1 : i32
    %dma_wait3A_475 = arith.constant 0 : i32
    %dma_wait3A_476 = arith.constant 1 : i32
    %dma_wait3A_477 = arith.constant 0 : i32
    %dma_wait3A_478 = arith.constant 0 : i32
    %dma_wait3A_479 = tpu.memref_slice %arg8[%dma_wait3A_474, %dma_wait3A_477, %dma_wait3A_478] : memref<8x128x8xf32, #tpu.memory_space<vmem>> -> memref<1x128x8xf32, #tpu.memory_space<vmem>>
    %dma_wait3A_480 = tpu.memref_squeeze %dma_wait3A_479 : memref<1x128x8xf32, #tpu.memory_space<vmem>> -> memref<128x8xf32, #tpu.memory_space<vmem>>
    %dma_wait3A_481 = arith.constant 0 : i32
    %dma_wait3A_482 = arith.constant 0 : i32
    %dma_wait3A_483 = tpu.memref_slice %arg7[%dma_wait3A_475, %dma_wait3A_481, %dma_wait3A_482] : memref<2x8x128xi32, #tpu.memory_space<vmem>> -> memref<1x8x128xi32, #tpu.memory_space<vmem>>
    %dma_wait3A_484 = tpu.memref_squeeze %dma_wait3A_483 : memref<1x8x128xi32, #tpu.memory_space<vmem>> -> memref<8x128xi32, #tpu.memory_space<vmem>>
    %dma_wait3A_485 = arith.constant 0 : i32
    %dma_wait3A_486 = tpu.memref_slice %dma_wait3A_484[%dma_wait3A_476, %dma_wait3A_485] : memref<8x128xi32, #tpu.memory_space<vmem>> -> memref<1x128xi32, #tpu.memory_space<vmem>>
    %dma_wait3A_487 = tpu.memref_squeeze %dma_wait3A_486 : memref<1x128xi32, #tpu.memory_space<vmem>> -> memref<128xi32, #tpu.memory_space<vmem>>
    %dma_wait3A_488 = arith.constant 0 : i32
    %dma_wait3A_489 = arith.constant 0 : i32
    %dma_wait3A_490 = tpu.memref_slice %arg9[%dma_wait3A_488, %dma_wait3A_489] : memref<102400x8xf32, #tpu.memory_space<vmem_shared>> -> memref<102400x8xf32, #tpu.memory_space<vmem_shared>>
    tpu.wait_indirect_dma semaphore(%arg12 : memref<!tpu.dma_semaphore, #tpu.memory_space<semaphore_mem>>) src(%dma_wait3A_480 : memref<128x8xf32, #tpu.memory_space<vmem>>) dst(%dma_wait3A_490 : memref<102400x8xf32, #tpu.memory_space<vmem_shared>>)
    %dma_wait3A_491 = arith.constant 2 : i32
    %dma_wait3A_492 = arith.constant 0 : i32
    %dma_wait3A_493 = arith.constant 2 : i32
    %dma_wait3A_494 = arith.constant 0 : i32
    %dma_wait3A_495 = arith.constant 0 : i32
    %dma_wait3A_496 = tpu.memref_slice %arg8[%dma_wait3A_491, %dma_wait3A_494, %dma_wait3A_495] : memref<8x128x8xf32, #tpu.memory_space<vmem>> -> memref<1x128x8xf32, #tpu.memory_space<vmem>>
    %dma_wait3A_497 = tpu.memref_squeeze %dma_wait3A_496 : memref<1x128x8xf32, #tpu.memory_space<vmem>> -> memref<128x8xf32, #tpu.memory_space<vmem>>
    %dma_wait3A_498 = arith.constant 0 : i32
    %dma_wait3A_499 = arith.constant 0 : i32
    %dma_wait3A_500 = tpu.memref_slice %arg7[%dma_wait3A_492, %dma_wait3A_498, %dma_wait3A_499] : memref<2x8x128xi32, #tpu.memory_space<vmem>> -> memref<1x8x128xi32, #tpu.memory_space<vmem>>
    %dma_wait3A_501 = tpu.memref_squeeze %dma_wait3A_500 : memref<1x8x128xi32, #tpu.memory_space<vmem>> -> memref<8x128xi32, #tpu.memory_space<vmem>>
    %dma_wait3A_502 = arith.constant 0 : i32
    %dma_wait3A_503 = tpu.memref_slice %dma_wait3A_501[%dma_wait3A_493, %dma_wait3A_502] : memref<8x128xi32, #tpu.memory_space<vmem>> -> memref<1x128xi32, #tpu.memory_space<vmem>>
    %dma_wait3A_504 = tpu.memref_squeeze %dma_wait3A_503 : memref<1x128xi32, #tpu.memory_space<vmem>> -> memref<128xi32, #tpu.memory_space<vmem>>
    %dma_wait3A_505 = arith.constant 0 : i32
    %dma_wait3A_506 = arith.constant 0 : i32
    %dma_wait3A_507 = tpu.memref_slice %arg9[%dma_wait3A_505, %dma_wait3A_506] : memref<102400x8xf32, #tpu.memory_space<vmem_shared>> -> memref<102400x8xf32, #tpu.memory_space<vmem_shared>>
    tpu.wait_indirect_dma semaphore(%arg12 : memref<!tpu.dma_semaphore, #tpu.memory_space<semaphore_mem>>) src(%dma_wait3A_497 : memref<128x8xf32, #tpu.memory_space<vmem>>) dst(%dma_wait3A_507 : memref<102400x8xf32, #tpu.memory_space<vmem_shared>>)
    %dma_wait3A_508 = arith.constant 3 : i32
    %dma_wait3A_509 = arith.constant 0 : i32
    %dma_wait3A_510 = arith.constant 3 : i32
    %dma_wait3A_511 = arith.constant 0 : i32
    %dma_wait3A_512 = arith.constant 0 : i32
    %dma_wait3A_513 = tpu.memref_slice %arg8[%dma_wait3A_508, %dma_wait3A_511, %dma_wait3A_512] : memref<8x128x8xf32, #tpu.memory_space<vmem>> -> memref<1x128x8xf32, #tpu.memory_space<vmem>>
    %dma_wait3A_514 = tpu.memref_squeeze %dma_wait3A_513 : memref<1x128x8xf32, #tpu.memory_space<vmem>> -> memref<128x8xf32, #tpu.memory_space<vmem>>
    %dma_wait3A_515 = arith.constant 0 : i32
    %dma_wait3A_516 = arith.constant 0 : i32
    %dma_wait3A_517 = tpu.memref_slice %arg7[%dma_wait3A_509, %dma_wait3A_515, %dma_wait3A_516] : memref<2x8x128xi32, #tpu.memory_space<vmem>> -> memref<1x8x128xi32, #tpu.memory_space<vmem>>
    %dma_wait3A_518 = tpu.memref_squeeze %dma_wait3A_517 : memref<1x8x128xi32, #tpu.memory_space<vmem>> -> memref<8x128xi32, #tpu.memory_space<vmem>>
    %dma_wait3A_519 = arith.constant 0 : i32
    %dma_wait3A_520 = tpu.memref_slice %dma_wait3A_518[%dma_wait3A_510, %dma_wait3A_519] : memref<8x128xi32, #tpu.memory_space<vmem>> -> memref<1x128xi32, #tpu.memory_space<vmem>>
    %dma_wait3A_521 = tpu.memref_squeeze %dma_wait3A_520 : memref<1x128xi32, #tpu.memory_space<vmem>> -> memref<128xi32, #tpu.memory_space<vmem>>
    %dma_wait3A_522 = arith.constant 0 : i32
    %dma_wait3A_523 = arith.constant 0 : i32
    %dma_wait3A_524 = tpu.memref_slice %arg9[%dma_wait3A_522, %dma_wait3A_523] : memref<102400x8xf32, #tpu.memory_space<vmem_shared>> -> memref<102400x8xf32, #tpu.memory_space<vmem_shared>>
    tpu.wait_indirect_dma semaphore(%arg12 : memref<!tpu.dma_semaphore, #tpu.memory_space<semaphore_mem>>) src(%dma_wait3A_514 : memref<128x8xf32, #tpu.memory_space<vmem>>) dst(%dma_wait3A_524 : memref<102400x8xf32, #tpu.memory_space<vmem_shared>>)
    %dma_wait3A_525 = arith.constant 4 : i32
    %dma_wait3A_526 = arith.constant 0 : i32
    %dma_wait3A_527 = arith.constant 4 : i32
    %dma_wait3A_528 = arith.constant 0 : i32
    %dma_wait3A_529 = arith.constant 0 : i32
    %dma_wait3A_530 = tpu.memref_slice %arg8[%dma_wait3A_525, %dma_wait3A_528, %dma_wait3A_529] : memref<8x128x8xf32, #tpu.memory_space<vmem>> -> memref<1x128x8xf32, #tpu.memory_space<vmem>>
    %dma_wait3A_531 = tpu.memref_squeeze %dma_wait3A_530 : memref<1x128x8xf32, #tpu.memory_space<vmem>> -> memref<128x8xf32, #tpu.memory_space<vmem>>
    %dma_wait3A_532 = arith.constant 0 : i32
    %dma_wait3A_533 = arith.constant 0 : i32
    %dma_wait3A_534 = tpu.memref_slice %arg7[%dma_wait3A_526, %dma_wait3A_532, %dma_wait3A_533] : memref<2x8x128xi32, #tpu.memory_space<vmem>> -> memref<1x8x128xi32, #tpu.memory_space<vmem>>
    %dma_wait3A_535 = tpu.memref_squeeze %dma_wait3A_534 : memref<1x8x128xi32, #tpu.memory_space<vmem>> -> memref<8x128xi32, #tpu.memory_space<vmem>>
    %dma_wait3A_536 = arith.constant 0 : i32
    %dma_wait3A_537 = tpu.memref_slice %dma_wait3A_535[%dma_wait3A_527, %dma_wait3A_536] : memref<8x128xi32, #tpu.memory_space<vmem>> -> memref<1x128xi32, #tpu.memory_space<vmem>>
    %dma_wait3A_538 = tpu.memref_squeeze %dma_wait3A_537 : memref<1x128xi32, #tpu.memory_space<vmem>> -> memref<128xi32, #tpu.memory_space<vmem>>
    %dma_wait3A_539 = arith.constant 0 : i32
    %dma_wait3A_540 = arith.constant 0 : i32
    %dma_wait3A_541 = tpu.memref_slice %arg9[%dma_wait3A_539, %dma_wait3A_540] : memref<102400x8xf32, #tpu.memory_space<vmem_shared>> -> memref<102400x8xf32, #tpu.memory_space<vmem_shared>>
    tpu.wait_indirect_dma semaphore(%arg12 : memref<!tpu.dma_semaphore, #tpu.memory_space<semaphore_mem>>) src(%dma_wait3A_531 : memref<128x8xf32, #tpu.memory_space<vmem>>) dst(%dma_wait3A_541 : memref<102400x8xf32, #tpu.memory_space<vmem_shared>>)
    %dma_wait3A_542 = arith.constant 5 : i32
    %dma_wait3A_543 = arith.constant 0 : i32
    %dma_wait3A_544 = arith.constant 5 : i32
    %dma_wait3A_545 = arith.constant 0 : i32
    %dma_wait3A_546 = arith.constant 0 : i32
    %dma_wait3A_547 = tpu.memref_slice %arg8[%dma_wait3A_542, %dma_wait3A_545, %dma_wait3A_546] : memref<8x128x8xf32, #tpu.memory_space<vmem>> -> memref<1x128x8xf32, #tpu.memory_space<vmem>>
    %dma_wait3A_548 = tpu.memref_squeeze %dma_wait3A_547 : memref<1x128x8xf32, #tpu.memory_space<vmem>> -> memref<128x8xf32, #tpu.memory_space<vmem>>
    %dma_wait3A_549 = arith.constant 0 : i32
    %dma_wait3A_550 = arith.constant 0 : i32
    %dma_wait3A_551 = tpu.memref_slice %arg7[%dma_wait3A_543, %dma_wait3A_549, %dma_wait3A_550] : memref<2x8x128xi32, #tpu.memory_space<vmem>> -> memref<1x8x128xi32, #tpu.memory_space<vmem>>
    %dma_wait3A_552 = tpu.memref_squeeze %dma_wait3A_551 : memref<1x8x128xi32, #tpu.memory_space<vmem>> -> memref<8x128xi32, #tpu.memory_space<vmem>>
    %dma_wait3A_553 = arith.constant 0 : i32
    %dma_wait3A_554 = tpu.memref_slice %dma_wait3A_552[%dma_wait3A_544, %dma_wait3A_553] : memref<8x128xi32, #tpu.memory_space<vmem>> -> memref<1x128xi32, #tpu.memory_space<vmem>>
    %dma_wait3A_555 = tpu.memref_squeeze %dma_wait3A_554 : memref<1x128xi32, #tpu.memory_space<vmem>> -> memref<128xi32, #tpu.memory_space<vmem>>
    %dma_wait3A_556 = arith.constant 0 : i32
    %dma_wait3A_557 = arith.constant 0 : i32
    %dma_wait3A_558 = tpu.memref_slice %arg9[%dma_wait3A_556, %dma_wait3A_557] : memref<102400x8xf32, #tpu.memory_space<vmem_shared>> -> memref<102400x8xf32, #tpu.memory_space<vmem_shared>>
    tpu.wait_indirect_dma semaphore(%arg12 : memref<!tpu.dma_semaphore, #tpu.memory_space<semaphore_mem>>) src(%dma_wait3A_548 : memref<128x8xf32, #tpu.memory_space<vmem>>) dst(%dma_wait3A_558 : memref<102400x8xf32, #tpu.memory_space<vmem_shared>>)
    %dma_wait3A_559 = arith.constant 6 : i32
    %dma_wait3A_560 = arith.constant 0 : i32
    %dma_wait3A_561 = arith.constant 6 : i32
    %dma_wait3A_562 = arith.constant 0 : i32
    %dma_wait3A_563 = arith.constant 0 : i32
    %dma_wait3A_564 = tpu.memref_slice %arg8[%dma_wait3A_559, %dma_wait3A_562, %dma_wait3A_563] : memref<8x128x8xf32, #tpu.memory_space<vmem>> -> memref<1x128x8xf32, #tpu.memory_space<vmem>>
    %dma_wait3A_565 = tpu.memref_squeeze %dma_wait3A_564 : memref<1x128x8xf32, #tpu.memory_space<vmem>> -> memref<128x8xf32, #tpu.memory_space<vmem>>
    %dma_wait3A_566 = arith.constant 0 : i32
    %dma_wait3A_567 = arith.constant 0 : i32
    %dma_wait3A_568 = tpu.memref_slice %arg7[%dma_wait3A_560, %dma_wait3A_566, %dma_wait3A_567] : memref<2x8x128xi32, #tpu.memory_space<vmem>> -> memref<1x8x128xi32, #tpu.memory_space<vmem>>
    %dma_wait3A_569 = tpu.memref_squeeze %dma_wait3A_568 : memref<1x8x128xi32, #tpu.memory_space<vmem>> -> memref<8x128xi32, #tpu.memory_space<vmem>>
    %dma_wait3A_570 = arith.constant 0 : i32
    %dma_wait3A_571 = tpu.memref_slice %dma_wait3A_569[%dma_wait3A_561, %dma_wait3A_570] : memref<8x128xi32, #tpu.memory_space<vmem>> -> memref<1x128xi32, #tpu.memory_space<vmem>>
    %dma_wait3A_572 = tpu.memref_squeeze %dma_wait3A_571 : memref<1x128xi32, #tpu.memory_space<vmem>> -> memref<128xi32, #tpu.memory_space<vmem>>
    %dma_wait3A_573 = arith.constant 0 : i32
    %dma_wait3A_574 = arith.constant 0 : i32
    %dma_wait3A_575 = tpu.memref_slice %arg9[%dma_wait3A_573, %dma_wait3A_574] : memref<102400x8xf32, #tpu.memory_space<vmem_shared>> -> memref<102400x8xf32, #tpu.memory_space<vmem_shared>>
    tpu.wait_indirect_dma semaphore(%arg12 : memref<!tpu.dma_semaphore, #tpu.memory_space<semaphore_mem>>) src(%dma_wait3A_565 : memref<128x8xf32, #tpu.memory_space<vmem>>) dst(%dma_wait3A_575 : memref<102400x8xf32, #tpu.memory_space<vmem_shared>>)
    %dma_wait3A_576 = arith.constant 7 : i32
    %dma_wait3A_577 = arith.constant 0 : i32
    %dma_wait3A_578 = arith.constant 7 : i32
    %dma_wait3A_579 = arith.constant 0 : i32
    %dma_wait3A_580 = arith.constant 0 : i32
    %dma_wait3A_581 = tpu.memref_slice %arg8[%dma_wait3A_576, %dma_wait3A_579, %dma_wait3A_580] : memref<8x128x8xf32, #tpu.memory_space<vmem>> -> memref<1x128x8xf32, #tpu.memory_space<vmem>>
    %dma_wait3A_582 = tpu.memref_squeeze %dma_wait3A_581 : memref<1x128x8xf32, #tpu.memory_space<vmem>> -> memref<128x8xf32, #tpu.memory_space<vmem>>
    %dma_wait3A_583 = arith.constant 0 : i32
    %dma_wait3A_584 = arith.constant 0 : i32
    %dma_wait3A_585 = tpu.memref_slice %arg7[%dma_wait3A_577, %dma_wait3A_583, %dma_wait3A_584] : memref<2x8x128xi32, #tpu.memory_space<vmem>> -> memref<1x8x128xi32, #tpu.memory_space<vmem>>
    %dma_wait3A_586 = tpu.memref_squeeze %dma_wait3A_585 : memref<1x8x128xi32, #tpu.memory_space<vmem>> -> memref<8x128xi32, #tpu.memory_space<vmem>>
    %dma_wait3A_587 = arith.constant 0 : i32
    %dma_wait3A_588 = tpu.memref_slice %dma_wait3A_586[%dma_wait3A_578, %dma_wait3A_587] : memref<8x128xi32, #tpu.memory_space<vmem>> -> memref<1x128xi32, #tpu.memory_space<vmem>>
    %dma_wait3A_589 = tpu.memref_squeeze %dma_wait3A_588 : memref<1x128xi32, #tpu.memory_space<vmem>> -> memref<128xi32, #tpu.memory_space<vmem>>
    %dma_wait3A_590 = arith.constant 0 : i32
    %dma_wait3A_591 = arith.constant 0 : i32
    %dma_wait3A_592 = tpu.memref_slice %arg9[%dma_wait3A_590, %dma_wait3A_591] : memref<102400x8xf32, #tpu.memory_space<vmem_shared>> -> memref<102400x8xf32, #tpu.memory_space<vmem_shared>>
    tpu.wait_indirect_dma semaphore(%arg12 : memref<!tpu.dma_semaphore, #tpu.memory_space<semaphore_mem>>) src(%dma_wait3A_582 : memref<128x8xf32, #tpu.memory_space<vmem>>) dst(%dma_wait3A_592 : memref<102400x8xf32, #tpu.memory_space<vmem_shared>>)
    %dma_wait3A_593 = arith.constant 1 : i32
    %dma_wait3A_594 = arith.constant 1 : i32
    %dma_wait3A_595 = arith.constant 0 : i32
    %dma_wait3A_596 = arith.constant 0 : i32
    %dma_wait3A_597 = tpu.memref_slice %arg6[%dma_wait3A_594, %dma_wait3A_595, %dma_wait3A_596] : memref<2x8x128xi32, #tpu.memory_space<vmem>> -> memref<1x5x128xi32, #tpu.memory_space<vmem>>
    %dma_wait3A_598 = tpu.memref_squeeze %dma_wait3A_597 : memref<1x5x128xi32, #tpu.memory_space<vmem>> -> memref<5x128xi32, #tpu.memory_space<vmem>>
    %dma_wait3A_599 = arith.constant 0 : i32
    %dma_wait3A_600 = tpu.memref_slice %arg3[%dma_wait3A_593, %add3A_16, %dma_wait3A_599] : memref<2x25000x128xi32, #tpu.memory_space<hbm>> -> memref<1x5x128xi32, #tpu.memory_space<hbm>>
    %dma_wait3A_601 = tpu.memref_squeeze %dma_wait3A_600 : memref<1x5x128xi32, #tpu.memory_space<hbm>> -> memref<5x128xi32, #tpu.memory_space<hbm>>
    %dma_wait3A_602 = arith.constant 0 : i32
    %dma_wait3A_603 = arith.constant 0 : i32
    %dma_wait3A_604 = tpu.memref_slice %arg6[%dma_wait3A_594, %dma_wait3A_602, %dma_wait3A_603] : memref<2x8x128xi32, #tpu.memory_space<vmem>> -> memref<1x5x128xi32, #tpu.memory_space<vmem>>
    %dma_wait3A_605 = tpu.memref_squeeze %dma_wait3A_604 : memref<1x5x128xi32, #tpu.memory_space<vmem>> -> memref<5x128xi32, #tpu.memory_space<vmem>>
    %dma_wait3A_606 = arith.constant 0 : i32
    %dma_wait3A_607 = tpu.memref_slice %arg3[%dma_wait3A_593, %add3A_16, %dma_wait3A_606] : memref<2x25000x128xi32, #tpu.memory_space<hbm>> -> memref<1x5x128xi32, #tpu.memory_space<hbm>>
    %dma_wait3A_608 = tpu.memref_squeeze %dma_wait3A_607 : memref<1x5x128xi32, #tpu.memory_space<hbm>> -> memref<5x128xi32, #tpu.memory_space<hbm>>
    tpu.wait_dma2 semaphore(%arg10 : memref<!tpu.dma_semaphore, #tpu.memory_space<semaphore_mem>>) src(%dma_wait3A_608 : memref<5x128xi32, #tpu.memory_space<hbm>>) dst(%dma_wait3A_605 : memref<5x128xi32, #tpu.memory_space<vmem>>)
    %dma_wait3A_609 = arith.constant 0 : i32
    %dma_wait3A_610 = arith.constant 1 : i32
    %dma_wait3A_611 = arith.constant 0 : i32
    %dma_wait3A_612 = arith.constant 0 : i32
    %dma_wait3A_613 = tpu.memref_slice %arg7[%dma_wait3A_610, %dma_wait3A_611, %dma_wait3A_612] : memref<2x8x128xi32, #tpu.memory_space<vmem>> -> memref<1x5x128xi32, #tpu.memory_space<vmem>>
    %dma_wait3A_614 = tpu.memref_squeeze %dma_wait3A_613 : memref<1x5x128xi32, #tpu.memory_space<vmem>> -> memref<5x128xi32, #tpu.memory_space<vmem>>
    %dma_wait3A_615 = arith.constant 0 : i32
    %dma_wait3A_616 = tpu.memref_slice %arg3[%dma_wait3A_609, %add3A_33, %dma_wait3A_615] : memref<2x25000x128xi32, #tpu.memory_space<hbm>> -> memref<1x5x128xi32, #tpu.memory_space<hbm>>
    %dma_wait3A_617 = tpu.memref_squeeze %dma_wait3A_616 : memref<1x5x128xi32, #tpu.memory_space<hbm>> -> memref<5x128xi32, #tpu.memory_space<hbm>>
    %dma_wait3A_618 = arith.constant 0 : i32
    %dma_wait3A_619 = arith.constant 0 : i32
    %dma_wait3A_620 = tpu.memref_slice %arg7[%dma_wait3A_610, %dma_wait3A_618, %dma_wait3A_619] : memref<2x8x128xi32, #tpu.memory_space<vmem>> -> memref<1x5x128xi32, #tpu.memory_space<vmem>>
    %dma_wait3A_621 = tpu.memref_squeeze %dma_wait3A_620 : memref<1x5x128xi32, #tpu.memory_space<vmem>> -> memref<5x128xi32, #tpu.memory_space<vmem>>
    %dma_wait3A_622 = arith.constant 0 : i32
    %dma_wait3A_623 = tpu.memref_slice %arg3[%dma_wait3A_609, %add3A_33, %dma_wait3A_622] : memref<2x25000x128xi32, #tpu.memory_space<hbm>> -> memref<1x5x128xi32, #tpu.memory_space<hbm>>
    %dma_wait3A_624 = tpu.memref_squeeze %dma_wait3A_623 : memref<1x5x128xi32, #tpu.memory_space<hbm>> -> memref<5x128xi32, #tpu.memory_space<hbm>>
    tpu.wait_dma2 semaphore(%arg10 : memref<!tpu.dma_semaphore, #tpu.memory_space<semaphore_mem>>) src(%dma_wait3A_624 : memref<5x128xi32, #tpu.memory_space<hbm>>) dst(%dma_wait3A_621 : memref<5x128xi32, #tpu.memory_space<vmem>>)
    %dma_start3A_625 = arith.constant 1 : i32
    %dma_start3A_626 = arith.constant 0 : i32
    %dma_start3A_627 = arith.constant 0 : i32
    %dma_start3A_628 = arith.constant 0 : i32
    %dma_start3A_629 = arith.constant 0 : i32
    %dma_start3A_630 = tpu.memref_slice %arg8[%dma_start3A_627, %dma_start3A_628, %dma_start3A_629] : memref<8x128x8xf32, #tpu.memory_space<vmem>> -> memref<1x128x8xf32, #tpu.memory_space<vmem>>
    %dma_start3A_631 = tpu.memref_squeeze %dma_start3A_630 : memref<1x128x8xf32, #tpu.memory_space<vmem>> -> memref<128x8xf32, #tpu.memory_space<vmem>>
    %dma_start3A_632 = arith.constant 0 : i32
    %dma_start3A_633 = arith.constant 0 : i32
    %dma_start3A_634 = tpu.memref_slice %arg6[%dma_start3A_625, %dma_start3A_632, %dma_start3A_633] : memref<2x8x128xi32, #tpu.memory_space<vmem>> -> memref<1x8x128xi32, #tpu.memory_space<vmem>>
    %dma_start3A_635 = tpu.memref_squeeze %dma_start3A_634 : memref<1x8x128xi32, #tpu.memory_space<vmem>> -> memref<8x128xi32, #tpu.memory_space<vmem>>
    %dma_start3A_636 = arith.constant 0 : i32
    %dma_start3A_637 = tpu.memref_slice %dma_start3A_635[%dma_start3A_626, %dma_start3A_636] : memref<8x128xi32, #tpu.memory_space<vmem>> -> memref<1x128xi32, #tpu.memory_space<vmem>>
    %dma_start3A_638 = tpu.memref_squeeze %dma_start3A_637 : memref<1x128xi32, #tpu.memory_space<vmem>> -> memref<128xi32, #tpu.memory_space<vmem>>
    %dma_start3A_639 = arith.constant 0 : i32
    %dma_start3A_640 = arith.constant 0 : i32
    %dma_start3A_641 = tpu.memref_slice %arg2[%dma_start3A_639, %dma_start3A_640] : memref<102400x8xf32, #tpu.memory_space<hbm>> -> memref<102400x8xf32, #tpu.memory_space<hbm>>
    tpu.enqueue_indirect_dma source(%dma_start3A_641 : memref<102400x8xf32, #tpu.memory_space<hbm>>) target(%dma_start3A_631 : memref<128x8xf32, #tpu.memory_space<vmem>>) offsets(%dma_start3A_638 : memref<128xi32, #tpu.memory_space<vmem>>) semaphore(%arg11 : memref<!tpu.dma_semaphore, #tpu.memory_space<semaphore_mem>>)
    %dma_start3A_642 = arith.constant 1 : i32
    %dma_start3A_643 = arith.constant 1 : i32
    %dma_start3A_644 = arith.constant 1 : i32
    %dma_start3A_645 = arith.constant 0 : i32
    %dma_start3A_646 = arith.constant 0 : i32
    %dma_start3A_647 = tpu.memref_slice %arg8[%dma_start3A_644, %dma_start3A_645, %dma_start3A_646] : memref<8x128x8xf32, #tpu.memory_space<vmem>> -> memref<1x128x8xf32, #tpu.memory_space<vmem>>
    %dma_start3A_648 = tpu.memref_squeeze %dma_start3A_647 : memref<1x128x8xf32, #tpu.memory_space<vmem>> -> memref<128x8xf32, #tpu.memory_space<vmem>>
    %dma_start3A_649 = arith.constant 0 : i32
    %dma_start3A_650 = arith.constant 0 : i32
    %dma_start3A_651 = tpu.memref_slice %arg6[%dma_start3A_642, %dma_start3A_649, %dma_start3A_650] : memref<2x8x128xi32, #tpu.memory_space<vmem>> -> memref<1x8x128xi32, #tpu.memory_space<vmem>>
    %dma_start3A_652 = tpu.memref_squeeze %dma_start3A_651 : memref<1x8x128xi32, #tpu.memory_space<vmem>> -> memref<8x128xi32, #tpu.memory_space<vmem>>
    %dma_start3A_653 = arith.constant 0 : i32
    %dma_start3A_654 = tpu.memref_slice %dma_start3A_652[%dma_start3A_643, %dma_start3A_653] : memref<8x128xi32, #tpu.memory_space<vmem>> -> memref<1x128xi32, #tpu.memory_space<vmem>>
    %dma_start3A_655 = tpu.memref_squeeze %dma_start3A_654 : memref<1x128xi32, #tpu.memory_space<vmem>> -> memref<128xi32, #tpu.memory_space<vmem>>
    %dma_start3A_656 = arith.constant 0 : i32
    %dma_start3A_657 = arith.constant 0 : i32
    %dma_start3A_658 = tpu.memref_slice %arg2[%dma_start3A_656, %dma_start3A_657] : memref<102400x8xf32, #tpu.memory_space<hbm>> -> memref<102400x8xf32, #tpu.memory_space<hbm>>
    tpu.enqueue_indirect_dma source(%dma_start3A_658 : memref<102400x8xf32, #tpu.memory_space<hbm>>) target(%dma_start3A_648 : memref<128x8xf32, #tpu.memory_space<vmem>>) offsets(%dma_start3A_655 : memref<128xi32, #tpu.memory_space<vmem>>) semaphore(%arg11 : memref<!tpu.dma_semaphore, #tpu.memory_space<semaphore_mem>>)
    %dma_start3A_659 = arith.constant 1 : i32
    %dma_start3A_660 = arith.constant 2 : i32
    %dma_start3A_661 = arith.constant 2 : i32
    %dma_start3A_662 = arith.constant 0 : i32
    %dma_start3A_663 = arith.constant 0 : i32
    %dma_start3A_664 = tpu.memref_slice %arg8[%dma_start3A_661, %dma_start3A_662, %dma_start3A_663] : memref<8x128x8xf32, #tpu.memory_space<vmem>> -> memref<1x128x8xf32, #tpu.memory_space<vmem>>
    %dma_start3A_665 = tpu.memref_squeeze %dma_start3A_664 : memref<1x128x8xf32, #tpu.memory_space<vmem>> -> memref<128x8xf32, #tpu.memory_space<vmem>>
    %dma_start3A_666 = arith.constant 0 : i32
    %dma_start3A_667 = arith.constant 0 : i32
    %dma_start3A_668 = tpu.memref_slice %arg6[%dma_start3A_659, %dma_start3A_666, %dma_start3A_667] : memref<2x8x128xi32, #tpu.memory_space<vmem>> -> memref<1x8x128xi32, #tpu.memory_space<vmem>>
    %dma_start3A_669 = tpu.memref_squeeze %dma_start3A_668 : memref<1x8x128xi32, #tpu.memory_space<vmem>> -> memref<8x128xi32, #tpu.memory_space<vmem>>
    %dma_start3A_670 = arith.constant 0 : i32
    %dma_start3A_671 = tpu.memref_slice %dma_start3A_669[%dma_start3A_660, %dma_start3A_670] : memref<8x128xi32, #tpu.memory_space<vmem>> -> memref<1x128xi32, #tpu.memory_space<vmem>>
    %dma_start3A_672 = tpu.memref_squeeze %dma_start3A_671 : memref<1x128xi32, #tpu.memory_space<vmem>> -> memref<128xi32, #tpu.memory_space<vmem>>
    %dma_start3A_673 = arith.constant 0 : i32
    %dma_start3A_674 = arith.constant 0 : i32
    %dma_start3A_675 = tpu.memref_slice %arg2[%dma_start3A_673, %dma_start3A_674] : memref<102400x8xf32, #tpu.memory_space<hbm>> -> memref<102400x8xf32, #tpu.memory_space<hbm>>
    tpu.enqueue_indirect_dma source(%dma_start3A_675 : memref<102400x8xf32, #tpu.memory_space<hbm>>) target(%dma_start3A_665 : memref<128x8xf32, #tpu.memory_space<vmem>>) offsets(%dma_start3A_672 : memref<128xi32, #tpu.memory_space<vmem>>) semaphore(%arg11 : memref<!tpu.dma_semaphore, #tpu.memory_space<semaphore_mem>>)
    %dma_start3A_676 = arith.constant 1 : i32
    %dma_start3A_677 = arith.constant 3 : i32
    %dma_start3A_678 = arith.constant 3 : i32
    %dma_start3A_679 = arith.constant 0 : i32
    %dma_start3A_680 = arith.constant 0 : i32
    %dma_start3A_681 = tpu.memref_slice %arg8[%dma_start3A_678, %dma_start3A_679, %dma_start3A_680] : memref<8x128x8xf32, #tpu.memory_space<vmem>> -> memref<1x128x8xf32, #tpu.memory_space<vmem>>
    %dma_start3A_682 = tpu.memref_squeeze %dma_start3A_681 : memref<1x128x8xf32, #tpu.memory_space<vmem>> -> memref<128x8xf32, #tpu.memory_space<vmem>>
    %dma_start3A_683 = arith.constant 0 : i32
    %dma_start3A_684 = arith.constant 0 : i32
    %dma_start3A_685 = tpu.memref_slice %arg6[%dma_start3A_676, %dma_start3A_683, %dma_start3A_684] : memref<2x8x128xi32, #tpu.memory_space<vmem>> -> memref<1x8x128xi32, #tpu.memory_space<vmem>>
    %dma_start3A_686 = tpu.memref_squeeze %dma_start3A_685 : memref<1x8x128xi32, #tpu.memory_space<vmem>> -> memref<8x128xi32, #tpu.memory_space<vmem>>
    %dma_start3A_687 = arith.constant 0 : i32
    %dma_start3A_688 = tpu.memref_slice %dma_start3A_686[%dma_start3A_677, %dma_start3A_687] : memref<8x128xi32, #tpu.memory_space<vmem>> -> memref<1x128xi32, #tpu.memory_space<vmem>>
    %dma_start3A_689 = tpu.memref_squeeze %dma_start3A_688 : memref<1x128xi32, #tpu.memory_space<vmem>> -> memref<128xi32, #tpu.memory_space<vmem>>
    %dma_start3A_690 = arith.constant 0 : i32
    %dma_start3A_691 = arith.constant 0 : i32
    %dma_start3A_692 = tpu.memref_slice %arg2[%dma_start3A_690, %dma_start3A_691] : memref<102400x8xf32, #tpu.memory_space<hbm>> -> memref<102400x8xf32, #tpu.memory_space<hbm>>
    tpu.enqueue_indirect_dma source(%dma_start3A_692 : memref<102400x8xf32, #tpu.memory_space<hbm>>) target(%dma_start3A_682 : memref<128x8xf32, #tpu.memory_space<vmem>>) offsets(%dma_start3A_689 : memref<128xi32, #tpu.memory_space<vmem>>) semaphore(%arg11 : memref<!tpu.dma_semaphore, #tpu.memory_space<semaphore_mem>>)
    %dma_start3A_693 = arith.constant 1 : i32
    %dma_start3A_694 = arith.constant 4 : i32
    %dma_start3A_695 = arith.constant 4 : i32
    %dma_start3A_696 = arith.constant 0 : i32
    %dma_start3A_697 = arith.constant 0 : i32
    %dma_start3A_698 = tpu.memref_slice %arg8[%dma_start3A_695, %dma_start3A_696, %dma_start3A_697] : memref<8x128x8xf32, #tpu.memory_space<vmem>> -> memref<1x128x8xf32, #tpu.memory_space<vmem>>
    %dma_start3A_699 = tpu.memref_squeeze %dma_start3A_698 : memref<1x128x8xf32, #tpu.memory_space<vmem>> -> memref<128x8xf32, #tpu.memory_space<vmem>>
    %dma_start3A_700 = arith.constant 0 : i32
    %dma_start3A_701 = arith.constant 0 : i32
    %dma_start3A_702 = tpu.memref_slice %arg6[%dma_start3A_693, %dma_start3A_700, %dma_start3A_701] : memref<2x8x128xi32, #tpu.memory_space<vmem>> -> memref<1x8x128xi32, #tpu.memory_space<vmem>>
    %dma_start3A_703 = tpu.memref_squeeze %dma_start3A_702 : memref<1x8x128xi32, #tpu.memory_space<vmem>> -> memref<8x128xi32, #tpu.memory_space<vmem>>
    %dma_start3A_704 = arith.constant 0 : i32
    %dma_start3A_705 = tpu.memref_slice %dma_start3A_703[%dma_start3A_694, %dma_start3A_704] : memref<8x128xi32, #tpu.memory_space<vmem>> -> memref<1x128xi32, #tpu.memory_space<vmem>>
    %dma_start3A_706 = tpu.memref_squeeze %dma_start3A_705 : memref<1x128xi32, #tpu.memory_space<vmem>> -> memref<128xi32, #tpu.memory_space<vmem>>
    %dma_start3A_707 = arith.constant 0 : i32
    %dma_start3A_708 = arith.constant 0 : i32
    %dma_start3A_709 = tpu.memref_slice %arg2[%dma_start3A_707, %dma_start3A_708] : memref<102400x8xf32, #tpu.memory_space<hbm>> -> memref<102400x8xf32, #tpu.memory_space<hbm>>
    tpu.enqueue_indirect_dma source(%dma_start3A_709 : memref<102400x8xf32, #tpu.memory_space<hbm>>) target(%dma_start3A_699 : memref<128x8xf32, #tpu.memory_space<vmem>>) offsets(%dma_start3A_706 : memref<128xi32, #tpu.memory_space<vmem>>) semaphore(%arg11 : memref<!tpu.dma_semaphore, #tpu.memory_space<semaphore_mem>>)
    %dma_wait3A_710 = arith.constant 1 : i32
    %dma_wait3A_711 = arith.constant 0 : i32
    %dma_wait3A_712 = arith.constant 0 : i32
    %dma_wait3A_713 = arith.constant 0 : i32
    %dma_wait3A_714 = arith.constant 0 : i32
    %dma_wait3A_715 = tpu.memref_slice %arg8[%dma_wait3A_712, %dma_wait3A_713, %dma_wait3A_714] : memref<8x128x8xf32, #tpu.memory_space<vmem>> -> memref<1x128x8xf32, #tpu.memory_space<vmem>>
    %dma_wait3A_716 = tpu.memref_squeeze %dma_wait3A_715 : memref<1x128x8xf32, #tpu.memory_space<vmem>> -> memref<128x8xf32, #tpu.memory_space<vmem>>
    %dma_wait3A_717 = arith.constant 0 : i32
    %dma_wait3A_718 = arith.constant 0 : i32
    %dma_wait3A_719 = tpu.memref_slice %arg6[%dma_wait3A_710, %dma_wait3A_717, %dma_wait3A_718] : memref<2x8x128xi32, #tpu.memory_space<vmem>> -> memref<1x8x128xi32, #tpu.memory_space<vmem>>
    %dma_wait3A_720 = tpu.memref_squeeze %dma_wait3A_719 : memref<1x8x128xi32, #tpu.memory_space<vmem>> -> memref<8x128xi32, #tpu.memory_space<vmem>>
    %dma_wait3A_721 = arith.constant 0 : i32
    %dma_wait3A_722 = tpu.memref_slice %dma_wait3A_720[%dma_wait3A_711, %dma_wait3A_721] : memref<8x128xi32, #tpu.memory_space<vmem>> -> memref<1x128xi32, #tpu.memory_space<vmem>>
    %dma_wait3A_723 = tpu.memref_squeeze %dma_wait3A_722 : memref<1x128xi32, #tpu.memory_space<vmem>> -> memref<128xi32, #tpu.memory_space<vmem>>
    %dma_wait3A_724 = arith.constant 0 : i32
    %dma_wait3A_725 = arith.constant 0 : i32
    %dma_wait3A_726 = tpu.memref_slice %arg2[%dma_wait3A_724, %dma_wait3A_725] : memref<102400x8xf32, #tpu.memory_space<hbm>> -> memref<102400x8xf32, #tpu.memory_space<hbm>>
    tpu.wait_indirect_dma semaphore(%arg11 : memref<!tpu.dma_semaphore, #tpu.memory_space<semaphore_mem>>) src(%dma_wait3A_726 : memref<102400x8xf32, #tpu.memory_space<hbm>>) dst(%dma_wait3A_716 : memref<128x8xf32, #tpu.memory_space<vmem>>)
    %dma_start3A_727 = arith.constant 0 : i32
    %dma_start3A_728 = arith.constant 1 : i32
    %dma_start3A_729 = arith.constant 0 : i32
    %dma_start3A_730 = arith.constant 0 : i32
    %dma_start3A_731 = arith.constant 0 : i32
    %dma_start3A_732 = tpu.memref_slice %arg8[%dma_start3A_727, %dma_start3A_730, %dma_start3A_731] : memref<8x128x8xf32, #tpu.memory_space<vmem>> -> memref<1x128x8xf32, #tpu.memory_space<vmem>>
    %dma_start3A_733 = tpu.memref_squeeze %dma_start3A_732 : memref<1x128x8xf32, #tpu.memory_space<vmem>> -> memref<128x8xf32, #tpu.memory_space<vmem>>
    %dma_start3A_734 = arith.constant 0 : i32
    %dma_start3A_735 = arith.constant 0 : i32
    %dma_start3A_736 = tpu.memref_slice %arg7[%dma_start3A_728, %dma_start3A_734, %dma_start3A_735] : memref<2x8x128xi32, #tpu.memory_space<vmem>> -> memref<1x8x128xi32, #tpu.memory_space<vmem>>
    %dma_start3A_737 = tpu.memref_squeeze %dma_start3A_736 : memref<1x8x128xi32, #tpu.memory_space<vmem>> -> memref<8x128xi32, #tpu.memory_space<vmem>>
    %dma_start3A_738 = arith.constant 0 : i32
    %dma_start3A_739 = tpu.memref_slice %dma_start3A_737[%dma_start3A_729, %dma_start3A_738] : memref<8x128xi32, #tpu.memory_space<vmem>> -> memref<1x128xi32, #tpu.memory_space<vmem>>
    %dma_start3A_740 = tpu.memref_squeeze %dma_start3A_739 : memref<1x128xi32, #tpu.memory_space<vmem>> -> memref<128xi32, #tpu.memory_space<vmem>>
    %dma_start3A_741 = arith.constant 0 : i32
    %dma_start3A_742 = arith.constant 0 : i32
    %dma_start3A_743 = tpu.memref_slice %arg9[%dma_start3A_741, %dma_start3A_742] : memref<102400x8xf32, #tpu.memory_space<vmem_shared>> -> memref<102400x8xf32, #tpu.memory_space<vmem_shared>>
    tpu.enqueue_indirect_dma source(%dma_start3A_733 : memref<128x8xf32, #tpu.memory_space<vmem>>) target(%dma_start3A_743 : memref<102400x8xf32, #tpu.memory_space<vmem_shared>>) offsets(%dma_start3A_740 : memref<128xi32, #tpu.memory_space<vmem>>) semaphore(%arg12 : memref<!tpu.dma_semaphore, #tpu.memory_space<semaphore_mem>>) {add = true}
    %dma_wait3A_744 = arith.constant 1 : i32
    %dma_wait3A_745 = arith.constant 1 : i32
    %dma_wait3A_746 = arith.constant 1 : i32
    %dma_wait3A_747 = arith.constant 0 : i32
    %dma_wait3A_748 = arith.constant 0 : i32
    %dma_wait3A_749 = tpu.memref_slice %arg8[%dma_wait3A_746, %dma_wait3A_747, %dma_wait3A_748] : memref<8x128x8xf32, #tpu.memory_space<vmem>> -> memref<1x128x8xf32, #tpu.memory_space<vmem>>
    %dma_wait3A_750 = tpu.memref_squeeze %dma_wait3A_749 : memref<1x128x8xf32, #tpu.memory_space<vmem>> -> memref<128x8xf32, #tpu.memory_space<vmem>>
    %dma_wait3A_751 = arith.constant 0 : i32
    %dma_wait3A_752 = arith.constant 0 : i32
    %dma_wait3A_753 = tpu.memref_slice %arg6[%dma_wait3A_744, %dma_wait3A_751, %dma_wait3A_752] : memref<2x8x128xi32, #tpu.memory_space<vmem>> -> memref<1x8x128xi32, #tpu.memory_space<vmem>>
    %dma_wait3A_754 = tpu.memref_squeeze %dma_wait3A_753 : memref<1x8x128xi32, #tpu.memory_space<vmem>> -> memref<8x128xi32, #tpu.memory_space<vmem>>
    %dma_wait3A_755 = arith.constant 0 : i32
    %dma_wait3A_756 = tpu.memref_slice %dma_wait3A_754[%dma_wait3A_745, %dma_wait3A_755] : memref<8x128xi32, #tpu.memory_space<vmem>> -> memref<1x128xi32, #tpu.memory_space<vmem>>
    %dma_wait3A_757 = tpu.memref_squeeze %dma_wait3A_756 : memref<1x128xi32, #tpu.memory_space<vmem>> -> memref<128xi32, #tpu.memory_space<vmem>>
    %dma_wait3A_758 = arith.constant 0 : i32
    %dma_wait3A_759 = arith.constant 0 : i32
    %dma_wait3A_760 = tpu.memref_slice %arg2[%dma_wait3A_758, %dma_wait3A_759] : memref<102400x8xf32, #tpu.memory_space<hbm>> -> memref<102400x8xf32, #tpu.memory_space<hbm>>
    tpu.wait_indirect_dma semaphore(%arg11 : memref<!tpu.dma_semaphore, #tpu.memory_space<semaphore_mem>>) src(%dma_wait3A_760 : memref<102400x8xf32, #tpu.memory_space<hbm>>) dst(%dma_wait3A_750 : memref<128x8xf32, #tpu.memory_space<vmem>>)
    %dma_start3A_761 = arith.constant 1 : i32
    %dma_start3A_762 = arith.constant 1 : i32
    %dma_start3A_763 = arith.constant 1 : i32
    %dma_start3A_764 = arith.constant 0 : i32
    %dma_start3A_765 = arith.constant 0 : i32
    %dma_start3A_766 = tpu.memref_slice %arg8[%dma_start3A_761, %dma_start3A_764, %dma_start3A_765] : memref<8x128x8xf32, #tpu.memory_space<vmem>> -> memref<1x128x8xf32, #tpu.memory_space<vmem>>
    %dma_start3A_767 = tpu.memref_squeeze %dma_start3A_766 : memref<1x128x8xf32, #tpu.memory_space<vmem>> -> memref<128x8xf32, #tpu.memory_space<vmem>>
    %dma_start3A_768 = arith.constant 0 : i32
    %dma_start3A_769 = arith.constant 0 : i32
    %dma_start3A_770 = tpu.memref_slice %arg7[%dma_start3A_762, %dma_start3A_768, %dma_start3A_769] : memref<2x8x128xi32, #tpu.memory_space<vmem>> -> memref<1x8x128xi32, #tpu.memory_space<vmem>>
    %dma_start3A_771 = tpu.memref_squeeze %dma_start3A_770 : memref<1x8x128xi32, #tpu.memory_space<vmem>> -> memref<8x128xi32, #tpu.memory_space<vmem>>
    %dma_start3A_772 = arith.constant 0 : i32
    %dma_start3A_773 = tpu.memref_slice %dma_start3A_771[%dma_start3A_763, %dma_start3A_772] : memref<8x128xi32, #tpu.memory_space<vmem>> -> memref<1x128xi32, #tpu.memory_space<vmem>>
    %dma_start3A_774 = tpu.memref_squeeze %dma_start3A_773 : memref<1x128xi32, #tpu.memory_space<vmem>> -> memref<128xi32, #tpu.memory_space<vmem>>
    %dma_start3A_775 = arith.constant 0 : i32
    %dma_start3A_776 = arith.constant 0 : i32
    %dma_start3A_777 = tpu.memref_slice %arg9[%dma_start3A_775, %dma_start3A_776] : memref<102400x8xf32, #tpu.memory_space<vmem_shared>> -> memref<102400x8xf32, #tpu.memory_space<vmem_shared>>
    tpu.enqueue_indirect_dma source(%dma_start3A_767 : memref<128x8xf32, #tpu.memory_space<vmem>>) target(%dma_start3A_777 : memref<102400x8xf32, #tpu.memory_space<vmem_shared>>) offsets(%dma_start3A_774 : memref<128xi32, #tpu.memory_space<vmem>>) semaphore(%arg12 : memref<!tpu.dma_semaphore, #tpu.memory_space<semaphore_mem>>) {add = true}
    %dma_wait3A_778 = arith.constant 1 : i32
    %dma_wait3A_779 = arith.constant 2 : i32
    %dma_wait3A_780 = arith.constant 2 : i32
    %dma_wait3A_781 = arith.constant 0 : i32
    %dma_wait3A_782 = arith.constant 0 : i32
    %dma_wait3A_783 = tpu.memref_slice %arg8[%dma_wait3A_780, %dma_wait3A_781, %dma_wait3A_782] : memref<8x128x8xf32, #tpu.memory_space<vmem>> -> memref<1x128x8xf32, #tpu.memory_space<vmem>>
    %dma_wait3A_784 = tpu.memref_squeeze %dma_wait3A_783 : memref<1x128x8xf32, #tpu.memory_space<vmem>> -> memref<128x8xf32, #tpu.memory_space<vmem>>
    %dma_wait3A_785 = arith.constant 0 : i32
    %dma_wait3A_786 = arith.constant 0 : i32
    %dma_wait3A_787 = tpu.memref_slice %arg6[%dma_wait3A_778, %dma_wait3A_785, %dma_wait3A_786] : memref<2x8x128xi32, #tpu.memory_space<vmem>> -> memref<1x8x128xi32, #tpu.memory_space<vmem>>
    %dma_wait3A_788 = tpu.memref_squeeze %dma_wait3A_787 : memref<1x8x128xi32, #tpu.memory_space<vmem>> -> memref<8x128xi32, #tpu.memory_space<vmem>>
    %dma_wait3A_789 = arith.constant 0 : i32
    %dma_wait3A_790 = tpu.memref_slice %dma_wait3A_788[%dma_wait3A_779, %dma_wait3A_789] : memref<8x128xi32, #tpu.memory_space<vmem>> -> memref<1x128xi32, #tpu.memory_space<vmem>>
    %dma_wait3A_791 = tpu.memref_squeeze %dma_wait3A_790 : memref<1x128xi32, #tpu.memory_space<vmem>> -> memref<128xi32, #tpu.memory_space<vmem>>
    %dma_wait3A_792 = arith.constant 0 : i32
    %dma_wait3A_793 = arith.constant 0 : i32
    %dma_wait3A_794 = tpu.memref_slice %arg2[%dma_wait3A_792, %dma_wait3A_793] : memref<102400x8xf32, #tpu.memory_space<hbm>> -> memref<102400x8xf32, #tpu.memory_space<hbm>>
    tpu.wait_indirect_dma semaphore(%arg11 : memref<!tpu.dma_semaphore, #tpu.memory_space<semaphore_mem>>) src(%dma_wait3A_794 : memref<102400x8xf32, #tpu.memory_space<hbm>>) dst(%dma_wait3A_784 : memref<128x8xf32, #tpu.memory_space<vmem>>)
    %dma_start3A_795 = arith.constant 2 : i32
    %dma_start3A_796 = arith.constant 1 : i32
    %dma_start3A_797 = arith.constant 2 : i32
    %dma_start3A_798 = arith.constant 0 : i32
    %dma_start3A_799 = arith.constant 0 : i32
    %dma_start3A_800 = tpu.memref_slice %arg8[%dma_start3A_795, %dma_start3A_798, %dma_start3A_799] : memref<8x128x8xf32, #tpu.memory_space<vmem>> -> memref<1x128x8xf32, #tpu.memory_space<vmem>>
    %dma_start3A_801 = tpu.memref_squeeze %dma_start3A_800 : memref<1x128x8xf32, #tpu.memory_space<vmem>> -> memref<128x8xf32, #tpu.memory_space<vmem>>
    %dma_start3A_802 = arith.constant 0 : i32
    %dma_start3A_803 = arith.constant 0 : i32
    %dma_start3A_804 = tpu.memref_slice %arg7[%dma_start3A_796, %dma_start3A_802, %dma_start3A_803] : memref<2x8x128xi32, #tpu.memory_space<vmem>> -> memref<1x8x128xi32, #tpu.memory_space<vmem>>
    %dma_start3A_805 = tpu.memref_squeeze %dma_start3A_804 : memref<1x8x128xi32, #tpu.memory_space<vmem>> -> memref<8x128xi32, #tpu.memory_space<vmem>>
    %dma_start3A_806 = arith.constant 0 : i32
    %dma_start3A_807 = tpu.memref_slice %dma_start3A_805[%dma_start3A_797, %dma_start3A_806] : memref<8x128xi32, #tpu.memory_space<vmem>> -> memref<1x128xi32, #tpu.memory_space<vmem>>
    %dma_start3A_808 = tpu.memref_squeeze %dma_start3A_807 : memref<1x128xi32, #tpu.memory_space<vmem>> -> memref<128xi32, #tpu.memory_space<vmem>>
    %dma_start3A_809 = arith.constant 0 : i32
    %dma_start3A_810 = arith.constant 0 : i32
    %dma_start3A_811 = tpu.memref_slice %arg9[%dma_start3A_809, %dma_start3A_810] : memref<102400x8xf32, #tpu.memory_space<vmem_shared>> -> memref<102400x8xf32, #tpu.memory_space<vmem_shared>>
    tpu.enqueue_indirect_dma source(%dma_start3A_801 : memref<128x8xf32, #tpu.memory_space<vmem>>) target(%dma_start3A_811 : memref<102400x8xf32, #tpu.memory_space<vmem_shared>>) offsets(%dma_start3A_808 : memref<128xi32, #tpu.memory_space<vmem>>) semaphore(%arg12 : memref<!tpu.dma_semaphore, #tpu.memory_space<semaphore_mem>>) {add = true}
    %dma_wait3A_812 = arith.constant 1 : i32
    %dma_wait3A_813 = arith.constant 3 : i32
    %dma_wait3A_814 = arith.constant 3 : i32
    %dma_wait3A_815 = arith.constant 0 : i32
    %dma_wait3A_816 = arith.constant 0 : i32
    %dma_wait3A_817 = tpu.memref_slice %arg8[%dma_wait3A_814, %dma_wait3A_815, %dma_wait3A_816] : memref<8x128x8xf32, #tpu.memory_space<vmem>> -> memref<1x128x8xf32, #tpu.memory_space<vmem>>
    %dma_wait3A_818 = tpu.memref_squeeze %dma_wait3A_817 : memref<1x128x8xf32, #tpu.memory_space<vmem>> -> memref<128x8xf32, #tpu.memory_space<vmem>>
    %dma_wait3A_819 = arith.constant 0 : i32
    %dma_wait3A_820 = arith.constant 0 : i32
    %dma_wait3A_821 = tpu.memref_slice %arg6[%dma_wait3A_812, %dma_wait3A_819, %dma_wait3A_820] : memref<2x8x128xi32, #tpu.memory_space<vmem>> -> memref<1x8x128xi32, #tpu.memory_space<vmem>>
    %dma_wait3A_822 = tpu.memref_squeeze %dma_wait3A_821 : memref<1x8x128xi32, #tpu.memory_space<vmem>> -> memref<8x128xi32, #tpu.memory_space<vmem>>
    %dma_wait3A_823 = arith.constant 0 : i32
    %dma_wait3A_824 = tpu.memref_slice %dma_wait3A_822[%dma_wait3A_813, %dma_wait3A_823] : memref<8x128xi32, #tpu.memory_space<vmem>> -> memref<1x128xi32, #tpu.memory_space<vmem>>
    %dma_wait3A_825 = tpu.memref_squeeze %dma_wait3A_824 : memref<1x128xi32, #tpu.memory_space<vmem>> -> memref<128xi32, #tpu.memory_space<vmem>>
    %dma_wait3A_826 = arith.constant 0 : i32
    %dma_wait3A_827 = arith.constant 0 : i32
    %dma_wait3A_828 = tpu.memref_slice %arg2[%dma_wait3A_826, %dma_wait3A_827] : memref<102400x8xf32, #tpu.memory_space<hbm>> -> memref<102400x8xf32, #tpu.memory_space<hbm>>
    tpu.wait_indirect_dma semaphore(%arg11 : memref<!tpu.dma_semaphore, #tpu.memory_space<semaphore_mem>>) src(%dma_wait3A_828 : memref<102400x8xf32, #tpu.memory_space<hbm>>) dst(%dma_wait3A_818 : memref<128x8xf32, #tpu.memory_space<vmem>>)
    %dma_start3A_829 = arith.constant 3 : i32
    %dma_start3A_830 = arith.constant 1 : i32
    %dma_start3A_831 = arith.constant 3 : i32
    %dma_start3A_832 = arith.constant 0 : i32
    %dma_start3A_833 = arith.constant 0 : i32
    %dma_start3A_834 = tpu.memref_slice %arg8[%dma_start3A_829, %dma_start3A_832, %dma_start3A_833] : memref<8x128x8xf32, #tpu.memory_space<vmem>> -> memref<1x128x8xf32, #tpu.memory_space<vmem>>
    %dma_start3A_835 = tpu.memref_squeeze %dma_start3A_834 : memref<1x128x8xf32, #tpu.memory_space<vmem>> -> memref<128x8xf32, #tpu.memory_space<vmem>>
    %dma_start3A_836 = arith.constant 0 : i32
    %dma_start3A_837 = arith.constant 0 : i32
    %dma_start3A_838 = tpu.memref_slice %arg7[%dma_start3A_830, %dma_start3A_836, %dma_start3A_837] : memref<2x8x128xi32, #tpu.memory_space<vmem>> -> memref<1x8x128xi32, #tpu.memory_space<vmem>>
    %dma_start3A_839 = tpu.memref_squeeze %dma_start3A_838 : memref<1x8x128xi32, #tpu.memory_space<vmem>> -> memref<8x128xi32, #tpu.memory_space<vmem>>
    %dma_start3A_840 = arith.constant 0 : i32
    %dma_start3A_841 = tpu.memref_slice %dma_start3A_839[%dma_start3A_831, %dma_start3A_840] : memref<8x128xi32, #tpu.memory_space<vmem>> -> memref<1x128xi32, #tpu.memory_space<vmem>>
    %dma_start3A_842 = tpu.memref_squeeze %dma_start3A_841 : memref<1x128xi32, #tpu.memory_space<vmem>> -> memref<128xi32, #tpu.memory_space<vmem>>
    %dma_start3A_843 = arith.constant 0 : i32
    %dma_start3A_844 = arith.constant 0 : i32
    %dma_start3A_845 = tpu.memref_slice %arg9[%dma_start3A_843, %dma_start3A_844] : memref<102400x8xf32, #tpu.memory_space<vmem_shared>> -> memref<102400x8xf32, #tpu.memory_space<vmem_shared>>
    tpu.enqueue_indirect_dma source(%dma_start3A_835 : memref<128x8xf32, #tpu.memory_space<vmem>>) target(%dma_start3A_845 : memref<102400x8xf32, #tpu.memory_space<vmem_shared>>) offsets(%dma_start3A_842 : memref<128xi32, #tpu.memory_space<vmem>>) semaphore(%arg12 : memref<!tpu.dma_semaphore, #tpu.memory_space<semaphore_mem>>) {add = true}
    %dma_wait3A_846 = arith.constant 1 : i32
    %dma_wait3A_847 = arith.constant 4 : i32
    %dma_wait3A_848 = arith.constant 4 : i32
    %dma_wait3A_849 = arith.constant 0 : i32
    %dma_wait3A_850 = arith.constant 0 : i32
    %dma_wait3A_851 = tpu.memref_slice %arg8[%dma_wait3A_848, %dma_wait3A_849, %dma_wait3A_850] : memref<8x128x8xf32, #tpu.memory_space<vmem>> -> memref<1x128x8xf32, #tpu.memory_space<vmem>>
    %dma_wait3A_852 = tpu.memref_squeeze %dma_wait3A_851 : memref<1x128x8xf32, #tpu.memory_space<vmem>> -> memref<128x8xf32, #tpu.memory_space<vmem>>
    %dma_wait3A_853 = arith.constant 0 : i32
    %dma_wait3A_854 = arith.constant 0 : i32
    %dma_wait3A_855 = tpu.memref_slice %arg6[%dma_wait3A_846, %dma_wait3A_853, %dma_wait3A_854] : memref<2x8x128xi32, #tpu.memory_space<vmem>> -> memref<1x8x128xi32, #tpu.memory_space<vmem>>
    %dma_wait3A_856 = tpu.memref_squeeze %dma_wait3A_855 : memref<1x8x128xi32, #tpu.memory_space<vmem>> -> memref<8x128xi32, #tpu.memory_space<vmem>>
    %dma_wait3A_857 = arith.constant 0 : i32
    %dma_wait3A_858 = tpu.memref_slice %dma_wait3A_856[%dma_wait3A_847, %dma_wait3A_857] : memref<8x128xi32, #tpu.memory_space<vmem>> -> memref<1x128xi32, #tpu.memory_space<vmem>>
    %dma_wait3A_859 = tpu.memref_squeeze %dma_wait3A_858 : memref<1x128xi32, #tpu.memory_space<vmem>> -> memref<128xi32, #tpu.memory_space<vmem>>
    %dma_wait3A_860 = arith.constant 0 : i32
    %dma_wait3A_861 = arith.constant 0 : i32
    %dma_wait3A_862 = tpu.memref_slice %arg2[%dma_wait3A_860, %dma_wait3A_861] : memref<102400x8xf32, #tpu.memory_space<hbm>> -> memref<102400x8xf32, #tpu.memory_space<hbm>>
    tpu.wait_indirect_dma semaphore(%arg11 : memref<!tpu.dma_semaphore, #tpu.memory_space<semaphore_mem>>) src(%dma_wait3A_862 : memref<102400x8xf32, #tpu.memory_space<hbm>>) dst(%dma_wait3A_852 : memref<128x8xf32, #tpu.memory_space<vmem>>)
    %dma_start3A_863 = arith.constant 4 : i32
    %dma_start3A_864 = arith.constant 1 : i32
    %dma_start3A_865 = arith.constant 4 : i32
    %dma_start3A_866 = arith.constant 0 : i32
    %dma_start3A_867 = arith.constant 0 : i32
    %dma_start3A_868 = tpu.memref_slice %arg8[%dma_start3A_863, %dma_start3A_866, %dma_start3A_867] : memref<8x128x8xf32, #tpu.memory_space<vmem>> -> memref<1x128x8xf32, #tpu.memory_space<vmem>>
    %dma_start3A_869 = tpu.memref_squeeze %dma_start3A_868 : memref<1x128x8xf32, #tpu.memory_space<vmem>> -> memref<128x8xf32, #tpu.memory_space<vmem>>
    %dma_start3A_870 = arith.constant 0 : i32
    %dma_start3A_871 = arith.constant 0 : i32
    %dma_start3A_872 = tpu.memref_slice %arg7[%dma_start3A_864, %dma_start3A_870, %dma_start3A_871] : memref<2x8x128xi32, #tpu.memory_space<vmem>> -> memref<1x8x128xi32, #tpu.memory_space<vmem>>
    %dma_start3A_873 = tpu.memref_squeeze %dma_start3A_872 : memref<1x8x128xi32, #tpu.memory_space<vmem>> -> memref<8x128xi32, #tpu.memory_space<vmem>>
    %dma_start3A_874 = arith.constant 0 : i32
    %dma_start3A_875 = tpu.memref_slice %dma_start3A_873[%dma_start3A_865, %dma_start3A_874] : memref<8x128xi32, #tpu.memory_space<vmem>> -> memref<1x128xi32, #tpu.memory_space<vmem>>
    %dma_start3A_876 = tpu.memref_squeeze %dma_start3A_875 : memref<1x128xi32, #tpu.memory_space<vmem>> -> memref<128xi32, #tpu.memory_space<vmem>>
    %dma_start3A_877 = arith.constant 0 : i32
    %dma_start3A_878 = arith.constant 0 : i32
    %dma_start3A_879 = tpu.memref_slice %arg9[%dma_start3A_877, %dma_start3A_878] : memref<102400x8xf32, #tpu.memory_space<vmem_shared>> -> memref<102400x8xf32, #tpu.memory_space<vmem_shared>>
    tpu.enqueue_indirect_dma source(%dma_start3A_869 : memref<128x8xf32, #tpu.memory_space<vmem>>) target(%dma_start3A_879 : memref<102400x8xf32, #tpu.memory_space<vmem_shared>>) offsets(%dma_start3A_876 : memref<128xi32, #tpu.memory_space<vmem>>) semaphore(%arg12 : memref<!tpu.dma_semaphore, #tpu.memory_space<semaphore_mem>>) {add = true}
    %dma_wait3A_880 = arith.constant 0 : i32
    %dma_wait3A_881 = arith.constant 1 : i32
    %dma_wait3A_882 = arith.constant 0 : i32
    %dma_wait3A_883 = arith.constant 0 : i32
    %dma_wait3A_884 = arith.constant 0 : i32
    %dma_wait3A_885 = tpu.memref_slice %arg8[%dma_wait3A_880, %dma_wait3A_883, %dma_wait3A_884] : memref<8x128x8xf32, #tpu.memory_space<vmem>> -> memref<1x128x8xf32, #tpu.memory_space<vmem>>
    %dma_wait3A_886 = tpu.memref_squeeze %dma_wait3A_885 : memref<1x128x8xf32, #tpu.memory_space<vmem>> -> memref<128x8xf32, #tpu.memory_space<vmem>>
    %dma_wait3A_887 = arith.constant 0 : i32
    %dma_wait3A_888 = arith.constant 0 : i32
    %dma_wait3A_889 = tpu.memref_slice %arg7[%dma_wait3A_881, %dma_wait3A_887, %dma_wait3A_888] : memref<2x8x128xi32, #tpu.memory_space<vmem>> -> memref<1x8x128xi32, #tpu.memory_space<vmem>>
    %dma_wait3A_890 = tpu.memref_squeeze %dma_wait3A_889 : memref<1x8x128xi32, #tpu.memory_space<vmem>> -> memref<8x128xi32, #tpu.memory_space<vmem>>
    %dma_wait3A_891 = arith.constant 0 : i32
    %dma_wait3A_892 = tpu.memref_slice %dma_wait3A_890[%dma_wait3A_882, %dma_wait3A_891] : memref<8x128xi32, #tpu.memory_space<vmem>> -> memref<1x128xi32, #tpu.memory_space<vmem>>
    %dma_wait3A_893 = tpu.memref_squeeze %dma_wait3A_892 : memref<1x128xi32, #tpu.memory_space<vmem>> -> memref<128xi32, #tpu.memory_space<vmem>>
    %dma_wait3A_894 = arith.constant 0 : i32
    %dma_wait3A_895 = arith.constant 0 : i32
    %dma_wait3A_896 = tpu.memref_slice %arg9[%dma_wait3A_894, %dma_wait3A_895] : memref<102400x8xf32, #tpu.memory_space<vmem_shared>> -> memref<102400x8xf32, #tpu.memory_space<vmem_shared>>
    tpu.wait_indirect_dma semaphore(%arg12 : memref<!tpu.dma_semaphore, #tpu.memory_space<semaphore_mem>>) src(%dma_wait3A_886 : memref<128x8xf32, #tpu.memory_space<vmem>>) dst(%dma_wait3A_896 : memref<102400x8xf32, #tpu.memory_space<vmem_shared>>)
    %dma_wait3A_897 = arith.constant 1 : i32
    %dma_wait3A_898 = arith.constant 1 : i32
    %dma_wait3A_899 = arith.constant 1 : i32
    %dma_wait3A_900 = arith.constant 0 : i32
    %dma_wait3A_901 = arith.constant 0 : i32
    %dma_wait3A_902 = tpu.memref_slice %arg8[%dma_wait3A_897, %dma_wait3A_900, %dma_wait3A_901] : memref<8x128x8xf32, #tpu.memory_space<vmem>> -> memref<1x128x8xf32, #tpu.memory_space<vmem>>
    %dma_wait3A_903 = tpu.memref_squeeze %dma_wait3A_902 : memref<1x128x8xf32, #tpu.memory_space<vmem>> -> memref<128x8xf32, #tpu.memory_space<vmem>>
    %dma_wait3A_904 = arith.constant 0 : i32
    %dma_wait3A_905 = arith.constant 0 : i32
    %dma_wait3A_906 = tpu.memref_slice %arg7[%dma_wait3A_898, %dma_wait3A_904, %dma_wait3A_905] : memref<2x8x128xi32, #tpu.memory_space<vmem>> -> memref<1x8x128xi32, #tpu.memory_space<vmem>>
    %dma_wait3A_907 = tpu.memref_squeeze %dma_wait3A_906 : memref<1x8x128xi32, #tpu.memory_space<vmem>> -> memref<8x128xi32, #tpu.memory_space<vmem>>
    %dma_wait3A_908 = arith.constant 0 : i32
    %dma_wait3A_909 = tpu.memref_slice %dma_wait3A_907[%dma_wait3A_899, %dma_wait3A_908] : memref<8x128xi32, #tpu.memory_space<vmem>> -> memref<1x128xi32, #tpu.memory_space<vmem>>
    %dma_wait3A_910 = tpu.memref_squeeze %dma_wait3A_909 : memref<1x128xi32, #tpu.memory_space<vmem>> -> memref<128xi32, #tpu.memory_space<vmem>>
    %dma_wait3A_911 = arith.constant 0 : i32
    %dma_wait3A_912 = arith.constant 0 : i32
    %dma_wait3A_913 = tpu.memref_slice %arg9[%dma_wait3A_911, %dma_wait3A_912] : memref<102400x8xf32, #tpu.memory_space<vmem_shared>> -> memref<102400x8xf32, #tpu.memory_space<vmem_shared>>
    tpu.wait_indirect_dma semaphore(%arg12 : memref<!tpu.dma_semaphore, #tpu.memory_space<semaphore_mem>>) src(%dma_wait3A_903 : memref<128x8xf32, #tpu.memory_space<vmem>>) dst(%dma_wait3A_913 : memref<102400x8xf32, #tpu.memory_space<vmem_shared>>)
    %dma_wait3A_914 = arith.constant 2 : i32
    %dma_wait3A_915 = arith.constant 1 : i32
    %dma_wait3A_916 = arith.constant 2 : i32
    %dma_wait3A_917 = arith.constant 0 : i32
    %dma_wait3A_918 = arith.constant 0 : i32
    %dma_wait3A_919 = tpu.memref_slice %arg8[%dma_wait3A_914, %dma_wait3A_917, %dma_wait3A_918] : memref<8x128x8xf32, #tpu.memory_space<vmem>> -> memref<1x128x8xf32, #tpu.memory_space<vmem>>
    %dma_wait3A_920 = tpu.memref_squeeze %dma_wait3A_919 : memref<1x128x8xf32, #tpu.memory_space<vmem>> -> memref<128x8xf32, #tpu.memory_space<vmem>>
    %dma_wait3A_921 = arith.constant 0 : i32
    %dma_wait3A_922 = arith.constant 0 : i32
    %dma_wait3A_923 = tpu.memref_slice %arg7[%dma_wait3A_915, %dma_wait3A_921, %dma_wait3A_922] : memref<2x8x128xi32, #tpu.memory_space<vmem>> -> memref<1x8x128xi32, #tpu.memory_space<vmem>>
    %dma_wait3A_924 = tpu.memref_squeeze %dma_wait3A_923 : memref<1x8x128xi32, #tpu.memory_space<vmem>> -> memref<8x128xi32, #tpu.memory_space<vmem>>
    %dma_wait3A_925 = arith.constant 0 : i32
    %dma_wait3A_926 = tpu.memref_slice %dma_wait3A_924[%dma_wait3A_916, %dma_wait3A_925] : memref<8x128xi32, #tpu.memory_space<vmem>> -> memref<1x128xi32, #tpu.memory_space<vmem>>
    %dma_wait3A_927 = tpu.memref_squeeze %dma_wait3A_926 : memref<1x128xi32, #tpu.memory_space<vmem>> -> memref<128xi32, #tpu.memory_space<vmem>>
    %dma_wait3A_928 = arith.constant 0 : i32
    %dma_wait3A_929 = arith.constant 0 : i32
    %dma_wait3A_930 = tpu.memref_slice %arg9[%dma_wait3A_928, %dma_wait3A_929] : memref<102400x8xf32, #tpu.memory_space<vmem_shared>> -> memref<102400x8xf32, #tpu.memory_space<vmem_shared>>
    tpu.wait_indirect_dma semaphore(%arg12 : memref<!tpu.dma_semaphore, #tpu.memory_space<semaphore_mem>>) src(%dma_wait3A_920 : memref<128x8xf32, #tpu.memory_space<vmem>>) dst(%dma_wait3A_930 : memref<102400x8xf32, #tpu.memory_space<vmem_shared>>)
    %dma_wait3A_931 = arith.constant 3 : i32
    %dma_wait3A_932 = arith.constant 1 : i32
    %dma_wait3A_933 = arith.constant 3 : i32
    %dma_wait3A_934 = arith.constant 0 : i32
    %dma_wait3A_935 = arith.constant 0 : i32
    %dma_wait3A_936 = tpu.memref_slice %arg8[%dma_wait3A_931, %dma_wait3A_934, %dma_wait3A_935] : memref<8x128x8xf32, #tpu.memory_space<vmem>> -> memref<1x128x8xf32, #tpu.memory_space<vmem>>
    %dma_wait3A_937 = tpu.memref_squeeze %dma_wait3A_936 : memref<1x128x8xf32, #tpu.memory_space<vmem>> -> memref<128x8xf32, #tpu.memory_space<vmem>>
    %dma_wait3A_938 = arith.constant 0 : i32
    %dma_wait3A_939 = arith.constant 0 : i32
    %dma_wait3A_940 = tpu.memref_slice %arg7[%dma_wait3A_932, %dma_wait3A_938, %dma_wait3A_939] : memref<2x8x128xi32, #tpu.memory_space<vmem>> -> memref<1x8x128xi32, #tpu.memory_space<vmem>>
    %dma_wait3A_941 = tpu.memref_squeeze %dma_wait3A_940 : memref<1x8x128xi32, #tpu.memory_space<vmem>> -> memref<8x128xi32, #tpu.memory_space<vmem>>
    %dma_wait3A_942 = arith.constant 0 : i32
    %dma_wait3A_943 = tpu.memref_slice %dma_wait3A_941[%dma_wait3A_933, %dma_wait3A_942] : memref<8x128xi32, #tpu.memory_space<vmem>> -> memref<1x128xi32, #tpu.memory_space<vmem>>
    %dma_wait3A_944 = tpu.memref_squeeze %dma_wait3A_943 : memref<1x128xi32, #tpu.memory_space<vmem>> -> memref<128xi32, #tpu.memory_space<vmem>>
    %dma_wait3A_945 = arith.constant 0 : i32
    %dma_wait3A_946 = arith.constant 0 : i32
    %dma_wait3A_947 = tpu.memref_slice %arg9[%dma_wait3A_945, %dma_wait3A_946] : memref<102400x8xf32, #tpu.memory_space<vmem_shared>> -> memref<102400x8xf32, #tpu.memory_space<vmem_shared>>
    tpu.wait_indirect_dma semaphore(%arg12 : memref<!tpu.dma_semaphore, #tpu.memory_space<semaphore_mem>>) src(%dma_wait3A_937 : memref<128x8xf32, #tpu.memory_space<vmem>>) dst(%dma_wait3A_947 : memref<102400x8xf32, #tpu.memory_space<vmem_shared>>)
    %dma_wait3A_948 = arith.constant 4 : i32
    %dma_wait3A_949 = arith.constant 1 : i32
    %dma_wait3A_950 = arith.constant 4 : i32
    %dma_wait3A_951 = arith.constant 0 : i32
    %dma_wait3A_952 = arith.constant 0 : i32
    %dma_wait3A_953 = tpu.memref_slice %arg8[%dma_wait3A_948, %dma_wait3A_951, %dma_wait3A_952] : memref<8x128x8xf32, #tpu.memory_space<vmem>> -> memref<1x128x8xf32, #tpu.memory_space<vmem>>
    %dma_wait3A_954 = tpu.memref_squeeze %dma_wait3A_953 : memref<1x128x8xf32, #tpu.memory_space<vmem>> -> memref<128x8xf32, #tpu.memory_space<vmem>>
    %dma_wait3A_955 = arith.constant 0 : i32
    %dma_wait3A_956 = arith.constant 0 : i32
    %dma_wait3A_957 = tpu.memref_slice %arg7[%dma_wait3A_949, %dma_wait3A_955, %dma_wait3A_956] : memref<2x8x128xi32, #tpu.memory_space<vmem>> -> memref<1x8x128xi32, #tpu.memory_space<vmem>>
    %dma_wait3A_958 = tpu.memref_squeeze %dma_wait3A_957 : memref<1x8x128xi32, #tpu.memory_space<vmem>> -> memref<8x128xi32, #tpu.memory_space<vmem>>
    %dma_wait3A_959 = arith.constant 0 : i32
    %dma_wait3A_960 = tpu.memref_slice %dma_wait3A_958[%dma_wait3A_950, %dma_wait3A_959] : memref<8x128xi32, #tpu.memory_space<vmem>> -> memref<1x128xi32, #tpu.memory_space<vmem>>
    %dma_wait3A_961 = tpu.memref_squeeze %dma_wait3A_960 : memref<1x128xi32, #tpu.memory_space<vmem>> -> memref<128xi32, #tpu.memory_space<vmem>>
    %dma_wait3A_962 = arith.constant 0 : i32
    %dma_wait3A_963 = arith.constant 0 : i32
    %dma_wait3A_964 = tpu.memref_slice %arg9[%dma_wait3A_962, %dma_wait3A_963] : memref<102400x8xf32, #tpu.memory_space<vmem_shared>> -> memref<102400x8xf32, #tpu.memory_space<vmem_shared>>
    tpu.wait_indirect_dma semaphore(%arg12 : memref<!tpu.dma_semaphore, #tpu.memory_space<semaphore_mem>>) src(%dma_wait3A_954 : memref<128x8xf32, #tpu.memory_space<vmem>>) dst(%dma_wait3A_964 : memref<102400x8xf32, #tpu.memory_space<vmem_shared>>)
    %lt3A = arith.constant 8 : i32
    %lt3A_965 = arith.cmpi slt, %add3A, %lt3A : i32
    %convert_element_type3A_966 = arith.extui %lt3A_965 : i1 to i32
    %cond3A_967 = arith.constant 0 : i32
    %cond3A_968 = arith.cmpi ne, %convert_element_type3A_966, %cond3A_967 : i32
    scf.if %cond3A_968 {
      %add3A_974 = arith.constant 781 : i32
      %add3A_975 = arith.addi %add3A_6, %add3A_974 : i32
      %run_scoped3A_976 = arith.constant 1 : i32
      %run_scoped3A_977 = arith.constant 0 : i32
      "tpu.region"() ({
        %run_scoped3A_988 = tpu.sem_alloc : memref<!tpu.dma_semaphore, #tpu.memory_space<semaphore_mem>>
        %dma_start3A_989 = arith.constant 0 : i32
        %dma_start3A_990 = arith.constant 0 : i32
        %dma_start3A_991 = tpu.memref_slice %arg6[%run_scoped3A_977, %dma_start3A_989, %dma_start3A_990] : memref<2x8x128xi32, #tpu.memory_space<vmem>> -> memref<1x1x128xi32, #tpu.memory_space<vmem>>
        %dma_start3A_992 = tpu.memref_squeeze %dma_start3A_991 : memref<1x1x128xi32, #tpu.memory_space<vmem>> -> memref<1x128xi32, #tpu.memory_space<vmem>>
        %dma_start3A_993 = arith.constant 0 : i32
        %dma_start3A_994 = tpu.memref_slice %arg3[%run_scoped3A_976, %add3A_975, %dma_start3A_993] : memref<2x25000x128xi32, #tpu.memory_space<hbm>> -> memref<1x1x128xi32, #tpu.memory_space<hbm>>
        %dma_start3A_995 = tpu.memref_squeeze %dma_start3A_994 : memref<1x1x128xi32, #tpu.memory_space<hbm>> -> memref<1x128xi32, #tpu.memory_space<hbm>>
        %dma_start3A_996 = arith.constant 0 : i32
        %dma_start3A_997 = arith.constant 0 : i32
        %dma_start3A_998 = tpu.memref_slice %arg6[%run_scoped3A_977, %dma_start3A_996, %dma_start3A_997] : memref<2x8x128xi32, #tpu.memory_space<vmem>> -> memref<1x1x128xi32, #tpu.memory_space<vmem>>
        %dma_start3A_999 = tpu.memref_squeeze %dma_start3A_998 : memref<1x1x128xi32, #tpu.memory_space<vmem>> -> memref<1x128xi32, #tpu.memory_space<vmem>>
        %dma_start3A_1000 = arith.constant 0 : i32
        %dma_start3A_1001 = tpu.memref_slice %arg3[%run_scoped3A_976, %add3A_975, %dma_start3A_1000] : memref<2x25000x128xi32, #tpu.memory_space<hbm>> -> memref<1x1x128xi32, #tpu.memory_space<hbm>>
        %dma_start3A_1002 = tpu.memref_squeeze %dma_start3A_1001 : memref<1x1x128xi32, #tpu.memory_space<hbm>> -> memref<1x128xi32, #tpu.memory_space<hbm>>
        tpu.enqueue_dma source(%dma_start3A_1002 : memref<1x128xi32, #tpu.memory_space<hbm>>) target(%dma_start3A_999 : memref<1x128xi32, #tpu.memory_space<vmem>>) target_semaphore(%run_scoped3A_988 : memref<!tpu.dma_semaphore, #tpu.memory_space<semaphore_mem>>)
        %dma_wait3A_1003 = arith.constant 0 : i32
        %dma_wait3A_1004 = arith.constant 0 : i32
        %dma_wait3A_1005 = tpu.memref_slice %arg6[%run_scoped3A_977, %dma_wait3A_1003, %dma_wait3A_1004] : memref<2x8x128xi32, #tpu.memory_space<vmem>> -> memref<1x1x128xi32, #tpu.memory_space<vmem>>
        %dma_wait3A_1006 = tpu.memref_squeeze %dma_wait3A_1005 : memref<1x1x128xi32, #tpu.memory_space<vmem>> -> memref<1x128xi32, #tpu.memory_space<vmem>>
        %dma_wait3A_1007 = arith.constant 0 : i32
        %dma_wait3A_1008 = tpu.memref_slice %arg3[%run_scoped3A_976, %add3A_975, %dma_wait3A_1007] : memref<2x25000x128xi32, #tpu.memory_space<hbm>> -> memref<1x1x128xi32, #tpu.memory_space<hbm>>
        %dma_wait3A_1009 = tpu.memref_squeeze %dma_wait3A_1008 : memref<1x1x128xi32, #tpu.memory_space<hbm>> -> memref<1x128xi32, #tpu.memory_space<hbm>>
        %dma_wait3A_1010 = arith.constant 0 : i32
        %dma_wait3A_1011 = arith.constant 0 : i32
        %dma_wait3A_1012 = tpu.memref_slice %arg6[%run_scoped3A_977, %dma_wait3A_1010, %dma_wait3A_1011] : memref<2x8x128xi32, #tpu.memory_space<vmem>> -> memref<1x1x128xi32, #tpu.memory_space<vmem>>
        %dma_wait3A_1013 = tpu.memref_squeeze %dma_wait3A_1012 : memref<1x1x128xi32, #tpu.memory_space<vmem>> -> memref<1x128xi32, #tpu.memory_space<vmem>>
        %dma_wait3A_1014 = arith.constant 0 : i32
        %dma_wait3A_1015 = tpu.memref_slice %arg3[%run_scoped3A_976, %add3A_975, %dma_wait3A_1014] : memref<2x25000x128xi32, #tpu.memory_space<hbm>> -> memref<1x1x128xi32, #tpu.memory_space<hbm>>
        %dma_wait3A_1016 = tpu.memref_squeeze %dma_wait3A_1015 : memref<1x1x128xi32, #tpu.memory_space<hbm>> -> memref<1x128xi32, #tpu.memory_space<hbm>>
        tpu.wait_dma2 semaphore(%run_scoped3A_988 : memref<!tpu.dma_semaphore, #tpu.memory_space<semaphore_mem>>) src(%dma_wait3A_1016 : memref<1x128xi32, #tpu.memory_space<hbm>>) dst(%dma_wait3A_1013 : memref<1x128xi32, #tpu.memory_space<vmem>>)
        tpu.yield
      }) : () -> ()
      %add3A_978 = arith.constant 781 : i32
      %add3A_979 = arith.addi %add3A_6, %add3A_978 : i32
      %run_scoped3A_980 = arith.constant 0 : i32
      %run_scoped3A_981 = arith.constant 0 : i32
      "tpu.region"() ({
        %run_scoped3A_988 = tpu.sem_alloc : memref<!tpu.dma_semaphore, #tpu.memory_space<semaphore_mem>>
        %dma_start3A_989 = arith.constant 0 : i32
        %dma_start3A_990 = arith.constant 0 : i32
        %dma_start3A_991 = tpu.memref_slice %arg7[%run_scoped3A_981, %dma_start3A_989, %dma_start3A_990] : memref<2x8x128xi32, #tpu.memory_space<vmem>> -> memref<1x1x128xi32, #tpu.memory_space<vmem>>
        %dma_start3A_992 = tpu.memref_squeeze %dma_start3A_991 : memref<1x1x128xi32, #tpu.memory_space<vmem>> -> memref<1x128xi32, #tpu.memory_space<vmem>>
        %dma_start3A_993 = arith.constant 0 : i32
        %dma_start3A_994 = tpu.memref_slice %arg3[%run_scoped3A_980, %add3A_979, %dma_start3A_993] : memref<2x25000x128xi32, #tpu.memory_space<hbm>> -> memref<1x1x128xi32, #tpu.memory_space<hbm>>
        %dma_start3A_995 = tpu.memref_squeeze %dma_start3A_994 : memref<1x1x128xi32, #tpu.memory_space<hbm>> -> memref<1x128xi32, #tpu.memory_space<hbm>>
        %dma_start3A_996 = arith.constant 0 : i32
        %dma_start3A_997 = arith.constant 0 : i32
        %dma_start3A_998 = tpu.memref_slice %arg7[%run_scoped3A_981, %dma_start3A_996, %dma_start3A_997] : memref<2x8x128xi32, #tpu.memory_space<vmem>> -> memref<1x1x128xi32, #tpu.memory_space<vmem>>
        %dma_start3A_999 = tpu.memref_squeeze %dma_start3A_998 : memref<1x1x128xi32, #tpu.memory_space<vmem>> -> memref<1x128xi32, #tpu.memory_space<vmem>>
        %dma_start3A_1000 = arith.constant 0 : i32
        %dma_start3A_1001 = tpu.memref_slice %arg3[%run_scoped3A_980, %add3A_979, %dma_start3A_1000] : memref<2x25000x128xi32, #tpu.memory_space<hbm>> -> memref<1x1x128xi32, #tpu.memory_space<hbm>>
        %dma_start3A_1002 = tpu.memref_squeeze %dma_start3A_1001 : memref<1x1x128xi32, #tpu.memory_space<hbm>> -> memref<1x128xi32, #tpu.memory_space<hbm>>
        tpu.enqueue_dma source(%dma_start3A_1002 : memref<1x128xi32, #tpu.memory_space<hbm>>) target(%dma_start3A_999 : memref<1x128xi32, #tpu.memory_space<vmem>>) target_semaphore(%run_scoped3A_988 : memref<!tpu.dma_semaphore, #tpu.memory_space<semaphore_mem>>)
        %dma_wait3A_1003 = arith.constant 0 : i32
        %dma_wait3A_1004 = arith.constant 0 : i32
        %dma_wait3A_1005 = tpu.memref_slice %arg7[%run_scoped3A_981, %dma_wait3A_1003, %dma_wait3A_1004] : memref<2x8x128xi32, #tpu.memory_space<vmem>> -> memref<1x1x128xi32, #tpu.memory_space<vmem>>
        %dma_wait3A_1006 = tpu.memref_squeeze %dma_wait3A_1005 : memref<1x1x128xi32, #tpu.memory_space<vmem>> -> memref<1x128xi32, #tpu.memory_space<vmem>>
        %dma_wait3A_1007 = arith.constant 0 : i32
        %dma_wait3A_1008 = tpu.memref_slice %arg3[%run_scoped3A_980, %add3A_979, %dma_wait3A_1007] : memref<2x25000x128xi32, #tpu.memory_space<hbm>> -> memref<1x1x128xi32, #tpu.memory_space<hbm>>
        %dma_wait3A_1009 = tpu.memref_squeeze %dma_wait3A_1008 : memref<1x1x128xi32, #tpu.memory_space<hbm>> -> memref<1x128xi32, #tpu.memory_space<hbm>>
        %dma_wait3A_1010 = arith.constant 0 : i32
        %dma_wait3A_1011 = arith.constant 0 : i32
        %dma_wait3A_1012 = tpu.memref_slice %arg7[%run_scoped3A_981, %dma_wait3A_1010, %dma_wait3A_1011] : memref<2x8x128xi32, #tpu.memory_space<vmem>> -> memref<1x1x128xi32, #tpu.memory_space<vmem>>
        %dma_wait3A_1013 = tpu.memref_squeeze %dma_wait3A_1012 : memref<1x1x128xi32, #tpu.memory_space<vmem>> -> memref<1x128xi32, #tpu.memory_space<vmem>>
        %dma_wait3A_1014 = arith.constant 0 : i32
        %dma_wait3A_1015 = tpu.memref_slice %arg3[%run_scoped3A_980, %add3A_979, %dma_wait3A_1014] : memref<2x25000x128xi32, #tpu.memory_space<hbm>> -> memref<1x1x128xi32, #tpu.memory_space<hbm>>
        %dma_wait3A_1016 = tpu.memref_squeeze %dma_wait3A_1015 : memref<1x1x128xi32, #tpu.memory_space<hbm>> -> memref<1x128xi32, #tpu.memory_space<hbm>>
        tpu.wait_dma2 semaphore(%run_scoped3A_988 : memref<!tpu.dma_semaphore, #tpu.memory_space<semaphore_mem>>) src(%dma_wait3A_1016 : memref<1x128xi32, #tpu.memory_space<hbm>>) dst(%dma_wait3A_1013 : memref<1x128xi32, #tpu.memory_space<vmem>>)
        tpu.yield
      }) : () -> ()
      %run_scoped3A_982 = arith.constant 0 : i32
      %run_scoped3A_983 = arith.constant 0 : i32
      %run_scoped3A_984 = arith.constant 0 : i32
      "tpu.region"() ({
        %run_scoped3A_988 = tpu.sem_alloc : memref<!tpu.dma_semaphore, #tpu.memory_space<semaphore_mem>>
        %dma_start3A_989 = arith.constant 0 : i32
        %dma_start3A_990 = arith.constant 0 : i32
        %dma_start3A_991 = tpu.memref_slice %arg8[%run_scoped3A_984, %dma_start3A_989, %dma_start3A_990] : memref<8x128x8xf32, #tpu.memory_space<vmem>> -> memref<1x128x8xf32, #tpu.memory_space<vmem>>
        %dma_start3A_992 = tpu.memref_squeeze %dma_start3A_991 : memref<1x128x8xf32, #tpu.memory_space<vmem>> -> memref<128x8xf32, #tpu.memory_space<vmem>>
        %dma_start3A_993 = arith.constant 0 : i32
        %dma_start3A_994 = tpu.memref_slice %arg6[%run_scoped3A_982, %run_scoped3A_983, %dma_start3A_993] : memref<2x8x128xi32, #tpu.memory_space<vmem>> -> memref<1x1x128xi32, #tpu.memory_space<vmem>>
        %dma_start3A_995 = tpu.memref_squeeze %dma_start3A_994 : memref<1x1x128xi32, #tpu.memory_space<vmem>> -> memref<128xi32, #tpu.memory_space<vmem>>
        %dma_start3A_996 = arith.constant 0 : i32
        %dma_start3A_997 = arith.constant 0 : i32
        %dma_start3A_998 = tpu.memref_slice %arg2[%dma_start3A_996, %dma_start3A_997] : memref<102400x8xf32, #tpu.memory_space<hbm>> -> memref<102400x8xf32, #tpu.memory_space<hbm>>
        tpu.enqueue_indirect_dma source(%dma_start3A_998 : memref<102400x8xf32, #tpu.memory_space<hbm>>) target(%dma_start3A_992 : memref<128x8xf32, #tpu.memory_space<vmem>>) offsets(%dma_start3A_995 : memref<128xi32, #tpu.memory_space<vmem>>) semaphore(%run_scoped3A_988 : memref<!tpu.dma_semaphore, #tpu.memory_space<semaphore_mem>>)
        %dma_wait3A_999 = arith.constant 0 : i32
        %dma_wait3A_1000 = arith.constant 0 : i32
        %dma_wait3A_1001 = tpu.memref_slice %arg8[%run_scoped3A_984, %dma_wait3A_999, %dma_wait3A_1000] : memref<8x128x8xf32, #tpu.memory_space<vmem>> -> memref<1x128x8xf32, #tpu.memory_space<vmem>>
        %dma_wait3A_1002 = tpu.memref_squeeze %dma_wait3A_1001 : memref<1x128x8xf32, #tpu.memory_space<vmem>> -> memref<128x8xf32, #tpu.memory_space<vmem>>
        %dma_wait3A_1003 = arith.constant 0 : i32
        %dma_wait3A_1004 = tpu.memref_slice %arg6[%run_scoped3A_982, %run_scoped3A_983, %dma_wait3A_1003] : memref<2x8x128xi32, #tpu.memory_space<vmem>> -> memref<1x1x128xi32, #tpu.memory_space<vmem>>
        %dma_wait3A_1005 = tpu.memref_squeeze %dma_wait3A_1004 : memref<1x1x128xi32, #tpu.memory_space<vmem>> -> memref<128xi32, #tpu.memory_space<vmem>>
        %dma_wait3A_1006 = arith.constant 0 : i32
        %dma_wait3A_1007 = arith.constant 0 : i32
        %dma_wait3A_1008 = tpu.memref_slice %arg2[%dma_wait3A_1006, %dma_wait3A_1007] : memref<102400x8xf32, #tpu.memory_space<hbm>> -> memref<102400x8xf32, #tpu.memory_space<hbm>>
        tpu.wait_indirect_dma semaphore(%run_scoped3A_988 : memref<!tpu.dma_semaphore, #tpu.memory_space<semaphore_mem>>) src(%dma_wait3A_1008 : memref<102400x8xf32, #tpu.memory_space<hbm>>) dst(%dma_wait3A_1002 : memref<128x8xf32, #tpu.memory_space<vmem>>)
        tpu.yield
      }) : () -> ()
      %run_scoped3A_985 = arith.constant 0 : i32
      %run_scoped3A_986 = arith.constant 0 : i32
      %run_scoped3A_987 = arith.constant 0 : i32
      "tpu.region"() ({
        %run_scoped3A_988 = tpu.sem_alloc : memref<!tpu.dma_semaphore, #tpu.memory_space<semaphore_mem>>
        %dma_start3A_989 = arith.constant 0 : i32
        %dma_start3A_990 = arith.constant 0 : i32
        %dma_start3A_991 = tpu.memref_slice %arg8[%run_scoped3A_985, %dma_start3A_989, %dma_start3A_990] : memref<8x128x8xf32, #tpu.memory_space<vmem>> -> memref<1x128x8xf32, #tpu.memory_space<vmem>>
        %dma_start3A_992 = tpu.memref_squeeze %dma_start3A_991 : memref<1x128x8xf32, #tpu.memory_space<vmem>> -> memref<128x8xf32, #tpu.memory_space<vmem>>
        %dma_start3A_993 = arith.constant 0 : i32
        %dma_start3A_994 = tpu.memref_slice %arg7[%run_scoped3A_986, %run_scoped3A_987, %dma_start3A_993] : memref<2x8x128xi32, #tpu.memory_space<vmem>> -> memref<1x1x128xi32, #tpu.memory_space<vmem>>
        %dma_start3A_995 = tpu.memref_squeeze %dma_start3A_994 : memref<1x1x128xi32, #tpu.memory_space<vmem>> -> memref<128xi32, #tpu.memory_space<vmem>>
        %dma_start3A_996 = arith.constant 0 : i32
        %dma_start3A_997 = arith.constant 0 : i32
        %dma_start3A_998 = tpu.memref_slice %arg9[%dma_start3A_996, %dma_start3A_997] : memref<102400x8xf32, #tpu.memory_space<vmem_shared>> -> memref<102400x8xf32, #tpu.memory_space<vmem_shared>>
        tpu.enqueue_indirect_dma source(%dma_start3A_992 : memref<128x8xf32, #tpu.memory_space<vmem>>) target(%dma_start3A_998 : memref<102400x8xf32, #tpu.memory_space<vmem_shared>>) offsets(%dma_start3A_995 : memref<128xi32, #tpu.memory_space<vmem>>) semaphore(%run_scoped3A_988 : memref<!tpu.dma_semaphore, #tpu.memory_space<semaphore_mem>>) {add = true}
        %dma_wait3A_999 = arith.constant 0 : i32
        %dma_wait3A_1000 = arith.constant 0 : i32
        %dma_wait3A_1001 = tpu.memref_slice %arg8[%run_scoped3A_985, %dma_wait3A_999, %dma_wait3A_1000] : memref<8x128x8xf32, #tpu.memory_space<vmem>> -> memref<1x128x8xf32, #tpu.memory_space<vmem>>
        %dma_wait3A_1002 = tpu.memref_squeeze %dma_wait3A_1001 : memref<1x128x8xf32, #tpu.memory_space<vmem>> -> memref<128x8xf32, #tpu.memory_space<vmem>>
        %dma_wait3A_1003 = arith.constant 0 : i32
        %dma_wait3A_1004 = tpu.memref_slice %arg7[%run_scoped3A_986, %run_scoped3A_987, %dma_wait3A_1003] : memref<2x8x128xi32, #tpu.memory_space<vmem>> -> memref<1x1x128xi32, #tpu.memory_space<vmem>>
        %dma_wait3A_1005 = tpu.memref_squeeze %dma_wait3A_1004 : memref<1x1x128xi32, #tpu.memory_space<vmem>> -> memref<128xi32, #tpu.memory_space<vmem>>
        %dma_wait3A_1006 = arith.constant 0 : i32
        %dma_wait3A_1007 = arith.constant 0 : i32
        %dma_wait3A_1008 = tpu.memref_slice %arg9[%dma_wait3A_1006, %dma_wait3A_1007] : memref<102400x8xf32, #tpu.memory_space<vmem_shared>> -> memref<102400x8xf32, #tpu.memory_space<vmem_shared>>
        tpu.wait_indirect_dma semaphore(%run_scoped3A_988 : memref<!tpu.dma_semaphore, #tpu.memory_space<semaphore_mem>>) src(%dma_wait3A_1002 : memref<128x8xf32, #tpu.memory_space<vmem>>) dst(%dma_wait3A_1008 : memref<102400x8xf32, #tpu.memory_space<vmem_shared>>)
        tpu.yield
      }) : () -> ()
    } else {
    }
    %barrier3A_969 = arith.constant 0 : index
    tpu.barrier barrier_id(%barrier3A_969)
    %mul3A_970 = arith.constant 6400 : i32
    %mul3A_971 = arith.muli %arg1, %mul3A_970 : i32
    %mul3A_972 = arith.constant 6400 : i32
    %mul3A_973 = arith.muli %arg1, %mul3A_972 : i32
    "tpu.region"() ({
      %run_scoped3A_974 = tpu.sem_alloc : memref<!tpu.dma_semaphore, #tpu.memory_space<semaphore_mem>>
      %dma_start3A_975 = arith.constant 0 : i32
      %dma_start3A_976 = tpu.memref_slice %arg5[%arg0, %mul3A_973, %dma_start3A_975] : memref<2x102400x8xf32, #tpu.memory_space<hbm>> -> memref<1x6400x8xf32, #tpu.memory_space<hbm>>
      %dma_start3A_977 = tpu.memref_squeeze %dma_start3A_976 : memref<1x6400x8xf32, #tpu.memory_space<hbm>> -> memref<6400x8xf32, #tpu.memory_space<hbm>>
      %dma_start3A_978 = arith.constant 0 : i32
      %dma_start3A_979 = tpu.memref_slice %arg9[%mul3A_971, %dma_start3A_978] : memref<102400x8xf32, #tpu.memory_space<vmem_shared>> -> memref<6400x8xf32, #tpu.memory_space<vmem_shared>>
      tpu.enqueue_dma source(%dma_start3A_979 : memref<6400x8xf32, #tpu.memory_space<vmem_shared>>) target(%dma_start3A_977 : memref<6400x8xf32, #tpu.memory_space<hbm>>) target_semaphore(%run_scoped3A_974 : memref<!tpu.dma_semaphore, #tpu.memory_space<semaphore_mem>>)
      %dma_wait3A_980 = arith.constant 0 : i32
      %dma_wait3A_981 = tpu.memref_slice %arg5[%arg0, %mul3A_973, %dma_wait3A_980] : memref<2x102400x8xf32, #tpu.memory_space<hbm>> -> memref<1x6400x8xf32, #tpu.memory_space<hbm>>
      %dma_wait3A_982 = tpu.memref_squeeze %dma_wait3A_981 : memref<1x6400x8xf32, #tpu.memory_space<hbm>> -> memref<6400x8xf32, #tpu.memory_space<hbm>>
      %dma_wait3A_983 = arith.constant 0 : i32
      %dma_wait3A_984 = tpu.memref_slice %arg9[%mul3A_971, %dma_wait3A_983] : memref<102400x8xf32, #tpu.memory_space<vmem_shared>> -> memref<6400x8xf32, #tpu.memory_space<vmem_shared>>
      tpu.wait_dma2 semaphore(%run_scoped3A_974 : memref<!tpu.dma_semaphore, #tpu.memory_space<semaphore_mem>>) src(%dma_wait3A_984 : memref<6400x8xf32, #tpu.memory_space<vmem_shared>>) dst(%dma_wait3A_982 : memref<6400x8xf32, #tpu.memory_space<hbm>>)
      tpu.yield
    }) : () -> ()
    return
  }
}

module attributes {stable_mosaic.version = 14 : i64} {
  func.func @_tca_body(%arg0: i32, %arg1: memref<4096x5xf32, #tpu.memory_space<vmem>>, %arg2: memref<2x4096x8xf32, #tpu.memory_space<vmem>>, %arg3: memref<5x32xf32, #tpu.memory_space<vmem>>, %arg4: memref<1x32xf32, #tpu.memory_space<vmem>>, %arg5: memref<32x16xf32, #tpu.memory_space<vmem>>, %arg6: memref<1x16xf32, #tpu.memory_space<vmem>>, %arg7: memref<16x8xf32, #tpu.memory_space<vmem>>, %arg8: memref<1x8xf32, #tpu.memory_space<vmem>>, %arg9: memref<4096x8xf32, #tpu.memory_space<vmem>>, %arg10: memref<4096x1xf32, #tpu.memory_space<vmem>>) attributes {dimension_semantics = [#tpu.dimension_semantics<arbitrary>], iteration_bounds = array<i64: 25>, scalar_prefetch = 0 : i64, scratch_operands = 0 : i64, tpu.core_type = #tpu.core_type<tc>, window_params = [{transform_indices = @transform_0, window_bounds = array<i64: 4096, 5>}, {transform_indices = @transform_1, window_bounds = array<i64: 2, 4096, 8>}, {pipeline_mode = #tpu.pipeline_mode<synchronous>, transform_indices = @transform_2, window_bounds = array<i64: 5, 32>}, {pipeline_mode = #tpu.pipeline_mode<synchronous>, transform_indices = @transform_3, window_bounds = array<i64: 1, 32>}, {pipeline_mode = #tpu.pipeline_mode<synchronous>, transform_indices = @transform_4, window_bounds = array<i64: 32, 16>}, {pipeline_mode = #tpu.pipeline_mode<synchronous>, transform_indices = @transform_5, window_bounds = array<i64: 1, 16>}, {pipeline_mode = #tpu.pipeline_mode<synchronous>, transform_indices = @transform_6, window_bounds = array<i64: 16, 8>}, {pipeline_mode = #tpu.pipeline_mode<synchronous>, transform_indices = @transform_7, window_bounds = array<i64: 1, 8>}, {transform_indices = @transform_8, window_bounds = array<i64: 4096, 8>}, {transform_indices = @transform_9, window_bounds = array<i64: 4096, 1>}]} {
    %get3A = arith.constant 0 : index
    %get3A_0 = arith.constant 0 : index
    %get3A_1 = arith.constant 0 : index
    %get3A_2 = vector.load %arg2[%get3A, %get3A_0, %get3A_1] : memref<2x4096x8xf32, #tpu.memory_space<vmem>>, vector<1x4096x1xf32>
    %get3A_3 = vector.shape_cast %get3A_2 : vector<1x4096x1xf32> to vector<4096x1xf32>
    %get3A_4 = arith.constant 1 : index
    %get3A_5 = arith.constant 0 : index
    %get3A_6 = arith.constant 0 : index
    %get3A_7 = vector.load %arg2[%get3A_4, %get3A_5, %get3A_6] : memref<2x4096x8xf32, #tpu.memory_space<vmem>>, vector<1x4096x1xf32>
    %get3A_8 = vector.shape_cast %get3A_7 : vector<1x4096x1xf32> to vector<4096x1xf32>
    %add3A = arith.addf %get3A_3, %get3A_8 : vector<4096x1xf32>
    %add3A_9 = arith.constant 1.000000e+00 : f32
    %add3A_10 = vector.broadcast %add3A_9 : f32 to vector<4096x1xf32>
    %add3A_11 = arith.addf %add3A, %add3A_10 : vector<4096x1xf32>
    %rsqrt3A = math.rsqrt %add3A_11 : vector<4096x1xf32>
    %get3A_12 = arith.constant 0 : index
    %get3A_13 = arith.constant 0 : index
    %get3A_14 = vector.load %arg1[%get3A_12, %get3A_13] : memref<4096x5xf32, #tpu.memory_space<vmem>>, vector<4096x5xf32>
    %get3A_15 = arith.constant 0 : index
    %get3A_16 = arith.constant 0 : index
    %get3A_17 = vector.load %arg3[%get3A_15, %get3A_16] : memref<5x32xf32, #tpu.memory_space<vmem>>, vector<5x32xf32>
    %dot_general3A = arith.constant dense<0.000000e+00> : vector<4096x32xf32>
    %dot_general3A_18 = tpu.matmul %get3A_14, %get3A_17, %dot_general3A {dimension_numbers = #tpu.dot_dimension_numbers<[1], [0], [0], [1], [0, 0, 1, 1], [], []>, transpose_lhs_hint = false} : vector<4096x5xf32>, vector<5x32xf32>, vector<4096x32xf32> -> vector<4096x32xf32>
    %get3A_19 = arith.constant 0 : index
    %get3A_20 = arith.constant 0 : index
    %get3A_21 = vector.load %arg4[%get3A_19, %get3A_20] : memref<1x32xf32, #tpu.memory_space<vmem>>, vector<1x32xf32>
    %add3A_22 = vector.broadcast %get3A_21 : vector<1x32xf32> to vector<4096x32xf32>
    %add3A_23 = arith.addf %dot_general3A_18, %add3A_22 : vector<4096x32xf32>
    %max3A = arith.constant 0.000000e+00 : f32
    %max3A_24 = vector.broadcast %max3A : f32 to vector<4096x32xf32>
    %max3A_25 = arith.maximumf %add3A_23, %max3A_24 : vector<4096x32xf32>
    %get3A_26 = arith.constant 0 : index
    %get3A_27 = arith.constant 0 : index
    %get3A_28 = vector.load %arg5[%get3A_26, %get3A_27] : memref<32x16xf32, #tpu.memory_space<vmem>>, vector<32x16xf32>
    %dot_general3A_29 = arith.constant dense<0.000000e+00> : vector<4096x16xf32>
    %dot_general3A_30 = tpu.matmul %max3A_25, %get3A_28, %dot_general3A_29 {dimension_numbers = #tpu.dot_dimension_numbers<[1], [0], [0], [1], [0, 0, 1, 1], [], []>, transpose_lhs_hint = false} : vector<4096x32xf32>, vector<32x16xf32>, vector<4096x16xf32> -> vector<4096x16xf32>
    %get3A_31 = arith.constant 0 : index
    %get3A_32 = arith.constant 0 : index
    %get3A_33 = vector.load %arg6[%get3A_31, %get3A_32] : memref<1x16xf32, #tpu.memory_space<vmem>>, vector<1x16xf32>
    %add3A_34 = vector.broadcast %get3A_33 : vector<1x16xf32> to vector<4096x16xf32>
    %add3A_35 = arith.addf %dot_general3A_30, %add3A_34 : vector<4096x16xf32>
    %max3A_36 = arith.constant 0.000000e+00 : f32
    %max3A_37 = vector.broadcast %max3A_36 : f32 to vector<4096x16xf32>
    %max3A_38 = arith.maximumf %add3A_35, %max3A_37 : vector<4096x16xf32>
    %get3A_39 = arith.constant 0 : index
    %get3A_40 = arith.constant 0 : index
    %get3A_41 = vector.load %arg7[%get3A_39, %get3A_40] : memref<16x8xf32, #tpu.memory_space<vmem>>, vector<16x8xf32>
    %dot_general3A_42 = arith.constant dense<0.000000e+00> : vector<4096x8xf32>
    %dot_general3A_43 = tpu.matmul %max3A_38, %get3A_41, %dot_general3A_42 {dimension_numbers = #tpu.dot_dimension_numbers<[1], [0], [0], [1], [0, 0, 1, 1], [], []>, transpose_lhs_hint = false} : vector<4096x16xf32>, vector<16x8xf32>, vector<4096x8xf32> -> vector<4096x8xf32>
    %get3A_44 = arith.constant 0 : index
    %get3A_45 = arith.constant 0 : index
    %get3A_46 = vector.load %arg8[%get3A_44, %get3A_45] : memref<1x8xf32, #tpu.memory_space<vmem>>, vector<1x8xf32>
    %add3A_47 = vector.broadcast %get3A_46 : vector<1x8xf32> to vector<4096x8xf32>
    %add3A_48 = arith.addf %dot_general3A_43, %add3A_47 : vector<4096x8xf32>
    %mul3A = vector.broadcast %rsqrt3A : vector<4096x1xf32> to vector<4096x8xf32>
    %mul3A_49 = arith.mulf %mul3A, %add3A_48 : vector<4096x8xf32>
    %swap3A = arith.constant 0 : index
    %swap3A_50 = arith.constant 0 : index
    %swap3A_51 = vector.load %arg9[%swap3A, %swap3A_50] : memref<4096x8xf32, #tpu.memory_space<vmem>>, vector<4096x8xf32>
    tpu.vector_store %arg9[%swap3A, %swap3A_50], %mul3A_49 {strides = array<i32>} : memref<4096x8xf32, #tpu.memory_space<vmem>>, vector<4096x8xf32>,
    %swap3A_52 = arith.constant 0 : index
    %swap3A_53 = arith.constant 0 : index
    %swap3A_54 = vector.load %arg10[%swap3A_52, %swap3A_53] : memref<4096x1xf32, #tpu.memory_space<vmem>>, vector<4096x1xf32>
    tpu.vector_store %arg10[%swap3A_52, %swap3A_53], %rsqrt3A {strides = array<i32>} : memref<4096x1xf32, #tpu.memory_space<vmem>>, vector<4096x1xf32>,
    return
  }
  func.func @transform_0(%arg0: i32) -> (i32, i32) {
    %c0_i32 = arith.constant 0 : i32
    %c0_i32_0 = arith.constant 0 : i32
    return %arg0, %c0_i32 : i32, i32
  }
  func.func @transform_1(%arg0: i32) -> (i32, i32, i32) {
    %c0_i32 = arith.constant 0 : i32
    %c0_i32_0 = arith.constant 0 : i32
    %c0_i32_1 = arith.constant 0 : i32
    return %c0_i32, %arg0, %c0_i32_0 : i32, i32, i32
  }
  func.func @transform_2(%arg0: i32) -> (i32, i32) {
    %c0_i32 = arith.constant 0 : i32
    %c0_i32_0 = arith.constant 0 : i32
    %c0_i32_1 = arith.constant 0 : i32
    return %c0_i32, %c0_i32_0 : i32, i32
  }
  func.func @transform_3(%arg0: i32) -> (i32, i32) {
    %c0_i32 = arith.constant 0 : i32
    %c0_i32_0 = arith.constant 0 : i32
    %c0_i32_1 = arith.constant 0 : i32
    return %c0_i32, %c0_i32_0 : i32, i32
  }
  func.func @transform_4(%arg0: i32) -> (i32, i32) {
    %c0_i32 = arith.constant 0 : i32
    %c0_i32_0 = arith.constant 0 : i32
    %c0_i32_1 = arith.constant 0 : i32
    return %c0_i32, %c0_i32_0 : i32, i32
  }
  func.func @transform_5(%arg0: i32) -> (i32, i32) {
    %c0_i32 = arith.constant 0 : i32
    %c0_i32_0 = arith.constant 0 : i32
    %c0_i32_1 = arith.constant 0 : i32
    return %c0_i32, %c0_i32_0 : i32, i32
  }
  func.func @transform_6(%arg0: i32) -> (i32, i32) {
    %c0_i32 = arith.constant 0 : i32
    %c0_i32_0 = arith.constant 0 : i32
    %c0_i32_1 = arith.constant 0 : i32
    return %c0_i32, %c0_i32_0 : i32, i32
  }
  func.func @transform_7(%arg0: i32) -> (i32, i32) {
    %c0_i32 = arith.constant 0 : i32
    %c0_i32_0 = arith.constant 0 : i32
    %c0_i32_1 = arith.constant 0 : i32
    return %c0_i32, %c0_i32_0 : i32, i32
  }
  func.func @transform_8(%arg0: i32) -> (i32, i32) {
    %c0_i32 = arith.constant 0 : i32
    %c0_i32_0 = arith.constant 0 : i32
    return %arg0, %c0_i32 : i32, i32
  }
  func.func @transform_9(%arg0: i32) -> (i32, i32) {
    %c0_i32 = arith.constant 0 : i32
    %c0_i32_0 = arith.constant 0 : i32
    return %arg0, %c0_i32 : i32, i32
  }
}

module attributes {stable_mosaic.version = 14 : i64} {
  func.func @_tcb_body(%arg0: i32, %arg1: memref<4096x5xf32, #tpu.memory_space<vmem>>, %arg2: memref<4096x8xf32, #tpu.memory_space<vmem>>, %arg3: memref<4096x1xf32, #tpu.memory_space<vmem>>, %arg4: memref<2x4096x8xf32, #tpu.memory_space<vmem>>, %arg5: memref<8x32xf32, #tpu.memory_space<vmem>>, %arg6: memref<1x32xf32, #tpu.memory_space<vmem>>, %arg7: memref<32x16xf32, #tpu.memory_space<vmem>>, %arg8: memref<1x16xf32, #tpu.memory_space<vmem>>, %arg9: memref<16x8xf32, #tpu.memory_space<vmem>>, %arg10: memref<1x8xf32, #tpu.memory_space<vmem>>, %arg11: memref<4096x16xf32, #tpu.memory_space<vmem>>) attributes {dimension_semantics = [#tpu.dimension_semantics<arbitrary>], iteration_bounds = array<i64: 25>, scalar_prefetch = 0 : i64, scratch_operands = 0 : i64, tpu.core_type = #tpu.core_type<tc>, window_params = [{transform_indices = @transform_0, window_bounds = array<i64: 4096, 5>}, {transform_indices = @transform_1, window_bounds = array<i64: 4096, 8>}, {transform_indices = @transform_2, window_bounds = array<i64: 4096, 1>}, {transform_indices = @transform_3, window_bounds = array<i64: 2, 4096, 8>}, {pipeline_mode = #tpu.pipeline_mode<synchronous>, transform_indices = @transform_4, window_bounds = array<i64: 8, 32>}, {pipeline_mode = #tpu.pipeline_mode<synchronous>, transform_indices = @transform_5, window_bounds = array<i64: 1, 32>}, {pipeline_mode = #tpu.pipeline_mode<synchronous>, transform_indices = @transform_6, window_bounds = array<i64: 32, 16>}, {pipeline_mode = #tpu.pipeline_mode<synchronous>, transform_indices = @transform_7, window_bounds = array<i64: 1, 16>}, {pipeline_mode = #tpu.pipeline_mode<synchronous>, transform_indices = @transform_8, window_bounds = array<i64: 16, 8>}, {pipeline_mode = #tpu.pipeline_mode<synchronous>, transform_indices = @transform_9, window_bounds = array<i64: 1, 8>}, {transform_indices = @transform_10, window_bounds = array<i64: 4096, 16>}]} {
    %get3A = arith.constant 0 : index
    %get3A_0 = arith.constant 0 : index
    %get3A_1 = vector.load %arg2[%get3A, %get3A_0] : memref<4096x8xf32, #tpu.memory_space<vmem>>, vector<4096x8xf32>
    %get3A_2 = arith.constant 0 : index
    %get3A_3 = arith.constant 0 : index
    %get3A_4 = vector.load %arg3[%get3A_2, %get3A_3] : memref<4096x1xf32, #tpu.memory_space<vmem>>, vector<4096x1xf32>
    %get3A_5 = arith.constant 0 : index
    %get3A_6 = arith.constant 0 : index
    %get3A_7 = arith.constant 0 : index
    %get3A_8 = vector.load %arg4[%get3A_5, %get3A_6, %get3A_7] : memref<2x4096x8xf32, #tpu.memory_space<vmem>>, vector<1x4096x8xf32>
    %get3A_9 = vector.shape_cast %get3A_8 : vector<1x4096x8xf32> to vector<4096x8xf32>
    %get3A_10 = arith.constant 1 : index
    %get3A_11 = arith.constant 0 : index
    %get3A_12 = arith.constant 0 : index
    %get3A_13 = vector.load %arg4[%get3A_10, %get3A_11, %get3A_12] : memref<2x4096x8xf32, #tpu.memory_space<vmem>>, vector<1x4096x8xf32>
    %get3A_14 = vector.shape_cast %get3A_13 : vector<1x4096x8xf32> to vector<4096x8xf32>
    %add3A = arith.addf %get3A_9, %get3A_14 : vector<4096x8xf32>
    %add3A_15 = arith.addf %add3A, %get3A_1 : vector<4096x8xf32>
    %mul3A = vector.broadcast %get3A_4 : vector<4096x1xf32> to vector<4096x8xf32>
    %mul3A_16 = arith.mulf %mul3A, %add3A_15 : vector<4096x8xf32>
    %get3A_17 = arith.constant 0 : index
    %get3A_18 = arith.constant 0 : index
    %get3A_19 = vector.load %arg5[%get3A_17, %get3A_18] : memref<8x32xf32, #tpu.memory_space<vmem>>, vector<8x32xf32>
    %dot_general3A = arith.constant dense<0.000000e+00> : vector<4096x32xf32>
    %dot_general3A_20 = tpu.matmul %mul3A_16, %get3A_19, %dot_general3A {dimension_numbers = #tpu.dot_dimension_numbers<[1], [0], [0], [1], [0, 0, 1, 1], [], []>, transpose_lhs_hint = false} : vector<4096x8xf32>, vector<8x32xf32>, vector<4096x32xf32> -> vector<4096x32xf32>
    %get3A_21 = arith.constant 0 : index
    %get3A_22 = arith.constant 0 : index
    %get3A_23 = vector.load %arg6[%get3A_21, %get3A_22] : memref<1x32xf32, #tpu.memory_space<vmem>>, vector<1x32xf32>
    %add3A_24 = vector.broadcast %get3A_23 : vector<1x32xf32> to vector<4096x32xf32>
    %add3A_25 = arith.addf %dot_general3A_20, %add3A_24 : vector<4096x32xf32>
    %max3A = arith.constant 0.000000e+00 : f32
    %max3A_26 = vector.broadcast %max3A : f32 to vector<4096x32xf32>
    %max3A_27 = arith.maximumf %add3A_25, %max3A_26 : vector<4096x32xf32>
    %get3A_28 = arith.constant 0 : index
    %get3A_29 = arith.constant 0 : index
    %get3A_30 = vector.load %arg7[%get3A_28, %get3A_29] : memref<32x16xf32, #tpu.memory_space<vmem>>, vector<32x16xf32>
    %dot_general3A_31 = arith.constant dense<0.000000e+00> : vector<4096x16xf32>
    %dot_general3A_32 = tpu.matmul %max3A_27, %get3A_30, %dot_general3A_31 {dimension_numbers = #tpu.dot_dimension_numbers<[1], [0], [0], [1], [0, 0, 1, 1], [], []>, transpose_lhs_hint = false} : vector<4096x32xf32>, vector<32x16xf32>, vector<4096x16xf32> -> vector<4096x16xf32>
    %get3A_33 = arith.constant 0 : index
    %get3A_34 = arith.constant 0 : index
    %get3A_35 = vector.load %arg8[%get3A_33, %get3A_34] : memref<1x16xf32, #tpu.memory_space<vmem>>, vector<1x16xf32>
    %add3A_36 = vector.broadcast %get3A_35 : vector<1x16xf32> to vector<4096x16xf32>
    %add3A_37 = arith.addf %dot_general3A_32, %add3A_36 : vector<4096x16xf32>
    %max3A_38 = arith.constant 0.000000e+00 : f32
    %max3A_39 = vector.broadcast %max3A_38 : f32 to vector<4096x16xf32>
    %max3A_40 = arith.maximumf %add3A_37, %max3A_39 : vector<4096x16xf32>
    %get3A_41 = arith.constant 0 : index
    %get3A_42 = arith.constant 0 : index
    %get3A_43 = vector.load %arg9[%get3A_41, %get3A_42] : memref<16x8xf32, #tpu.memory_space<vmem>>, vector<16x8xf32>
    %dot_general3A_44 = arith.constant dense<0.000000e+00> : vector<4096x8xf32>
    %dot_general3A_45 = tpu.matmul %max3A_40, %get3A_43, %dot_general3A_44 {dimension_numbers = #tpu.dot_dimension_numbers<[1], [0], [0], [1], [0, 0, 1, 1], [], []>, transpose_lhs_hint = false} : vector<4096x16xf32>, vector<16x8xf32>, vector<4096x8xf32> -> vector<4096x8xf32>
    %get3A_46 = arith.constant 0 : index
    %get3A_47 = arith.constant 0 : index
    %get3A_48 = vector.load %arg10[%get3A_46, %get3A_47] : memref<1x8xf32, #tpu.memory_space<vmem>>, vector<1x8xf32>
    %add3A_49 = vector.broadcast %get3A_48 : vector<1x8xf32> to vector<4096x8xf32>
    %add3A_50 = arith.addf %dot_general3A_45, %add3A_49 : vector<4096x8xf32>
    %get3A_51 = arith.constant 0 : index
    %get3A_52 = arith.constant 0 : index
    %get3A_53 = vector.load %arg1[%get3A_51, %get3A_52] : memref<4096x5xf32, #tpu.memory_space<vmem>>, vector<4096x5xf32>
    %broadcast_in_dim3A = arith.constant 1.000000e+00 : f32
    %broadcast_in_dim3A_54 = vector.broadcast %broadcast_in_dim3A : f32 to vector<4096x1xf32>
    %broadcast_in_dim3A_55 = arith.constant 0.000000e+00 : f32
    %broadcast_in_dim3A_56 = vector.broadcast %broadcast_in_dim3A_55 : f32 to vector<4096x2xf32>
    %concatenate3A = tpu.concatenate %get3A_53, %add3A_50, %broadcast_in_dim3A_54, %broadcast_in_dim3A_56 in 1 : vector<4096x5xf32>, vector<4096x8xf32>, vector<4096x1xf32>, vector<4096x2xf32> -> vector<4096x16xf32>
    %swap3A = arith.constant 0 : index
    %swap3A_57 = arith.constant 0 : index
    %swap3A_58 = vector.load %arg11[%swap3A, %swap3A_57] : memref<4096x16xf32, #tpu.memory_space<vmem>>, vector<4096x16xf32>
    tpu.vector_store %arg11[%swap3A, %swap3A_57], %concatenate3A {strides = array<i32>} : memref<4096x16xf32, #tpu.memory_space<vmem>>, vector<4096x16xf32>,
    return
  }
  func.func @transform_0(%arg0: i32) -> (i32, i32) {
    %c0_i32 = arith.constant 0 : i32
    %c0_i32_0 = arith.constant 0 : i32
    return %arg0, %c0_i32 : i32, i32
  }
  func.func @transform_1(%arg0: i32) -> (i32, i32) {
    %c0_i32 = arith.constant 0 : i32
    %c0_i32_0 = arith.constant 0 : i32
    return %arg0, %c0_i32 : i32, i32
  }
  func.func @transform_2(%arg0: i32) -> (i32, i32) {
    %c0_i32 = arith.constant 0 : i32
    %c0_i32_0 = arith.constant 0 : i32
    return %arg0, %c0_i32 : i32, i32
  }
  func.func @transform_3(%arg0: i32) -> (i32, i32, i32) {
    %c0_i32 = arith.constant 0 : i32
    %c0_i32_0 = arith.constant 0 : i32
    %c0_i32_1 = arith.constant 0 : i32
    return %c0_i32, %arg0, %c0_i32_0 : i32, i32, i32
  }
  func.func @transform_4(%arg0: i32) -> (i32, i32) {
    %c0_i32 = arith.constant 0 : i32
    %c0_i32_0 = arith.constant 0 : i32
    %c0_i32_1 = arith.constant 0 : i32
    return %c0_i32, %c0_i32_0 : i32, i32
  }
  func.func @transform_5(%arg0: i32) -> (i32, i32) {
    %c0_i32 = arith.constant 0 : i32
    %c0_i32_0 = arith.constant 0 : i32
    %c0_i32_1 = arith.constant 0 : i32
    return %c0_i32, %c0_i32_0 : i32, i32
  }
  func.func @transform_6(%arg0: i32) -> (i32, i32) {
    %c0_i32 = arith.constant 0 : i32
    %c0_i32_0 = arith.constant 0 : i32
    %c0_i32_1 = arith.constant 0 : i32
    return %c0_i32, %c0_i32_0 : i32, i32
  }
  func.func @transform_7(%arg0: i32) -> (i32, i32) {
    %c0_i32 = arith.constant 0 : i32
    %c0_i32_0 = arith.constant 0 : i32
    %c0_i32_1 = arith.constant 0 : i32
    return %c0_i32, %c0_i32_0 : i32, i32
  }
  func.func @transform_8(%arg0: i32) -> (i32, i32) {
    %c0_i32 = arith.constant 0 : i32
    %c0_i32_0 = arith.constant 0 : i32
    %c0_i32_1 = arith.constant 0 : i32
    return %c0_i32, %c0_i32_0 : i32, i32
  }
  func.func @transform_9(%arg0: i32) -> (i32, i32) {
    %c0_i32 = arith.constant 0 : i32
    %c0_i32_0 = arith.constant 0 : i32
    %c0_i32_1 = arith.constant 0 : i32
    return %c0_i32, %c0_i32_0 : i32, i32
  }
  func.func @transform_10(%arg0: i32) -> (i32, i32) {
    %c0_i32 = arith.constant 0 : i32
    %c0_i32_0 = arith.constant 0 : i32
    return %arg0, %c0_i32 : i32, i32
  }
}

module attributes {stable_mosaic.version = 14 : i64} {
  func.func @_tcc_body(%arg0: memref<1008x16xf32, #tpu.memory_space<vmem>>, %arg1: memref<1008x16xf32, #tpu.memory_space<vmem>>, %arg2: memref<13x32xf32, #tpu.memory_space<vmem>>, %arg3: memref<1x32xf32, #tpu.memory_space<vmem>>, %arg4: memref<32x16xf32, #tpu.memory_space<vmem>>, %arg5: memref<1x16xf32, #tpu.memory_space<vmem>>, %arg6: memref<16x8xf32, #tpu.memory_space<vmem>>, %arg7: memref<1x8xf32, #tpu.memory_space<vmem>>, %arg8: memref<8x32xf32, #tpu.memory_space<vmem>>, %arg9: memref<1x32xf32, #tpu.memory_space<vmem>>, %arg10: memref<32x16xf32, #tpu.memory_space<vmem>>, %arg11: memref<1x16xf32, #tpu.memory_space<vmem>>, %arg12: memref<16x8xf32, #tpu.memory_space<vmem>>, %arg13: memref<1x8xf32, #tpu.memory_space<vmem>>, %arg14: memref<1008x8xf32, #tpu.memory_space<vmem>>, %arg15: memref<104x8xf32, #tpu.memory_space<vmem>>, %arg16: memref<104x1xi32, #tpu.memory_space<vmem>>) attributes {dimension_semantics = [], scalar_prefetch = 0 : i64, scratch_operands = 0 : i64, tpu.core_type = #tpu.core_type<tc>} {
    %get3A = arith.constant 0 : index
    %get3A_0 = arith.constant 0 : index
    %get3A_1 = vector.load %arg0[%get3A, %get3A_0] : memref<1008x16xf32, #tpu.memory_space<vmem>>, vector<1008x16xf32>
    %get3A_2 = arith.constant 0 : index
    %get3A_3 = arith.constant 0 : index
    %get3A_4 = vector.load %arg1[%get3A_2, %get3A_3] : memref<1008x16xf32, #tpu.memory_space<vmem>>, vector<1008x16xf32>
    %add3A = arith.addf %get3A_1, %get3A_4 : vector<1008x16xf32>
    %slice3A = vector.extract_strided_slice %add3A {offsets = [0, 0], sizes = [1008, 13], strides = [1, 1]} : vector<1008x16xf32> to vector<1008x13xf32>
    %get3A_5 = arith.constant 0 : index
    %get3A_6 = arith.constant 0 : index
    %get3A_7 = vector.load %arg2[%get3A_5, %get3A_6] : memref<13x32xf32, #tpu.memory_space<vmem>>, vector<13x32xf32>
    %dot_general3A = arith.constant dense<0.000000e+00> : vector<1008x32xf32>
    %dot_general3A_8 = tpu.matmul %slice3A, %get3A_7, %dot_general3A {dimension_numbers = #tpu.dot_dimension_numbers<[1], [0], [0], [1], [0, 0, 1, 1], [], []>, transpose_lhs_hint = false} : vector<1008x13xf32>, vector<13x32xf32>, vector<1008x32xf32> -> vector<1008x32xf32>
    %get3A_9 = arith.constant 0 : index
    %get3A_10 = arith.constant 0 : index
    %get3A_11 = vector.load %arg3[%get3A_9, %get3A_10] : memref<1x32xf32, #tpu.memory_space<vmem>>, vector<1x32xf32>
    %add3A_12 = vector.broadcast %get3A_11 : vector<1x32xf32> to vector<1008x32xf32>
    %add3A_13 = arith.addf %dot_general3A_8, %add3A_12 : vector<1008x32xf32>
    %max3A = arith.constant 0.000000e+00 : f32
    %max3A_14 = vector.broadcast %max3A : f32 to vector<1008x32xf32>
    %max3A_15 = arith.maximumf %add3A_13, %max3A_14 : vector<1008x32xf32>
    %get3A_16 = arith.constant 0 : index
    %get3A_17 = arith.constant 0 : index
    %get3A_18 = vector.load %arg4[%get3A_16, %get3A_17] : memref<32x16xf32, #tpu.memory_space<vmem>>, vector<32x16xf32>
    %dot_general3A_19 = arith.constant dense<0.000000e+00> : vector<1008x16xf32>
    %dot_general3A_20 = tpu.matmul %max3A_15, %get3A_18, %dot_general3A_19 {dimension_numbers = #tpu.dot_dimension_numbers<[1], [0], [0], [1], [0, 0, 1, 1], [], []>, transpose_lhs_hint = false} : vector<1008x32xf32>, vector<32x16xf32>, vector<1008x16xf32> -> vector<1008x16xf32>
    %get3A_21 = arith.constant 0 : index
    %get3A_22 = arith.constant 0 : index
    %get3A_23 = vector.load %arg5[%get3A_21, %get3A_22] : memref<1x16xf32, #tpu.memory_space<vmem>>, vector<1x16xf32>
    %add3A_24 = vector.broadcast %get3A_23 : vector<1x16xf32> to vector<1008x16xf32>
    %add3A_25 = arith.addf %dot_general3A_20, %add3A_24 : vector<1008x16xf32>
    %max3A_26 = arith.constant 0.000000e+00 : f32
    %max3A_27 = vector.broadcast %max3A_26 : f32 to vector<1008x16xf32>
    %max3A_28 = arith.maximumf %add3A_25, %max3A_27 : vector<1008x16xf32>
    %get3A_29 = arith.constant 0 : index
    %get3A_30 = arith.constant 0 : index
    %get3A_31 = vector.load %arg6[%get3A_29, %get3A_30] : memref<16x8xf32, #tpu.memory_space<vmem>>, vector<16x8xf32>
    %dot_general3A_32 = arith.constant dense<0.000000e+00> : vector<1008x8xf32>
    %dot_general3A_33 = tpu.matmul %max3A_28, %get3A_31, %dot_general3A_32 {dimension_numbers = #tpu.dot_dimension_numbers<[1], [0], [0], [1], [0, 0, 1, 1], [], []>, transpose_lhs_hint = false} : vector<1008x16xf32>, vector<16x8xf32>, vector<1008x8xf32> -> vector<1008x8xf32>
    %get3A_34 = arith.constant 0 : index
    %get3A_35 = arith.constant 0 : index
    %get3A_36 = vector.load %arg7[%get3A_34, %get3A_35] : memref<1x8xf32, #tpu.memory_space<vmem>>, vector<1x8xf32>
    %add3A_37 = vector.broadcast %get3A_36 : vector<1x8xf32> to vector<1008x8xf32>
    %add3A_38 = arith.addf %dot_general3A_33, %add3A_37 : vector<1008x8xf32>
    %swap3A = arith.constant 0 : index
    %swap3A_39 = arith.constant 0 : index
    %swap3A_40 = vector.load %arg14[%swap3A, %swap3A_39] : memref<1008x8xf32, #tpu.memory_space<vmem>>, vector<1008x8xf32>
    tpu.vector_store %arg14[%swap3A, %swap3A_39], %add3A_38 {strides = array<i32>} : memref<1008x8xf32, #tpu.memory_space<vmem>>, vector<1008x8xf32>,
    %iota3A = tpu.iota {dimensions = array<i32: 0>} : vector<104x1008xi32>
    %iota3A_41 = tpu.iota {dimensions = array<i32: 1>} : vector<104x1008xi32>
    %jit3A = arith.constant 10 : i32
    %div3A = vector.broadcast %jit3A : i32 to vector<104x1008xi32>
    %div3A_42 = arith.divsi %iota3A_41, %div3A : vector<104x1008xi32>
    %sign3A = arith.constant 0 : i32
    %sign3A_43 = vector.broadcast %sign3A : i32 to vector<104x1008xi32>
    %sign3A_44 = arith.cmpi sgt, %iota3A_41, %sign3A_43 : vector<104x1008xi32>
    %sign3A_45 = arith.extui %sign3A_44 : vector<104x1008xi1> to vector<104x1008xi32>
    %sign3A_46 = arith.constant 0 : i32
    %sign3A_47 = vector.broadcast %sign3A_46 : i32 to vector<104x1008xi32>
    %sign3A_48 = arith.cmpi slt, %iota3A_41, %sign3A_47 : vector<104x1008xi32>
    %sign3A_49 = arith.extui %sign3A_48 : vector<104x1008xi1> to vector<104x1008xi32>
    %sign3A_50 = arith.subi %sign3A_45, %sign3A_49 : vector<104x1008xi32>
    %sign3A_51 = arith.constant 0 : i32
    %sign3A_52 = arith.cmpi sgt, %jit3A, %sign3A_51 : i32
    %sign3A_53 = arith.extui %sign3A_52 : i1 to i32
    %sign3A_54 = arith.constant 0 : i32
    %sign3A_55 = arith.cmpi slt, %jit3A, %sign3A_54 : i32
    %sign3A_56 = arith.extui %sign3A_55 : i1 to i32
    %sign3A_57 = arith.subi %sign3A_53, %sign3A_56 : i32
    %ne3A = vector.broadcast %sign3A_57 : i32 to vector<104x1008xi32>
    %ne3A_58 = arith.cmpi ne, %sign3A_50, %ne3A : vector<104x1008xi32>
    %rem3A = vector.broadcast %jit3A : i32 to vector<104x1008xi32>
    %rem3A_59 = arith.remsi %iota3A_41, %rem3A : vector<104x1008xi32>
    %ne3A_60 = arith.constant 0 : i32
    %ne3A_61 = vector.broadcast %ne3A_60 : i32 to vector<104x1008xi32>
    %ne3A_62 = arith.cmpi ne, %rem3A_59, %ne3A_61 : vector<104x1008xi32>
    %and3A = arith.andi %ne3A_58, %ne3A_62 : vector<104x1008xi1>
    %sub3A = arith.constant 1 : i32
    %sub3A_63 = vector.broadcast %sub3A : i32 to vector<104x1008xi32>
    %sub3A_64 = arith.subi %div3A_42, %sub3A_63 : vector<104x1008xi32>
    %select_n3A = arith.select %and3A, %sub3A_64, %div3A_42 : vector<104x1008xi1>, vector<104x1008xi32>
    %eq3A = arith.cmpi eq, %select_n3A, %iota3A : vector<104x1008xi32>
    %lt3A = arith.constant 1000 : i32
    %lt3A_65 = vector.broadcast %lt3A : i32 to vector<104x1008xi32>
    %lt3A_66 = arith.cmpi slt, %iota3A_41, %lt3A_65 : vector<104x1008xi32>
    %and3A_67 = arith.andi %eq3A, %lt3A_66 : vector<104x1008xi1>
    %jit3A_68 = arith.constant 1.000000e+00 : f32
    %jit3A_69 = arith.constant 0.000000e+00 : f32
    %broadcast_in_dim3A = vector.broadcast %jit3A_68 : f32 to vector<104x1008xf32>
    %broadcast_in_dim3A_70 = vector.broadcast %jit3A_69 : f32 to vector<104x1008xf32>
    %select_n3A_71 = arith.select %and3A_67, %broadcast_in_dim3A, %broadcast_in_dim3A_70 : vector<104x1008xi1>, vector<104x1008xf32>
    %dot_general3A_72 = arith.constant dense<0.000000e+00> : vector<104x8xf32>
    %dot_general3A_73 = tpu.matmul %select_n3A_71, %add3A_38, %dot_general3A_72 {dimension_numbers = #tpu.dot_dimension_numbers<[1], [0], [0], [1], [0, 0, 1, 1], [], []>, transpose_lhs_hint = false} : vector<104x1008xf32>, vector<1008x8xf32>, vector<104x8xf32> -> vector<104x8xf32>
    %slice3A_74 = vector.extract_strided_slice %add3A {offsets = [0, 13], sizes = [1008, 1], strides = [1, 1]} : vector<1008x16xf32> to vector<1008x1xf32>
    %dot_general3A_75 = arith.constant dense<0.000000e+00> : vector<104x1xf32>
    %dot_general3A_76 = tpu.matmul %select_n3A_71, %slice3A_74, %dot_general3A_75 {dimension_numbers = #tpu.dot_dimension_numbers<[1], [0], [0], [1], [0, 0, 1, 1], [], []>, transpose_lhs_hint = false} : vector<104x1008xf32>, vector<1008x1xf32>, vector<104x1xf32> -> vector<104x1xf32>
    %convert_element_type3A = arith.fptosi %dot_general3A_76 : vector<104x1xf32> to vector<104x1xi32>
    %swap3A_77 = arith.constant 0 : index
    %swap3A_78 = arith.constant 0 : index
    %swap3A_79 = vector.load %arg16[%swap3A_77, %swap3A_78] : memref<104x1xi32, #tpu.memory_space<vmem>>, vector<104x1xi32>
    tpu.vector_store %arg16[%swap3A_77, %swap3A_78], %convert_element_type3A {strides = array<i32>} : memref<104x1xi32, #tpu.memory_space<vmem>>, vector<104x1xi32>,
    %get3A_80 = arith.constant 0 : index
    %get3A_81 = arith.constant 0 : index
    %get3A_82 = vector.load %arg8[%get3A_80, %get3A_81] : memref<8x32xf32, #tpu.memory_space<vmem>>, vector<8x32xf32>
    %dot_general3A_83 = arith.constant dense<0.000000e+00> : vector<104x32xf32>
    %dot_general3A_84 = tpu.matmul %dot_general3A_73, %get3A_82, %dot_general3A_83 {dimension_numbers = #tpu.dot_dimension_numbers<[1], [0], [0], [1], [0, 0, 1, 1], [], []>, transpose_lhs_hint = false} : vector<104x8xf32>, vector<8x32xf32>, vector<104x32xf32> -> vector<104x32xf32>
    %get3A_85 = arith.constant 0 : index
    %get3A_86 = arith.constant 0 : index
    %get3A_87 = vector.load %arg9[%get3A_85, %get3A_86] : memref<1x32xf32, #tpu.memory_space<vmem>>, vector<1x32xf32>
    %add3A_88 = vector.broadcast %get3A_87 : vector<1x32xf32> to vector<104x32xf32>
    %add3A_89 = arith.addf %dot_general3A_84, %add3A_88 : vector<104x32xf32>
    %max3A_90 = arith.constant 0.000000e+00 : f32
    %max3A_91 = vector.broadcast %max3A_90 : f32 to vector<104x32xf32>
    %max3A_92 = arith.maximumf %add3A_89, %max3A_91 : vector<104x32xf32>
    %get3A_93 = arith.constant 0 : index
    %get3A_94 = arith.constant 0 : index
    %get3A_95 = vector.load %arg10[%get3A_93, %get3A_94] : memref<32x16xf32, #tpu.memory_space<vmem>>, vector<32x16xf32>
    %dot_general3A_96 = arith.constant dense<0.000000e+00> : vector<104x16xf32>
    %dot_general3A_97 = tpu.matmul %max3A_92, %get3A_95, %dot_general3A_96 {dimension_numbers = #tpu.dot_dimension_numbers<[1], [0], [0], [1], [0, 0, 1, 1], [], []>, transpose_lhs_hint = false} : vector<104x32xf32>, vector<32x16xf32>, vector<104x16xf32> -> vector<104x16xf32>
    %get3A_98 = arith.constant 0 : index
    %get3A_99 = arith.constant 0 : index
    %get3A_100 = vector.load %arg11[%get3A_98, %get3A_99] : memref<1x16xf32, #tpu.memory_space<vmem>>, vector<1x16xf32>
    %add3A_101 = vector.broadcast %get3A_100 : vector<1x16xf32> to vector<104x16xf32>
    %add3A_102 = arith.addf %dot_general3A_97, %add3A_101 : vector<104x16xf32>
    %max3A_103 = arith.constant 0.000000e+00 : f32
    %max3A_104 = vector.broadcast %max3A_103 : f32 to vector<104x16xf32>
    %max3A_105 = arith.maximumf %add3A_102, %max3A_104 : vector<104x16xf32>
    %get3A_106 = arith.constant 0 : index
    %get3A_107 = arith.constant 0 : index
    %get3A_108 = vector.load %arg12[%get3A_106, %get3A_107] : memref<16x8xf32, #tpu.memory_space<vmem>>, vector<16x8xf32>
    %dot_general3A_109 = arith.constant dense<0.000000e+00> : vector<104x8xf32>
    %dot_general3A_110 = tpu.matmul %max3A_105, %get3A_108, %dot_general3A_109 {dimension_numbers = #tpu.dot_dimension_numbers<[1], [0], [0], [1], [0, 0, 1, 1], [], []>, transpose_lhs_hint = false} : vector<104x16xf32>, vector<16x8xf32>, vector<104x8xf32> -> vector<104x8xf32>
    %get3A_111 = arith.constant 0 : index
    %get3A_112 = arith.constant 0 : index
    %get3A_113 = vector.load %arg13[%get3A_111, %get3A_112] : memref<1x8xf32, #tpu.memory_space<vmem>>, vector<1x8xf32>
    %add3A_114 = vector.broadcast %get3A_113 : vector<1x8xf32> to vector<104x8xf32>
    %add3A_115 = arith.addf %dot_general3A_110, %add3A_114 : vector<104x8xf32>
    %swap3A_116 = arith.constant 0 : index
    %swap3A_117 = arith.constant 0 : index
    %swap3A_118 = vector.load %arg15[%swap3A_116, %swap3A_117] : memref<104x8xf32, #tpu.memory_space<vmem>>, vector<104x8xf32>
    tpu.vector_store %arg15[%swap3A_116, %swap3A_117], %add3A_115 {strides = array<i32>} : memref<104x8xf32, #tpu.memory_space<vmem>>, vector<104x8xf32>,
    return
  }
}

module attributes {stable_mosaic.version = 14 : i64} {
  func.func @_mlp_body(%arg0: i32, %arg1: memref<3000x17xf32, #tpu.memory_space<vmem>>, %arg2: memref<17x32xf32, #tpu.memory_space<vmem>>, %arg3: memref<1x32xf32, #tpu.memory_space<vmem>>, %arg4: memref<32x16xf32, #tpu.memory_space<vmem>>, %arg5: memref<1x16xf32, #tpu.memory_space<vmem>>, %arg6: memref<16x1xf32, #tpu.memory_space<vmem>>, %arg7: memref<1x1xf32, #tpu.memory_space<vmem>>, %arg8: memref<3000x1xf32, #tpu.memory_space<vmem>>) attributes {dimension_semantics = [#tpu.dimension_semantics<arbitrary>], iteration_bounds = array<i64: 17>, scalar_prefetch = 0 : i64, scratch_operands = 0 : i64, tpu.core_type = #tpu.core_type<tc>, window_params = [{transform_indices = @transform_0, window_bounds = array<i64: 3000, 17>}, {pipeline_mode = #tpu.pipeline_mode<synchronous>, transform_indices = @transform_1, window_bounds = array<i64: 17, 32>}, {pipeline_mode = #tpu.pipeline_mode<synchronous>, transform_indices = @transform_2, window_bounds = array<i64: 1, 32>}, {pipeline_mode = #tpu.pipeline_mode<synchronous>, transform_indices = @transform_3, window_bounds = array<i64: 32, 16>}, {pipeline_mode = #tpu.pipeline_mode<synchronous>, transform_indices = @transform_4, window_bounds = array<i64: 1, 16>}, {pipeline_mode = #tpu.pipeline_mode<synchronous>, transform_indices = @transform_5, window_bounds = array<i64: 16, 1>}, {pipeline_mode = #tpu.pipeline_mode<synchronous>, transform_indices = @transform_6, window_bounds = array<i64: 1, 1>}, {transform_indices = @transform_7, window_bounds = array<i64: 3000, 1>}]} {
    %get3A = arith.constant 0 : index
    %get3A_0 = arith.constant 0 : index
    %get3A_1 = vector.load %arg1[%get3A, %get3A_0] : memref<3000x17xf32, #tpu.memory_space<vmem>>, vector<3000x17xf32>
    %get3A_2 = arith.constant 0 : index
    %get3A_3 = arith.constant 0 : index
    %get3A_4 = vector.load %arg2[%get3A_2, %get3A_3] : memref<17x32xf32, #tpu.memory_space<vmem>>, vector<17x32xf32>
    %get3A_5 = arith.constant 0 : index
    %get3A_6 = arith.constant 0 : index
    %get3A_7 = vector.load %arg3[%get3A_5, %get3A_6] : memref<1x32xf32, #tpu.memory_space<vmem>>, vector<1x32xf32>
    %dot_general3A = arith.constant dense<0.000000e+00> : vector<3000x32xf32>
    %dot_general3A_8 = tpu.matmul %get3A_1, %get3A_4, %dot_general3A {dimension_numbers = #tpu.dot_dimension_numbers<[1], [0], [0], [1], [0, 0, 1, 1], [], []>, transpose_lhs_hint = false} : vector<3000x17xf32>, vector<17x32xf32>, vector<3000x32xf32> -> vector<3000x32xf32>
    %add3A = vector.broadcast %get3A_7 : vector<1x32xf32> to vector<3000x32xf32>
    %add3A_9 = arith.addf %dot_general3A_8, %add3A : vector<3000x32xf32>
    %max3A = arith.constant 0.000000e+00 : f32
    %max3A_10 = vector.broadcast %max3A : f32 to vector<3000x32xf32>
    %max3A_11 = arith.maximumf %add3A_9, %max3A_10 : vector<3000x32xf32>
    %get3A_12 = arith.constant 0 : index
    %get3A_13 = arith.constant 0 : index
    %get3A_14 = vector.load %arg4[%get3A_12, %get3A_13] : memref<32x16xf32, #tpu.memory_space<vmem>>, vector<32x16xf32>
    %get3A_15 = arith.constant 0 : index
    %get3A_16 = arith.constant 0 : index
    %get3A_17 = vector.load %arg5[%get3A_15, %get3A_16] : memref<1x16xf32, #tpu.memory_space<vmem>>, vector<1x16xf32>
    %dot_general3A_18 = arith.constant dense<0.000000e+00> : vector<3000x16xf32>
    %dot_general3A_19 = tpu.matmul %max3A_11, %get3A_14, %dot_general3A_18 {dimension_numbers = #tpu.dot_dimension_numbers<[1], [0], [0], [1], [0, 0, 1, 1], [], []>, transpose_lhs_hint = false} : vector<3000x32xf32>, vector<32x16xf32>, vector<3000x16xf32> -> vector<3000x16xf32>
    %add3A_20 = vector.broadcast %get3A_17 : vector<1x16xf32> to vector<3000x16xf32>
    %add3A_21 = arith.addf %dot_general3A_19, %add3A_20 : vector<3000x16xf32>
    %max3A_22 = arith.constant 0.000000e+00 : f32
    %max3A_23 = vector.broadcast %max3A_22 : f32 to vector<3000x16xf32>
    %max3A_24 = arith.maximumf %add3A_21, %max3A_23 : vector<3000x16xf32>
    %get3A_25 = arith.constant 0 : index
    %get3A_26 = arith.constant 0 : index
    %get3A_27 = vector.load %arg6[%get3A_25, %get3A_26] : memref<16x1xf32, #tpu.memory_space<vmem>>, vector<16x1xf32>
    %get3A_28 = arith.constant 0 : index
    %get3A_29 = arith.constant 0 : index
    %get3A_30 = vector.load %arg7[%get3A_28, %get3A_29] : memref<1x1xf32, #tpu.memory_space<vmem>>, vector<1x1xf32>
    %dot_general3A_31 = arith.constant dense<0.000000e+00> : vector<3000x1xf32>
    %dot_general3A_32 = tpu.matmul %max3A_24, %get3A_27, %dot_general3A_31 {dimension_numbers = #tpu.dot_dimension_numbers<[1], [0], [0], [1], [0, 0, 1, 1], [], []>, transpose_lhs_hint = false} : vector<3000x16xf32>, vector<16x1xf32>, vector<3000x1xf32> -> vector<3000x1xf32>
    %add3A_33 = vector.broadcast %get3A_30 : vector<1x1xf32> to vector<3000x1xf32>
    %add3A_34 = arith.addf %dot_general3A_32, %add3A_33 : vector<3000x1xf32>
    %swap3A = arith.constant 0 : index
    %swap3A_35 = arith.constant 0 : index
    %swap3A_36 = vector.load %arg8[%swap3A, %swap3A_35] : memref<3000x1xf32, #tpu.memory_space<vmem>>, vector<3000x1xf32>
    tpu.vector_store %arg8[%swap3A, %swap3A_35], %add3A_34 {strides = array<i32>} : memref<3000x1xf32, #tpu.memory_space<vmem>>, vector<3000x1xf32>,
    return
  }
  func.func @transform_0(%arg0: i32) -> (i32, i32) {
    %c0_i32 = arith.constant 0 : i32
    %c0_i32_0 = arith.constant 0 : i32
    return %arg0, %c0_i32 : i32, i32
  }
  func.func @transform_1(%arg0: i32) -> (i32, i32) {
    %c0_i32 = arith.constant 0 : i32
    %c0_i32_0 = arith.constant 0 : i32
    %c0_i32_1 = arith.constant 0 : i32
    return %c0_i32, %c0_i32_0 : i32, i32
  }
  func.func @transform_2(%arg0: i32) -> (i32, i32) {
    %c0_i32 = arith.constant 0 : i32
    %c0_i32_0 = arith.constant 0 : i32
    %c0_i32_1 = arith.constant 0 : i32
    return %c0_i32, %c0_i32_0 : i32, i32
  }
  func.func @transform_3(%arg0: i32) -> (i32, i32) {
    %c0_i32 = arith.constant 0 : i32
    %c0_i32_0 = arith.constant 0 : i32
    %c0_i32_1 = arith.constant 0 : i32
    return %c0_i32, %c0_i32_0 : i32, i32
  }
  func.func @transform_4(%arg0: i32) -> (i32, i32) {
    %c0_i32 = arith.constant 0 : i32
    %c0_i32_0 = arith.constant 0 : i32
    %c0_i32_1 = arith.constant 0 : i32
    return %c0_i32, %c0_i32_0 : i32, i32
  }
  func.func @transform_5(%arg0: i32) -> (i32, i32) {
    %c0_i32 = arith.constant 0 : i32
    %c0_i32_0 = arith.constant 0 : i32
    %c0_i32_1 = arith.constant 0 : i32
    return %c0_i32, %c0_i32_0 : i32, i32
  }
  func.func @transform_6(%arg0: i32) -> (i32, i32) {
    %c0_i32 = arith.constant 0 : i32
    %c0_i32_0 = arith.constant 0 : i32
    %c0_i32_1 = arith.constant 0 : i32
    return %c0_i32, %c0_i32_0 : i32, i32
  }
  func.func @transform_7(%arg0: i32) -> (i32, i32) {
    %c0_i32 = arith.constant 0 : i32
    %c0_i32_0 = arith.constant 0 : i32
    return %arg0, %c0_i32 : i32, i32
  }
}

module attributes {stable_mosaic.version = 14 : i64} {
  func.func @_tcd_body(%arg0: i32, %arg1: memref<4096x16xf32, #tpu.memory_space<vmem>>, %arg2: memref<4096x16xf32, #tpu.memory_space<vmem>>, %arg3: memref<24x32xf32, #tpu.memory_space<vmem>>, %arg4: memref<1x32xf32, #tpu.memory_space<vmem>>, %arg5: memref<32x16xf32, #tpu.memory_space<vmem>>, %arg6: memref<1x16xf32, #tpu.memory_space<vmem>>, %arg7: memref<16x1xf32, #tpu.memory_space<vmem>>, %arg8: memref<1x1xf32, #tpu.memory_space<vmem>>, %arg9: memref<4096x1xf32, #tpu.memory_space<vmem>>) attributes {dimension_semantics = [#tpu.dimension_semantics<arbitrary>], iteration_bounds = array<i64: 25>, scalar_prefetch = 0 : i64, scratch_operands = 0 : i64, tpu.core_type = #tpu.core_type<tc>, window_params = [{transform_indices = @transform_0, window_bounds = array<i64: 4096, 16>}, {transform_indices = @transform_1, window_bounds = array<i64: 4096, 16>}, {pipeline_mode = #tpu.pipeline_mode<synchronous>, transform_indices = @transform_2, window_bounds = array<i64: 24, 32>}, {pipeline_mode = #tpu.pipeline_mode<synchronous>, transform_indices = @transform_3, window_bounds = array<i64: 1, 32>}, {pipeline_mode = #tpu.pipeline_mode<synchronous>, transform_indices = @transform_4, window_bounds = array<i64: 32, 16>}, {pipeline_mode = #tpu.pipeline_mode<synchronous>, transform_indices = @transform_5, window_bounds = array<i64: 1, 16>}, {pipeline_mode = #tpu.pipeline_mode<synchronous>, transform_indices = @transform_6, window_bounds = array<i64: 16, 1>}, {pipeline_mode = #tpu.pipeline_mode<synchronous>, transform_indices = @transform_7, window_bounds = array<i64: 1, 1>}, {transform_indices = @transform_8, window_bounds = array<i64: 4096, 1>}]} {
    %get3A = arith.constant 0 : index
    %get3A_0 = arith.constant 5 : index
    %get3A_1 = vector.load %arg1[%get3A, %get3A_0] : memref<4096x16xf32, #tpu.memory_space<vmem>>, vector<4096x8xf32>
    %get3A_2 = arith.constant 0 : index
    %get3A_3 = arith.constant 0 : index
    %get3A_4 = vector.load %arg2[%get3A_2, %get3A_3] : memref<4096x16xf32, #tpu.memory_space<vmem>>, vector<4096x16xf32>
    %concatenate3A = tpu.concatenate %get3A_1, %get3A_4 in 1 : vector<4096x8xf32>, vector<4096x16xf32> -> vector<4096x24xf32>
    %get3A_5 = arith.constant 0 : index
    %get3A_6 = arith.constant 0 : index
    %get3A_7 = vector.load %arg3[%get3A_5, %get3A_6] : memref<24x32xf32, #tpu.memory_space<vmem>>, vector<24x32xf32>
    %dot_general3A = arith.constant dense<0.000000e+00> : vector<4096x32xf32>
    %dot_general3A_8 = tpu.matmul %concatenate3A, %get3A_7, %dot_general3A {dimension_numbers = #tpu.dot_dimension_numbers<[1], [0], [0], [1], [0, 0, 1, 1], [], []>, transpose_lhs_hint = false} : vector<4096x24xf32>, vector<24x32xf32>, vector<4096x32xf32> -> vector<4096x32xf32>
    %get3A_9 = arith.constant 0 : index
    %get3A_10 = arith.constant 0 : index
    %get3A_11 = vector.load %arg4[%get3A_9, %get3A_10] : memref<1x32xf32, #tpu.memory_space<vmem>>, vector<1x32xf32>
    %add3A = vector.broadcast %get3A_11 : vector<1x32xf32> to vector<4096x32xf32>
    %add3A_12 = arith.addf %dot_general3A_8, %add3A : vector<4096x32xf32>
    %max3A = arith.constant 0.000000e+00 : f32
    %max3A_13 = vector.broadcast %max3A : f32 to vector<4096x32xf32>
    %max3A_14 = arith.maximumf %add3A_12, %max3A_13 : vector<4096x32xf32>
    %get3A_15 = arith.constant 0 : index
    %get3A_16 = arith.constant 0 : index
    %get3A_17 = vector.load %arg5[%get3A_15, %get3A_16] : memref<32x16xf32, #tpu.memory_space<vmem>>, vector<32x16xf32>
    %dot_general3A_18 = arith.constant dense<0.000000e+00> : vector<4096x16xf32>
    %dot_general3A_19 = tpu.matmul %max3A_14, %get3A_17, %dot_general3A_18 {dimension_numbers = #tpu.dot_dimension_numbers<[1], [0], [0], [1], [0, 0, 1, 1], [], []>, transpose_lhs_hint = false} : vector<4096x32xf32>, vector<32x16xf32>, vector<4096x16xf32> -> vector<4096x16xf32>
    %get3A_20 = arith.constant 0 : index
    %get3A_21 = arith.constant 0 : index
    %get3A_22 = vector.load %arg6[%get3A_20, %get3A_21] : memref<1x16xf32, #tpu.memory_space<vmem>>, vector<1x16xf32>
    %add3A_23 = vector.broadcast %get3A_22 : vector<1x16xf32> to vector<4096x16xf32>
    %add3A_24 = arith.addf %dot_general3A_19, %add3A_23 : vector<4096x16xf32>
    %max3A_25 = arith.constant 0.000000e+00 : f32
    %max3A_26 = vector.broadcast %max3A_25 : f32 to vector<4096x16xf32>
    %max3A_27 = arith.maximumf %add3A_24, %max3A_26 : vector<4096x16xf32>
    %get3A_28 = arith.constant 0 : index
    %get3A_29 = arith.constant 0 : index
    %get3A_30 = vector.load %arg7[%get3A_28, %get3A_29] : memref<16x1xf32, #tpu.memory_space<vmem>>, vector<16x1xf32>
    %dot_general3A_31 = arith.constant dense<0.000000e+00> : vector<4096x1xf32>
    %dot_general3A_32 = tpu.matmul %max3A_27, %get3A_30, %dot_general3A_31 {dimension_numbers = #tpu.dot_dimension_numbers<[1], [0], [0], [1], [0, 0, 1, 1], [], []>, transpose_lhs_hint = false} : vector<4096x16xf32>, vector<16x1xf32>, vector<4096x1xf32> -> vector<4096x1xf32>
    %get3A_33 = arith.constant 0 : index
    %get3A_34 = arith.constant 0 : index
    %get3A_35 = vector.load %arg8[%get3A_33, %get3A_34] : memref<1x1xf32, #tpu.memory_space<vmem>>, vector<1x1xf32>
    %add3A_36 = vector.broadcast %get3A_35 : vector<1x1xf32> to vector<4096x1xf32>
    %add3A_37 = arith.addf %dot_general3A_32, %add3A_36 : vector<4096x1xf32>
    %swap3A = arith.constant 0 : index
    %swap3A_38 = arith.constant 0 : index
    %swap3A_39 = vector.load %arg9[%swap3A, %swap3A_38] : memref<4096x1xf32, #tpu.memory_space<vmem>>, vector<4096x1xf32>
    tpu.vector_store %arg9[%swap3A, %swap3A_38], %add3A_37 {strides = array<i32>} : memref<4096x1xf32, #tpu.memory_space<vmem>>, vector<4096x1xf32>,
    return
  }
  func.func @transform_0(%arg0: i32) -> (i32, i32) {
    %c0_i32 = arith.constant 0 : i32
    %c0_i32_0 = arith.constant 0 : i32
    return %arg0, %c0_i32 : i32, i32
  }
  func.func @transform_1(%arg0: i32) -> (i32, i32) {
    %c0_i32 = arith.constant 0 : i32
    %c0_i32_0 = arith.constant 0 : i32
    return %arg0, %c0_i32 : i32, i32
  }
  func.func @transform_2(%arg0: i32) -> (i32, i32) {
    %c0_i32 = arith.constant 0 : i32
    %c0_i32_0 = arith.constant 0 : i32
    %c0_i32_1 = arith.constant 0 : i32
    return %c0_i32, %c0_i32_0 : i32, i32
  }
  func.func @transform_3(%arg0: i32) -> (i32, i32) {
    %c0_i32 = arith.constant 0 : i32
    %c0_i32_0 = arith.constant 0 : i32
    %c0_i32_1 = arith.constant 0 : i32
    return %c0_i32, %c0_i32_0 : i32, i32
  }
  func.func @transform_4(%arg0: i32) -> (i32, i32) {
    %c0_i32 = arith.constant 0 : i32
    %c0_i32_0 = arith.constant 0 : i32
    %c0_i32_1 = arith.constant 0 : i32
    return %c0_i32, %c0_i32_0 : i32, i32
  }
  func.func @transform_5(%arg0: i32) -> (i32, i32) {
    %c0_i32 = arith.constant 0 : i32
    %c0_i32_0 = arith.constant 0 : i32
    %c0_i32_1 = arith.constant 0 : i32
    return %c0_i32, %c0_i32_0 : i32, i32
  }
  func.func @transform_6(%arg0: i32) -> (i32, i32) {
    %c0_i32 = arith.constant 0 : i32
    %c0_i32_0 = arith.constant 0 : i32
    %c0_i32_1 = arith.constant 0 : i32
    return %c0_i32, %c0_i32_0 : i32, i32
  }
  func.func @transform_7(%arg0: i32) -> (i32, i32) {
    %c0_i32 = arith.constant 0 : i32
    %c0_i32_0 = arith.constant 0 : i32
    %c0_i32_1 = arith.constant 0 : i32
    return %c0_i32, %c0_i32_0 : i32, i32
  }
  func.func @transform_8(%arg0: i32) -> (i32, i32) {
    %c0_i32 = arith.constant 0 : i32
    %c0_i32_0 = arith.constant 0 : i32
    return %arg0, %c0_i32 : i32, i32
  }
}

</mosaic_0001>

<sc_bundles>
// kernel: kernel.11.cloned.1.call-start
scs
__scs_entry_jumppad:
0x0: {  	(pc) =	sbr.rel $0x88, $3  }
0x1: {  	(tag) =	ssettag $0x0;
	lr =	simm.s32 $0x1  }
0x2: {  	[smem:$0x3F78] =	sst lr;
	_ =	strace $0xD0000000  }
0x3: {  	_ = 	snop  }
0x4: {  	_ = 	snop  }
0x5: {  	_ = 	snop  }
0x6: {  	_ = 	snop  }
0x7: {  	_ = 	snop  }
__scs_overlays_trampoline_lowered:
0x8: {  	[smem:$0x3F87] =	sst s0  }
0x9: {  	[smem:$0x3F88] =	sst s1  }
0xa: {  	[smem:$0x3F89] =	sst s2  }
0xb: {  	[smem:$0x3F8A] =	sst s3  }
0xc: {  	[smem:$0x3F8B] =	sst s4  }
0xd: {  	[smem:$0x3F8C] =	sst s5  }
0xe: {  	[smem:$0x3F8D] =	sst s6  }
0xf: {  	[smem:$0x3F8E] =	sst s7  }
0x10: {  	[smem:$0x3F8F] =	sst s8  }
0x11: {  	[smem:$0x3F90] =	sst s9;
	s0 =	simm.s32 @!p0 $0x0  }
0x12: {  	s1 =	sld [smem:$0x3F76];
	s0 =	simm.s32 @p0 $0x1  }
0x13: {  	[smem:$0x3F91] =	sst s0;
	s0 =	simm.s32 @!p1 $0x0  }
0x14: {  	s2 =	sld [smem:$0x3F75];
	s0 =	simm.s32 @p1 $0x1  }
0x15: {  	[smem:$0x3F92] =	sst s0;
	s0 =	simm.s32 @!p2 $0x0  }
0x16: {  	s3 =	sld [smem:$0x3FDB];
	s0 =	simm.s32 @p2 $0x1  }
0x17: {  	s4 =	simm.s32 $0x1BF5;
	[smem:$0x3F94] =	sst s0  }
0x18: {  	s0 =	sld [smem:$0x3F77];
	_ =	swait.ge [sflag:s4], $0x0  }
0x19: {  	s7 =	sld [smem:$0x3F78]  }
0x1a: {  	s8 =	sadd.s32 $0xFFFFE003, lr  }
0x1b: {  	s9 =	sadd.s32 $0xFFFFFEF7, lr;
	s5 =	simm.s32 $0xFFFFFFFF;
	p2 =	slt.u32 s8, $0xFFFFF086  }
0x1c: {  	p1 =	slt.u32 s9, $0xF7A;
	s5 =	simm.s32 @!p2 $0x0  }
0x1d: {  	s5 =	simm.s32 @p1 $0x1;
	p0 =	seq.s32 s7, s2  }
0x1e: {  	s7 =	smul.u32 @!p0 $0xF7A, s2;
	p2 =	seq.s32 @!p0 s5, $0x0  }
0x1f: {  	s9 =	smul.u32 $0xF7A, s1;
	s8 =	simm.s32 @!p0 $0x1BF5;
	p2 =	por !p2, p0  }
0x20: {  	[sflag:s8] =	ssyncset.s32 @!p0 $0xFFFFF086;
	s6 =	sadd.s32 @!p0 s3, s7;
	s7 =	simm.s32 @!p0 $0x108  }
0x21: {  	s3 =	sadd.s32 s3, s9;
	s6 =	sadd.s32 @!p0 $0x88, s6;
	s7 =	simm.s32 @p2 $0x1082  }
0x22: {  	[simem:s7], [sflag:s8] =	dma.local @!p0 [hbm:s6], $0xF7A  }
0x23: {  	s9 =	sor.u32 $0xD0000000, s2;
	s6 =	simm.s32 $0x108;
	_ =	swait.ge @!p0 [sflag:s8], $0x0  }
0x24: {  	s3 =	sadd.s32 $0x88, s3;
	s6 =	simm.s32 @!p1 $0x1082;
	[sflag:s4] =	ssyncset.s32 $0xFFFFF086  }
0x25: {  	[simem:s6], [sflag:s4] =	dma.local [hbm:s3], $0xF7A  }
0x26: {  	[smem:$0x3F78] =	sst s1;
	(tag) =	ssettag s2;
	_ =	strace s9  }
0x27: {  	s1 =	sld [smem:$0x3F88]  }
0x28: {  	s2 =	sld [smem:$0x3F89]  }
0x29: {  	s4 =	sld [smem:$0x3F8B]  }
0x2a: {  	p0 =	seq.s32 s5, $0x0;
	s5 =	sld [smem:$0x3F8C]  }
0x2b: {  	s6 =	sld [smem:$0x3F8D]  }
0x2c: {  	s7 =	sld [smem:$0x3F8E]  }
0x2d: {  	s3 =	simm.s32 $0x108;
	s8 =	sld [smem:$0x3F8F]  }
0x2e: {  	s3 =	simm.s32 @!p0 $0x1082;
	s9 =	sld [smem:$0x3F90]  }
0x2f: {  	lr =	sadd.s32 s0, s3;
	s0 =	sld [smem:$0x3F87]  }
0x30: {  	s3 =	sld [smem:$0x3F8A]  }
0x31: {  	[smem:$0x3F93] =	sst s10  }
0x32: {  	s10 =	sld [smem:$0x3F91];
	_ =	sdelay $0x3  }
0x33: {  	p0 =	seq.s32 s10, $0x1;
	s10 =	sld [smem:$0x3F93];
	_ =	sdelay $0x3  }
0x34: {  	[smem:$0x3F93] =	sst s10  }
0x35: {  	s10 =	sld [smem:$0x3F92];
	_ =	sdelay $0x3  }
0x36: {  	p1 =	seq.s32 s10, $0x1;
	s10 =	sld [smem:$0x3F93];
	_ =	sdelay $0x3  }
0x37: {  	[smem:$0x3F93] =	sst s10  }
0x38: {  	s10 =	sld [smem:$0x3F94]  }
0x39: {  	_ = 	snop;
	(pc) =	sbr.ind lr, $3  }
0x3a: {  	_ = 	snop  }
0x3b: {  	_ = 	snop  }
0x3c: {  	p2 =	seq.s32 s10, $0x1;
	s10 =	sld [smem:$0x3F93]  }
0x3d: {  	_ =	shalt  }
0x3e: {  	_ =	shalt  }
0x3f: {  	_ =	shalt  }
0x40: {  	_ =	shalt  }
0x41: {  	_ =	shalt  }
0x42: {  	_ =	shalt  }
0x43: {  	_ =	shalt  }
0x44: {  	_ =	shalt  }
0x45: {  	_ =	shalt  }
0x46: {  	_ =	shalt  }
0x47: {  	_ =	shalt  }
0x48: {  	_ =	shalt  }
0x49: {  	_ =	shalt  }
0x4a: {  	_ =	shalt  }
0x4b: {  	_ =	shalt  }
0x4c: {  	_ =	shalt  }
0x4d: {  	_ =	shalt  }
0x4e: {  	_ =	shalt  }
0x4f: {  	_ =	shalt  }
0x50: {  	_ =	shalt  }
0x51: {  	_ =	shalt  }
0x52: {  	_ =	shalt  }
0x53: {  	_ =	shalt  }
0x54: {  	_ =	shalt  }
0x55: {  	_ =	shalt  }
0x56: {  	_ =	shalt  }
0x57: {  	_ =	shalt  }
0x58: {  	_ =	shalt  }
0x59: {  	_ =	shalt  }
0x5a: {  	_ =	shalt  }
0x5b: {  	_ =	shalt  }
0x5c: {  	_ =	shalt  }
0x5d: {  	_ =	shalt  }
0x5e: {  	_ =	shalt  }
0x5f: {  	_ =	shalt  }
0x60: {  	_ =	shalt  }
0x61: {  	_ =	shalt  }
0x62: {  	_ =	shalt  }
0x63: {  	_ =	shalt  }
0x64: {  	_ =	shalt  }
0x65: {  	_ =	shalt  }
0x66: {  	_ =	shalt  }
0x67: {  	_ =	shalt  }
0x68: {  	_ =	shalt  }
0x69: {  	_ =	shalt  }
0x6a: {  	_ =	shalt  }
0x6b: {  	_ =	shalt  }
0x6c: {  	_ =	shalt  }
0x6d: {  	_ =	shalt  }
0x6e: {  	_ =	shalt  }
0x6f: {  	_ =	shalt  }
0x70: {  	_ =	shalt  }
0x71: {  	_ =	shalt  }
0x72: {  	_ =	shalt  }
0x73: {  	_ =	shalt  }
0x74: {  	_ =	shalt  }
0x75: {  	_ =	shalt  }
0x76: {  	_ =	shalt  }
0x77: {  	_ =	shalt  }
0x78: {  	_ =	shalt  }
0x79: {  	_ =	shalt  }
0x7a: {  	_ =	shalt  }
0x7b: {  	_ =	shalt  }
0x7c: {  	_ =	shalt  }
0x7d: {  	_ =	shalt  }
0x7e: {  	_ =	shalt  }
0x7f: {  	_ =	shalt  }
0x80: {  	_ =	shalt  }
0x81: {  	_ =	shalt  }
0x82: {  	_ =	shalt  }
0x83: {  	_ =	shalt  }
0x84: {  	_ =	shalt  }
0x85: {  	_ =	shalt  }
0x86: {  	_ =	shalt  }
0x87: {  	_ =	shalt  }
.Lfunc_end0:
.L_simem_size_0:
called_computation_lowered:
.L_overlay_start_0:
0x88: {  	s2 =	sld [smem:$0x3FD9]  }
0x89: {  	s3 =	sld [smem:$0x3FFE];
	_ =	sdelay $0x1  }
0x8a: {  	s1 =	srdreg.scid  }
0x8b: {  	s0 =	sand.u32 $0x1, s1  }
0x8c: {  	s14 =	sshll.u32 s0, $0xA;
	s2 =	sadd.s32 s3, s2  }
0x8d: {  	s2 =	sadd.s32 s2, s14  }
0x8e: {  	[smem:$0x3F9F] =	sst s2  }
0x8f: {  	_ = 	snop  }
0x90: {  	s2 =	sld [smem:$0x3FD0];
	_ =	sdelay $0x2  }
0x91: {  	s15 =	simm.s32 $0xA;
	s4 =	simm.s32 $0x10  }
0x92: {  	[smem:s4], [sflag:s15] =	dma.local [hbm:s2], $0x1  }
0x93: {  	_ =	swait.eq [sflag:s15], $0x1  }
0x94: {  	[sflag:s15] =	ssyncset.done $0x0  }
0x95: {  	[sflag:s15] =	ssyncadd.s32 $0xFFFFFFFF  }
0x96: {  	s16 =	sld [smem:$0x11];
	(tm) =	ssettm $0x1  }
0x97: {  	s17 =	sld [smem:$0x3FFB];
	_ =	sdelay $0x3  }
0x98: {  	_ =	strace s17  }
0x99: {  	s3 =	sld [smem:$0x3FFC];
	_ =	sdelay $0x3  }
0x9a: {  	_ =	strace s3  }
0x9b: {  	s3 =	sld [smem:$0x3FFD];
	_ =	sdelay $0x3  }
0x9c: {  	_ =	strace s3  }
0x9d: {  	_ =	strace $0x8FFFFFFF  }
0x9e: {  	s18 =	sld [smem:$0x3FDB];
	_ =	sdelay $0x1  }
0x9f: {  	s19 =	simm.s32 $_scs_section_size  }
0xa0: {  	s5 =	simm.s32 $_size__tile_overlayer_lowered;
	s6 =	simm.s32 $_tile_overlayer_lowered  }
0xa1: {  	s22 =	simm.s32 $0x1BFF;
	s21 =	sshll.u32 s6, $0x1;
	s3 =	sadd.s32 s19, s18  }
0xa2: {  	s7 =	simm.s32 $0x0;
	s20 =	sshll.u32 s5, $0x1;
	s5 =	sadd.s32 s21, s3  }
0xa3: {  	[timem:s7], [sflag:s22] =	dma.local [hbm:s5], s20  }
0xa4: {  	_ =	swait.ge [sflag:s22], s20  }
0xa5: {  	s4 =	ssub.s32 $0x0, s20;
	[sflag:s22] =	ssyncset.done $0x0  }
0xa6: {  	[sflag:s22] =	ssyncadd.s32 s4;
	_ =	sdelay $0x1  }
0xa7: {  	s23 =	simm.s32 $0x1B8B  }
0xa8: {  	_ =	swait.ge [sflag:s23], $0x1  }
0xa9: {  	[sflag:s23] =	ssyncset.done $0x0  }
0xaa: {  	s25 =	simm.s32 $0x1B8E;
	s24 =	sld [smem:$0x3FFE];
	[sflag:s23] =	ssyncadd.s32 $0xFFFFFFFF  }
0xab: {  	s26 =	simm.s32 $execute0_lowered;
	[smem:$0x3FD2] =	sst s25  }
0xac: {  	s5 =	sshll.u32 s26, $0x1;
	_ =	strace $0x80000046;
	[dreg:$0x1] =	wrdreg $0xFFFFFFFF  }
0xad: {  	s28 =	simm.s32 $_size_execute0_lowered;
	s3 =	sadd.s32 s3, s5;
	[dreg:$0x0] =	wrdreg $0x0  }
0xae: {  	s5 =	sshll.u32 s28, $0x1;
	[dreg:$0x2] =	wrdreg s3  }
0xaf: {  	[dreg:$0x3] =	wrdreg s5  }
0xb0: {  	[dreg:$0x4] =	wrdreg $0xC0  }
0xb1: {  	_ =	task [dreg:s7], $0x5FFFF  }
0xb2: {  	[dreg:$0x1] =	wrdreg $0xFFFFFFFF  }
0xb3: {  	[dreg:$0x0] =	wrdreg $0x60  }
0xb4: {  	[dreg:$0x2] =	wrdreg s24  }
0xb5: {  	[dreg:$0x3] =	wrdreg s16  }
0xb6: {  	[dreg:$0x4] =	wrdreg $0xC000  }
0xb7: {  	[dreg:$0x5] =	wrdreg $0x9  }
0xb8: {  	_ =	task.clear_ibuf [dreg:s7], $0x6FFFF;
	_ =	strace $0x90000046  }
0xb9: {  	s29 =	simm.s32 $0x9;
	_ =	strace $0x80000048  }
0xba: {  	_ =	swait.ge [sflag:s29], $0x1  }
0xbb: {  	[sflag:s29] =	ssyncadd.s32 $0xFFFFFFFF  }
0xbc: {  	_ =	strace $0x90000048  }
0xbd: {  	_ =	sfence  }
0xbe: {  	s30 =	sld [smem:$0x0];
	_ =	sdelay $0x2  }
0xbf: {  	s31 =	sshll.u32 s1, $0xD;
	s1 =	sshrl.u32 s1, $0x2  }
0xc0: {  	s3 =	sand.u32 $0x4000, s31;
	s1 =	sadd.s32 s1, s30  }
0xc1: {  	s0 =	sor.u32 s3, s0;
	s1 =	sshll.u32 s1, $0x11  }
0xc2: {  	s0 =	sor.u32 s1, s0  }
0xc3: {  	s0 =	sadd.s32 $0x8F2B, s0  }
0xc4: {  	[sflag:s0] =	ssyncadd.remote.s32 $0x1  }
0xc5: {  	_ =	sfence.sel $0xFFFF  }
0xc6: {  	[dreg:$0x0] =	wrdreg $0xFFFFFFFF;
	(pc) =	sbr.abs _section_cstart, $3  }
0xc7: {  	[dreg:$0x1] =	wrdreg $0xFFFFFFFF  }
0xc8: {  	_ =	task.clear_ibuf [dreg:s7], $0x2FFFF;
	_ =	strace $0x9FFFFFFF  }
0xc9: {  	(tm) =	ssettm $0x7FFFFFFF  }
tec
execute0_lowered:
.L_overlay_start_1:
0x0: {  	(tag) =	ssettag $0x1  }
0x1: {  	s0 =	rddreg [dreg:$0x0]  }
0x2: {  	s2 =	rddreg [dreg:$0x2]  }
0x3: {  	s1 =	srdreg.scid;
	s3 =	simm.s32 $0x0;
	s12 =	stileid.u32  }
0x4: {  	s13 =	simm.s32 $0x3;
	s15 =	simm.s32 $0x80;
	s16 =	simm.s32 $0x2  }
0x5: {  	s17 =	simm.s32 $0x1;
	s22 =	simm.s32 $0x280;
	s28 =	simm.s32 $0x500  }
0x6: {  	s29 =	simm.s32 $0x580;
	s30 =	simm.s32 $0x600;
	s31 =	simm.s32 $0x0  }
0x7: {  	s1 =	sand.u32 $0x1, s1;
	[smem:$0x7FF] =	sst s3;
	s10 =	smul.u32 $0xC800, s12  }
0x8: {  	s11 =	sadd.s32 $0x4400, s0;
	s8 =	smul.u32 $0x30D, s12;
	p0 =	sne.s32 s12, $0x0  }
0x9: {  	s4 =	smul.u32 $0xC8000, s1;
	_ =	strace $0x80000047;
	s5 =	sshll.u32 s1, $0x4  }
0xa: {  	s7 =	smul.u32 $0x30D0, s1;
	s1 =	ssub.s32 $0x2, s1;
	s14 =	sshrl.u32 @!p0 s2, $0x3  }
0xb: {  	s18 =	sor.u32 s12, s5;
	s5 =	sadd.s32 $0xC7A00, s0;
	s9 =	sshrl.u32 s1, $0x1  }
0xc: {  	s26 =	sadd.s32 s10, s2;
	s12 =	simm.s32 $0x800;
	s4 =	sadd.s32 s10, s4  }
0xd: {  	s6 =	smul.u32 $0x30D, s18;
	s23 =	smin.u32 s18, $0x8;
	s1 =	ssub.s32 s1, s9  }
0xe: {  	p1 =	sgt.u32 s18, $0x7;
	s18 =	simm.s32 $0x400;
	s4 =	sshrl.u32 s4, $0x3  }
0xf: {  	s10 =	smax.u32 s1, $0x1;
	s0 =	sadd.s32 s4, s0;
	s6 =	sadd.s32 s23, s6  }
0x10: {  	s4 =	sor.u32 s7, s23;
	s23 =	simm.s32 $0x300;
	s6 =	sshll.u32 s6, $0x4  }
0x11: {  	s4 =	sadd.s32 s8, s4;
	s9 =	sadd.s32 $0xE0A00, s0;
	s24 =	sadd.s32 s11, s6  }
0x12: {  	s4 =	sshll.u32 s4, $0x4;
	s6 =	sadd.s32 $0x61A80, s24;
	s7 =	sadd.s32 $0x64B00, s24  }
0x13: {  	s8 =	sadd.s32 $0x64B50, s24;
	s25 =	sadd.s32 s4, s11;
	s24 =	simm.s32 $0x380  }
0x14: {  	s11 =	sadd.s32 $0x61B00, s25;
	s25 =	sshrl.u32 s26, $0x3;
	s26 =	simm.s32 $0x480  }
.LBB2_1:
0x15: {  	s0 =	rddreg [dreg:$0x1]  }
0x16: {  	[tilespmem:s12], [sflag:$0x3] =	stream.linear.gather [hbm4b:s0+s3], $0x400, $0x38;
	[tilespmem:$0xD400] =	vst v63  }
0x17: {  	_ =	swait.ge [sflag:s13], $0x400  }
0x18: {  	[sflag:s13] =	ssyncset.done $0x0  }
0x19: {  	s0 =	simm.s32 @!p0 $0x1C03;
	[sflag:s13] =	ssyncadd.s32 $0xFFFFFC00  }
0x1a: {  	[spmem:s14], [sflag:s0] =	dma.local @!p0 [hbm:s5], $0x19000  }
0x1b: {  	s0 =	simm.s32 @!p0 $0x3  }
0x1c: {  	_ =	swait.ge @!p0 [sflag:s0], $0x19000  }
0x1d: {  	[sflag:s0] =	ssyncset.done @!p0 $0x0  }
0x1e: {  	[sflag:s0] =	ssyncadd.s32 @!p0 $0xFFFE7000  }
0x1f: {  	[bflag:$0x0] =	sbarrier.arrive $0xFFFF  }
0x20: {  	[tilespmem:s3], [sflag:$0x3] =	stream.linear.gather [hbm4b:s6+s3], $0x400, $0x38;
	[tilespmem:$0xD400] =	vst v63  }
0x21: {  	s4 =	simm.s32 $0x0;
	_ =	swait.ge [sflag:s13], $0x400  }
0x22: {  	s0 =	sand.u32 $0x400, s4;
	[sflag:s13] =	ssyncset.done $0x0  }
0x23: {  	s1 =	sxor.u32 $0x400, s0;
	[sflag:s13] =	ssyncadd.s32 $0xFFFFFC00  }
0x24: {  	[tilespmem:s1], [sflag:$0x1] =	stream.linear.gather [hbm4b:s11+s3], $0x400, $0x38;
	[tilespmem:$0xD400] =	vst v63  }
0x25: {  	_ = 	snop  }
0x26: {  	[spmem:s2] =	stream.indirect.scatter.add.f32 [tilespmem:s12], [sflag:$0x2], $0x8, s0, s15, $0xb8;
	[tilespmem:$0xD400] =	vst v63  }
0x27: {  	s19 =	sor.u32 $0x80, s0  }
0x28: {  	[spmem:s2] =	stream.indirect.scatter.add.f32 [tilespmem:s12], [sflag:$0x2], $0x8, s19, s15, $0xb8;
	[tilespmem:$0xD400] =	vst v63  }
0x29: {  	s20 =	sor.u32 $0x100, s0  }
0x2a: {  	[spmem:s2] =	stream.indirect.scatter.add.f32 [tilespmem:s12], [sflag:$0x2], $0x8, s20, s15, $0xb8;
	[tilespmem:$0xD400] =	vst v63  }
0x2b: {  	s21 =	sor.u32 $0x180, s0  }
0x2c: {  	[spmem:s2] =	stream.indirect.scatter.add.f32 [tilespmem:s12], [sflag:$0x2], $0x8, s21, s15, $0xb8;
	[tilespmem:$0xD400] =	vst v63  }
0x2d: {  	s4 =	sor.u32 $0x200, s0  }
0x2e: {  	[spmem:s2] =	stream.indirect.scatter.add.f32 [tilespmem:s12], [sflag:$0x2], $0x8, s4, s15, $0xb8;
	[tilespmem:$0xD400] =	vst v63  }
0x2f: {  	s19 =	sor.u32 $0x280, s0  }
0x30: {  	[spmem:s2] =	stream.indirect.scatter.add.f32 [tilespmem:s12], [sflag:$0x2], $0x8, s19, s15, $0xb8;
	[tilespmem:$0xD400] =	vst v63  }
0x31: {  	s20 =	sor.u32 $0x300, s0  }
0x32: {  	[spmem:s2] =	stream.indirect.scatter.add.f32 [tilespmem:s12], [sflag:$0x2], $0x8, s20, s15, $0xb8;
	[tilespmem:$0xD400] =	vst v63  }
0x33: {  	s0 =	sor.u32 $0x380, s0  }
0x34: {  	[spmem:s2] =	stream.indirect.scatter.add.f32 [tilespmem:s12], [sflag:$0x2], $0x8, s0, s15, $0xb8;
	[tilespmem:$0xD400] =	vst v63  }
0x35: {  	_ =	swait.ge [sflag:s16], $0x400  }
0x36: {  	[sflag:s16] =	ssyncset.done $0x0  }
0x37: {  	[sflag:s16] =	ssyncadd.s32 $0xFFFFFC00  }
0x38: {  	_ =	swait.ge [sflag:s16], $0x400  }
0x39: {  	[sflag:s16] =	ssyncset.done $0x0  }
0x3a: {  	[sflag:s16] =	ssyncadd.s32 $0xFFFFFC00  }
0x3b: {  	_ =	swait.ge [sflag:s16], $0x400  }
0x3c: {  	[sflag:s16] =	ssyncset.done $0x0  }
0x3d: {  	[sflag:s16] =	ssyncadd.s32 $0xFFFFFC00  }
0x3e: {  	_ =	swait.ge [sflag:s16], $0x400  }
0x3f: {  	[sflag:s16] =	ssyncset.done $0x0  }
0x40: {  	[sflag:s16] =	ssyncadd.s32 $0xFFFFFC00  }
0x41: {  	_ =	swait.ge [sflag:s16], $0x400  }
0x42: {  	[sflag:s16] =	ssyncset.done $0x0  }
0x43: {  	[sflag:s16] =	ssyncadd.s32 $0xFFFFFC00  }
0x44: {  	_ =	swait.ge [sflag:s16], $0x400  }
0x45: {  	[sflag:s16] =	ssyncset.done $0x0  }
0x46: {  	[sflag:s16] =	ssyncadd.s32 $0xFFFFFC00  }
0x47: {  	_ =	swait.ge [sflag:s16], $0x400  }
0x48: {  	[sflag:s16] =	ssyncset.done $0x0  }
0x49: {  	[sflag:s16] =	ssyncadd.s32 $0xFFFFFC00  }
0x4a: {  	_ =	swait.ge [sflag:s16], $0x400  }
0x4b: {  	[sflag:s16] =	ssyncset.done $0x0  }
0x4c: {  	[sflag:s16] =	ssyncadd.s32 $0xFFFFFC00  }
0x4d: {  	s1 =	simm.s32 $0x2;
	s21 =	simm.s32 $0x400;
	_ =	swait.ge [sflag:s17], $0x400  }
0x4e: {  	s19 =	sand.u32 $0x400, s21;
	s0 =	sadd.s32 $0x80, s11;
	[sflag:s17] =	ssyncset.done $0x0  }
.LBB2_2:
0x4f: {  	s21 =	sxor.u32 $0x400, s19  }
0x50: {  	[sflag:s17] =	ssyncadd.s32 $0xFFFFFC00;
	s4 =	smov.u32 s1;
	s20 =	sadd.s32 $0x1, s1  }
0x51: {  	[tilespmem:s21], [sflag:$0x1] =	stream.linear.gather [hbm4b:s0+s3], $0x400, $0x38;
	[tilespmem:$0xD400] =	vst v63  }
0x52: {  	p2 =	sne.s32 s1, $0x5F  }
0x53: {  	[spmem:s2] =	stream.indirect.scatter.add.f32 [tilespmem:s12], [sflag:$0x2], $0x8, s19, s15, $0xb8;
	[tilespmem:$0xD400] =	vst v63  }
0x54: {  	s1 =	sor.u32 $0x80, s19  }
0x55: {  	[spmem:s2] =	stream.indirect.scatter.add.f32 [tilespmem:s12], [sflag:$0x2], $0x8, s1, s15, $0xb8;
	[tilespmem:$0xD400] =	vst v63  }
0x56: {  	s1 =	sor.u32 $0x100, s19  }
0x57: {  	[spmem:s2] =	stream.indirect.scatter.add.f32 [tilespmem:s12], [sflag:$0x2], $0x8, s1, s15, $0xb8;
	[tilespmem:$0xD400] =	vst v63  }
0x58: {  	s1 =	sor.u32 $0x180, s19  }
0x59: {  	[spmem:s2] =	stream.indirect.scatter.add.f32 [tilespmem:s12], [sflag:$0x2], $0x8, s1, s15, $0xb8;
	[tilespmem:$0xD400] =	vst v63  }
0x5a: {  	s1 =	sor.u32 $0x200, s19  }
0x5b: {  	[spmem:s2] =	stream.indirect.scatter.add.f32 [tilespmem:s12], [sflag:$0x2], $0x8, s1, s15, $0xb8;
	[tilespmem:$0xD400] =	vst v63  }
0x5c: {  	s1 =	sor.u32 $0x280, s19  }
0x5d: {  	[spmem:s2] =	stream.indirect.scatter.add.f32 [tilespmem:s12], [sflag:$0x2], $0x8, s1, s15, $0xb8;
	[tilespmem:$0xD400] =	vst v63  }
0x5e: {  	s1 =	sor.u32 $0x300, s19  }
0x5f: {  	[spmem:s2] =	stream.indirect.scatter.add.f32 [tilespmem:s12], [sflag:$0x2], $0x8, s1, s15, $0xb8;
	[tilespmem:$0xD400] =	vst v63  }
0x60: {  	s1 =	sor.u32 $0x380, s19  }
0x61: {  	[spmem:s2] =	stream.indirect.scatter.add.f32 [tilespmem:s12], [sflag:$0x2], $0x8, s1, s15, $0xb8;
	[tilespmem:$0xD400] =	vst v63  }
0x62: {  	_ =	swait.ge [sflag:s16], $0x400  }
0x63: {  	[sflag:s16] =	ssyncset.done $0x0  }
0x64: {  	[sflag:s16] =	ssyncadd.s32 $0xFFFFFC00  }
0x65: {  	_ =	swait.ge [sflag:s16], $0x400  }
0x66: {  	[sflag:s16] =	ssyncset.done $0x0  }
0x67: {  	[sflag:s16] =	ssyncadd.s32 $0xFFFFFC00  }
0x68: {  	_ =	swait.ge [sflag:s16], $0x400  }
0x69: {  	[sflag:s16] =	ssyncset.done $0x0  }
0x6a: {  	[sflag:s16] =	ssyncadd.s32 $0xFFFFFC00  }
0x6b: {  	_ =	swait.ge [sflag:s16], $0x400  }
0x6c: {  	[sflag:s16] =	ssyncset.done $0x0  }
0x6d: {  	[sflag:s16] =	ssyncadd.s32 $0xFFFFFC00  }
0x6e: {  	_ =	swait.ge [sflag:s16], $0x400  }
0x6f: {  	[sflag:s16] =	ssyncset.done $0x0  }
0x70: {  	[sflag:s16] =	ssyncadd.s32 $0xFFFFFC00  }
0x71: {  	_ =	swait.ge [sflag:s16], $0x400  }
0x72: {  	[sflag:s16] =	ssyncset.done $0x0  }
0x73: {  	[sflag:s16] =	ssyncadd.s32 $0xFFFFFC00  }
0x74: {  	_ =	swait.ge [sflag:s16], $0x400  }
0x75: {  	[sflag:s16] =	ssyncset.done $0x0  }
0x76: {  	[sflag:s16] =	ssyncadd.s32 $0xFFFFFC00  }
.Ltmp0:
0x77: {  	_ =	swait.ge [sflag:s16], $0x400;
	(pc) =	sbr.rel @p2 .LBB2_2-.Ltmp0, $4  }
0x78: {  	[sflag:s16] =	ssyncset.done $0x0  }
0x79: {  	[sflag:s16] =	ssyncadd.s32 $0xFFFFFC00  }
0x7a: {  	s0 =	sadd.s32 $0x80, s0;
	s1 =	sshll.u32 s4, $0xA;
	_ =	swait.ge [sflag:s17], $0x400  }
0x7b: {  	s19 =	sand.u32 $0x400, s1;
	s1 =	smov.u32 s20;
	[sflag:s17] =	ssyncset.done $0x0  }
0x7c: {  	s1 =	sxor.u32 $0x400, s19;
	[sflag:s17] =	ssyncadd.s32 $0xFFFFFC00  }
0x7d: {  	[tilespmem:s1], [sflag:$0x1] =	stream.linear.gather [hbm4b:s0+s3], $0x400, $0x38;
	[tilespmem:$0xD400] =	vst v63  }
0x7e: {  	_ = 	snop  }
0x7f: {  	[spmem:s2] =	stream.indirect.scatter.add.f32 [tilespmem:s12], [sflag:$0x2], $0x8, s19, s15, $0xb8;
	[tilespmem:$0xD400] =	vst v63  }
0x80: {  	s20 =	sor.u32 $0x80, s19  }
0x81: {  	[spmem:s2] =	stream.indirect.scatter.add.f32 [tilespmem:s12], [sflag:$0x2], $0x8, s20, s15, $0xb8;
	[tilespmem:$0xD400] =	vst v63  }
0x82: {  	s21 =	sor.u32 $0x100, s19  }
0x83: {  	[spmem:s2] =	stream.indirect.scatter.add.f32 [tilespmem:s12], [sflag:$0x2], $0x8, s21, s15, $0xb8;
	[tilespmem:$0xD400] =	vst v63  }
0x84: {  	s1 =	sor.u32 $0x180, s19  }
0x85: {  	[spmem:s2] =	stream.indirect.scatter.add.f32 [tilespmem:s12], [sflag:$0x2], $0x8, s1, s15, $0xb8;
	[tilespmem:$0xD400] =	vst v63  }
0x86: {  	s4 =	sor.u32 $0x200, s19  }
0x87: {  	[spmem:s2] =	stream.indirect.scatter.add.f32 [tilespmem:s12], [sflag:$0x2], $0x8, s4, s15, $0xb8;
	[tilespmem:$0xD400] =	vst v63  }
0x88: {  	s20 =	sor.u32 $0x280, s19  }
0x89: {  	[spmem:s2] =	stream.indirect.scatter.add.f32 [tilespmem:s12], [sflag:$0x2], $0x8, s20, s15, $0xb8;
	[tilespmem:$0xD400] =	vst v63  }
0x8a: {  	s21 =	sor.u32 $0x300, s19  }
0x8b: {  	[spmem:s2] =	stream.indirect.scatter.add.f32 [tilespmem:s12], [sflag:$0x2], $0x8, s21, s15, $0xb8;
	[tilespmem:$0xD400] =	vst v63  }
0x8c: {  	s1 =	sor.u32 $0x380, s19  }
0x8d: {  	[spmem:s2] =	stream.indirect.scatter.add.f32 [tilespmem:s12], [sflag:$0x2], $0x8, s1, s15, $0xb8;
	[tilespmem:$0xD400] =	vst v63  }
0x8e: {  	_ =	swait.ge [sflag:s16], $0x400  }
0x8f: {  	[sflag:s16] =	ssyncset.done $0x0  }
0x90: {  	[sflag:s16] =	ssyncadd.s32 $0xFFFFFC00  }
0x91: {  	_ =	swait.ge [sflag:s16], $0x400  }
0x92: {  	[sflag:s16] =	ssyncset.done $0x0  }
0x93: {  	[sflag:s16] =	ssyncadd.s32 $0xFFFFFC00  }
0x94: {  	_ =	swait.ge [sflag:s16], $0x400  }
0x95: {  	[sflag:s16] =	ssyncset.done $0x0  }
0x96: {  	[sflag:s16] =	ssyncadd.s32 $0xFFFFFC00  }
0x97: {  	_ =	swait.ge [sflag:s16], $0x400  }
0x98: {  	[sflag:s16] =	ssyncset.done $0x0  }
0x99: {  	[sflag:s16] =	ssyncadd.s32 $0xFFFFFC00  }
0x9a: {  	_ =	swait.ge [sflag:s16], $0x400  }
0x9b: {  	[sflag:s16] =	ssyncset.done $0x0  }
0x9c: {  	[sflag:s16] =	ssyncadd.s32 $0xFFFFFC00  }
0x9d: {  	_ =	swait.ge [sflag:s16], $0x400  }
0x9e: {  	[sflag:s16] =	ssyncset.done $0x0  }
0x9f: {  	[sflag:s16] =	ssyncadd.s32 $0xFFFFFC00  }
0xa0: {  	_ =	swait.ge [sflag:s16], $0x400  }
0xa1: {  	[sflag:s16] =	ssyncset.done $0x0  }
0xa2: {  	[sflag:s16] =	ssyncadd.s32 $0xFFFFFC00  }
0xa3: {  	_ =	swait.ge [sflag:s16], $0x400  }
0xa4: {  	[sflag:s16] =	ssyncset.done $0x0  }
0xa5: {  	[sflag:s16] =	ssyncadd.s32 $0xFFFFFC00  }
0xa6: {  	_ =	swait.ge [sflag:s17], $0x400  }
0xa7: {  	[sflag:s17] =	ssyncset.done $0x0  }
0xa8: {  	[sflag:s17] =	ssyncadd.s32 $0xFFFFFC00  }
0xa9: {  	[tilespmem:s18], [sflag:$0x1] =	stream.linear.gather [hbm4b:s7+s3], $0x280, $0x38;
	[tilespmem:$0xD400] =	vst v63  }
0xaa: {  	_ = 	snop  }
0xab: {  	[spmem:s2] =	stream.indirect.scatter.add.f32 [tilespmem:s12], [sflag:$0x2], $0x8, s3, s15, $0xb8;
	[tilespmem:$0xD400] =	vst v63  }
0xac: {  	_ = 	snop  }
0xad: {  	[spmem:s2] =	stream.indirect.scatter.add.f32 [tilespmem:s12], [sflag:$0x2], $0x8, s15, s15, $0xb8;
	[tilespmem:$0xD400] =	vst v63  }
0xae: {  	s4 =	simm.s32 $0x100  }
0xaf: {  	[spmem:s2] =	stream.indirect.scatter.add.f32 [tilespmem:s12], [sflag:$0x2], $0x8, s4, s15, $0xb8;
	[tilespmem:$0xD400] =	vst v63  }
0xb0: {  	s19 =	simm.s32 $0x180  }
0xb1: {  	[spmem:s2] =	stream.indirect.scatter.add.f32 [tilespmem:s12], [sflag:$0x2], $0x8, s19, s15, $0xb8;
	[tilespmem:$0xD400] =	vst v63  }
0xb2: {  	s20 =	simm.s32 $0x200  }
0xb3: {  	[spmem:s2] =	stream.indirect.scatter.add.f32 [tilespmem:s12], [sflag:$0x2], $0x8, s20, s15, $0xb8;
	[tilespmem:$0xD400] =	vst v63  }
0xb4: {  	_ = 	snop  }
0xb5: {  	[spmem:s2] =	stream.indirect.scatter.add.f32 [tilespmem:s12], [sflag:$0x2], $0x8, s22, s15, $0xb8;
	[tilespmem:$0xD400] =	vst v63  }
0xb6: {  	_ = 	snop  }
0xb7: {  	[spmem:s2] =	stream.indirect.scatter.add.f32 [tilespmem:s12], [sflag:$0x2], $0x8, s23, s15, $0xb8;
	[tilespmem:$0xD400] =	vst v63  }
0xb8: {  	_ = 	snop  }
0xb9: {  	[spmem:s2] =	stream.indirect.scatter.add.f32 [tilespmem:s12], [sflag:$0x2], $0x8, s24, s15, $0xb8;
	[tilespmem:$0xD400] =	vst v63  }
0xba: {  	_ =	swait.ge [sflag:s16], $0x400  }
0xbb: {  	[sflag:s16] =	ssyncset.done $0x0  }
0xbc: {  	[sflag:s16] =	ssyncadd.s32 $0xFFFFFC00  }
0xbd: {  	_ =	swait.ge [sflag:s16], $0x400  }
0xbe: {  	[sflag:s16] =	ssyncset.done $0x0  }
0xbf: {  	[sflag:s16] =	ssyncadd.s32 $0xFFFFFC00  }
0xc0: {  	_ =	swait.ge [sflag:s16], $0x400  }
0xc1: {  	[sflag:s16] =	ssyncset.done $0x0  }
0xc2: {  	[sflag:s16] =	ssyncadd.s32 $0xFFFFFC00  }
0xc3: {  	_ =	swait.ge [sflag:s16], $0x400  }
0xc4: {  	[sflag:s16] =	ssyncset.done $0x0  }
0xc5: {  	[sflag:s16] =	ssyncadd.s32 $0xFFFFFC00  }
0xc6: {  	_ =	swait.ge [sflag:s16], $0x400  }
0xc7: {  	[sflag:s16] =	ssyncset.done $0x0  }
0xc8: {  	[sflag:s16] =	ssyncadd.s32 $0xFFFFFC00  }
0xc9: {  	_ =	swait.ge [sflag:s16], $0x400  }
0xca: {  	[sflag:s16] =	ssyncset.done $0x0  }
0xcb: {  	[sflag:s16] =	ssyncadd.s32 $0xFFFFFC00  }
0xcc: {  	_ =	swait.ge [sflag:s16], $0x400  }
0xcd: {  	[sflag:s16] =	ssyncset.done $0x0  }
0xce: {  	[sflag:s16] =	ssyncadd.s32 $0xFFFFFC00  }
0xcf: {  	_ =	swait.ge [sflag:s16], $0x400  }
0xd0: {  	[sflag:s16] =	ssyncset.done $0x0  }
0xd1: {  	[sflag:s16] =	ssyncadd.s32 $0xFFFFFC00  }
0xd2: {  	_ =	swait.ge [sflag:s17], $0x280  }
0xd3: {  	[sflag:s17] =	ssyncset.done $0x0  }
0xd4: {  	[sflag:s17] =	ssyncadd.s32 $0xFFFFFD80  }
0xd5: {  	[spmem:s2] =	stream.indirect.scatter.add.f32 [tilespmem:s12], [sflag:$0x2], $0x8, s18, s15, $0xb8;
	[tilespmem:$0xD400] =	vst v63  }
0xd6: {  	_ = 	snop  }
0xd7: {  	[spmem:s2] =	stream.indirect.scatter.add.f32 [tilespmem:s12], [sflag:$0x2], $0x8, s26, s15, $0xb8;
	[tilespmem:$0xD400] =	vst v63  }
0xd8: {  	_ = 	snop  }
0xd9: {  	[spmem:s2] =	stream.indirect.scatter.add.f32 [tilespmem:s12], [sflag:$0x2], $0x8, s28, s15, $0xb8;
	[tilespmem:$0xD400] =	vst v63  }
0xda: {  	_ = 	snop  }
0xdb: {  	[spmem:s2] =	stream.indirect.scatter.add.f32 [tilespmem:s12], [sflag:$0x2], $0x8, s29, s15, $0xb8;
	[tilespmem:$0xD400] =	vst v63  }
0xdc: {  	_ = 	snop  }
0xdd: {  	[spmem:s2] =	stream.indirect.scatter.add.f32 [tilespmem:s12], [sflag:$0x2], $0x8, s30, s15, $0xb8;
	[tilespmem:$0xD400] =	vst v63  }
0xde: {  	_ =	swait.ge [sflag:s16], $0x400  }
0xdf: {  	[sflag:s16] =	ssyncset.done $0x0  }
0xe0: {  	[sflag:s16] =	ssyncadd.s32 $0xFFFFFC00  }
0xe1: {  	_ =	swait.ge [sflag:s16], $0x400  }
0xe2: {  	[sflag:s16] =	ssyncset.done $0x0  }
0xe3: {  	[sflag:s16] =	ssyncadd.s32 $0xFFFFFC00  }
0xe4: {  	_ =	swait.ge [sflag:s16], $0x400  }
0xe5: {  	[sflag:s16] =	ssyncset.done $0x0  }
0xe6: {  	[sflag:s16] =	ssyncadd.s32 $0xFFFFFC00  }
0xe7: {  	_ =	swait.ge [sflag:s16], $0x400  }
0xe8: {  	[sflag:s16] =	ssyncset.done $0x0  }
0xe9: {  	[sflag:s16] =	ssyncadd.s32 $0xFFFFFC00  }
0xea: {  	_ =	swait.ge [sflag:s16], $0x400  }
0xeb: {  	[sflag:s16] =	ssyncset.done $0x0  }
0xec: {  	s0 =	simm.s32 @!p1 $0x0;
	s1 =	simm.s32 @!p1 $0x3;
	[sflag:s16] =	ssyncadd.s32 $0xFFFFFC00  }
0xed: {  	[tilespmem:s0], [sflag:$0x3] =	stream.linear.gather @!p1 [hbm4b:s8+s0], $0x80, $0x38;
	[tilespmem:$0xD400] =	vst v63  }
0xee: {  	_ =	swait.ge @!p1 [sflag:s1], $0x80  }
0xef: {  	[sflag:s1] =	ssyncset.done @!p1 $0x0  }
0xf0: {  	s4 =	simm.s32 @!p1 $0x80;
	s19 =	simm.s32 @!p1 $0x800;
	[sflag:s1] =	ssyncadd.s32 @!p1 $0xFFFFFF80  }
0xf1: {  	[spmem:s2] =	stream.indirect.scatter.add.f32 @!p1 [tilespmem:s19], [sflag:$0x3], $0x8, s0, s4, $0xb8;
	[tilespmem:$0xD400] =	vst v63  }
0xf2: {  	_ =	swait.ge @!p1 [sflag:s1], $0x400  }
0xf3: {  	s31 =	sadd.s32 $0x1, s31;
	s21 =	stileid.u32;
	[sflag:s1] =	ssyncset.done @!p1 $0x0  }
0xf4: {  	p2 =	sne.s32 s31, s10;
	s0 =	sshll.u32 s21, $0x6;
	[sflag:s1] =	ssyncadd.s32 @!p1 $0xFFFFFC00  }
.Ltmp1:
0xf5: {  	s0 =	sor.u32 $0x1C03, s0;
	[bflag:$0x0] =	sbarrier.arrive $0xFFFF;
	(pc) =	sbr.rel @p2 .LBB2_1-.Ltmp1, $4  }
0xf6: {  	[hbm:s9], [sflag:s0] =	dma.local [spmem:s25], $0x1900  }
0xf7: {  	_ =	swait.ge [sflag:s13], $0x1900  }
0xf8: {  	[sflag:s13] =	ssyncset.done $0x0  }
0xf9: {  	[sflag:s13] =	ssyncadd.s32 $0xFFFFE700  }
0xfa: {  	_ =	sfence.sel $0x180000  }
0xfb: {  	[bflag:$0x0] =	sbarrier.arrive $0xFFFF  }
0xfc: {  	_ =	strace $0x90000047  }
0xfd: {  	[bflag:$0x2] =	sbarrier.arrive $0xFFFF  }
0xfe: {  	s0 =	rddreg [dreg:$0x3]  }
0xff: {  	s0 =	sadd.s32 @!p0 $0x100000, s0  }
0x100: {  	[sflag:s0] =	ssyncadd.tile.s32 @!p0 $0x1;
	_ =	shalt  }
.Lfunc_end2:
_tile_overlayer_lowered:
.L_overlay_start_2:
0x101: {  	(tag) =	ssettag $0x2  }
0x102: {  	s0 =	rddreg [dreg:$0x0];
	s2 =	stileid.u32  }
0x103: {  	s1 =	rddreg [dreg:$0x1];
	p0 =	sne.s32 s2, $0x0  }
0x104: {  	s3 =	rddreg [dreg:$0x2];
	[bflag:$0x3] =	sbarrier.arrive $0xFFFF;
	s2 =	simm.s32 @!p0 $0x1C03  }
0x105: {  	[timem:s3], [sflag:s2] =	dma.local @!p0 [hbm:s0], s1  }
0x106: {  	s0 =	simm.s32 @!p0 $0x3  }
0x107: {  	_ =	swait.ge @!p0 [sflag:s0], s1  }
0x108: {  	s1 =	ssub.s32 @!p0 $0x0, s1;
	[sflag:s0] =	ssyncset.done @!p0 $0x0  }
0x109: {  	[sflag:s0] =	ssyncadd.s32 @!p0 s1  }
0x10a: {  	[bflag:$0x3] =	sbarrier.arrive $0xFFFF  }
0x10b: {  	_ =	shalt  }

// kernel: kernel.14.cloned.1.call-start
scs
__scs_entry_jumppad:
0x0: {  	(pc) =	sbr.rel $0x88, $3  }
0x1: {  	(tag) =	ssettag $0x0;
	lr =	simm.s32 $0x1  }
0x2: {  	[smem:$0x3F78] =	sst lr;
	_ =	strace $0xD0000000  }
0x3: {  	_ = 	snop  }
0x4: {  	_ = 	snop  }
0x5: {  	_ = 	snop  }
0x6: {  	_ = 	snop  }
0x7: {  	_ = 	snop  }
__scs_overlays_trampoline_lowered:
0x8: {  	[smem:$0x3F87] =	sst s0  }
0x9: {  	[smem:$0x3F88] =	sst s1  }
0xa: {  	[smem:$0x3F89] =	sst s2  }
0xb: {  	[smem:$0x3F8A] =	sst s3  }
0xc: {  	[smem:$0x3F8B] =	sst s4  }
0xd: {  	[smem:$0x3F8C] =	sst s5  }
0xe: {  	[smem:$0x3F8D] =	sst s6  }
0xf: {  	[smem:$0x3F8E] =	sst s7  }
0x10: {  	[smem:$0x3F8F] =	sst s8  }
0x11: {  	[smem:$0x3F90] =	sst s9;
	s0 =	simm.s32 @!p0 $0x0  }
0x12: {  	s1 =	sld [smem:$0x3F76];
	s0 =	simm.s32 @p0 $0x1  }
0x13: {  	[smem:$0x3F91] =	sst s0;
	s0 =	simm.s32 @!p1 $0x0  }
0x14: {  	s2 =	sld [smem:$0x3F75];
	s0 =	simm.s32 @p1 $0x1  }
0x15: {  	[smem:$0x3F92] =	sst s0;
	s0 =	simm.s32 @!p2 $0x0  }
0x16: {  	s3 =	sld [smem:$0x3FDB];
	s0 =	simm.s32 @p2 $0x1  }
0x17: {  	s4 =	simm.s32 $0x1BF5;
	[smem:$0x3F94] =	sst s0  }
0x18: {  	s0 =	sld [smem:$0x3F77];
	_ =	swait.ge [sflag:s4], $0x0  }
0x19: {  	s7 =	sld [smem:$0x3F78]  }
0x1a: {  	s8 =	sadd.s32 $0xFFFFE003, lr  }
0x1b: {  	s9 =	sadd.s32 $0xFFFFFEF7, lr;
	s5 =	simm.s32 $0xFFFFFFFF;
	p2 =	slt.u32 s8, $0xFFFFF086  }
0x1c: {  	p1 =	slt.u32 s9, $0xF7A;
	s5 =	simm.s32 @!p2 $0x0  }
0x1d: {  	s5 =	simm.s32 @p1 $0x1;
	p0 =	seq.s32 s7, s2  }
0x1e: {  	s7 =	smul.u32 @!p0 $0xF7A, s2;
	p2 =	seq.s32 @!p0 s5, $0x0  }
0x1f: {  	s9 =	smul.u32 $0xF7A, s1;
	s8 =	simm.s32 @!p0 $0x1BF5;
	p2 =	por !p2, p0  }
0x20: {  	[sflag:s8] =	ssyncset.s32 @!p0 $0xFFFFF086;
	s6 =	sadd.s32 @!p0 s3, s7;
	s7 =	simm.s32 @!p0 $0x108  }
0x21: {  	s3 =	sadd.s32 s3, s9;
	s6 =	sadd.s32 @!p0 $0x88, s6;
	s7 =	simm.s32 @p2 $0x1082  }
0x22: {  	[simem:s7], [sflag:s8] =	dma.local @!p0 [hbm:s6], $0xF7A  }
0x23: {  	s9 =	sor.u32 $0xD0000000, s2;
	s6 =	simm.s32 $0x108;
	_ =	swait.ge @!p0 [sflag:s8], $0x0  }
0x24: {  	s3 =	sadd.s32 $0x88, s3;
	s6 =	simm.s32 @!p1 $0x1082;
	[sflag:s4] =	ssyncset.s32 $0xFFFFF086  }
0x25: {  	[simem:s6], [sflag:s4] =	dma.local [hbm:s3], $0xF7A  }
0x26: {  	[smem:$0x3F78] =	sst s1;
	(tag) =	ssettag s2;
	_ =	strace s9  }
0x27: {  	s1 =	sld [smem:$0x3F88]  }
0x28: {  	s2 =	sld [smem:$0x3F89]  }
0x29: {  	s4 =	sld [smem:$0x3F8B]  }
0x2a: {  	p0 =	seq.s32 s5, $0x0;
	s5 =	sld [smem:$0x3F8C]  }
0x2b: {  	s6 =	sld [smem:$0x3F8D]  }
0x2c: {  	s7 =	sld [smem:$0x3F8E]  }
0x2d: {  	s3 =	simm.s32 $0x108;
	s8 =	sld [smem:$0x3F8F]  }
0x2e: {  	s3 =	simm.s32 @!p0 $0x1082;
	s9 =	sld [smem:$0x3F90]  }
0x2f: {  	lr =	sadd.s32 s0, s3;
	s0 =	sld [smem:$0x3F87]  }
0x30: {  	s3 =	sld [smem:$0x3F8A]  }
0x31: {  	[smem:$0x3F93] =	sst s10  }
0x32: {  	s10 =	sld [smem:$0x3F91];
	_ =	sdelay $0x3  }
0x33: {  	p0 =	seq.s32 s10, $0x1;
	s10 =	sld [smem:$0x3F93];
	_ =	sdelay $0x3  }
0x34: {  	[smem:$0x3F93] =	sst s10  }
0x35: {  	s10 =	sld [smem:$0x3F92];
	_ =	sdelay $0x3  }
0x36: {  	p1 =	seq.s32 s10, $0x1;
	s10 =	sld [smem:$0x3F93];
	_ =	sdelay $0x3  }
0x37: {  	[smem:$0x3F93] =	sst s10  }
0x38: {  	s10 =	sld [smem:$0x3F94]  }
0x39: {  	_ = 	snop;
	(pc) =	sbr.ind lr, $3  }
0x3a: {  	_ = 	snop  }
0x3b: {  	_ = 	snop  }
0x3c: {  	p2 =	seq.s32 s10, $0x1;
	s10 =	sld [smem:$0x3F93]  }
0x3d: {  	_ =	shalt  }
0x3e: {  	_ =	shalt  }
0x3f: {  	_ =	shalt  }
0x40: {  	_ =	shalt  }
0x41: {  	_ =	shalt  }
0x42: {  	_ =	shalt  }
0x43: {  	_ =	shalt  }
0x44: {  	_ =	shalt  }
0x45: {  	_ =	shalt  }
0x46: {  	_ =	shalt  }
0x47: {  	_ =	shalt  }
0x48: {  	_ =	shalt  }
0x49: {  	_ =	shalt  }
0x4a: {  	_ =	shalt  }
0x4b: {  	_ =	shalt  }
0x4c: {  	_ =	shalt  }
0x4d: {  	_ =	shalt  }
0x4e: {  	_ =	shalt  }
0x4f: {  	_ =	shalt  }
0x50: {  	_ =	shalt  }
0x51: {  	_ =	shalt  }
0x52: {  	_ =	shalt  }
0x53: {  	_ =	shalt  }
0x54: {  	_ =	shalt  }
0x55: {  	_ =	shalt  }
0x56: {  	_ =	shalt  }
0x57: {  	_ =	shalt  }
0x58: {  	_ =	shalt  }
0x59: {  	_ =	shalt  }
0x5a: {  	_ =	shalt  }
0x5b: {  	_ =	shalt  }
0x5c: {  	_ =	shalt  }
0x5d: {  	_ =	shalt  }
0x5e: {  	_ =	shalt  }
0x5f: {  	_ =	shalt  }
0x60: {  	_ =	shalt  }
0x61: {  	_ =	shalt  }
0x62: {  	_ =	shalt  }
0x63: {  	_ =	shalt  }
0x64: {  	_ =	shalt  }
0x65: {  	_ =	shalt  }
0x66: {  	_ =	shalt  }
0x67: {  	_ =	shalt  }
0x68: {  	_ =	shalt  }
0x69: {  	_ =	shalt  }
0x6a: {  	_ =	shalt  }
0x6b: {  	_ =	shalt  }
0x6c: {  	_ =	shalt  }
0x6d: {  	_ =	shalt  }
0x6e: {  	_ =	shalt  }
0x6f: {  	_ =	shalt  }
0x70: {  	_ =	shalt  }
0x71: {  	_ =	shalt  }
0x72: {  	_ =	shalt  }
0x73: {  	_ =	shalt  }
0x74: {  	_ =	shalt  }
0x75: {  	_ =	shalt  }
0x76: {  	_ =	shalt  }
0x77: {  	_ =	shalt  }
0x78: {  	_ =	shalt  }
0x79: {  	_ =	shalt  }
0x7a: {  	_ =	shalt  }
0x7b: {  	_ =	shalt  }
0x7c: {  	_ =	shalt  }
0x7d: {  	_ =	shalt  }
0x7e: {  	_ =	shalt  }
0x7f: {  	_ =	shalt  }
0x80: {  	_ =	shalt  }
0x81: {  	_ =	shalt  }
0x82: {  	_ =	shalt  }
0x83: {  	_ =	shalt  }
0x84: {  	_ =	shalt  }
0x85: {  	_ =	shalt  }
0x86: {  	_ =	shalt  }
0x87: {  	_ =	shalt  }
.Lfunc_end0:
.L_simem_size_0:
called_computation.1_lowered:
.L_overlay_start_0:
0x88: {  	s2 =	sld [smem:$0x3FD9]  }
0x89: {  	s3 =	sld [smem:$0x3FFE];
	_ =	sdelay $0x1  }
0x8a: {  	s1 =	srdreg.scid  }
0x8b: {  	s0 =	sand.u32 $0x1, s1  }
0x8c: {  	s16 =	sshll.u32 s0, $0xA;
	s2 =	sadd.s32 s3, s2  }
0x8d: {  	s2 =	sadd.s32 s2, s16  }
0x8e: {  	[smem:$0x3F9F] =	sst s2  }
0x8f: {  	_ = 	snop  }
0x90: {  	(tm) =	ssettm $0x1  }
0x91: {  	s17 =	sld [smem:$0x3FFB];
	_ =	sdelay $0x3  }
0x92: {  	_ =	strace s17  }
0x93: {  	s2 =	sld [smem:$0x3FFC];
	_ =	sdelay $0x3  }
0x94: {  	_ =	strace s2  }
0x95: {  	s2 =	sld [smem:$0x3FFD];
	_ =	sdelay $0x3  }
0x96: {  	_ =	strace s2  }
0x97: {  	_ =	strace $0x8FFFFFFF  }
0x98: {  	s18 =	sld [smem:$0x3FDB];
	_ =	sdelay $0x1  }
0x99: {  	s19 =	simm.s32 $_scs_section_size  }
0x9a: {  	s4 =	simm.s32 $_size__tile_overlayer_lowered;
	s5 =	simm.s32 $_tile_overlayer_lowered  }
0x9b: {  	s22 =	simm.s32 $0x1BFF;
	s21 =	sshll.u32 s5, $0x1;
	s2 =	sadd.s32 s19, s18  }
0x9c: {  	s6 =	simm.s32 $0x0;
	s20 =	sshll.u32 s4, $0x1;
	s4 =	sadd.s32 s21, s2  }
0x9d: {  	[timem:s6], [sflag:s22] =	dma.local [hbm:s4], s20  }
0x9e: {  	_ =	swait.ge [sflag:s22], s20  }
0x9f: {  	s3 =	ssub.s32 $0x0, s20;
	[sflag:s22] =	ssyncset.done $0x0  }
0xa0: {  	[sflag:s22] =	ssyncadd.s32 s3;
	_ =	sdelay $0x1  }
0xa1: {  	s23 =	simm.s32 $0x1B8B  }
0xa2: {  	_ =	swait.ge [sflag:s23], $0x1  }
0xa3: {  	[sflag:s23] =	ssyncset.done $0x0  }
0xa4: {  	s25 =	simm.s32 $0x1B8E;
	s24 =	sld [smem:$0x3FFE];
	[sflag:s23] =	ssyncadd.s32 $0xFFFFFFFF  }
0xa5: {  	s26 =	simm.s32 $execute0_lowered;
	[smem:$0x3FD2] =	sst s25  }
0xa6: {  	s4 =	sshll.u32 s26, $0x1;
	_ =	strace $0x80000049;
	[dreg:$0x1] =	wrdreg $0xFFFFFFFF  }
0xa7: {  	s28 =	simm.s32 $_size_execute0_lowered;
	s2 =	sadd.s32 s2, s4;
	[dreg:$0x0] =	wrdreg $0x0  }
0xa8: {  	s4 =	sshll.u32 s28, $0x1;
	[dreg:$0x2] =	wrdreg s2  }
0xa9: {  	[dreg:$0x3] =	wrdreg s4  }
0xaa: {  	[dreg:$0x4] =	wrdreg $0xC0  }
0xab: {  	_ =	task [dreg:s6], $0x5FFFF  }
0xac: {  	[dreg:$0x1] =	wrdreg $0xFFFFFFFF  }
0xad: {  	[dreg:$0x0] =	wrdreg $0x60  }
0xae: {  	[dreg:$0x2] =	wrdreg s24  }
0xaf: {  	[dreg:$0x3] =	wrdreg $0x30000  }
0xb0: {  	[dreg:$0x4] =	wrdreg $0x9  }
0xb1: {  	_ =	task.clear_ibuf [dreg:s6], $0x5FFFF;
	_ =	strace $0x90000049  }
0xb2: {  	s29 =	simm.s32 $0x9;
	_ =	strace $0x8000004B  }
0xb3: {  	_ =	swait.ge [sflag:s29], $0x1  }
0xb4: {  	[sflag:s29] =	ssyncadd.s32 $0xFFFFFFFF  }
0xb5: {  	_ =	strace $0x9000004B  }
0xb6: {  	_ =	sfence  }
0xb7: {  	s30 =	sld [smem:$0x0];
	_ =	sdelay $0x2  }
0xb8: {  	s31 =	sshll.u32 s1, $0xD;
	s1 =	sshrl.u32 s1, $0x2  }
0xb9: {  	s3 =	sand.u32 $0x4000, s31;
	s1 =	sadd.s32 s1, s30  }
0xba: {  	s0 =	sor.u32 s3, s0;
	s1 =	sshll.u32 s1, $0x11  }
0xbb: {  	s0 =	sor.u32 s1, s0  }
0xbc: {  	s0 =	sadd.s32 $0x8F2B, s0  }
0xbd: {  	[sflag:s0] =	ssyncadd.remote.s32 $0x1  }
0xbe: {  	_ =	sfence.sel $0xFFFF  }
0xbf: {  	[dreg:$0x0] =	wrdreg $0xFFFFFFFF;
	(pc) =	sbr.abs _section_cstart, $3  }
0xc0: {  	[dreg:$0x1] =	wrdreg $0xFFFFFFFF  }
0xc1: {  	_ =	task.clear_ibuf [dreg:s6], $0x2FFFF;
	_ =	strace $0x9FFFFFFF  }
0xc2: {  	(tm) =	ssettm $0x7FFFFFFF  }
0xc3: {  	_ =	shalt  }
tec
execute0_lowered:
.L_overlay_start_1:
0x0: {  	(tag) =	ssettag $0x1  }
0x1: {  	s0 =	rddreg [dreg:$0x0]  }
0x2: {  	s1 =	rddreg [dreg:$0x1]  }
0x3: {  	s2 =	simm.s32 $0x0;
	s3 =	srdreg.scid;
	s14 =	stileid.u32  }
0x4: {  	s16 =	simm.s32 $0x4;
	s17 =	simm.s32 $0x800;
	s18 =	simm.s32 $0x80  }
0x5: {  	s28 =	simm.s32 $0x2C00;
	s29 =	simm.s32 $0x2;
	s30 =	simm.s32 $0x3  }
0x6: {  	s31 =	simm.s32 $0x1;
	[smem:$0x7FF] =	sst s2;
	s7 =	smul.u32 $0xC800, s14  }
0x7: {  	s3 =	sand.u32 $0x1, s3;
	s9 =	sadd.s32 $0x4400, s0;
	s22 =	smul.u32 $0x30D, s14  }
0x8: {  	s11 =	sadd.s32 $0xC7A00, s0;
	p0 =	sne.s32 s14, $0x0;
	s5 =	smul.u32 $0xC8000, s3  }
0x9: {  	s4 =	sshll.u32 s3, $0x4;
	_ =	strace $0x8000004A;
	[dreg:$0x3] =	wrdreg s11  }
0xa: {  	s19 =	ssub.s32 $0x2, s3;
	s3 =	smul.u32 $0x30D0, s3;
	s15 =	sshrl.u32 @!p0 s1, $0x3  }
0xb: {  	s8 =	sor.u32 s14, s4;
	s4 =	sadd.s32 $0x270A00, s0;
	s20 =	sshrl.u32 s19, $0x1  }
0xc: {  	s26 =	sadd.s32 s7, s1;
	s6 =	smul.u32 $0x30D, s8;
	s5 =	sadd.s32 s7, s5  }
0xd: {  	s10 =	smin.u32 s8, $0x8;
	p1 =	sgt.u32 s8, $0x7;
	s5 =	sshrl.u32 s5, $0x3  }
0xe: {  	s3 =	sor.u32 s3, s10;
	s6 =	sadd.s32 s10, s6;
	s0 =	sadd.s32 s5, s0  }
0xf: {  	s5 =	ssub.s32 s19, s20;
	s3 =	sadd.s32 s22, s3;
	s6 =	sshll.u32 s6, $0x4  }
0x10: {  	s19 =	simm.s32 $0x1000;
	s20 =	simm.s32 $0x1400;
	s6 =	sadd.s32 s9, s6  }
0x11: {  	s22 =	simm.s32 $0x1C00;
	s3 =	sshll.u32 s3, $0x4;
	s21 =	sadd.s32 $0x61A80, s6  }
0x12: {  	s13 =	smax.u32 s5, $0x1;
	s12 =	sadd.s32 $0x64B00, s6;
	[dreg:$0x4] =	wrdreg s21  }
0x13: {  	s5 =	simm.s32 $0x0;
	s23 =	sadd.s32 $0x3080, s6;
	[dreg:$0x5] =	wrdreg s12  }
0x14: {  	s3 =	sadd.s32 s3, s9;
	s24 =	sadd.s32 $0x64B50, s6;
	[dreg:$0x6] =	wrdreg s23  }
0x15: {  	s25 =	sadd.s32 $0x30D0, s6;
	s14 =	sadd.s32 $0x61B00, s3;
	[dreg:$0x7] =	wrdreg s24  }
0x16: {  	s3 =	simm.s32 $0xC00;
	[dreg:$0x8] =	wrdreg s25;
	s12 =	sadd.s32 $0x429400, s0  }
0x17: {  	s21 =	simm.s32 $0x1800;
	s23 =	simm.s32 $0x2000;
	s24 =	simm.s32 $0x2400  }
0x18: {  	s25 =	sshrl.u32 s26, $0x3;
	s26 =	simm.s32 $0x2800;
	s0 =	simm.s32 $0x400  }
.LBB2_1:
0x19: {  	s7 =	simm.s32 @!p0 $0x1C04;
	s8 =	rddreg [dreg:$0x3]  }
0x1a: {  	[spmem:s15], [sflag:s7] =	dma.local @!p0 [hbm:s8], $0x19000  }
0x1b: {  	s7 =	simm.s32 @!p0 $0x4  }
0x1c: {  	_ =	swait.ge @!p0 [sflag:s7], $0x19000  }
0x1d: {  	[sflag:s7] =	ssyncset.done @!p0 $0x0  }
0x1e: {  	[sflag:s7] =	ssyncadd.s32 @!p0 $0xFFFE7000  }
0x1f: {  	[bflag:$0x0] =	sbarrier.arrive $0xFFFF  }
0x20: {  	s10 =	rddreg [dreg:$0x4]  }
0x21: {  	[tilespmem:s2], [sflag:$0x4] =	stream.linear.gather [hbm4b:s10+s2], $0x400, $0x38;
	[tilespmem:$0xF800] =	vst v63  }
0x22: {  	_ =	swait.ge [sflag:s16], $0x400  }
0x23: {  	[sflag:s16] =	ssyncset.done $0x0  }
0x24: {  	[sflag:s16] =	ssyncadd.s32 $0xFFFFFC00  }
0x25: {  	[tilespmem:s17], [sflag:$0x4] =	stream.linear.gather [hbm4b:s6+s2], $0x400, $0x38;
	[tilespmem:$0xF800] =	vst v63  }
0x26: {  	_ =	swait.ge [sflag:s16], $0x400  }
0x27: {  	s7 =	sand.u32 $0x400, s2;
	[sflag:s16] =	ssyncset.done $0x0  }
0x28: {  	s11 =	sxor.u32 $0x400, s7;
	[sflag:s16] =	ssyncadd.s32 $0xFFFFFC00  }
0x29: {  	[tilespmem:s11], [sflag:$0x1] =	stream.linear.gather [hbm4b:s14+s2], $0x400, $0x38;
	[tilespmem:$0xF800] =	vst v63  }
0x2a: {  	s9 =	sadd.s32 $0xFFF9E580, s14;
	s17 =	sxor.u32 $0xC00, s7  }
0x2b: {  	[tilespmem:s17], [sflag:$0x1] =	stream.linear.gather [hbm4b:s9+s2], $0x400, $0x38;
	[tilespmem:$0xF800] =	vst v63  }
0x2c: {  	_ = 	snop  }
0x2d: {  	[tilespmem:s19], [sflag:$0x2] =	stream.indirect.gather [hbm4b:s4+s18], $0x8, s7, s18, $0xb8;
	[tilespmem:$0xF800] =	vst v63  }
0x2e: {  	s10 =	sor.u32 $0x80, s7  }
0x2f: {  	[tilespmem:s20], [sflag:$0x2] =	stream.indirect.gather [hbm4b:s4+s18], $0x8, s10, s18, $0xb8;
	[tilespmem:$0xF800] =	vst v63  }
0x30: {  	s11 =	sor.u32 $0x100, s7  }
0x31: {  	[tilespmem:s21], [sflag:$0x2] =	stream.indirect.gather [hbm4b:s4+s18], $0x8, s11, s18, $0xb8;
	[tilespmem:$0xF800] =	vst v63  }
0x32: {  	s17 =	sor.u32 $0x180, s7  }
0x33: {  	[tilespmem:s22], [sflag:$0x2] =	stream.indirect.gather [hbm4b:s4+s18], $0x8, s17, s18, $0xb8;
	[tilespmem:$0xF800] =	vst v63  }
0x34: {  	s9 =	sor.u32 $0x200, s7  }
0x35: {  	[tilespmem:s23], [sflag:$0x2] =	stream.indirect.gather [hbm4b:s4+s18], $0x8, s9, s18, $0xb8;
	[tilespmem:$0xF800] =	vst v63  }
0x36: {  	s10 =	sor.u32 $0x280, s7  }
0x37: {  	[tilespmem:s24], [sflag:$0x2] =	stream.indirect.gather [hbm4b:s4+s18], $0x8, s10, s18, $0xb8;
	[tilespmem:$0xF800] =	vst v63  }
0x38: {  	s11 =	sor.u32 $0x300, s7  }
0x39: {  	[tilespmem:s26], [sflag:$0x2] =	stream.indirect.gather [hbm4b:s4+s18], $0x8, s11, s18, $0xb8;
	[tilespmem:$0xF800] =	vst v63  }
0x3a: {  	s17 =	sor.u32 $0x380, s7  }
0x3b: {  	[tilespmem:s28], [sflag:$0x2] =	stream.indirect.gather [hbm4b:s4+s18], $0x8, s17, s18, $0xb8;
	[tilespmem:$0xF800] =	vst v63  }
0x3c: {  	_ =	swait.ge [sflag:s29], $0x400  }
0x3d: {  	[sflag:s29] =	ssyncset.done $0x0  }
0x3e: {  	s9 =	sor.u32 $0x800, s7;
	[sflag:s29] =	ssyncadd.s32 $0xFFFFFC00  }
0x3f: {  	[spmem:s1] =	stream.indirect.scatter.add.f32 [tilespmem:s19], [sflag:$0x3], $0x8, s9, s18, $0xb8;
	[tilespmem:$0xF800] =	vst v63  }
0x40: {  	_ =	swait.ge [sflag:s29], $0x400  }
0x41: {  	[sflag:s29] =	ssyncset.done $0x0  }
0x42: {  	s10 =	sor.u32 $0x880, s7;
	[sflag:s29] =	ssyncadd.s32 $0xFFFFFC00  }
0x43: {  	[spmem:s1] =	stream.indirect.scatter.add.f32 [tilespmem:s20], [sflag:$0x3], $0x8, s10, s18, $0xb8;
	[tilespmem:$0xF800] =	vst v63  }
0x44: {  	_ =	swait.ge [sflag:s29], $0x400  }
0x45: {  	[sflag:s29] =	ssyncset.done $0x0  }
0x46: {  	s11 =	sor.u32 $0x900, s7;
	[sflag:s29] =	ssyncadd.s32 $0xFFFFFC00  }
0x47: {  	[spmem:s1] =	stream.indirect.scatter.add.f32 [tilespmem:s21], [sflag:$0x3], $0x8, s11, s18, $0xb8;
	[tilespmem:$0xF800] =	vst v63  }
0x48: {  	_ =	swait.ge [sflag:s29], $0x400  }
0x49: {  	[sflag:s29] =	ssyncset.done $0x0  }
0x4a: {  	s17 =	sor.u32 $0x980, s7;
	[sflag:s29] =	ssyncadd.s32 $0xFFFFFC00  }
0x4b: {  	[spmem:s1] =	stream.indirect.scatter.add.f32 [tilespmem:s22], [sflag:$0x3], $0x8, s17, s18, $0xb8;
	[tilespmem:$0xF800] =	vst v63  }
0x4c: {  	_ =	swait.ge [sflag:s29], $0x400  }
0x4d: {  	[sflag:s29] =	ssyncset.done $0x0  }
0x4e: {  	s9 =	sor.u32 $0xA00, s7;
	[sflag:s29] =	ssyncadd.s32 $0xFFFFFC00  }
0x4f: {  	[spmem:s1] =	stream.indirect.scatter.add.f32 [tilespmem:s23], [sflag:$0x3], $0x8, s9, s18, $0xb8;
	[tilespmem:$0xF800] =	vst v63  }
0x50: {  	_ =	swait.ge [sflag:s29], $0x400  }
0x51: {  	[sflag:s29] =	ssyncset.done $0x0  }
0x52: {  	s10 =	sor.u32 $0xA80, s7;
	[sflag:s29] =	ssyncadd.s32 $0xFFFFFC00  }
0x53: {  	[spmem:s1] =	stream.indirect.scatter.add.f32 [tilespmem:s24], [sflag:$0x3], $0x8, s10, s18, $0xb8;
	[tilespmem:$0xF800] =	vst v63  }
0x54: {  	_ =	swait.ge [sflag:s29], $0x400  }
0x55: {  	[sflag:s29] =	ssyncset.done $0x0  }
0x56: {  	s11 =	sor.u32 $0xB00, s7;
	[sflag:s29] =	ssyncadd.s32 $0xFFFFFC00  }
0x57: {  	[spmem:s1] =	stream.indirect.scatter.add.f32 [tilespmem:s26], [sflag:$0x3], $0x8, s11, s18, $0xb8;
	[tilespmem:$0xF800] =	vst v63  }
0x58: {  	_ =	swait.ge [sflag:s29], $0x400  }
0x59: {  	[sflag:s29] =	ssyncset.done $0x0  }
0x5a: {  	s7 =	sor.u32 $0xB80, s7;
	[sflag:s29] =	ssyncadd.s32 $0xFFFFFC00  }
0x5b: {  	[spmem:s1] =	stream.indirect.scatter.add.f32 [tilespmem:s28], [sflag:$0x3], $0x8, s7, s18, $0xb8;
	[tilespmem:$0xF800] =	vst v63  }
0x5c: {  	_ =	swait.ge [sflag:s30], $0x400  }
0x5d: {  	[sflag:s30] =	ssyncset.done $0x0  }
0x5e: {  	[sflag:s30] =	ssyncadd.s32 $0xFFFFFC00  }
0x5f: {  	_ =	swait.ge [sflag:s30], $0x400  }
0x60: {  	[sflag:s30] =	ssyncset.done $0x0  }
0x61: {  	[sflag:s30] =	ssyncadd.s32 $0xFFFFFC00  }
0x62: {  	_ =	swait.ge [sflag:s30], $0x400  }
0x63: {  	[sflag:s30] =	ssyncset.done $0x0  }
0x64: {  	[sflag:s30] =	ssyncadd.s32 $0xFFFFFC00  }
0x65: {  	_ =	swait.ge [sflag:s30], $0x400  }
0x66: {  	[sflag:s30] =	ssyncset.done $0x0  }
0x67: {  	[sflag:s30] =	ssyncadd.s32 $0xFFFFFC00  }
0x68: {  	_ =	swait.ge [sflag:s30], $0x400  }
0x69: {  	[sflag:s30] =	ssyncset.done $0x0  }
0x6a: {  	[sflag:s30] =	ssyncadd.s32 $0xFFFFFC00  }
0x6b: {  	_ =	swait.ge [sflag:s30], $0x400  }
0x6c: {  	[sflag:s30] =	ssyncset.done $0x0  }
0x6d: {  	[sflag:s30] =	ssyncadd.s32 $0xFFFFFC00  }
0x6e: {  	_ =	swait.ge [sflag:s30], $0x400  }
0x6f: {  	[sflag:s30] =	ssyncset.done $0x0  }
0x70: {  	[sflag:s30] =	ssyncadd.s32 $0xFFFFFC00  }
0x71: {  	_ =	swait.ge [sflag:s30], $0x400  }
0x72: {  	[sflag:s30] =	ssyncset.done $0x0  }
0x73: {  	[sflag:s30] =	ssyncadd.s32 $0xFFFFFC00  }
0x74: {  	_ =	swait.ge [sflag:s31], $0x400  }
0x75: {  	[sflag:s31] =	ssyncset.done $0x0  }
0x76: {  	s17 =	simm.s32 $0x400;
	[sflag:s31] =	ssyncadd.s32 $0xFFFFFC00  }
0x77: {  	s8 =	sand.u32 $0x400, s17;
	_ =	swait.ge [sflag:s31], $0x400  }
0x78: {  	s9 =	simm.s32 $0x800;
	s7 =	sadd.s32 $0x80, s14;
	[sflag:s31] =	ssyncset.done $0x0  }
.LBB2_2:
0x79: {  	s17 =	sxor.u32 $0x400, s8  }
0x7a: {  	[sflag:s31] =	ssyncadd.s32 $0xFFFFFC00;
	s10 =	smov.u32 s9;
	s11 =	sadd.s32 $0x400, s9  }
0x7b: {  	[tilespmem:s17], [sflag:$0x1] =	stream.linear.gather [hbm4b:s7+s2], $0x400, $0x38;
	[tilespmem:$0xF800] =	vst v63  }
0x7c: {  	p2 =	sne.s32 s9, $0x17C00;
	s9 =	sxor.u32 $0xC00, s8;
	s17 =	sadd.s32 $0xFFF9E580, s7  }
0x7d: {  	[tilespmem:s9], [sflag:$0x1] =	stream.linear.gather [hbm4b:s17+s2], $0x400, $0x38;
	[tilespmem:$0xF800] =	vst v63  }
0x7e: {  	_ = 	snop  }
0x7f: {  	[tilespmem:s19], [sflag:$0x2] =	stream.indirect.gather [hbm4b:s4+s18], $0x8, s8, s18, $0xb8;
	[tilespmem:$0xF800] =	vst v63  }
0x80: {  	s9 =	sor.u32 $0x80, s8  }
0x81: {  	[tilespmem:s20], [sflag:$0x2] =	stream.indirect.gather [hbm4b:s4+s18], $0x8, s9, s18, $0xb8;
	[tilespmem:$0xF800] =	vst v63  }
0x82: {  	s9 =	sor.u32 $0x100, s8  }
0x83: {  	[tilespmem:s21], [sflag:$0x2] =	stream.indirect.gather [hbm4b:s4+s18], $0x8, s9, s18, $0xb8;
	[tilespmem:$0xF800] =	vst v63  }
0x84: {  	s9 =	sor.u32 $0x180, s8  }
0x85: {  	[tilespmem:s22], [sflag:$0x2] =	stream.indirect.gather [hbm4b:s4+s18], $0x8, s9, s18, $0xb8;
	[tilespmem:$0xF800] =	vst v63  }
0x86: {  	s9 =	sor.u32 $0x200, s8  }
0x87: {  	[tilespmem:s23], [sflag:$0x2] =	stream.indirect.gather [hbm4b:s4+s18], $0x8, s9, s18, $0xb8;
	[tilespmem:$0xF800] =	vst v63  }
0x88: {  	s9 =	sor.u32 $0x280, s8  }
0x89: {  	[tilespmem:s24], [sflag:$0x2] =	stream.indirect.gather [hbm4b:s4+s18], $0x8, s9, s18, $0xb8;
	[tilespmem:$0xF800] =	vst v63  }
0x8a: {  	s9 =	sor.u32 $0x300, s8  }
0x8b: {  	[tilespmem:s26], [sflag:$0x2] =	stream.indirect.gather [hbm4b:s4+s18], $0x8, s9, s18, $0xb8;
	[tilespmem:$0xF800] =	vst v63  }
0x8c: {  	s9 =	sor.u32 $0x380, s8  }
0x8d: {  	[tilespmem:s28], [sflag:$0x2] =	stream.indirect.gather [hbm4b:s4+s18], $0x8, s9, s18, $0xb8;
	[tilespmem:$0xF800] =	vst v63  }
0x8e: {  	_ =	swait.ge [sflag:s29], $0x400  }
0x8f: {  	[sflag:s29] =	ssyncset.done $0x0  }
0x90: {  	s9 =	sor.u32 $0x800, s8;
	[sflag:s29] =	ssyncadd.s32 $0xFFFFFC00  }
0x91: {  	[spmem:s1] =	stream.indirect.scatter.add.f32 [tilespmem:s19], [sflag:$0x3], $0x8, s9, s18, $0xb8;
	[tilespmem:$0xF800] =	vst v63  }
0x92: {  	_ =	swait.ge [sflag:s29], $0x400  }
0x93: {  	[sflag:s29] =	ssyncset.done $0x0  }
0x94: {  	s9 =	sor.u32 $0x880, s8;
	[sflag:s29] =	ssyncadd.s32 $0xFFFFFC00  }
0x95: {  	[spmem:s1] =	stream.indirect.scatter.add.f32 [tilespmem:s20], [sflag:$0x3], $0x8, s9, s18, $0xb8;
	[tilespmem:$0xF800] =	vst v63  }
0x96: {  	_ =	swait.ge [sflag:s29], $0x400  }
0x97: {  	[sflag:s29] =	ssyncset.done $0x0  }
0x98: {  	s9 =	sor.u32 $0x900, s8;
	[sflag:s29] =	ssyncadd.s32 $0xFFFFFC00  }
0x99: {  	[spmem:s1] =	stream.indirect.scatter.add.f32 [tilespmem:s21], [sflag:$0x3], $0x8, s9, s18, $0xb8;
	[tilespmem:$0xF800] =	vst v63  }
0x9a: {  	_ =	swait.ge [sflag:s29], $0x400  }
0x9b: {  	[sflag:s29] =	ssyncset.done $0x0  }
0x9c: {  	s9 =	sor.u32 $0x980, s8;
	[sflag:s29] =	ssyncadd.s32 $0xFFFFFC00  }
0x9d: {  	[spmem:s1] =	stream.indirect.scatter.add.f32 [tilespmem:s22], [sflag:$0x3], $0x8, s9, s18, $0xb8;
	[tilespmem:$0xF800] =	vst v63  }
0x9e: {  	_ =	swait.ge [sflag:s29], $0x400  }
0x9f: {  	[sflag:s29] =	ssyncset.done $0x0  }
0xa0: {  	s9 =	sor.u32 $0xA00, s8;
	[sflag:s29] =	ssyncadd.s32 $0xFFFFFC00  }
0xa1: {  	[spmem:s1] =	stream.indirect.scatter.add.f32 [tilespmem:s23], [sflag:$0x3], $0x8, s9, s18, $0xb8;
	[tilespmem:$0xF800] =	vst v63  }
0xa2: {  	_ =	swait.ge [sflag:s29], $0x400  }
0xa3: {  	[sflag:s29] =	ssyncset.done $0x0  }
0xa4: {  	s9 =	sor.u32 $0xA80, s8;
	[sflag:s29] =	ssyncadd.s32 $0xFFFFFC00  }
0xa5: {  	[spmem:s1] =	stream.indirect.scatter.add.f32 [tilespmem:s24], [sflag:$0x3], $0x8, s9, s18, $0xb8;
	[tilespmem:$0xF800] =	vst v63  }
0xa6: {  	_ =	swait.ge [sflag:s29], $0x400  }
0xa7: {  	[sflag:s29] =	ssyncset.done $0x0  }
0xa8: {  	s9 =	sor.u32 $0xB00, s8;
	[sflag:s29] =	ssyncadd.s32 $0xFFFFFC00  }
0xa9: {  	[spmem:s1] =	stream.indirect.scatter.add.f32 [tilespmem:s26], [sflag:$0x3], $0x8, s9, s18, $0xb8;
	[tilespmem:$0xF800] =	vst v63  }
0xaa: {  	_ =	swait.ge [sflag:s29], $0x400  }
0xab: {  	[sflag:s29] =	ssyncset.done $0x0  }
0xac: {  	s8 =	sor.u32 $0xB80, s8;
	[sflag:s29] =	ssyncadd.s32 $0xFFFFFC00  }
0xad: {  	[spmem:s1] =	stream.indirect.scatter.add.f32 [tilespmem:s28], [sflag:$0x3], $0x8, s8, s18, $0xb8;
	[tilespmem:$0xF800] =	vst v63  }
0xae: {  	_ =	swait.ge [sflag:s30], $0x400  }
0xaf: {  	[sflag:s30] =	ssyncset.done $0x0  }
0xb0: {  	[sflag:s30] =	ssyncadd.s32 $0xFFFFFC00  }
0xb1: {  	_ =	swait.ge [sflag:s30], $0x400  }
0xb2: {  	[sflag:s30] =	ssyncset.done $0x0  }
0xb3: {  	[sflag:s30] =	ssyncadd.s32 $0xFFFFFC00  }
0xb4: {  	_ =	swait.ge [sflag:s30], $0x400  }
0xb5: {  	[sflag:s30] =	ssyncset.done $0x0  }
0xb6: {  	[sflag:s30] =	ssyncadd.s32 $0xFFFFFC00  }
0xb7: {  	_ =	swait.ge [sflag:s30], $0x400  }
0xb8: {  	[sflag:s30] =	ssyncset.done $0x0  }
0xb9: {  	[sflag:s30] =	ssyncadd.s32 $0xFFFFFC00  }
0xba: {  	_ =	swait.ge [sflag:s30], $0x400  }
0xbb: {  	[sflag:s30] =	ssyncset.done $0x0  }
0xbc: {  	[sflag:s30] =	ssyncadd.s32 $0xFFFFFC00  }
0xbd: {  	_ =	swait.ge [sflag:s30], $0x400  }
0xbe: {  	[sflag:s30] =	ssyncset.done $0x0  }
0xbf: {  	[sflag:s30] =	ssyncadd.s32 $0xFFFFFC00  }
0xc0: {  	_ =	swait.ge [sflag:s30], $0x400  }
0xc1: {  	[sflag:s30] =	ssyncset.done $0x0  }
0xc2: {  	[sflag:s30] =	ssyncadd.s32 $0xFFFFFC00  }
0xc3: {  	_ =	swait.ge [sflag:s30], $0x400  }
0xc4: {  	[sflag:s30] =	ssyncset.done $0x0  }
0xc5: {  	[sflag:s30] =	ssyncadd.s32 $0xFFFFFC00  }
.Ltmp0:
0xc6: {  	_ =	swait.ge [sflag:s31], $0x400;
	(pc) =	sbr.rel @p2 .LBB2_2-.Ltmp0, $4  }
0xc7: {  	[sflag:s31] =	ssyncset.done $0x0  }
0xc8: {  	[sflag:s31] =	ssyncadd.s32 $0xFFFFFC00  }
0xc9: {  	s7 =	sadd.s32 $0x80, s7;
	_ =	swait.ge [sflag:s31], $0x400  }
0xca: {  	s9 =	smov.u32 s11;
	s8 =	sand.u32 $0x400, s10;
	[sflag:s31] =	ssyncset.done $0x0  }
0xcb: {  	s9 =	sxor.u32 $0x400, s8;
	[sflag:s31] =	ssyncadd.s32 $0xFFFFFC00  }
0xcc: {  	[tilespmem:s9], [sflag:$0x1] =	stream.linear.gather [hbm4b:s7+s2], $0x400, $0x38;
	[tilespmem:$0xF800] =	vst v63  }
0xcd: {  	s17 =	sxor.u32 $0xC00, s8;
	s10 =	sadd.s32 $0xFFF9E580, s7  }
0xce: {  	[tilespmem:s17], [sflag:$0x1] =	stream.linear.gather [hbm4b:s10+s2], $0x400, $0x38;
	[tilespmem:$0xF800] =	vst v63  }
0xcf: {  	_ = 	snop  }
0xd0: {  	[tilespmem:s19], [sflag:$0x2] =	stream.indirect.gather [hbm4b:s4+s18], $0x8, s8, s18, $0xb8;
	[tilespmem:$0xF800] =	vst v63  }
0xd1: {  	s11 =	sor.u32 $0x80, s8  }
0xd2: {  	[tilespmem:s20], [sflag:$0x2] =	stream.indirect.gather [hbm4b:s4+s18], $0x8, s11, s18, $0xb8;
	[tilespmem:$0xF800] =	vst v63  }
0xd3: {  	s17 =	sor.u32 $0x100, s8  }
0xd4: {  	[tilespmem:s21], [sflag:$0x2] =	stream.indirect.gather [hbm4b:s4+s18], $0x8, s17, s18, $0xb8;
	[tilespmem:$0xF800] =	vst v63  }
0xd5: {  	s9 =	sor.u32 $0x180, s8  }
0xd6: {  	[tilespmem:s22], [sflag:$0x2] =	stream.indirect.gather [hbm4b:s4+s18], $0x8, s9, s18, $0xb8;
	[tilespmem:$0xF800] =	vst v63  }
0xd7: {  	s10 =	sor.u32 $0x200, s8  }
0xd8: {  	[tilespmem:s23], [sflag:$0x2] =	stream.indirect.gather [hbm4b:s4+s18], $0x8, s10, s18, $0xb8;
	[tilespmem:$0xF800] =	vst v63  }
0xd9: {  	s11 =	sor.u32 $0x280, s8  }
0xda: {  	[tilespmem:s24], [sflag:$0x2] =	stream.indirect.gather [hbm4b:s4+s18], $0x8, s11, s18, $0xb8;
	[tilespmem:$0xF800] =	vst v63  }
0xdb: {  	s17 =	sor.u32 $0x300, s8  }
0xdc: {  	[tilespmem:s26], [sflag:$0x2] =	stream.indirect.gather [hbm4b:s4+s18], $0x8, s17, s18, $0xb8;
	[tilespmem:$0xF800] =	vst v63  }
0xdd: {  	s9 =	sor.u32 $0x380, s8  }
0xde: {  	[tilespmem:s28], [sflag:$0x2] =	stream.indirect.gather [hbm4b:s4+s18], $0x8, s9, s18, $0xb8;
	[tilespmem:$0xF800] =	vst v63  }
0xdf: {  	_ =	swait.ge [sflag:s29], $0x400  }
0xe0: {  	[sflag:s29] =	ssyncset.done $0x0  }
0xe1: {  	s10 =	sor.u32 $0x800, s8;
	[sflag:s29] =	ssyncadd.s32 $0xFFFFFC00  }
0xe2: {  	[spmem:s1] =	stream.indirect.scatter.add.f32 [tilespmem:s19], [sflag:$0x3], $0x8, s10, s18, $0xb8;
	[tilespmem:$0xF800] =	vst v63  }
0xe3: {  	_ =	swait.ge [sflag:s29], $0x400  }
0xe4: {  	[sflag:s29] =	ssyncset.done $0x0  }
0xe5: {  	s11 =	sor.u32 $0x880, s8;
	[sflag:s29] =	ssyncadd.s32 $0xFFFFFC00  }
0xe6: {  	[spmem:s1] =	stream.indirect.scatter.add.f32 [tilespmem:s20], [sflag:$0x3], $0x8, s11, s18, $0xb8;
	[tilespmem:$0xF800] =	vst v63  }
0xe7: {  	_ =	swait.ge [sflag:s29], $0x400  }
0xe8: {  	[sflag:s29] =	ssyncset.done $0x0  }
0xe9: {  	s17 =	sor.u32 $0x900, s8;
	[sflag:s29] =	ssyncadd.s32 $0xFFFFFC00  }
0xea: {  	[spmem:s1] =	stream.indirect.scatter.add.f32 [tilespmem:s21], [sflag:$0x3], $0x8, s17, s18, $0xb8;
	[tilespmem:$0xF800] =	vst v63  }
0xeb: {  	_ =	swait.ge [sflag:s29], $0x400  }
0xec: {  	[sflag:s29] =	ssyncset.done $0x0  }
0xed: {  	s9 =	sor.u32 $0x980, s8;
	[sflag:s29] =	ssyncadd.s32 $0xFFFFFC00  }
0xee: {  	[spmem:s1] =	stream.indirect.scatter.add.f32 [tilespmem:s22], [sflag:$0x3], $0x8, s9, s18, $0xb8;
	[tilespmem:$0xF800] =	vst v63  }
0xef: {  	_ =	swait.ge [sflag:s29], $0x400  }
0xf0: {  	[sflag:s29] =	ssyncset.done $0x0  }
0xf1: {  	s10 =	sor.u32 $0xA00, s8;
	[sflag:s29] =	ssyncadd.s32 $0xFFFFFC00  }
0xf2: {  	[spmem:s1] =	stream.indirect.scatter.add.f32 [tilespmem:s23], [sflag:$0x3], $0x8, s10, s18, $0xb8;
	[tilespmem:$0xF800] =	vst v63  }
0xf3: {  	_ =	swait.ge [sflag:s29], $0x400  }
0xf4: {  	[sflag:s29] =	ssyncset.done $0x0  }
0xf5: {  	s11 =	sor.u32 $0xA80, s8;
	[sflag:s29] =	ssyncadd.s32 $0xFFFFFC00  }
0xf6: {  	[spmem:s1] =	stream.indirect.scatter.add.f32 [tilespmem:s24], [sflag:$0x3], $0x8, s11, s18, $0xb8;
	[tilespmem:$0xF800] =	vst v63  }
0xf7: {  	_ =	swait.ge [sflag:s29], $0x400  }
0xf8: {  	[sflag:s29] =	ssyncset.done $0x0  }
0xf9: {  	s17 =	sor.u32 $0xB00, s8;
	[sflag:s29] =	ssyncadd.s32 $0xFFFFFC00  }
0xfa: {  	[spmem:s1] =	stream.indirect.scatter.add.f32 [tilespmem:s26], [sflag:$0x3], $0x8, s17, s18, $0xb8;
	[tilespmem:$0xF800] =	vst v63  }
0xfb: {  	_ =	swait.ge [sflag:s29], $0x400  }
0xfc: {  	[sflag:s29] =	ssyncset.done $0x0  }
0xfd: {  	s9 =	sor.u32 $0xB80, s8;
	[sflag:s29] =	ssyncadd.s32 $0xFFFFFC00  }
0xfe: {  	[spmem:s1] =	stream.indirect.scatter.add.f32 [tilespmem:s28], [sflag:$0x3], $0x8, s9, s18, $0xb8;
	[tilespmem:$0xF800] =	vst v63  }
0xff: {  	_ =	swait.ge [sflag:s30], $0x400  }
0x100: {  	[sflag:s30] =	ssyncset.done $0x0  }
0x101: {  	[sflag:s30] =	ssyncadd.s32 $0xFFFFFC00  }
0x102: {  	_ =	swait.ge [sflag:s30], $0x400  }
0x103: {  	[sflag:s30] =	ssyncset.done $0x0  }
0x104: {  	[sflag:s30] =	ssyncadd.s32 $0xFFFFFC00  }
0x105: {  	_ =	swait.ge [sflag:s30], $0x400  }
0x106: {  	[sflag:s30] =	ssyncset.done $0x0  }
0x107: {  	[sflag:s30] =	ssyncadd.s32 $0xFFFFFC00  }
0x108: {  	_ =	swait.ge [sflag:s30], $0x400  }
0x109: {  	[sflag:s30] =	ssyncset.done $0x0  }
0x10a: {  	[sflag:s30] =	ssyncadd.s32 $0xFFFFFC00  }
0x10b: {  	_ =	swait.ge [sflag:s30], $0x400  }
0x10c: {  	[sflag:s30] =	ssyncset.done $0x0  }
0x10d: {  	[sflag:s30] =	ssyncadd.s32 $0xFFFFFC00  }
0x10e: {  	_ =	swait.ge [sflag:s30], $0x400  }
0x10f: {  	[sflag:s30] =	ssyncset.done $0x0  }
0x110: {  	[sflag:s30] =	ssyncadd.s32 $0xFFFFFC00  }
0x111: {  	_ =	swait.ge [sflag:s30], $0x400  }
0x112: {  	[sflag:s30] =	ssyncset.done $0x0  }
0x113: {  	[sflag:s30] =	ssyncadd.s32 $0xFFFFFC00  }
0x114: {  	_ =	swait.ge [sflag:s30], $0x400  }
0x115: {  	[sflag:s30] =	ssyncset.done $0x0  }
0x116: {  	[sflag:s30] =	ssyncadd.s32 $0xFFFFFC00  }
0x117: {  	_ =	swait.ge [sflag:s31], $0x400  }
0x118: {  	[sflag:s31] =	ssyncset.done $0x0  }
0x119: {  	[sflag:s31] =	ssyncadd.s32 $0xFFFFFC00  }
0x11a: {  	_ =	swait.ge [sflag:s31], $0x400  }
0x11b: {  	[sflag:s31] =	ssyncset.done $0x0  }
0x11c: {  	s10 =	rddreg [dreg:$0x5];
	[sflag:s31] =	ssyncadd.s32 $0xFFFFFC00  }
0x11d: {  	[tilespmem:s0], [sflag:$0x1] =	stream.linear.gather [hbm4b:s10+s2], $0x280, $0x38;
	[tilespmem:$0xF800] =	vst v63  }
0x11e: {  	s11 =	rddreg [dreg:$0x6]  }
0x11f: {  	[tilespmem:s3], [sflag:$0x1] =	stream.linear.gather [hbm4b:s11+s2], $0x280, $0x38;
	[tilespmem:$0xF800] =	vst v63  }
0x120: {  	_ = 	snop  }
0x121: {  	[tilespmem:s19], [sflag:$0x2] =	stream.indirect.gather [hbm4b:s4+s18], $0x8, s2, s18, $0xb8;
	[tilespmem:$0xF800] =	vst v63  }
0x122: {  	_ = 	snop  }
0x123: {  	[tilespmem:s20], [sflag:$0x2] =	stream.indirect.gather [hbm4b:s4+s18], $0x8, s18, s18, $0xb8;
	[tilespmem:$0xF800] =	vst v63  }
0x124: {  	s17 =	simm.s32 $0x100  }
0x125: {  	[tilespmem:s21], [sflag:$0x2] =	stream.indirect.gather [hbm4b:s4+s18], $0x8, s17, s18, $0xb8;
	[tilespmem:$0xF800] =	vst v63  }
0x126: {  	s8 =	simm.s32 $0x180  }
0x127: {  	[tilespmem:s22], [sflag:$0x2] =	stream.indirect.gather [hbm4b:s4+s18], $0x8, s8, s18, $0xb8;
	[tilespmem:$0xF800] =	vst v63  }
0x128: {  	s9 =	simm.s32 $0x200  }
0x129: {  	[tilespmem:s23], [sflag:$0x2] =	stream.indirect.gather [hbm4b:s4+s18], $0x8, s9, s18, $0xb8;
	[tilespmem:$0xF800] =	vst v63  }
0x12a: {  	s10 =	simm.s32 $0x280  }
0x12b: {  	[tilespmem:s24], [sflag:$0x2] =	stream.indirect.gather [hbm4b:s4+s18], $0x8, s10, s18, $0xb8;
	[tilespmem:$0xF800] =	vst v63  }
0x12c: {  	s11 =	simm.s32 $0x300  }
0x12d: {  	[tilespmem:s26], [sflag:$0x2] =	stream.indirect.gather [hbm4b:s4+s18], $0x8, s11, s18, $0xb8;
	[tilespmem:$0xF800] =	vst v63  }
0x12e: {  	s17 =	simm.s32 $0x380  }
0x12f: {  	[tilespmem:s28], [sflag:$0x2] =	stream.indirect.gather [hbm4b:s4+s18], $0x8, s17, s18, $0xb8;
	[tilespmem:$0xF800] =	vst v63  }
0x130: {  	_ =	swait.ge [sflag:s29], $0x400  }
0x131: {  	[sflag:s29] =	ssyncset.done $0x0  }
0x132: {  	s17 =	simm.s32 $0x800;
	[sflag:s29] =	ssyncadd.s32 $0xFFFFFC00  }
0x133: {  	[spmem:s1] =	stream.indirect.scatter.add.f32 [tilespmem:s19], [sflag:$0x3], $0x8, s17, s18, $0xb8;
	[tilespmem:$0xF800] =	vst v63  }
0x134: {  	_ =	swait.ge [sflag:s29], $0x400  }
0x135: {  	[sflag:s29] =	ssyncset.done $0x0  }
0x136: {  	s8 =	simm.s32 $0x880;
	[sflag:s29] =	ssyncadd.s32 $0xFFFFFC00  }
0x137: {  	[spmem:s1] =	stream.indirect.scatter.add.f32 [tilespmem:s20], [sflag:$0x3], $0x8, s8, s18, $0xb8;
	[tilespmem:$0xF800] =	vst v63  }
0x138: {  	_ =	swait.ge [sflag:s29], $0x400  }
0x139: {  	[sflag:s29] =	ssyncset.done $0x0  }
0x13a: {  	s9 =	simm.s32 $0x900;
	[sflag:s29] =	ssyncadd.s32 $0xFFFFFC00  }
0x13b: {  	[spmem:s1] =	stream.indirect.scatter.add.f32 [tilespmem:s21], [sflag:$0x3], $0x8, s9, s18, $0xb8;
	[tilespmem:$0xF800] =	vst v63  }
0x13c: {  	_ =	swait.ge [sflag:s29], $0x400  }
0x13d: {  	[sflag:s29] =	ssyncset.done $0x0  }
0x13e: {  	s10 =	simm.s32 $0x980;
	[sflag:s29] =	ssyncadd.s32 $0xFFFFFC00  }
0x13f: {  	[spmem:s1] =	stream.indirect.scatter.add.f32 [tilespmem:s22], [sflag:$0x3], $0x8, s10, s18, $0xb8;
	[tilespmem:$0xF800] =	vst v63  }
0x140: {  	_ =	swait.ge [sflag:s29], $0x400  }
0x141: {  	[sflag:s29] =	ssyncset.done $0x0  }
0x142: {  	s11 =	simm.s32 $0xA00;
	[sflag:s29] =	ssyncadd.s32 $0xFFFFFC00  }
0x143: {  	[spmem:s1] =	stream.indirect.scatter.add.f32 [tilespmem:s23], [sflag:$0x3], $0x8, s11, s18, $0xb8;
	[tilespmem:$0xF800] =	vst v63  }
0x144: {  	_ =	swait.ge [sflag:s29], $0x400  }
0x145: {  	[sflag:s29] =	ssyncset.done $0x0  }
0x146: {  	s8 =	simm.s32 $0xA80;
	[sflag:s29] =	ssyncadd.s32 $0xFFFFFC00  }
0x147: {  	[spmem:s1] =	stream.indirect.scatter.add.f32 [tilespmem:s24], [sflag:$0x3], $0x8, s8, s18, $0xb8;
	[tilespmem:$0xF800] =	vst v63  }
0x148: {  	_ =	swait.ge [sflag:s29], $0x400  }
0x149: {  	[sflag:s29] =	ssyncset.done $0x0  }
0x14a: {  	s9 =	simm.s32 $0xB00;
	[sflag:s29] =	ssyncadd.s32 $0xFFFFFC00  }
0x14b: {  	[spmem:s1] =	stream.indirect.scatter.add.f32 [tilespmem:s26], [sflag:$0x3], $0x8, s9, s18, $0xb8;
	[tilespmem:$0xF800] =	vst v63  }
0x14c: {  	_ =	swait.ge [sflag:s29], $0x400  }
0x14d: {  	[sflag:s29] =	ssyncset.done $0x0  }
0x14e: {  	s10 =	simm.s32 $0xB80;
	[sflag:s29] =	ssyncadd.s32 $0xFFFFFC00  }
0x14f: {  	[spmem:s1] =	stream.indirect.scatter.add.f32 [tilespmem:s28], [sflag:$0x3], $0x8, s10, s18, $0xb8;
	[tilespmem:$0xF800] =	vst v63  }
0x150: {  	_ =	swait.ge [sflag:s30], $0x400  }
0x151: {  	[sflag:s30] =	ssyncset.done $0x0  }
0x152: {  	[sflag:s30] =	ssyncadd.s32 $0xFFFFFC00  }
0x153: {  	_ =	swait.ge [sflag:s30], $0x400  }
0x154: {  	[sflag:s30] =	ssyncset.done $0x0  }
0x155: {  	[sflag:s30] =	ssyncadd.s32 $0xFFFFFC00  }
0x156: {  	_ =	swait.ge [sflag:s30], $0x400  }
0x157: {  	[sflag:s30] =	ssyncset.done $0x0  }
0x158: {  	[sflag:s30] =	ssyncadd.s32 $0xFFFFFC00  }
0x159: {  	_ =	swait.ge [sflag:s30], $0x400  }
0x15a: {  	[sflag:s30] =	ssyncset.done $0x0  }
0x15b: {  	[sflag:s30] =	ssyncadd.s32 $0xFFFFFC00  }
0x15c: {  	_ =	swait.ge [sflag:s30], $0x400  }
0x15d: {  	[sflag:s30] =	ssyncset.done $0x0  }
0x15e: {  	[sflag:s30] =	ssyncadd.s32 $0xFFFFFC00  }
0x15f: {  	_ =	swait.ge [sflag:s30], $0x400  }
0x160: {  	[sflag:s30] =	ssyncset.done $0x0  }
0x161: {  	[sflag:s30] =	ssyncadd.s32 $0xFFFFFC00  }
0x162: {  	_ =	swait.ge [sflag:s30], $0x400  }
0x163: {  	[sflag:s30] =	ssyncset.done $0x0  }
0x164: {  	[sflag:s30] =	ssyncadd.s32 $0xFFFFFC00  }
0x165: {  	_ =	swait.ge [sflag:s30], $0x400  }
0x166: {  	[sflag:s30] =	ssyncset.done $0x0  }
0x167: {  	[sflag:s30] =	ssyncadd.s32 $0xFFFFFC00  }
0x168: {  	_ =	swait.ge [sflag:s31], $0x280  }
0x169: {  	[sflag:s31] =	ssyncset.done $0x0  }
0x16a: {  	[sflag:s31] =	ssyncadd.s32 $0xFFFFFD80  }
0x16b: {  	_ =	swait.ge [sflag:s31], $0x280  }
0x16c: {  	[sflag:s31] =	ssyncset.done $0x0  }
0x16d: {  	[sflag:s31] =	ssyncadd.s32 $0xFFFFFD80  }
0x16e: {  	[tilespmem:s19], [sflag:$0x2] =	stream.indirect.gather [hbm4b:s4+s18], $0x8, s0, s18, $0xb8;
	[tilespmem:$0xF800] =	vst v63  }
0x16f: {  	s11 =	simm.s32 $0x480  }
0x170: {  	[tilespmem:s20], [sflag:$0x2] =	stream.indirect.gather [hbm4b:s4+s18], $0x8, s11, s18, $0xb8;
	[tilespmem:$0xF800] =	vst v63  }
0x171: {  	s8 =	simm.s32 $0x500  }
0x172: {  	[tilespmem:s21], [sflag:$0x2] =	stream.indirect.gather [hbm4b:s4+s18], $0x8, s8, s18, $0xb8;
	[tilespmem:$0xF800] =	vst v63  }
0x173: {  	s9 =	simm.s32 $0x580  }
0x174: {  	[tilespmem:s22], [sflag:$0x2] =	stream.indirect.gather [hbm4b:s4+s18], $0x8, s9, s18, $0xb8;
	[tilespmem:$0xF800] =	vst v63  }
0x175: {  	s10 =	simm.s32 $0x600  }
0x176: {  	[tilespmem:s23], [sflag:$0x2] =	stream.indirect.gather [hbm4b:s4+s18], $0x8, s10, s18, $0xb8;
	[tilespmem:$0xF800] =	vst v63  }
0x177: {  	_ =	swait.ge [sflag:s29], $0x400  }
0x178: {  	[sflag:s29] =	ssyncset.done $0x0  }
0x179: {  	[sflag:s29] =	ssyncadd.s32 $0xFFFFFC00  }
0x17a: {  	[spmem:s1] =	stream.indirect.scatter.add.f32 [tilespmem:s19], [sflag:$0x3], $0x8, s3, s18, $0xb8;
	[tilespmem:$0xF800] =	vst v63  }
0x17b: {  	_ =	swait.ge [sflag:s29], $0x400  }
0x17c: {  	[sflag:s29] =	ssyncset.done $0x0  }
0x17d: {  	s11 =	simm.s32 $0xC80;
	[sflag:s29] =	ssyncadd.s32 $0xFFFFFC00  }
0x17e: {  	[spmem:s1] =	stream.indirect.scatter.add.f32 [tilespmem:s20], [sflag:$0x3], $0x8, s11, s18, $0xb8;
	[tilespmem:$0xF800] =	vst v63  }
0x17f: {  	_ =	swait.ge [sflag:s29], $0x400  }
0x180: {  	[sflag:s29] =	ssyncset.done $0x0  }
0x181: {  	s8 =	simm.s32 $0xD00;
	[sflag:s29] =	ssyncadd.s32 $0xFFFFFC00  }
0x182: {  	[spmem:s1] =	stream.indirect.scatter.add.f32 [tilespmem:s21], [sflag:$0x3], $0x8, s8, s18, $0xb8;
	[tilespmem:$0xF800] =	vst v63  }
0x183: {  	_ =	swait.ge [sflag:s29], $0x400  }
0x184: {  	[sflag:s29] =	ssyncset.done $0x0  }
0x185: {  	s9 =	simm.s32 $0xD80;
	[sflag:s29] =	ssyncadd.s32 $0xFFFFFC00  }
0x186: {  	[spmem:s1] =	stream.indirect.scatter.add.f32 [tilespmem:s22], [sflag:$0x3], $0x8, s9, s18, $0xb8;
	[tilespmem:$0xF800] =	vst v63  }
0x187: {  	_ =	swait.ge [sflag:s29], $0x400  }
0x188: {  	[sflag:s29] =	ssyncset.done $0x0  }
0x189: {  	s10 =	simm.s32 $0xE00;
	[sflag:s29] =	ssyncadd.s32 $0xFFFFFC00  }
0x18a: {  	[spmem:s1] =	stream.indirect.scatter.add.f32 [tilespmem:s23], [sflag:$0x3], $0x8, s10, s18, $0xb8;
	[tilespmem:$0xF800] =	vst v63  }
0x18b: {  	_ =	swait.ge [sflag:s30], $0x400  }
0x18c: {  	[sflag:s30] =	ssyncset.done $0x0  }
0x18d: {  	[sflag:s30] =	ssyncadd.s32 $0xFFFFFC00  }
0x18e: {  	_ =	swait.ge [sflag:s30], $0x400  }
0x18f: {  	[sflag:s30] =	ssyncset.done $0x0  }
0x190: {  	[sflag:s30] =	ssyncadd.s32 $0xFFFFFC00  }
0x191: {  	_ =	swait.ge [sflag:s30], $0x400  }
0x192: {  	[sflag:s30] =	ssyncset.done $0x0  }
0x193: {  	[sflag:s30] =	ssyncadd.s32 $0xFFFFFC00  }
0x194: {  	_ =	swait.ge [sflag:s30], $0x400  }
0x195: {  	[sflag:s30] =	ssyncset.done $0x0  }
0x196: {  	[sflag:s30] =	ssyncadd.s32 $0xFFFFFC00  }
0x197: {  	_ =	swait.ge [sflag:s30], $0x400  }
0x198: {  	[sflag:s30] =	ssyncset.done $0x0  }
0x199: {  	s7 =	simm.s32 @!p1 $0x0;
	s8 =	rddreg [dreg:$0x7];
	[sflag:s30] =	ssyncadd.s32 $0xFFFFFC00  }
0x19a: {  	[tilespmem:s7], [sflag:$0x4] =	stream.linear.gather @!p1 [hbm4b:s8+s7], $0x80, $0x38;
	[tilespmem:$0xF800] =	vst v63  }
0x19b: {  	s8 =	simm.s32 @!p1 $0x4  }
0x19c: {  	_ =	swait.ge @!p1 [sflag:s8], $0x80  }
0x19d: {  	[sflag:s8] =	ssyncset.done @!p1 $0x0  }
0x19e: {  	s9 =	simm.s32 @!p1 $0x800;
	s10 =	rddreg [dreg:$0x8];
	[sflag:s8] =	ssyncadd.s32 @!p1 $0xFFFFFF80  }
0x19f: {  	[tilespmem:s9], [sflag:$0x4] =	stream.linear.gather @!p1 [hbm4b:s10+s7], $0x80, $0x38;
	[tilespmem:$0xF800] =	vst v63  }
0x1a0: {  	_ =	swait.ge @!p1 [sflag:s8], $0x80  }
0x1a1: {  	[sflag:s8] =	ssyncset.done @!p1 $0x0  }
0x1a2: {  	s11 =	simm.s32 @!p1 $0x1000;
	s10 =	simm.s32 @!p1 $0x80;
	[sflag:s8] =	ssyncadd.s32 @!p1 $0xFFFFFF80  }
0x1a3: {  	[tilespmem:s11], [sflag:$0x4] =	stream.indirect.gather @!p1 [hbm4b:s4+s10], $0x8, s7, s10, $0xb8;
	[tilespmem:$0xF800] =	vst v63  }
0x1a4: {  	_ =	swait.ge @!p1 [sflag:s8], $0x400  }
0x1a5: {  	[sflag:s8] =	ssyncset.done @!p1 $0x0  }
0x1a6: {  	[sflag:s8] =	ssyncadd.s32 @!p1 $0xFFFFFC00  }
0x1a7: {  	[spmem:s1] =	stream.indirect.scatter.add.f32 @!p1 [tilespmem:s11], [sflag:$0x4], $0x8, s9, s10, $0xb8;
	[tilespmem:$0xF800] =	vst v63  }
0x1a8: {  	_ =	swait.ge @!p1 [sflag:s8], $0x400  }
0x1a9: {  	s5 =	sadd.s32 $0x1, s5;
	s11 =	stileid.u32;
	[sflag:s8] =	ssyncset.done @!p1 $0x0  }
0x1aa: {  	p2 =	sne.s32 s5, s13;
	s7 =	sshll.u32 s11, $0x6;
	[sflag:s8] =	ssyncadd.s32 @!p1 $0xFFFFFC00  }
.Ltmp1:
0x1ab: {  	s7 =	sor.u32 $0x1C04, s7;
	[bflag:$0x0] =	sbarrier.arrive $0xFFFF;
	(pc) =	sbr.rel @p2 .LBB2_1-.Ltmp1, $4  }
0x1ac: {  	[hbm:s12], [sflag:s7] =	dma.local [spmem:s25], $0x1900  }
0x1ad: {  	_ =	swait.ge [sflag:s16], $0x1900  }
0x1ae: {  	[sflag:s16] =	ssyncset.done $0x0  }
0x1af: {  	[sflag:s16] =	ssyncadd.s32 $0xFFFFE700  }
0x1b0: {  	_ =	sfence.sel $0x180000  }
0x1b1: {  	[bflag:$0x0] =	sbarrier.arrive $0xFFFF  }
0x1b2: {  	_ =	strace $0x9000004A  }
0x1b3: {  	[bflag:$0x2] =	sbarrier.arrive $0xFFFF  }
0x1b4: {  	s0 =	rddreg [dreg:$0x2]  }
0x1b5: {  	s0 =	sadd.s32 @!p0 $0x100000, s0  }
0x1b6: {  	[sflag:s0] =	ssyncadd.tile.s32 @!p0 $0x1;
	_ =	shalt  }
.Lfunc_end2:
_tile_overlayer_lowered:
.L_overlay_start_2:
0x1b7: {  	(tag) =	ssettag $0x2  }
0x1b8: {  	s0 =	rddreg [dreg:$0x0];
	s2 =	stileid.u32  }
0x1b9: {  	s1 =	rddreg [dreg:$0x1];
	p0 =	sne.s32 s2, $0x0  }
0x1ba: {  	s3 =	rddreg [dreg:$0x2];
	[bflag:$0x3] =	sbarrier.arrive $0xFFFF;
	s2 =	simm.s32 @!p0 $0x1C04  }
0x1bb: {  	[timem:s3], [sflag:s2] =	dma.local @!p0 [hbm:s0], s1  }
0x1bc: {  	s0 =	simm.s32 @!p0 $0x4  }
0x1bd: {  	_ =	swait.ge @!p0 [sflag:s0], s1  }
0x1be: {  	s1 =	ssub.s32 @!p0 $0x0, s1;
	[sflag:s0] =	ssyncset.done @!p0 $0x0  }
0x1bf: {  	[sflag:s0] =	ssyncadd.s32 @!p0 s1  }
0x1c0: {  	[bflag:$0x3] =	sbarrier.arrive $0xFFFF  }
0x1c1: {  	_ =	shalt  }

// kernel: kernel.17.cloned.1.call-start
scs
__scs_entry_jumppad:
0x0: {  	(pc) =	sbr.rel $0x88, $3  }
0x1: {  	(tag) =	ssettag $0x0;
	lr =	simm.s32 $0x1  }
0x2: {  	[smem:$0x3F78] =	sst lr;
	_ =	strace $0xD0000000  }
0x3: {  	_ = 	snop  }
0x4: {  	_ = 	snop  }
0x5: {  	_ = 	snop  }
0x6: {  	_ = 	snop  }
0x7: {  	_ = 	snop  }
__scs_overlays_trampoline_lowered:
0x8: {  	[smem:$0x3F87] =	sst s0  }
0x9: {  	[smem:$0x3F88] =	sst s1  }
0xa: {  	[smem:$0x3F89] =	sst s2  }
0xb: {  	[smem:$0x3F8A] =	sst s3  }
0xc: {  	[smem:$0x3F8B] =	sst s4  }
0xd: {  	[smem:$0x3F8C] =	sst s5  }
0xe: {  	[smem:$0x3F8D] =	sst s6  }
0xf: {  	[smem:$0x3F8E] =	sst s7  }
0x10: {  	[smem:$0x3F8F] =	sst s8  }
0x11: {  	[smem:$0x3F90] =	sst s9;
	s0 =	simm.s32 @!p0 $0x0  }
0x12: {  	s1 =	sld [smem:$0x3F76];
	s0 =	simm.s32 @p0 $0x1  }
0x13: {  	[smem:$0x3F91] =	sst s0;
	s0 =	simm.s32 @!p1 $0x0  }
0x14: {  	s2 =	sld [smem:$0x3F75];
	s0 =	simm.s32 @p1 $0x1  }
0x15: {  	[smem:$0x3F92] =	sst s0;
	s0 =	simm.s32 @!p2 $0x0  }
0x16: {  	s3 =	sld [smem:$0x3FDB];
	s0 =	simm.s32 @p2 $0x1  }
0x17: {  	s4 =	simm.s32 $0x1BF5;
	[smem:$0x3F94] =	sst s0  }
0x18: {  	s0 =	sld [smem:$0x3F77];
	_ =	swait.ge [sflag:s4], $0x0  }
0x19: {  	s7 =	sld [smem:$0x3F78]  }
0x1a: {  	s8 =	sadd.s32 $0xFFFFE003, lr  }
0x1b: {  	s9 =	sadd.s32 $0xFFFFFEF7, lr;
	s5 =	simm.s32 $0xFFFFFFFF;
	p2 =	slt.u32 s8, $0xFFFFF086  }
0x1c: {  	p1 =	slt.u32 s9, $0xF7A;
	s5 =	simm.s32 @!p2 $0x0  }
0x1d: {  	s5 =	simm.s32 @p1 $0x1;
	p0 =	seq.s32 s7, s2  }
0x1e: {  	s7 =	smul.u32 @!p0 $0xF7A, s2;
	p2 =	seq.s32 @!p0 s5, $0x0  }
0x1f: {  	s9 =	smul.u32 $0xF7A, s1;
	s8 =	simm.s32 @!p0 $0x1BF5;
	p2 =	por !p2, p0  }
0x20: {  	[sflag:s8] =	ssyncset.s32 @!p0 $0xFFFFF086;
	s6 =	sadd.s32 @!p0 s3, s7;
	s7 =	simm.s32 @!p0 $0x108  }
0x21: {  	s3 =	sadd.s32 s3, s9;
	s6 =	sadd.s32 @!p0 $0x88, s6;
	s7 =	simm.s32 @p2 $0x1082  }
0x22: {  	[simem:s7], [sflag:s8] =	dma.local @!p0 [hbm:s6], $0xF7A  }
0x23: {  	s9 =	sor.u32 $0xD0000000, s2;
	s6 =	simm.s32 $0x108;
	_ =	swait.ge @!p0 [sflag:s8], $0x0  }
0x24: {  	s3 =	sadd.s32 $0x88, s3;
	s6 =	simm.s32 @!p1 $0x1082;
	[sflag:s4] =	ssyncset.s32 $0xFFFFF086  }
0x25: {  	[simem:s6], [sflag:s4] =	dma.local [hbm:s3], $0xF7A  }
0x26: {  	[smem:$0x3F78] =	sst s1;
	(tag) =	ssettag s2;
	_ =	strace s9  }
0x27: {  	s1 =	sld [smem:$0x3F88]  }
0x28: {  	s2 =	sld [smem:$0x3F89]  }
0x29: {  	s4 =	sld [smem:$0x3F8B]  }
0x2a: {  	p0 =	seq.s32 s5, $0x0;
	s5 =	sld [smem:$0x3F8C]  }
0x2b: {  	s6 =	sld [smem:$0x3F8D]  }
0x2c: {  	s7 =	sld [smem:$0x3F8E]  }
0x2d: {  	s3 =	simm.s32 $0x108;
	s8 =	sld [smem:$0x3F8F]  }
0x2e: {  	s3 =	simm.s32 @!p0 $0x1082;
	s9 =	sld [smem:$0x3F90]  }
0x2f: {  	lr =	sadd.s32 s0, s3;
	s0 =	sld [smem:$0x3F87]  }
0x30: {  	s3 =	sld [smem:$0x3F8A]  }
0x31: {  	[smem:$0x3F93] =	sst s10  }
0x32: {  	s10 =	sld [smem:$0x3F91];
	_ =	sdelay $0x3  }
0x33: {  	p0 =	seq.s32 s10, $0x1;
	s10 =	sld [smem:$0x3F93];
	_ =	sdelay $0x3  }
0x34: {  	[smem:$0x3F93] =	sst s10  }
0x35: {  	s10 =	sld [smem:$0x3F92];
	_ =	sdelay $0x3  }
0x36: {  	p1 =	seq.s32 s10, $0x1;
	s10 =	sld [smem:$0x3F93];
	_ =	sdelay $0x3  }
0x37: {  	[smem:$0x3F93] =	sst s10  }
0x38: {  	s10 =	sld [smem:$0x3F94]  }
0x39: {  	_ = 	snop;
	(pc) =	sbr.ind lr, $3  }
0x3a: {  	_ = 	snop  }
0x3b: {  	_ = 	snop  }
0x3c: {  	p2 =	seq.s32 s10, $0x1;
	s10 =	sld [smem:$0x3F93]  }
0x3d: {  	_ =	shalt  }
0x3e: {  	_ =	shalt  }
0x3f: {  	_ =	shalt  }
0x40: {  	_ =	shalt  }
0x41: {  	_ =	shalt  }
0x42: {  	_ =	shalt  }
0x43: {  	_ =	shalt  }
0x44: {  	_ =	shalt  }
0x45: {  	_ =	shalt  }
0x46: {  	_ =	shalt  }
0x47: {  	_ =	shalt  }
0x48: {  	_ =	shalt  }
0x49: {  	_ =	shalt  }
0x4a: {  	_ =	shalt  }
0x4b: {  	_ =	shalt  }
0x4c: {  	_ =	shalt  }
0x4d: {  	_ =	shalt  }
0x4e: {  	_ =	shalt  }
0x4f: {  	_ =	shalt  }
0x50: {  	_ =	shalt  }
0x51: {  	_ =	shalt  }
0x52: {  	_ =	shalt  }
0x53: {  	_ =	shalt  }
0x54: {  	_ =	shalt  }
0x55: {  	_ =	shalt  }
0x56: {  	_ =	shalt  }
0x57: {  	_ =	shalt  }
0x58: {  	_ =	shalt  }
0x59: {  	_ =	shalt  }
0x5a: {  	_ =	shalt  }
0x5b: {  	_ =	shalt  }
0x5c: {  	_ =	shalt  }
0x5d: {  	_ =	shalt  }
0x5e: {  	_ =	shalt  }
0x5f: {  	_ =	shalt  }
0x60: {  	_ =	shalt  }
0x61: {  	_ =	shalt  }
0x62: {  	_ =	shalt  }
0x63: {  	_ =	shalt  }
0x64: {  	_ =	shalt  }
0x65: {  	_ =	shalt  }
0x66: {  	_ =	shalt  }
0x67: {  	_ =	shalt  }
0x68: {  	_ =	shalt  }
0x69: {  	_ =	shalt  }
0x6a: {  	_ =	shalt  }
0x6b: {  	_ =	shalt  }
0x6c: {  	_ =	shalt  }
0x6d: {  	_ =	shalt  }
0x6e: {  	_ =	shalt  }
0x6f: {  	_ =	shalt  }
0x70: {  	_ =	shalt  }
0x71: {  	_ =	shalt  }
0x72: {  	_ =	shalt  }
0x73: {  	_ =	shalt  }
0x74: {  	_ =	shalt  }
0x75: {  	_ =	shalt  }
0x76: {  	_ =	shalt  }
0x77: {  	_ =	shalt  }
0x78: {  	_ =	shalt  }
0x79: {  	_ =	shalt  }
0x7a: {  	_ =	shalt  }
0x7b: {  	_ =	shalt  }
0x7c: {  	_ =	shalt  }
0x7d: {  	_ =	shalt  }
0x7e: {  	_ =	shalt  }
0x7f: {  	_ =	shalt  }
0x80: {  	_ =	shalt  }
0x81: {  	_ =	shalt  }
0x82: {  	_ =	shalt  }
0x83: {  	_ =	shalt  }
0x84: {  	_ =	shalt  }
0x85: {  	_ =	shalt  }
0x86: {  	_ =	shalt  }
0x87: {  	_ =	shalt  }
.Lfunc_end0:
.L_simem_size_0:
called_computation.2_lowered:
.L_overlay_start_0:
0x88: {  	s2 =	sld [smem:$0x3FD9]  }
0x89: {  	s3 =	sld [smem:$0x3FFE];
	_ =	sdelay $0x1  }
0x8a: {  	s1 =	srdreg.scid  }
0x8b: {  	s0 =	sand.u32 $0x1, s1  }
0x8c: {  	s14 =	sshll.u32 s0, $0xA;
	s2 =	sadd.s32 s3, s2  }
0x8d: {  	s2 =	sadd.s32 s2, s14  }
0x8e: {  	[smem:$0x3F9F] =	sst s2  }
0x8f: {  	_ = 	snop  }
0x90: {  	s2 =	sld [smem:$0x3FD0];
	_ =	sdelay $0x2  }
0x91: {  	s15 =	simm.s32 $0xA;
	s4 =	simm.s32 $0x10  }
0x92: {  	[smem:s4], [sflag:s15] =	dma.local [hbm:s2], $0x1  }
0x93: {  	_ =	swait.eq [sflag:s15], $0x1  }
0x94: {  	[sflag:s15] =	ssyncset.done $0x0  }
0x95: {  	s16 =	sld [smem:$0x10];
	[sflag:s15] =	ssyncadd.s32 $0xFFFFFFFF  }
0x96: {  	s17 =	sld [smem:$0x11];
	(tm) =	ssettm $0x1  }
0x97: {  	s18 =	sld [smem:$0x3FFB];
	_ =	sdelay $0x3  }
0x98: {  	_ =	strace s18  }
0x99: {  	s4 =	sld [smem:$0x3FFC];
	_ =	sdelay $0x3  }
0x9a: {  	_ =	strace s4  }
0x9b: {  	s4 =	sld [smem:$0x3FFD];
	_ =	sdelay $0x3  }
0x9c: {  	_ =	strace s4  }
0x9d: {  	_ =	strace $0x8FFFFFFF  }
0x9e: {  	s19 =	sld [smem:$0x3FDB];
	_ =	sdelay $0x1  }
0x9f: {  	s5 =	simm.s32 $_scs_section_size  }
0xa0: {  	s6 =	simm.s32 $_size__tile_overlayer_lowered;
	s7 =	simm.s32 $_tile_overlayer_lowered  }
0xa1: {  	s22 =	simm.s32 $0x1BFF;
	s21 =	sshll.u32 s7, $0x1;
	s4 =	sadd.s32 s5, s19  }
0xa2: {  	s8 =	simm.s32 $0x0;
	s20 =	sshll.u32 s6, $0x1;
	s6 =	sadd.s32 s21, s4  }
0xa3: {  	[timem:s8], [sflag:s22] =	dma.local [hbm:s6], s20  }
0xa4: {  	_ =	swait.ge [sflag:s22], s20  }
0xa5: {  	s5 =	ssub.s32 $0x0, s20;
	[sflag:s22] =	ssyncset.done $0x0  }
0xa6: {  	[sflag:s22] =	ssyncadd.s32 s5;
	_ =	sdelay $0x1  }
0xa7: {  	s23 =	simm.s32 $0x1B8B  }
0xa8: {  	_ =	swait.ge [sflag:s23], $0x1  }
0xa9: {  	[sflag:s23] =	ssyncset.done $0x0  }
0xaa: {  	s25 =	simm.s32 $0x1B8E;
	s24 =	sld [smem:$0x3FFE];
	[sflag:s23] =	ssyncadd.s32 $0xFFFFFFFF  }
0xab: {  	s26 =	simm.s32 $execute0_lowered;
	[smem:$0x3FD2] =	sst s25  }
0xac: {  	s6 =	sshll.u32 s26, $0x1;
	_ =	strace $0x8000004C;
	[dreg:$0x1] =	wrdreg $0xFFFFFFFF  }
0xad: {  	s28 =	simm.s32 $_size_execute0_lowered;
	s4 =	sadd.s32 s4, s6;
	[dreg:$0x0] =	wrdreg $0x0  }
0xae: {  	s6 =	sshll.u32 s28, $0x1;
	[dreg:$0x2] =	wrdreg s4  }
0xaf: {  	[dreg:$0x3] =	wrdreg s6  }
0xb0: {  	[dreg:$0x4] =	wrdreg $0xC0  }
0xb1: {  	_ =	task [dreg:s8], $0x5FFFF  }
0xb2: {  	[dreg:$0x1] =	wrdreg $0xFFFFFFFF  }
0xb3: {  	[dreg:$0x0] =	wrdreg $0x60  }
0xb4: {  	[dreg:$0x2] =	wrdreg s24  }
0xb5: {  	[dreg:$0x3] =	wrdreg s16  }
0xb6: {  	[dreg:$0x4] =	wrdreg s17  }
0xb7: {  	[dreg:$0x5] =	wrdreg $0x14800  }
0xb8: {  	[dreg:$0x6] =	wrdreg $0x9  }
0xb9: {  	_ =	task.clear_ibuf [dreg:s8], $0x7FFFF;
	_ =	strace $0x9000004C  }
0xba: {  	s29 =	simm.s32 $0x9;
	_ =	strace $0x8000004E  }
0xbb: {  	_ =	swait.ge [sflag:s29], $0x1  }
0xbc: {  	[sflag:s29] =	ssyncadd.s32 $0xFFFFFFFF  }
0xbd: {  	_ =	strace $0x9000004E  }
0xbe: {  	_ =	sfence  }
0xbf: {  	s30 =	sld [smem:$0x0];
	_ =	sdelay $0x2  }
0xc0: {  	s31 =	sshll.u32 s1, $0xD;
	s1 =	sshrl.u32 s1, $0x2  }
0xc1: {  	s3 =	sand.u32 $0x4000, s31;
	s1 =	sadd.s32 s1, s30  }
0xc2: {  	s0 =	sor.u32 s3, s0;
	s1 =	sshll.u32 s1, $0x11  }
0xc3: {  	s0 =	sor.u32 s1, s0  }
0xc4: {  	s0 =	sadd.s32 $0x8F2B, s0  }
0xc5: {  	[sflag:s0] =	ssyncadd.remote.s32 $0x1  }
0xc6: {  	_ =	sfence.sel $0xFFFF  }
0xc7: {  	[dreg:$0x0] =	wrdreg $0xFFFFFFFF;
	(pc) =	sbr.abs _section_cstart, $3  }
0xc8: {  	[dreg:$0x1] =	wrdreg $0xFFFFFFFF  }
0xc9: {  	_ =	task.clear_ibuf [dreg:s8], $0x2FFFF;
	_ =	strace $0x9FFFFFFF  }
0xca: {  	(tm) =	ssettm $0x7FFFFFFF  }
0xcb: {  	_ =	shalt  }
tec
execute0_lowered:
.L_overlay_start_1:
0x0: {  	(tag) =	ssettag $0x1  }
0x1: {  	s0 =	srdreg.scid;
	s4 =	rddreg [dreg:$0x0]  }
0x2: {  	s12 =	stileid.u32;
	s6 =	rddreg [dreg:$0x2]  }
0x3: {  	s2 =	rddreg [dreg:$0x3];
	s3 =	simm.s32 $0x0;
	s11 =	simm.s32 $0x80  }
0x4: {  	s5 =	sand.u32 $0x1, s0;
	s0 =	rddreg [dreg:$0x1];
	s10 =	smul.u32 $0x3F0, s12  }
0x5: {  	s14 =	simm.s32 $0x0;
	[smem:$0x7FF] =	sst s3;
	s31 =	smul.u32 $0x1900, s12  }
0x6: {  	p0 =	sne.s32 s12, $0x0;
	s1 =	sshll.u32 s5, $0x4;
	s7 =	smul.u32 $0x19000, s5  }
0x7: {  	s9 =	smul.u32 $0x3F00, s5;
	s5 =	ssub.s32 $0x2, s5;
	s1 =	sor.u32 s12, s1  }
0x8: {  	s29 =	sshrl.u32 s5, $0x1;
	s13 =	sadd.s32 s10, s2;
	s12 =	sshll.u32 s12, $0x6  }
0x9: {  	s8 =	smul.u32 $0x190, s1;
	s1 =	rddreg [dreg:$0x4];
	_ =	strace $0x8000004D  }
0xa: {  	s7 =	sadd.s32 s7, s4;
	s9 =	sadd.s32 s10, s9;
	s10 =	simm.s32 $0xC80  }
0xb: {  	s12 =	sor.u32 $0x1C01, s12;
	s13 =	sshrl.u32 s13, $0x3;
	s30 =	sshrl.u32 s9, $0x3  }
0xc: {  	s7 =	sadd.s32 s31, s7;
	s9 =	simm.s32 $0x1;
	s4 =	sadd.s32 s8, s4  }
0xd: {  	s8 =	ssub.s32 s5, s29;
	s5 =	sadd.s32 s6, s30;
	s7 =	sadd.s32 $0x28CC00, s7  }
0xe: {  	s4 =	sadd.s32 $0x289A00, s4;
	s6 =	smax.u32 s8, $0x1;
	s8 =	sshrl.u32 @!p0 s2, $0x3  }
.LBB2_1:
0xf: {  	s15 =	simm.s32 @!p0 $0x1C01  }
0x10: {  	[spmem:s8], [sflag:s15] =	dma.local @!p0 [hbm:s0], $0x7E0  }
0x11: {  	s15 =	simm.s32 @!p0 $0x1  }
0x12: {  	_ =	swait.ge @!p0 [sflag:s15], $0x7E0  }
0x13: {  	[sflag:s15] =	ssyncset.done @!p0 $0x0  }
0x14: {  	[sflag:s15] =	ssyncadd.s32 @!p0 $0xFFFFF820  }
0x15: {  	[bflag:$0x0] =	sbarrier.arrive $0xFFFF  }
0x16: {  	[tilespmem:s3], [sflag:$0x1] =	stream.linear.gather [hbm4b:s4+s3], $0xC80, $0x38;
	[tilespmem:$0x1870] =	vst v63  }
0x17: {  	_ =	swait.ge [sflag:s9], $0xC80  }
0x18: {  	[sflag:s9] =	ssyncset.done $0x0  }
0x19: {  	s31 =	sadd.s32 $0x0, s7;
	[sflag:s9] =	ssyncadd.s32 $0xFFFFF380  }
0x1a: {  	[tilespmem:s10], [sflag:$0x1] =	stream.linear.gather [hbm4b:s31+s3], $0x800, $0x38;
	[tilespmem:$0x1870] =	vst v63  }
0x1b: {  	_ =	swait.ge [sflag:s9], $0x800  }
0x1c: {  	[sflag:s9] =	ssyncset.done $0x0  }
0x1d: {  	[sflag:s9] =	ssyncadd.s32 $0xFFFFF800  }
0x1e: {  	[spmem:s2] =	stream.indirect.scatter.add.f32 [tilespmem:s10], [sflag:$0x1], $0x10, s3, s11, $0xb8;
	[tilespmem:$0x1870] =	vst v63  }
0x1f: {  	s16 =	simm.s32 $0x100;
	_ =	swait.ge [sflag:s9], $0x800  }
0x20: {  	s17 =	simm.s32 $0x200;
	s15 =	simm.s32 $0x80;
	[sflag:s9] =	ssyncset.done $0x0  }
.LBB2_2:
0x21: {  	s18 =	sadd.s32 s16, s7  }
0x22: {  	[sflag:s9] =	ssyncadd.s32 $0xFFFFF800;
	s16 =	smov.u32 s17;
	s19 =	sadd.s32 $0x100, s17  }
0x23: {  	[tilespmem:s10], [sflag:$0x1] =	stream.linear.gather [hbm4b:s18+s3], $0x800, $0x38;
	[tilespmem:$0x1870] =	vst v63  }
0x24: {  	p1 =	sne.s32 s17, $0x1800;
	_ =	swait.ge [sflag:s9], $0x800  }
.Ltmp0:
0x25: {  	[sflag:s9] =	ssyncset.done $0x0;
	(pc) =	sbr.rel @p1 .LBB2_2-.Ltmp0, $4  }
0x26: {  	[sflag:s9] =	ssyncadd.s32 $0xFFFFF800  }
0x27: {  	[spmem:s2] =	stream.indirect.scatter.add.f32 [tilespmem:s10], [sflag:$0x1], $0x10, s15, s11, $0xb8;
	[tilespmem:$0x1870] =	vst v63  }
0x28: {  	_ =	swait.ge [sflag:s9], $0x800  }
0x29: {  	s17 =	smov.u32 s19;
	s15 =	sadd.s32 $0x80, s15;
	[sflag:s9] =	ssyncset.done $0x0  }
0x2a: {  	s16 =	sadd.s32 s16, s7;
	[sflag:s9] =	ssyncadd.s32 $0xFFFFF800  }
0x2b: {  	[tilespmem:s10], [sflag:$0x1] =	stream.linear.gather [hbm4b:s16+s3], $0x800, $0x38;
	[tilespmem:$0x1870] =	vst v63  }
0x2c: {  	_ =	swait.ge [sflag:s9], $0x800  }
0x2d: {  	[sflag:s9] =	ssyncset.done $0x0  }
0x2e: {  	[sflag:s9] =	ssyncadd.s32 $0xFFFFF800  }
0x2f: {  	[spmem:s2] =	stream.indirect.scatter.add.f32 [tilespmem:s10], [sflag:$0x1], $0x10, s15, s11, $0xb8;
	[tilespmem:$0x1870] =	vst v63  }
0x30: {  	_ =	swait.ge [sflag:s9], $0x800  }
0x31: {  	s14 =	sadd.s32 $0x1, s14;
	[sflag:s9] =	ssyncset.done $0x0  }
0x32: {  	p1 =	sne.s32 s14, s6;
	[sflag:s9] =	ssyncadd.s32 $0xFFFFF800  }
.Ltmp1:
0x33: {  	[bflag:$0x0] =	sbarrier.arrive $0xFFFF;
	(pc) =	sbr.rel @p1 .LBB2_1-.Ltmp1, $4  }
0x34: {  	[hbm:s5], [sflag:s12] =	dma.local [spmem:s13], $0x7E  }
0x35: {  	_ =	swait.ge [sflag:s9], $0x7E  }
0x36: {  	[sflag:s9] =	ssyncset.done $0x0  }
0x37: {  	[sflag:s9] =	ssyncadd.s32 $0xFFFFFF82  }
0x38: {  	_ =	sfence.sel $0x180000  }
0x39: {  	[bflag:$0x0] =	sbarrier.arrive $0xFFFF  }
0x3a: {  	_ =	strace $0x9000004D  }
0x3b: {  	s0 =	sadd.s32 @!p0 $0x100000, s1;
	[bflag:$0x2] =	sbarrier.arrive $0xFFFF  }
0x3c: {  	[sflag:s0] =	ssyncadd.tile.s32 @!p0 $0x1;
	_ =	shalt  }
.Lfunc_end2:
_tile_overlayer_lowered:
.L_overlay_start_2:
0x3d: {  	(tag) =	ssettag $0x2  }
0x3e: {  	s0 =	rddreg [dreg:$0x0];
	s2 =	stileid.u32  }
0x3f: {  	s1 =	rddreg [dreg:$0x1];
	p0 =	sne.s32 s2, $0x0  }
0x40: {  	s3 =	rddreg [dreg:$0x2];
	[bflag:$0x3] =	sbarrier.arrive $0xFFFF;
	s2 =	simm.s32 @!p0 $0x1C01  }
0x41: {  	[timem:s3], [sflag:s2] =	dma.local @!p0 [hbm:s0], s1  }
0x42: {  	s0 =	simm.s32 @!p0 $0x1  }
0x43: {  	_ =	swait.ge @!p0 [sflag:s0], s1  }
0x44: {  	s1 =	ssub.s32 @!p0 $0x0, s1;
	[sflag:s0] =	ssyncset.done @!p0 $0x0  }
0x45: {  	[sflag:s0] =	ssyncadd.s32 @!p0 s1  }
0x46: {  	[bflag:$0x3] =	sbarrier.arrive $0xFFFF  }
0x47: {  	_ =	shalt  }

// kernel: kernel.20.cloned.1.call-start
scs
__scs_entry_jumppad:
0x0: {  	(pc) =	sbr.rel $0x88, $3  }
0x1: {  	(tag) =	ssettag $0x0;
	lr =	simm.s32 $0x1  }
0x2: {  	[smem:$0x3F78] =	sst lr;
	_ =	strace $0xD0000000  }
0x3: {  	_ = 	snop  }
0x4: {  	_ = 	snop  }
0x5: {  	_ = 	snop  }
0x6: {  	_ = 	snop  }
0x7: {  	_ = 	snop  }
__scs_overlays_trampoline_lowered:
0x8: {  	[smem:$0x3F87] =	sst s0  }
0x9: {  	[smem:$0x3F88] =	sst s1  }
0xa: {  	[smem:$0x3F89] =	sst s2  }
0xb: {  	[smem:$0x3F8A] =	sst s3  }
0xc: {  	[smem:$0x3F8B] =	sst s4  }
0xd: {  	[smem:$0x3F8C] =	sst s5  }
0xe: {  	[smem:$0x3F8D] =	sst s6  }
0xf: {  	[smem:$0x3F8E] =	sst s7  }
0x10: {  	[smem:$0x3F8F] =	sst s8  }
0x11: {  	[smem:$0x3F90] =	sst s9;
	s0 =	simm.s32 @!p0 $0x0  }
0x12: {  	s1 =	sld [smem:$0x3F76];
	s0 =	simm.s32 @p0 $0x1  }
0x13: {  	[smem:$0x3F91] =	sst s0;
	s0 =	simm.s32 @!p1 $0x0  }
0x14: {  	s2 =	sld [smem:$0x3F75];
	s0 =	simm.s32 @p1 $0x1  }
0x15: {  	[smem:$0x3F92] =	sst s0;
	s0 =	simm.s32 @!p2 $0x0  }
0x16: {  	s3 =	sld [smem:$0x3FDB];
	s0 =	simm.s32 @p2 $0x1  }
0x17: {  	s4 =	simm.s32 $0x1BF5;
	[smem:$0x3F94] =	sst s0  }
0x18: {  	s0 =	sld [smem:$0x3F77];
	_ =	swait.ge [sflag:s4], $0x0  }
0x19: {  	s7 =	sld [smem:$0x3F78]  }
0x1a: {  	s8 =	sadd.s32 $0xFFFFE003, lr  }
0x1b: {  	s9 =	sadd.s32 $0xFFFFFEF7, lr;
	s5 =	simm.s32 $0xFFFFFFFF;
	p2 =	slt.u32 s8, $0xFFFFF086  }
0x1c: {  	p1 =	slt.u32 s9, $0xF7A;
	s5 =	simm.s32 @!p2 $0x0  }
0x1d: {  	s5 =	simm.s32 @p1 $0x1;
	p0 =	seq.s32 s7, s2  }
0x1e: {  	s7 =	smul.u32 @!p0 $0xF7A, s2;
	p2 =	seq.s32 @!p0 s5, $0x0  }
0x1f: {  	s9 =	smul.u32 $0xF7A, s1;
	s8 =	simm.s32 @!p0 $0x1BF5;
	p2 =	por !p2, p0  }
0x20: {  	[sflag:s8] =	ssyncset.s32 @!p0 $0xFFFFF086;
	s6 =	sadd.s32 @!p0 s3, s7;
	s7 =	simm.s32 @!p0 $0x108  }
0x21: {  	s3 =	sadd.s32 s3, s9;
	s6 =	sadd.s32 @!p0 $0x88, s6;
	s7 =	simm.s32 @p2 $0x1082  }
0x22: {  	[simem:s7], [sflag:s8] =	dma.local @!p0 [hbm:s6], $0xF7A  }
0x23: {  	s9 =	sor.u32 $0xD0000000, s2;
	s6 =	simm.s32 $0x108;
	_ =	swait.ge @!p0 [sflag:s8], $0x0  }
0x24: {  	s3 =	sadd.s32 $0x88, s3;
	s6 =	simm.s32 @!p1 $0x1082;
	[sflag:s4] =	ssyncset.s32 $0xFFFFF086  }
0x25: {  	[simem:s6], [sflag:s4] =	dma.local [hbm:s3], $0xF7A  }
0x26: {  	[smem:$0x3F78] =	sst s1;
	(tag) =	ssettag s2;
	_ =	strace s9  }
0x27: {  	s1 =	sld [smem:$0x3F88]  }
0x28: {  	s2 =	sld [smem:$0x3F89]  }
0x29: {  	s4 =	sld [smem:$0x3F8B]  }
0x2a: {  	p0 =	seq.s32 s5, $0x0;
	s5 =	sld [smem:$0x3F8C]  }
0x2b: {  	s6 =	sld [smem:$0x3F8D]  }
0x2c: {  	s7 =	sld [smem:$0x3F8E]  }
0x2d: {  	s3 =	simm.s32 $0x108;
	s8 =	sld [smem:$0x3F8F]  }
0x2e: {  	s3 =	simm.s32 @!p0 $0x1082;
	s9 =	sld [smem:$0x3F90]  }
0x2f: {  	lr =	sadd.s32 s0, s3;
	s0 =	sld [smem:$0x3F87]  }
0x30: {  	s3 =	sld [smem:$0x3F8A]  }
0x31: {  	[smem:$0x3F93] =	sst s10  }
0x32: {  	s10 =	sld [smem:$0x3F91];
	_ =	sdelay $0x3  }
0x33: {  	p0 =	seq.s32 s10, $0x1;
	s10 =	sld [smem:$0x3F93];
	_ =	sdelay $0x3  }
0x34: {  	[smem:$0x3F93] =	sst s10  }
0x35: {  	s10 =	sld [smem:$0x3F92];
	_ =	sdelay $0x3  }
0x36: {  	p1 =	seq.s32 s10, $0x1;
	s10 =	sld [smem:$0x3F93];
	_ =	sdelay $0x3  }
0x37: {  	[smem:$0x3F93] =	sst s10  }
0x38: {  	s10 =	sld [smem:$0x3F94]  }
0x39: {  	_ = 	snop;
	(pc) =	sbr.ind lr, $3  }
0x3a: {  	_ = 	snop  }
0x3b: {  	_ = 	snop  }
0x3c: {  	p2 =	seq.s32 s10, $0x1;
	s10 =	sld [smem:$0x3F93]  }
0x3d: {  	_ =	shalt  }
0x3e: {  	_ =	shalt  }
0x3f: {  	_ =	shalt  }
0x40: {  	_ =	shalt  }
0x41: {  	_ =	shalt  }
0x42: {  	_ =	shalt  }
0x43: {  	_ =	shalt  }
0x44: {  	_ =	shalt  }
0x45: {  	_ =	shalt  }
0x46: {  	_ =	shalt  }
0x47: {  	_ =	shalt  }
0x48: {  	_ =	shalt  }
0x49: {  	_ =	shalt  }
0x4a: {  	_ =	shalt  }
0x4b: {  	_ =	shalt  }
0x4c: {  	_ =	shalt  }
0x4d: {  	_ =	shalt  }
0x4e: {  	_ =	shalt  }
0x4f: {  	_ =	shalt  }
0x50: {  	_ =	shalt  }
0x51: {  	_ =	shalt  }
0x52: {  	_ =	shalt  }
0x53: {  	_ =	shalt  }
0x54: {  	_ =	shalt  }
0x55: {  	_ =	shalt  }
0x56: {  	_ =	shalt  }
0x57: {  	_ =	shalt  }
0x58: {  	_ =	shalt  }
0x59: {  	_ =	shalt  }
0x5a: {  	_ =	shalt  }
0x5b: {  	_ =	shalt  }
0x5c: {  	_ =	shalt  }
0x5d: {  	_ =	shalt  }
0x5e: {  	_ =	shalt  }
0x5f: {  	_ =	shalt  }
0x60: {  	_ =	shalt  }
0x61: {  	_ =	shalt  }
0x62: {  	_ =	shalt  }
0x63: {  	_ =	shalt  }
0x64: {  	_ =	shalt  }
0x65: {  	_ =	shalt  }
0x66: {  	_ =	shalt  }
0x67: {  	_ =	shalt  }
0x68: {  	_ =	shalt  }
0x69: {  	_ =	shalt  }
0x6a: {  	_ =	shalt  }
0x6b: {  	_ =	shalt  }
0x6c: {  	_ =	shalt  }
0x6d: {  	_ =	shalt  }
0x6e: {  	_ =	shalt  }
0x6f: {  	_ =	shalt  }
0x70: {  	_ =	shalt  }
0x71: {  	_ =	shalt  }
0x72: {  	_ =	shalt  }
0x73: {  	_ =	shalt  }
0x74: {  	_ =	shalt  }
0x75: {  	_ =	shalt  }
0x76: {  	_ =	shalt  }
0x77: {  	_ =	shalt  }
0x78: {  	_ =	shalt  }
0x79: {  	_ =	shalt  }
0x7a: {  	_ =	shalt  }
0x7b: {  	_ =	shalt  }
0x7c: {  	_ =	shalt  }
0x7d: {  	_ =	shalt  }
0x7e: {  	_ =	shalt  }
0x7f: {  	_ =	shalt  }
0x80: {  	_ =	shalt  }
0x81: {  	_ =	shalt  }
0x82: {  	_ =	shalt  }
0x83: {  	_ =	shalt  }
0x84: {  	_ =	shalt  }
0x85: {  	_ =	shalt  }
0x86: {  	_ =	shalt  }
0x87: {  	_ =	shalt  }
.Lfunc_end0:
.L_simem_size_0:
called_computation.3_lowered:
.L_overlay_start_0:
0x88: {  	s2 =	sld [smem:$0x3FD9]  }
0x89: {  	s3 =	sld [smem:$0x3FFE];
	_ =	sdelay $0x1  }
0x8a: {  	s1 =	srdreg.scid  }
0x8b: {  	s0 =	sand.u32 $0x1, s1  }
0x8c: {  	s14 =	sshll.u32 s0, $0xA;
	s2 =	sadd.s32 s3, s2  }
0x8d: {  	s2 =	sadd.s32 s2, s14  }
0x8e: {  	[smem:$0x3F9F] =	sst s2  }
0x8f: {  	_ = 	snop  }
0x90: {  	s2 =	sld [smem:$0x3FD0];
	_ =	sdelay $0x2  }
0x91: {  	s15 =	simm.s32 $0xA;
	s4 =	simm.s32 $0x10  }
0x92: {  	[smem:s4], [sflag:s15] =	dma.local [hbm:s2], $0x1  }
0x93: {  	_ =	swait.eq [sflag:s15], $0x1  }
0x94: {  	[sflag:s15] =	ssyncset.done $0x0  }
0x95: {  	[sflag:s15] =	ssyncadd.s32 $0xFFFFFFFF  }
0x96: {  	s16 =	sld [smem:$0x10];
	(tm) =	ssettm $0x1  }
0x97: {  	s17 =	sld [smem:$0x3FFB];
	_ =	sdelay $0x3  }
0x98: {  	_ =	strace s17  }
0x99: {  	s3 =	sld [smem:$0x3FFC];
	_ =	sdelay $0x3  }
0x9a: {  	_ =	strace s3  }
0x9b: {  	s3 =	sld [smem:$0x3FFD];
	_ =	sdelay $0x3  }
0x9c: {  	_ =	strace s3  }
0x9d: {  	_ =	strace $0x8FFFFFFF  }
0x9e: {  	s18 =	sld [smem:$0x3FDB];
	_ =	sdelay $0x1  }
0x9f: {  	s19 =	simm.s32 $_scs_section_size  }
0xa0: {  	s5 =	simm.s32 $_size__tile_overlayer_lowered;
	s6 =	simm.s32 $_tile_overlayer_lowered  }
0xa1: {  	s22 =	simm.s32 $0x1BFF;
	s21 =	sshll.u32 s6, $0x1;
	s3 =	sadd.s32 s19, s18  }
0xa2: {  	s7 =	simm.s32 $0x0;
	s20 =	sshll.u32 s5, $0x1;
	s5 =	sadd.s32 s21, s3  }
0xa3: {  	[timem:s7], [sflag:s22] =	dma.local [hbm:s5], s20  }
0xa4: {  	_ =	swait.ge [sflag:s22], s20  }
0xa5: {  	s4 =	ssub.s32 $0x0, s20;
	[sflag:s22] =	ssyncset.done $0x0  }
0xa6: {  	[sflag:s22] =	ssyncadd.s32 s4;
	_ =	sdelay $0x1  }
0xa7: {  	s23 =	simm.s32 $0x1B8B  }
0xa8: {  	_ =	swait.ge [sflag:s23], $0x1  }
0xa9: {  	[sflag:s23] =	ssyncset.done $0x0  }
0xaa: {  	s25 =	simm.s32 $0x1B8E;
	s24 =	sld [smem:$0x3FFE];
	[sflag:s23] =	ssyncadd.s32 $0xFFFFFFFF  }
0xab: {  	s26 =	simm.s32 $execute0_lowered;
	[smem:$0x3FD2] =	sst s25  }
0xac: {  	s5 =	sshll.u32 s26, $0x1;
	_ =	strace $0x8000004F;
	[dreg:$0x1] =	wrdreg $0xFFFFFFFF  }
0xad: {  	s28 =	simm.s32 $_size_execute0_lowered;
	s3 =	sadd.s32 s3, s5;
	[dreg:$0x0] =	wrdreg $0x0  }
0xae: {  	s5 =	sshll.u32 s28, $0x1;
	[dreg:$0x2] =	wrdreg s3  }
0xaf: {  	[dreg:$0x3] =	wrdreg s5  }
0xb0: {  	[dreg:$0x4] =	wrdreg $0xC0  }
0xb1: {  	_ =	task [dreg:s7], $0x5FFFF  }
0xb2: {  	[dreg:$0x1] =	wrdreg $0xFFFFFFFF  }
0xb3: {  	[dreg:$0x0] =	wrdreg $0x60  }
0xb4: {  	[dreg:$0x2] =	wrdreg s16  }
0xb5: {  	[dreg:$0x3] =	wrdreg s24  }
0xb6: {  	[dreg:$0x4] =	wrdreg $0x9  }
0xb7: {  	_ =	task.clear_ibuf [dreg:s7], $0x5FFFF;
	_ =	strace $0x9000004F  }
0xb8: {  	s29 =	simm.s32 $0x9;
	_ =	strace $0x80000051  }
0xb9: {  	_ =	swait.ge [sflag:s29], $0x1  }
0xba: {  	[sflag:s29] =	ssyncadd.s32 $0xFFFFFFFF  }
0xbb: {  	_ =	strace $0x90000051  }
0xbc: {  	_ =	sfence  }
0xbd: {  	s30 =	sld [smem:$0x0];
	_ =	sdelay $0x2  }
0xbe: {  	s31 =	sshll.u32 s1, $0xD;
	s1 =	sshrl.u32 s1, $0x2  }
0xbf: {  	s3 =	sand.u32 $0x4000, s31;
	s1 =	sadd.s32 s1, s30  }
0xc0: {  	s0 =	sor.u32 s3, s0;
	s1 =	sshll.u32 s1, $0x11  }
0xc1: {  	s0 =	sor.u32 s1, s0  }
0xc2: {  	s0 =	sadd.s32 $0x8F2B, s0  }
0xc3: {  	[sflag:s0] =	ssyncadd.remote.s32 $0x1  }
0xc4: {  	_ =	sfence.sel $0xFFFF  }
0xc5: {  	[dreg:$0x0] =	wrdreg $0xFFFFFFFF;
	(pc) =	sbr.abs _section_cstart, $3  }
0xc6: {  	[dreg:$0x1] =	wrdreg $0xFFFFFFFF  }
0xc7: {  	_ =	task.clear_ibuf [dreg:s7], $0x2FFFF;
	_ =	strace $0x9FFFFFFF  }
0xc8: {  	(tm) =	ssettm $0x7FFFFFFF  }
0xc9: {  	_ =	shalt  }
tec
execute0_lowered:
.L_overlay_start_1:
0x0: {  	(tag) =	ssettag $0x1  }
0x1: {  	s0 =	srdreg.scid;
	s2 =	rddreg [dreg:$0x0]  }
0x2: {  	s5 =	rddreg [dreg:$0x1];
	s3 =	simm.s32 $0x0;
	s12 =	simm.s32 $0x80  }
0x3: {  	s13 =	simm.s32 $0xC80;
	s14 =	simm.s32 $0x1480;
	s4 =	sand.u32 $0x1, s0  }
0x4: {  	s15 =	simm.s32 $0x1C80;
	s0 =	stileid.u32;
	s7 =	smul.u32 $0xC800, s4  }
0x5: {  	s16 =	simm.s32 $0x2480;
	s17 =	simm.s32 $0x2C80;
	s8 =	smul.u32 $0xC80, s0  }
0x6: {  	s18 =	simm.s32 $0x1;
	s1 =	sshll.u32 s4, $0x4;
	s11 =	smul.u32 $0x19000, s4  }
0x7: {  	s19 =	simm.s32 $0x0;
	s28 =	smul.u32 $0x1900, s0;
	s6 =	sor.u32 s0, s1  }
0x8: {  	[smem:$0x7FF] =	sst s3;
	s9 =	ssub.s32 $0x2, s4;
	s6 =	smul.u32 $0x190, s6  }
0x9: {  	s1 =	rddreg [dreg:$0x2];
	_ =	strace $0x80000050;
	s10 =	sshrl.u32 s9, $0x1  }
0xa: {  	s25 =	sadd.s32 s8, s7;
	s26 =	ssub.s32 s9, s10;
	s6 =	sadd.s32 s6, s5  }
0xb: {  	s29 =	sshll.u32 s25, $0x1;
	s5 =	sadd.s32 $0x28CC00, s5;
	s4 =	sadd.s32 $0x289A00, s6  }
0xc: {  	s30 =	sadd.s32 s11, s5;
	s31 =	sadd.s32 s5, s29;
	s5 =	smax.u32 s26, $0x1  }
0xd: {  	s11 =	simm.s32 $0x2;
	s6 =	sadd.s32 s28, s30;
	s7 =	sadd.s32 $0x400, s31  }
0xe: {  	s8 =	sadd.s32 $0x300, s31;
	s9 =	sadd.s32 $0x200, s31;
	s10 =	sadd.s32 $0x100, s31  }
.LBB2_1:
0xf: {  	[tilespmem:s3], [sflag:$0x2] =	stream.linear.gather [hbm4b:s4+s3], $0xC80, $0x38;
	[tilespmem:$0x3480] =	vst v63  }
0x10: {  	_ =	swait.ge [sflag:s11], $0xC80  }
0x11: {  	[sflag:s11] =	ssyncset.done $0x0  }
0x12: {  	s20 =	simm.s32 $0x0;
	[sflag:s11] =	ssyncadd.s32 $0xFFFFF380  }
0x13: {  	[tilespmem:s13], [sflag:$0x1] =	stream.indirect.gather [hbm4b:s2+s12], $0x10, s20, s12, $0xb8;
	[tilespmem:$0x3480] =	vst v63  }
0x14: {  	s22 =	simm.s32 $0x80  }
0x15: {  	[tilespmem:s14], [sflag:$0x1] =	stream.indirect.gather [hbm4b:s2+s12], $0x10, s22, s12, $0xb8;
	[tilespmem:$0x3480] =	vst v63  }
0x16: {  	s23 =	simm.s32 $0x100  }
0x17: {  	[tilespmem:s15], [sflag:$0x1] =	stream.indirect.gather [hbm4b:s2+s12], $0x10, s23, s12, $0xb8;
	[tilespmem:$0x3480] =	vst v63  }
0x18: {  	s24 =	simm.s32 $0x180  }
0x19: {  	[tilespmem:s16], [sflag:$0x1] =	stream.indirect.gather [hbm4b:s2+s12], $0x10, s24, s12, $0xb8;
	[tilespmem:$0x3480] =	vst v63  }
0x1a: {  	s25 =	simm.s32 $0x200  }
0x1b: {  	[tilespmem:s17], [sflag:$0x1] =	stream.indirect.gather [hbm4b:s2+s12], $0x10, s25, s12, $0xb8;
	[tilespmem:$0x3480] =	vst v63  }
0x1c: {  	_ =	swait.ge [sflag:s18], $0x800  }
0x1d: {  	[sflag:s18] =	ssyncset.done $0x0  }
0x1e: {  	s26 =	sadd.s32 $0x0, s6;
	[sflag:s18] =	ssyncadd.s32 $0xFFFFF800  }
0x1f: {  	[hbm4b:s26+s3] =	stream.linear.scatter [tilespmem:s13], [sflag:$0x2], $0x800, $0x38;
	[tilespmem:$0x3480] =	vst v63  }
0x20: {  	_ =	swait.ge [sflag:s11], $0x800  }
0x21: {  	[sflag:s11] =	ssyncset.done $0x0  }
0x22: {  	[sflag:s11] =	ssyncadd.s32 $0xFFFFF800  }
0x23: {  	_ =	swait.ge [sflag:s18], $0x800  }
0x24: {  	[sflag:s18] =	ssyncset.done $0x0  }
0x25: {  	s28 =	sadd.s32 $0x0, s10;
	[sflag:s18] =	ssyncadd.s32 $0xFFFFF800  }
0x26: {  	[hbm4b:s28+s3] =	stream.linear.scatter [tilespmem:s14], [sflag:$0x2], $0x800, $0x38;
	[tilespmem:$0x3480] =	vst v63  }
0x27: {  	_ =	swait.ge [sflag:s11], $0x800  }
0x28: {  	[sflag:s11] =	ssyncset.done $0x0  }
0x29: {  	[sflag:s11] =	ssyncadd.s32 $0xFFFFF800  }
0x2a: {  	_ =	swait.ge [sflag:s18], $0x800  }
0x2b: {  	[sflag:s18] =	ssyncset.done $0x0  }
0x2c: {  	s29 =	sadd.s32 $0x0, s9;
	[sflag:s18] =	ssyncadd.s32 $0xFFFFF800  }
0x2d: {  	[hbm4b:s29+s3] =	stream.linear.scatter [tilespmem:s15], [sflag:$0x2], $0x800, $0x38;
	[tilespmem:$0x3480] =	vst v63  }
0x2e: {  	_ =	swait.ge [sflag:s11], $0x800  }
0x2f: {  	[sflag:s11] =	ssyncset.done $0x0  }
0x30: {  	[sflag:s11] =	ssyncadd.s32 $0xFFFFF800  }
0x31: {  	_ =	swait.ge [sflag:s18], $0x800  }
0x32: {  	[sflag:s18] =	ssyncset.done $0x0  }
0x33: {  	s30 =	sadd.s32 $0x0, s8;
	[sflag:s18] =	ssyncadd.s32 $0xFFFFF800  }
0x34: {  	[hbm4b:s30+s3] =	stream.linear.scatter [tilespmem:s16], [sflag:$0x2], $0x800, $0x38;
	[tilespmem:$0x3480] =	vst v63  }
0x35: {  	_ =	swait.ge [sflag:s11], $0x800  }
0x36: {  	[sflag:s11] =	ssyncset.done $0x0  }
0x37: {  	[sflag:s11] =	ssyncadd.s32 $0xFFFFF800  }
0x38: {  	_ =	swait.ge [sflag:s18], $0x800  }
0x39: {  	[sflag:s18] =	ssyncset.done $0x0  }
0x3a: {  	s31 =	sadd.s32 $0x0, s7;
	[sflag:s18] =	ssyncadd.s32 $0xFFFFF800  }
0x3b: {  	[hbm4b:s31+s3] =	stream.linear.scatter [tilespmem:s17], [sflag:$0x2], $0x800, $0x38;
	[tilespmem:$0x3480] =	vst v63  }
0x3c: {  	s21 =	simm.s32 $0x480;
	_ =	swait.ge [sflag:s11], $0x800  }
0x3d: {  	s20 =	simm.s32 $0x500;
	s22 =	simm.s32 $0xA00;
	[sflag:s11] =	ssyncset.done $0x0  }
.LBB2_2:
0x3e: {  	p0 =	sne.s32 s22, $0x1400;
	s23 =	sadd.s32 $0xFFFFFE00, s21;
	[sflag:s11] =	ssyncadd.s32 $0xFFFFF800  }
0x3f: {  	[tilespmem:s13], [sflag:$0x1] =	stream.indirect.gather [hbm4b:s2+s12], $0x10, s23, s12, $0xb8;
	[tilespmem:$0x3480] =	vst v63  }
0x40: {  	s24 =	sadd.s32 $0xFFFFFE80, s21;
	s23 =	smov.u32 s22;
	s22 =	sadd.s32 $0x500, s22  }
0x41: {  	[tilespmem:s14], [sflag:$0x1] =	stream.indirect.gather [hbm4b:s2+s12], $0x10, s24, s12, $0xb8;
	[tilespmem:$0x3480] =	vst v63  }
0x42: {  	s24 =	sadd.s32 $0xFFFFFF00, s21  }
0x43: {  	[tilespmem:s15], [sflag:$0x1] =	stream.indirect.gather [hbm4b:s2+s12], $0x10, s24, s12, $0xb8;
	[tilespmem:$0x3480] =	vst v63  }
0x44: {  	s24 =	sadd.s32 $0xFFFFFF80, s21  }
0x45: {  	[tilespmem:s16], [sflag:$0x1] =	stream.indirect.gather [hbm4b:s2+s12], $0x10, s24, s12, $0xb8;
	[tilespmem:$0x3480] =	vst v63  }
0x46: {  	_ = 	snop  }
0x47: {  	[tilespmem:s17], [sflag:$0x1] =	stream.indirect.gather [hbm4b:s2+s12], $0x10, s21, s12, $0xb8;
	[tilespmem:$0x3480] =	vst v63  }
0x48: {  	_ =	swait.ge [sflag:s18], $0x800  }
0x49: {  	[sflag:s18] =	ssyncset.done $0x0  }
0x4a: {  	s24 =	sadd.s32 s20, s6;
	[sflag:s18] =	ssyncadd.s32 $0xFFFFF800  }
0x4b: {  	[hbm4b:s24+s3] =	stream.linear.scatter [tilespmem:s13], [sflag:$0x2], $0x800, $0x38;
	[tilespmem:$0x3480] =	vst v63  }
0x4c: {  	_ =	swait.ge [sflag:s11], $0x800  }
0x4d: {  	[sflag:s11] =	ssyncset.done $0x0  }
0x4e: {  	[sflag:s11] =	ssyncadd.s32 $0xFFFFF800  }
0x4f: {  	_ =	swait.ge [sflag:s18], $0x800  }
0x50: {  	[sflag:s18] =	ssyncset.done $0x0  }
0x51: {  	s24 =	sadd.s32 s20, s10;
	[sflag:s18] =	ssyncadd.s32 $0xFFFFF800  }
0x52: {  	[hbm4b:s24+s3] =	stream.linear.scatter [tilespmem:s14], [sflag:$0x2], $0x800, $0x38;
	[tilespmem:$0x3480] =	vst v63  }
0x53: {  	_ =	swait.ge [sflag:s11], $0x800  }
0x54: {  	[sflag:s11] =	ssyncset.done $0x0  }
0x55: {  	[sflag:s11] =	ssyncadd.s32 $0xFFFFF800  }
0x56: {  	_ =	swait.ge [sflag:s18], $0x800  }
0x57: {  	[sflag:s18] =	ssyncset.done $0x0  }
0x58: {  	s24 =	sadd.s32 s20, s9;
	[sflag:s18] =	ssyncadd.s32 $0xFFFFF800  }
0x59: {  	[hbm4b:s24+s3] =	stream.linear.scatter [tilespmem:s15], [sflag:$0x2], $0x800, $0x38;
	[tilespmem:$0x3480] =	vst v63  }
0x5a: {  	_ =	swait.ge [sflag:s11], $0x800  }
0x5b: {  	[sflag:s11] =	ssyncset.done $0x0  }
0x5c: {  	[sflag:s11] =	ssyncadd.s32 $0xFFFFF800  }
0x5d: {  	_ =	swait.ge [sflag:s18], $0x800  }
0x5e: {  	[sflag:s18] =	ssyncset.done $0x0  }
0x5f: {  	s24 =	sadd.s32 s20, s8;
	[sflag:s18] =	ssyncadd.s32 $0xFFFFF800  }
0x60: {  	[hbm4b:s24+s3] =	stream.linear.scatter [tilespmem:s16], [sflag:$0x2], $0x800, $0x38;
	[tilespmem:$0x3480] =	vst v63  }
0x61: {  	_ =	swait.ge [sflag:s11], $0x800  }
0x62: {  	[sflag:s11] =	ssyncset.done $0x0  }
0x63: {  	[sflag:s11] =	ssyncadd.s32 $0xFFFFF800  }
0x64: {  	_ =	swait.ge [sflag:s18], $0x800  }
.Ltmp0:
0x65: {  	[sflag:s18] =	ssyncset.done $0x0;
	(pc) =	sbr.rel @p0 .LBB2_2-.Ltmp0, $4  }
0x66: {  	s24 =	sadd.s32 s20, s7;
	s20 =	smov.u32 s23;
	[sflag:s18] =	ssyncadd.s32 $0xFFFFF800  }
0x67: {  	[hbm4b:s24+s3] =	stream.linear.scatter [tilespmem:s17], [sflag:$0x2], $0x800, $0x38;
	[tilespmem:$0x3480] =	vst v63  }
0x68: {  	_ =	swait.ge [sflag:s11], $0x800  }
0x69: {  	s21 =	sadd.s32 $0x280, s21;
	[sflag:s11] =	ssyncset.done $0x0  }
0x6a: {  	s22 =	sadd.s32 $0xFFFFFE00, s21;
	[sflag:s11] =	ssyncadd.s32 $0xFFFFF800  }
0x6b: {  	[tilespmem:s13], [sflag:$0x1] =	stream.indirect.gather [hbm4b:s2+s12], $0x10, s22, s12, $0xb8;
	[tilespmem:$0x3480] =	vst v63  }
0x6c: {  	s23 =	sadd.s32 $0xFFFFFE80, s21  }
0x6d: {  	[tilespmem:s14], [sflag:$0x1] =	stream.indirect.gather [hbm4b:s2+s12], $0x10, s23, s12, $0xb8;
	[tilespmem:$0x3480] =	vst v63  }
0x6e: {  	s24 =	sadd.s32 $0xFFFFFF00, s21  }
0x6f: {  	[tilespmem:s15], [sflag:$0x1] =	stream.indirect.gather [hbm4b:s2+s12], $0x10, s24, s12, $0xb8;
	[tilespmem:$0x3480] =	vst v63  }
0x70: {  	s25 =	sadd.s32 $0xFFFFFF80, s21  }
0x71: {  	[tilespmem:s16], [sflag:$0x1] =	stream.indirect.gather [hbm4b:s2+s12], $0x10, s25, s12, $0xb8;
	[tilespmem:$0x3480] =	vst v63  }
0x72: {  	_ = 	snop  }
0x73: {  	[tilespmem:s17], [sflag:$0x1] =	stream.indirect.gather [hbm4b:s2+s12], $0x10, s21, s12, $0xb8;
	[tilespmem:$0x3480] =	vst v63  }
0x74: {  	_ =	swait.ge [sflag:s18], $0x800  }
0x75: {  	[sflag:s18] =	ssyncset.done $0x0  }
0x76: {  	s26 =	sadd.s32 s20, s6;
	[sflag:s18] =	ssyncadd.s32 $0xFFFFF800  }
0x77: {  	[hbm4b:s26+s3] =	stream.linear.scatter [tilespmem:s13], [sflag:$0x2], $0x800, $0x38;
	[tilespmem:$0x3480] =	vst v63  }
0x78: {  	_ =	swait.ge [sflag:s11], $0x800  }
0x79: {  	[sflag:s11] =	ssyncset.done $0x0  }
0x7a: {  	[sflag:s11] =	ssyncadd.s32 $0xFFFFF800  }
0x7b: {  	_ =	swait.ge [sflag:s18], $0x800  }
0x7c: {  	[sflag:s18] =	ssyncset.done $0x0  }
0x7d: {  	s28 =	sadd.s32 s20, s10;
	[sflag:s18] =	ssyncadd.s32 $0xFFFFF800  }
0x7e: {  	[hbm4b:s28+s3] =	stream.linear.scatter [tilespmem:s14], [sflag:$0x2], $0x800, $0x38;
	[tilespmem:$0x3480] =	vst v63  }
0x7f: {  	_ =	swait.ge [sflag:s11], $0x800  }
0x80: {  	[sflag:s11] =	ssyncset.done $0x0  }
0x81: {  	[sflag:s11] =	ssyncadd.s32 $0xFFFFF800  }
0x82: {  	_ =	swait.ge [sflag:s18], $0x800  }
0x83: {  	[sflag:s18] =	ssyncset.done $0x0  }
0x84: {  	s29 =	sadd.s32 s20, s9;
	[sflag:s18] =	ssyncadd.s32 $0xFFFFF800  }
0x85: {  	[hbm4b:s29+s3] =	stream.linear.scatter [tilespmem:s15], [sflag:$0x2], $0x800, $0x38;
	[tilespmem:$0x3480] =	vst v63  }
0x86: {  	_ =	swait.ge [sflag:s11], $0x800  }
0x87: {  	[sflag:s11] =	ssyncset.done $0x0  }
0x88: {  	[sflag:s11] =	ssyncadd.s32 $0xFFFFF800  }
0x89: {  	_ =	swait.ge [sflag:s18], $0x800  }
0x8a: {  	[sflag:s18] =	ssyncset.done $0x0  }
0x8b: {  	s30 =	sadd.s32 s20, s8;
	[sflag:s18] =	ssyncadd.s32 $0xFFFFF800  }
0x8c: {  	[hbm4b:s30+s3] =	stream.linear.scatter [tilespmem:s16], [sflag:$0x2], $0x800, $0x38;
	[tilespmem:$0x3480] =	vst v63  }
0x8d: {  	_ =	swait.ge [sflag:s11], $0x800  }
0x8e: {  	[sflag:s11] =	ssyncset.done $0x0  }
0x8f: {  	[sflag:s11] =	ssyncadd.s32 $0xFFFFF800  }
0x90: {  	s19 =	sadd.s32 $0x1, s19;
	_ =	swait.ge [sflag:s18], $0x800  }
0x91: {  	p0 =	sne.s32 s19, s5;
	[sflag:s18] =	ssyncset.done $0x0  }
.Ltmp1:
0x92: {  	s31 =	sadd.s32 s20, s7;
	[sflag:s18] =	ssyncadd.s32 $0xFFFFF800;
	(pc) =	sbr.rel @p0 .LBB2_1-.Ltmp1, $4  }
0x93: {  	[hbm4b:s31+s3] =	stream.linear.scatter [tilespmem:s17], [sflag:$0x2], $0x800, $0x38;
	[tilespmem:$0x3480] =	vst v63  }
0x94: {  	_ =	swait.ge [sflag:s11], $0x800  }
0x95: {  	[sflag:s11] =	ssyncset.done $0x0  }
0x96: {  	[sflag:s11] =	ssyncadd.s32 $0xFFFFF800  }
0x97: {  	_ =	sfence.sel $0x180000  }
0x98: {  	[bflag:$0x0] =	sbarrier.arrive $0xFFFF  }
0x99: {  	p0 =	sne.s32 s0, $0x0;
	_ =	strace $0x90000050  }
0x9a: {  	s0 =	sadd.s32 @!p0 $0x100000, s1;
	[bflag:$0x2] =	sbarrier.arrive $0xFFFF  }
0x9b: {  	[sflag:s0] =	ssyncadd.tile.s32 @!p0 $0x1;
	_ =	shalt  }
.Lfunc_end2:
_tile_overlayer_lowered:
.L_overlay_start_2:
0x9c: {  	(tag) =	ssettag $0x2  }
0x9d: {  	s0 =	rddreg [dreg:$0x0];
	s2 =	stileid.u32  }
0x9e: {  	s1 =	rddreg [dreg:$0x1];
	p0 =	sne.s32 s2, $0x0  }
0x9f: {  	s3 =	rddreg [dreg:$0x2];
	[bflag:$0x3] =	sbarrier.arrive $0xFFFF;
	s2 =	simm.s32 @!p0 $0x1C02  }
0xa0: {  	[timem:s3], [sflag:s2] =	dma.local @!p0 [hbm:s0], s1  }
0xa1: {  	s0 =	simm.s32 @!p0 $0x2  }
0xa2: {  	_ =	swait.ge @!p0 [sflag:s0], s1  }
0xa3: {  	s1 =	ssub.s32 @!p0 $0x0, s1;
	[sflag:s0] =	ssyncset.done @!p0 $0x0  }
0xa4: {  	[sflag:s0] =	ssyncadd.s32 @!p0 s1  }
0xa5: {  	[bflag:$0x3] =	sbarrier.arrive $0xFFFF  }
0xa6: {  	_ =	shalt  }

</sc_bundles>
